<compile_context>
chip_gen: v7x
topology: tpu7x:2x2x1
jax: 0.10.2.dev20260603
libtpu: 0.0.44.dev20260713+nightly
codegen_flags: <defaults>
</compile_context>

<pallas_src>
import functools

import jax
import jax.numpy as jnp
from jax import lax
from jax.experimental import pallas as pl
from jax.experimental.pallas import tpu as pltpu
from jax.experimental.pallas import tpu_sc as plsc

N = 10000
E = 320000
H = 128
NCORES = 2
NSUB = 16
NTILES = NCORES * NSUB
EPT = E // NTILES
CHUNK = 125
SCHUNK = E // NSUB // CHUNK
NCHUNK = SCHUNK // NCORES
NP = 10240
STRIPE = NP // NSUB
ZROWS = 128
DEGW = 16
HH = H // NCORES

_mesh = plsc.VectorSubcoreMesh(core_axis_name="c", subcore_axis_name="s")


def _zero_vmem(buf, rows, width):
    z16 = jnp.zeros((16,), jnp.float32)

    def body(i, carry):
        for k in range(width // 16):
            buf[i, pl.ds(k * 16, 16)] = z16
        return carry

    lax.fori_loop(0, rows, body, 0)


@functools.partial(
    pl.kernel,
    mesh=_mesh,
    compiler_params=pltpu.CompilerParams(use_tc_tiling_on_sc=False),
    out_type=jax.ShapeDtypeStruct((NCORES, NP, DEGW), jnp.float32),
    scratch_types=[
        pltpu.VMEM((NCHUNK, CHUNK), jnp.int32),
        pltpu.VMEM((CHUNK, DEGW), jnp.float32),
        pltpu.VMEM((ZROWS, DEGW), jnp.float32),
        pltpu.VMEM_SHARED((NP, DEGW), jnp.float32),
    ],
)
def _sc_degree(col_hbm, out_hbm, col_v, ones_v, zbuf, acc_sh):
    c = lax.axis_index("c")
    s = lax.axis_index("s")
    pltpu.sync_copy(col_hbm.at[s, pl.ds(c * NCHUNK, NCHUNK)], col_v)
    _zero_vmem(zbuf, ZROWS, DEGW)
    for k in range(STRIPE // ZROWS):
        pltpu.sync_copy(zbuf, acc_sh.at[pl.ds(s * STRIPE + k * ZROWS, ZROWS)])
    o16 = jnp.ones((16,), jnp.float32)

    def fill(i, carry):
        ones_v[i, pl.ds(0, 16)] = o16
        return carry

    lax.fori_loop(0, CHUNK, fill, 0)
    plsc.subcore_barrier()

    def body(j, carry):
        pltpu.sync_copy(ones_v, acc_sh.at[col_v.at[j]], add=True)
        return carry

    lax.fori_loop(0, NCHUNK, body, 0)
    plsc.subcore_barrier()
    pltpu.sync_copy(
        acc_sh.at[pl.ds(s * STRIPE, STRIPE)],
        out_hbm.at[c, pl.ds(s * STRIPE, STRIPE)],
    )


KDEPTH = 2
NGRP = SCHUNK // KDEPTH


@functools.partial(
    pl.kernel,
    mesh=_mesh,
    compiler_params=pltpu.CompilerParams(use_tc_tiling_on_sc=False),
    out_type=jax.ShapeDtypeStruct((NCORES, NP, HH), jnp.float32),
    scratch_types=[
        pltpu.VMEM((SCHUNK, CHUNK), jnp.int32),
        pltpu.VMEM((SCHUNK, CHUNK), jnp.int32),
        pltpu.VMEM((KDEPTH, CHUNK, HH), jnp.float32),
        pltpu.VMEM((KDEPTH, CHUNK, HH), jnp.float32),
        pltpu.VMEM((ZROWS, HH), jnp.float32),
        pltpu.VMEM_SHARED((NP, HH), jnp.float32),
        pltpu.SemaphoreType.DMA,
        pltpu.SemaphoreType.DMA,
        pltpu.SemaphoreType.DMA,
        pltpu.SemaphoreType.DMA,
    ],
)
def _sc_scatter(zs2_hbm, row_hbm, col_hbm, out_hbm, row_v, col_v, bank0, bank1,
                zbuf, acc_sh, gsem0, gsem1, ssem0, ssem1):
    c = lax.axis_index("c")
    s = lax.axis_index("s")
    zs_hbm = zs2_hbm.at[c]
    pltpu.sync_copy(row_hbm.at[s], row_v)
    pltpu.sync_copy(col_hbm.at[s], col_v)
    _zero_vmem(zbuf, ZROWS, HH)
    for k in range(STRIPE // ZROWS):
        pltpu.sync_copy(zbuf, acc_sh.at[pl.ds(s * STRIPE + k * ZROWS, ZROWS)])
    plsc.subcore_barrier()

    def gathers(g, bank, sem, start):
        for b in range(KDEPTH):
            cp = pltpu.make_async_copy(
                zs_hbm.at[row_v.at[g * KDEPTH + b]], bank.at[b], sem)
            cp.start() if start else cp.wait()

    def scatters(g, bank, sem, start):
        for b in range(KDEPTH):
            dst = acc_sh.at[col_v.at[g * KDEPTH + b]]
            if start:
                pltpu.async_copy(bank.at[b], dst, sem, add=True)
            else:
                pltpu.make_async_copy(bank.at[b], dst, sem).wait()

    gathers(0, bank0, gsem0, True)

    def body(i, carry):
        g = 2 * i
        @pl.when(i > 0)
        def _():
            scatters(g - 1, bank1, ssem1, False)

        gathers(g + 1, bank1, gsem1, True)
        gathers(g, bank0, gsem0, False)
        scatters(g, bank0, ssem0, True)
        scatters(g, bank0, ssem0, False)

        @pl.when(i < NGRP // 2 - 1)
        def _():
            gathers(g + 2, bank0, gsem0, True)

        gathers(g + 1, bank1, gsem1, False)
        scatters(g + 1, bank1, ssem1, True)
        return carry

    lax.fori_loop(0, NGRP // 2, body, 0)
    scatters(NGRP - 1, bank1, ssem1, False)
    plsc.subcore_barrier()
    pltpu.sync_copy(
        acc_sh.at[pl.ds(s * STRIPE, STRIPE)],
        out_hbm.at[c, pl.ds(s * STRIPE, STRIPE)],
    )



BN = 2000
NB = N // BN
_DOT = dict(preferred_element_type=jnp.float32, precision=lax.Precision.HIGHEST)


def _write_zs2(zs2_ref, z):
    zs2_ref[0] = z[:, 0:HH]
    zs2_ref[1] = z[:, HH:H]


def _tc_init_body(x_ref, w_ref, b_ref, deg_ref, wc_ref, h_ref, dinv_ref,
                  zs2_ref):
    deg = deg_ref[0, :, 0:1] + deg_ref[1, :, 0:1] + 1.0
    dinv = lax.rsqrt(deg)
    h = jnp.maximum(jnp.dot(x_ref[...], w_ref[...], **_DOT) + b_ref[...], 0.0)
    h_ref[...] = h
    dinv_ref[...] = dinv
    _write_zs2(zs2_ref, jnp.dot(h, wc_ref[...], **_DOT) * dinv)


def _tc_init(x8, w8, b_in, deg2, wc0):
    return pl.pallas_call(
        _tc_init_body,
        grid=(NB,),
        in_specs=[
            pl.BlockSpec((BN, 8), lambda i: (i, 0)),
            pl.BlockSpec((8, H), lambda i: (0, 0)),
            pl.BlockSpec((1, H), lambda i: (0, 0)),
            pl.BlockSpec((NCORES, BN, DEGW), lambda i: (0, i, 0)),
            pl.BlockSpec((H, H), lambda i: (0, 0)),
        ],
        out_specs=[
            pl.BlockSpec((BN, H), lambda i: (i, 0)),
            pl.BlockSpec((BN, 1), lambda i: (i, 0)),
            pl.BlockSpec((NCORES, BN, HH), lambda i: (0, i, 0)),
        ],
        out_shape=[
            jax.ShapeDtypeStruct((N, H), jnp.float32),
            jax.ShapeDtypeStruct((N, 1), jnp.float32),
            jax.ShapeDtypeStruct((NCORES, N, HH), jnp.float32),
        ],
    )(x8, w8, b_in, deg2, wc0)


def _tc_post_a_body(acc_ref, zs_ref, dinv_ref, bc_ref, t_ref, s1_ref, s2_ref,
                    a1, a2):
    i = pl.program_id(0)

    @pl.when(i == 0)
    def _():
        a1[...] = jnp.zeros_like(a1)
        a2[...] = jnp.zeros_like(a2)

    acc = jnp.concatenate([acc_ref[0], acc_ref[1]], axis=1)
    zs = jnp.concatenate([zs_ref[0], zs_ref[1]], axis=1)
    t = dinv_ref[...] * (acc + zs) + bc_ref[...]
    t_ref[...] = t
    a1[...] += jnp.sum(t, axis=0, keepdims=True)
    a2[...] += jnp.sum(t * t, axis=0, keepdims=True)
    s1_ref[...] = a1[...]
    s2_ref[...] = a2[...]


def _tc_post_a(acc2, zs2, dinv, bc_i):
    return pl.pallas_call(
        _tc_post_a_body,
        grid=(NB,),
        in_specs=[
            pl.BlockSpec((NCORES, BN, HH), lambda i: (0, i, 0)),
            pl.BlockSpec((NCORES, BN, HH), lambda i: (0, i, 0)),
            pl.BlockSpec((BN, 1), lambda i: (i, 0)),
            pl.BlockSpec((1, H), lambda i: (0, 0)),
        ],
        out_specs=[
            pl.BlockSpec((BN, H), lambda i: (i, 0)),
            pl.BlockSpec((1, H), lambda i: (0, 0)),
            pl.BlockSpec((1, H), lambda i: (0, 0)),
        ],
        out_shape=[
            jax.ShapeDtypeStruct((N, H), jnp.float32),
            jax.ShapeDtypeStruct((1, H), jnp.float32),
            jax.ShapeDtypeStruct((1, H), jnp.float32),
        ],
        scratch_shapes=[
            pltpu.VMEM((1, H), jnp.float32),
            pltpu.VMEM((1, H), jnp.float32),
        ],
    )(acc2, zs2, dinv, bc_i)


def _norm_relu(t_ref, s1_ref, s2_ref, gw_ref, gb_ref, ga_ref, skip_ref):
    mean = s1_ref[...] * (1.0 / N)
    msq = s2_ref[...] * (1.0 / N)
    ga = ga_ref[...]
    var = msq + (ga * ga - 2.0 * ga) * mean * mean
    inv = lax.rsqrt(var + 1e-5)
    z = (t_ref[...] - ga * mean) * inv * gw_ref[...] + gb_ref[...]
    return jnp.maximum(z, 0.0) + skip_ref[...]


def _tc_post_b_body(t_ref, s1_ref, s2_ref, gw_ref, gb_ref, ga_ref, skip_ref,
                    dinv_ref, wn_ref, h_ref, zs2_ref):
    hn = _norm_relu(t_ref, s1_ref, s2_ref, gw_ref, gb_ref, ga_ref, skip_ref)
    h_ref[...] = hn
    _write_zs2(zs2_ref, jnp.dot(hn, wn_ref[...], **_DOT) * dinv_ref[...])


def _tc_post_b(t, s1, s2, gw_i, gb_i, ga_i, h_skip, dinv, w_next):
    return pl.pallas_call(
        _tc_post_b_body,
        grid=(NB,),
        in_specs=[
            pl.BlockSpec((BN, H), lambda i: (i, 0)),
            pl.BlockSpec((1, H), lambda i: (0, 0)),
            pl.BlockSpec((1, H), lambda i: (0, 0)),
            pl.BlockSpec((1, H), lambda i: (0, 0)),
            pl.BlockSpec((1, H), lambda i: (0, 0)),
            pl.BlockSpec((1, H), lambda i: (0, 0)),
            pl.BlockSpec((BN, H), lambda i: (i, 0)),
            pl.BlockSpec((BN, 1), lambda i: (i, 0)),
            pl.BlockSpec((H, H), lambda i: (0, 0)),
        ],
        out_specs=[
            pl.BlockSpec((BN, H), lambda i: (i, 0)),
            pl.BlockSpec((NCORES, BN, HH), lambda i: (0, i, 0)),
        ],
        out_shape=[
            jax.ShapeDtypeStruct((N, H), jnp.float32),
            jax.ShapeDtypeStruct((NCORES, N, HH), jnp.float32),
        ],
    )(t, s1, s2, gw_i, gb_i, ga_i, h_skip, dinv, w_next)


def _tc_post_last_body(t_ref, s1_ref, s2_ref, gw_ref, gb_ref, ga_ref, skip_ref,
                       h_ref, gm_ref, gx_ref, asum, amax):
    i = pl.program_id(0)

    @pl.when(i == 0)
    def _():
        asum[...] = jnp.zeros_like(asum)
        amax[...] = jnp.full_like(amax, -jnp.inf)

    hn = _norm_relu(t_ref, s1_ref, s2_ref, gw_ref, gb_ref, ga_ref, skip_ref)
    h_ref[...] = hn
    asum[...] += jnp.sum(hn, axis=0, keepdims=True)
    amax[...] = jnp.maximum(amax[...], jnp.max(hn, axis=0, keepdims=True))
    gm_ref[...] = asum[...] * (1.0 / N)
    gx_ref[...] = amax[...]


def _tc_post_last(t, s1, s2, gw_i, gb_i, ga_i, h_skip):
    return pl.pallas_call(
        _tc_post_last_body,
        grid=(NB,),
        in_specs=[
            pl.BlockSpec((BN, H), lambda i: (i, 0)),
            pl.BlockSpec((1, H), lambda i: (0, 0)),
            pl.BlockSpec((1, H), lambda i: (0, 0)),
            pl.BlockSpec((1, H), lambda i: (0, 0)),
            pl.BlockSpec((1, H), lambda i: (0, 0)),
            pl.BlockSpec((1, H), lambda i: (0, 0)),
            pl.BlockSpec((BN, H), lambda i: (i, 0)),
        ],
        out_specs=[
            pl.BlockSpec((BN, H), lambda i: (i, 0)),
            pl.BlockSpec((1, H), lambda i: (0, 0)),
            pl.BlockSpec((1, H), lambda i: (0, 0)),
        ],
        out_shape=[
            jax.ShapeDtypeStruct((N, H), jnp.float32),
            jax.ShapeDtypeStruct((1, H), jnp.float32),
            jax.ShapeDtypeStruct((1, H), jnp.float32),
        ],
        scratch_shapes=[
            pltpu.VMEM((1, H), jnp.float32),
            pltpu.VMEM((1, H), jnp.float32),
        ],
    )(t, s1, s2, gw_i, gb_i, ga_i, h_skip)


def kernel(x, edge_index, W_in, b_in, Wc, bc, gw, gb, ga):
    L = Wc.shape[0]
    row16 = edge_index[0].reshape(NSUB, SCHUNK, CHUNK)
    col16 = edge_index[1].reshape(NSUB, SCHUNK, CHUNK)
    deg2 = _sc_degree(col16)
    x8 = jnp.pad(x, ((0, 0), (0, 1)))
    w8 = jnp.pad(W_in, ((0, 1), (0, 0)))
    h, dinv, zs = _tc_init(x8, w8, b_in.reshape(1, H), deg2, Wc[0])
    for i in range(L):
        acc2 = _sc_scatter(zs, row16, col16)
        t, s1, s2 = _tc_post_a(acc2, zs, dinv, bc[i].reshape(1, H))
        gwi = gw[i].reshape(1, H)
        gbi = gb[i].reshape(1, H)
        gai = ga[i].reshape(1, H)
        if i < L - 1:
            h, zs = _tc_post_b(t, s1, s2, gwi, gbi, gai, h, dinv, Wc[i + 1])
        else:
            h, gmean, gmax = _tc_post_last(t, s1, s2, gwi, gbi, gai, h)
    graph_emb = jnp.concatenate([gmean[0], gmax[0]])[None, :]
    return (h, graph_emb)

# --- scband reference (transcript-rebuilt; emitter-appended) ---
"""Pipeline reference for scband-graph-encoder-44109314130281 (READ-ONLY COPY).

The authoritative reference and input builder live on the scoring server;
editing this copy changes nothing except your own understanding.
"""

import jax, jax.numpy as jnp
import numpy as np

N = 10000
E = 320000
D = 7
H = 128
L = 3

def setup_inputs(seed: int = 0) -> dict:
    key = jax.random.key(seed)
    ks = jax.random.split(key, 8)
    x = jax.random.normal(ks[0], (N, D), dtype=jnp.float32)
    edge_index = jax.random.randint(ks[1], (2, E), 0, N, dtype=jnp.int32)
    # parameters (xavier-ish init for weights, zeros for biases)
    W_in = jax.random.normal(ks[2], (D, H), dtype=jnp.float32) * np.sqrt(2.0 / (D + H))
    b_in = jnp.zeros((H,), dtype=jnp.float32)
    Wc = jax.random.normal(ks[3], (L, H, H), dtype=jnp.float32) * np.sqrt(2.0 / (H + H))
    bc = jnp.zeros((L, H), dtype=jnp.float32)
    gw = jnp.ones((L, H), dtype=jnp.float32)   # GraphNorm weight
    gb = jnp.zeros((L, H), dtype=jnp.float32)  # GraphNorm bias
    ga = jnp.ones((L, H), dtype=jnp.float32)   # GraphNorm mean_scale
    return {"x": x, "edge_index": edge_index, "W_in": W_in, "b_in": b_in,
            "Wc": Wc, "bc": bc, "gw": gw, "gb": gb, "ga": ga}

def _gcn_conv(h, edge_index, W, b):
    # PyG GCNConv: linear (no bias), add self-loops, symmetric norm, scatter-add, + bias
    n = h.shape[0]
    h = h @ W
    loop = jnp.arange(n, dtype=edge_index.dtype)
    row = jnp.concatenate([edge_index[0], loop])
    col = jnp.concatenate([edge_index[1], loop])
    deg = jnp.zeros((n,), h.dtype).at[col].add(1.0)
    dinv = jnp.where(deg > 0, 1.0 / jnp.sqrt(deg), 0.0)
    norm = dinv[row] * dinv[col]
    msg = h[row] * norm[:, None]
    out = jnp.zeros_like(h).at[col].add(msg)
    return out + b

def _graph_norm(h, w, b, a):
    # single graph (batch all zeros): stats over all nodes, per channel
    mean = jnp.mean(h, axis=0, keepdims=True)
    out = h - a * mean
    var = jnp.mean(out * out, axis=0, keepdims=True)
    out = out / jnp.sqrt(var + 1e-5)
    return out * w + b

def reference(x, edge_index, W_in, b_in, Wc, bc, gw, gb, ga):
    h = jax.nn.relu(x @ W_in + b_in)
    for i in range(L):
        skip = h
        z = _gcn_conv(h, edge_index, Wc[i], bc[i])
        z = _graph_norm(z, gw[i], gb[i], ga[i])
        z = jax.nn.relu(z)
        # dropout is identity in eval mode
        h = z + skip
    g_mean = jnp.mean(h, axis=0)
    g_max = jnp.max(h, axis=0)
    graph_emb = jnp.concatenate([g_mean, g_max])[None, :]
    return (h, graph_emb)

if __name__ == "__main__":
    import jax
    _d = setup_inputs()
    print(jax.jit(kernel)(*tuple(_d.values())))

</pallas_src>

<mosaic_0001>
#map = affine_map<(d0, d1) -> (0, 0, 0)>
module attributes {stable_mosaic.version = 14 : i64} {
  func.func @_sc_scatter(%arg0: i32, %arg1: i32, %arg2: memref<2x10000x64xf32, #tpu.memory_space<hbm>>, %arg3: memref<16x160x125xi32, #tpu.memory_space<hbm>>, %arg4: memref<16x160x125xi32, #tpu.memory_space<hbm>>, %arg5: memref<2x10240x64xf32, #tpu.memory_space<hbm>>, %arg6: memref<160x125xi32, #tpu.memory_space<vmem>>, %arg7: memref<160x125xi32, #tpu.memory_space<vmem>>, %arg8: memref<2x125x64xf32, #tpu.memory_space<vmem>>, %arg9: memref<2x125x64xf32, #tpu.memory_space<vmem>>, %arg10: memref<128x64xf32, #tpu.memory_space<vmem>>, %arg11: memref<10240x64xf32, #tpu.memory_space<vmem_shared>>, %arg12: memref<!tpu.dma_semaphore, #tpu.memory_space<semaphore_mem>>, %arg13: memref<!tpu.dma_semaphore, #tpu.memory_space<semaphore_mem>>, %arg14: memref<!tpu.dma_semaphore, #tpu.memory_space<semaphore_mem>>, %arg15: memref<!tpu.dma_semaphore, #tpu.memory_space<semaphore_mem>>) attributes {dimension_semantics = [#tpu.dimension_semantics<core_parallel>, #tpu.dimension_semantics<subcore_parallel>], iteration_bounds = array<i64: 2, 16>, scalar_prefetch = 0 : i64, scratch_operands = 10 : i64, tpu.core_type = #tpu.core_type<sc_vector_subcore>, window_params = [{transform_indices = #map}, {transform_indices = #map}, {transform_indices = #map}, {transform_indices = #map}]} {
    "tpu.region"() ({
      %run_scoped3A = tpu.sem_alloc : memref<!tpu.dma_semaphore, #tpu.memory_space<semaphore_mem>>
      %dma_start3A_89 = arith.constant 0 : i32
      %dma_start3A_90 = arith.constant 0 : i32
      %dma_start3A_91 = tpu.memref_slice %arg3[%arg1, %dma_start3A_89, %dma_start3A_90] : memref<16x160x125xi32, #tpu.memory_space<hbm>> -> memref<1x160x125xi32, #tpu.memory_space<hbm>>
      %dma_start3A_92 = tpu.memref_squeeze %dma_start3A_91 : memref<1x160x125xi32, #tpu.memory_space<hbm>> -> memref<160x125xi32, #tpu.memory_space<hbm>>
      %dma_start3A_93 = arith.constant 0 : i32
      %dma_start3A_94 = arith.constant 0 : i32
      %dma_start3A_95 = tpu.memref_slice %arg3[%arg1, %dma_start3A_93, %dma_start3A_94] : memref<16x160x125xi32, #tpu.memory_space<hbm>> -> memref<1x160x125xi32, #tpu.memory_space<hbm>>
      %dma_start3A_96 = tpu.memref_squeeze %dma_start3A_95 : memref<1x160x125xi32, #tpu.memory_space<hbm>> -> memref<160x125xi32, #tpu.memory_space<hbm>>
      tpu.enqueue_dma source(%dma_start3A_96 : memref<160x125xi32, #tpu.memory_space<hbm>>) target(%arg6 : memref<160x125xi32, #tpu.memory_space<vmem>>) target_semaphore(%run_scoped3A : memref<!tpu.dma_semaphore, #tpu.memory_space<semaphore_mem>>)
      %dma_wait3A_97 = arith.constant 0 : i32
      %dma_wait3A_98 = arith.constant 0 : i32
      %dma_wait3A_99 = tpu.memref_slice %arg3[%arg1, %dma_wait3A_97, %dma_wait3A_98] : memref<16x160x125xi32, #tpu.memory_space<hbm>> -> memref<1x160x125xi32, #tpu.memory_space<hbm>>
      %dma_wait3A_100 = tpu.memref_squeeze %dma_wait3A_99 : memref<1x160x125xi32, #tpu.memory_space<hbm>> -> memref<160x125xi32, #tpu.memory_space<hbm>>
      %dma_wait3A_101 = arith.constant 0 : i32
      %dma_wait3A_102 = arith.constant 0 : i32
      %dma_wait3A_103 = tpu.memref_slice %arg3[%arg1, %dma_wait3A_101, %dma_wait3A_102] : memref<16x160x125xi32, #tpu.memory_space<hbm>> -> memref<1x160x125xi32, #tpu.memory_space<hbm>>
      %dma_wait3A_104 = tpu.memref_squeeze %dma_wait3A_103 : memref<1x160x125xi32, #tpu.memory_space<hbm>> -> memref<160x125xi32, #tpu.memory_space<hbm>>
      tpu.wait_dma2 semaphore(%run_scoped3A : memref<!tpu.dma_semaphore, #tpu.memory_space<semaphore_mem>>) src(%dma_wait3A_104 : memref<160x125xi32, #tpu.memory_space<hbm>>) dst(%arg6 : memref<160x125xi32, #tpu.memory_space<vmem>>)
      tpu.yield
    }) : () -> ()
    "tpu.region"() ({
      %run_scoped3A = tpu.sem_alloc : memref<!tpu.dma_semaphore, #tpu.memory_space<semaphore_mem>>
      %dma_start3A_89 = arith.constant 0 : i32
      %dma_start3A_90 = arith.constant 0 : i32
      %dma_start3A_91 = tpu.memref_slice %arg4[%arg1, %dma_start3A_89, %dma_start3A_90] : memref<16x160x125xi32, #tpu.memory_space<hbm>> -> memref<1x160x125xi32, #tpu.memory_space<hbm>>
      %dma_start3A_92 = tpu.memref_squeeze %dma_start3A_91 : memref<1x160x125xi32, #tpu.memory_space<hbm>> -> memref<160x125xi32, #tpu.memory_space<hbm>>
      %dma_start3A_93 = arith.constant 0 : i32
      %dma_start3A_94 = arith.constant 0 : i32
      %dma_start3A_95 = tpu.memref_slice %arg4[%arg1, %dma_start3A_93, %dma_start3A_94] : memref<16x160x125xi32, #tpu.memory_space<hbm>> -> memref<1x160x125xi32, #tpu.memory_space<hbm>>
      %dma_start3A_96 = tpu.memref_squeeze %dma_start3A_95 : memref<1x160x125xi32, #tpu.memory_space<hbm>> -> memref<160x125xi32, #tpu.memory_space<hbm>>
      tpu.enqueue_dma source(%dma_start3A_96 : memref<160x125xi32, #tpu.memory_space<hbm>>) target(%arg7 : memref<160x125xi32, #tpu.memory_space<vmem>>) target_semaphore(%run_scoped3A : memref<!tpu.dma_semaphore, #tpu.memory_space<semaphore_mem>>)
      %dma_wait3A_97 = arith.constant 0 : i32
      %dma_wait3A_98 = arith.constant 0 : i32
      %dma_wait3A_99 = tpu.memref_slice %arg4[%arg1, %dma_wait3A_97, %dma_wait3A_98] : memref<16x160x125xi32, #tpu.memory_space<hbm>> -> memref<1x160x125xi32, #tpu.memory_space<hbm>>
      %dma_wait3A_100 = tpu.memref_squeeze %dma_wait3A_99 : memref<1x160x125xi32, #tpu.memory_space<hbm>> -> memref<160x125xi32, #tpu.memory_space<hbm>>
      %dma_wait3A_101 = arith.constant 0 : i32
      %dma_wait3A_102 = arith.constant 0 : i32
      %dma_wait3A_103 = tpu.memref_slice %arg4[%arg1, %dma_wait3A_101, %dma_wait3A_102] : memref<16x160x125xi32, #tpu.memory_space<hbm>> -> memref<1x160x125xi32, #tpu.memory_space<hbm>>
      %dma_wait3A_104 = tpu.memref_squeeze %dma_wait3A_103 : memref<1x160x125xi32, #tpu.memory_space<hbm>> -> memref<160x125xi32, #tpu.memory_space<hbm>>
      tpu.wait_dma2 semaphore(%run_scoped3A : memref<!tpu.dma_semaphore, #tpu.memory_space<semaphore_mem>>) src(%dma_wait3A_104 : memref<160x125xi32, #tpu.memory_space<hbm>>) dst(%arg7 : memref<160x125xi32, #tpu.memory_space<vmem>>)
      tpu.yield
    }) : () -> ()
    %broadcast_in_dim3A = arith.constant 0.000000e+00 : f32
    %broadcast_in_dim3A_0 = vector.broadcast %broadcast_in_dim3A : f32 to vector<16xf32>
    %scan3A = arith.constant 0 : i32
    %scan3A_1 = arith.constant 0 : i32
    %scan3A_2 = arith.constant 128 : i32
    %scan3A_3 = arith.addi %scan3A_1, %scan3A_2 : i32
    %scan3A_4 = arith.constant 1 : i32
    scf.for %scan3A_89 = %scan3A_1 to %scan3A_3 step %scan3A_4  : i32 {
      %swap3A = arith.index_cast %scan3A_89 : i32 to index
      %swap3A_90 = arith.constant 0 : index
      %swap3A_91 = tpu.vector_load %arg10[%swap3A, %swap3A_90] {strides = array<i32>} : memref<128x64xf32, #tpu.memory_space<vmem>>, vector<1x16xf32>,
      %swap3A_92 = vector.shape_cast %swap3A_91 : vector<1x16xf32> to vector<16xf32>
      %swap3A_93 = vector.shape_cast %broadcast_in_dim3A_0 : vector<16xf32> to vector<1x16xf32>
      tpu.vector_store %arg10[%swap3A, %swap3A_90], %swap3A_93 {strides = array<i32>} : memref<128x64xf32, #tpu.memory_space<vmem>>, vector<1x16xf32>,
      %swap3A_94 = arith.index_cast %scan3A_89 : i32 to index
      %swap3A_95 = arith.constant 16 : index
      %swap3A_96 = tpu.vector_load %arg10[%swap3A_94, %swap3A_95] {strides = array<i32>} : memref<128x64xf32, #tpu.memory_space<vmem>>, vector<1x16xf32>,
      %swap3A_97 = vector.shape_cast %swap3A_96 : vector<1x16xf32> to vector<16xf32>
      %swap3A_98 = vector.shape_cast %broadcast_in_dim3A_0 : vector<16xf32> to vector<1x16xf32>
      tpu.vector_store %arg10[%swap3A_94, %swap3A_95], %swap3A_98 {strides = array<i32>} : memref<128x64xf32, #tpu.memory_space<vmem>>, vector<1x16xf32>,
      %swap3A_99 = arith.index_cast %scan3A_89 : i32 to index
      %swap3A_100 = arith.constant 32 : index
      %swap3A_101 = tpu.vector_load %arg10[%swap3A_99, %swap3A_100] {strides = array<i32>} : memref<128x64xf32, #tpu.memory_space<vmem>>, vector<1x16xf32>,
      %swap3A_102 = vector.shape_cast %swap3A_101 : vector<1x16xf32> to vector<16xf32>
      %swap3A_103 = vector.shape_cast %broadcast_in_dim3A_0 : vector<16xf32> to vector<1x16xf32>
      tpu.vector_store %arg10[%swap3A_99, %swap3A_100], %swap3A_103 {strides = array<i32>} : memref<128x64xf32, #tpu.memory_space<vmem>>, vector<1x16xf32>,
      %swap3A_104 = arith.index_cast %scan3A_89 : i32 to index
      %swap3A_105 = arith.constant 48 : index
      %swap3A_106 = tpu.vector_load %arg10[%swap3A_104, %swap3A_105] {strides = array<i32>} : memref<128x64xf32, #tpu.memory_space<vmem>>, vector<1x16xf32>,
      %swap3A_107 = vector.shape_cast %swap3A_106 : vector<1x16xf32> to vector<16xf32>
      %swap3A_108 = vector.shape_cast %broadcast_in_dim3A_0 : vector<16xf32> to vector<1x16xf32>
      tpu.vector_store %arg10[%swap3A_104, %swap3A_105], %swap3A_108 {strides = array<i32>} : memref<128x64xf32, #tpu.memory_space<vmem>>, vector<1x16xf32>,
    }
    %scan3A_5 = arith.constant 128 : i32
    %mul3A = arith.constant 640 : i32
    %mul3A_6 = arith.muli %arg1, %mul3A : i32
    %add3A = arith.constant 0 : i32
    %add3A_7 = arith.addi %mul3A_6, %add3A : i32
    "tpu.region"() ({
      %run_scoped3A = tpu.sem_alloc : memref<!tpu.dma_semaphore, #tpu.memory_space<semaphore_mem>>
      %dma_start3A_89 = arith.constant 0 : i32
      %dma_start3A_90 = tpu.memref_slice %arg11[%add3A_7, %dma_start3A_89] : memref<10240x64xf32, #tpu.memory_space<vmem_shared>> -> memref<128x64xf32, #tpu.memory_space<vmem_shared>>
      %dma_start3A_91 = arith.constant 0 : i32
      %dma_start3A_92 = tpu.memref_slice %arg11[%add3A_7, %dma_start3A_91] : memref<10240x64xf32, #tpu.memory_space<vmem_shared>> -> memref<128x64xf32, #tpu.memory_space<vmem_shared>>
      tpu.enqueue_dma source(%arg10 : memref<128x64xf32, #tpu.memory_space<vmem>>) target(%dma_start3A_92 : memref<128x64xf32, #tpu.memory_space<vmem_shared>>) target_semaphore(%run_scoped3A : memref<!tpu.dma_semaphore, #tpu.memory_space<semaphore_mem>>)
      %dma_wait3A_93 = arith.constant 0 : i32
      %dma_wait3A_94 = tpu.memref_slice %arg11[%add3A_7, %dma_wait3A_93] : memref<10240x64xf32, #tpu.memory_space<vmem_shared>> -> memref<128x64xf32, #tpu.memory_space<vmem_shared>>
      %dma_wait3A_95 = arith.constant 0 : i32
      %dma_wait3A_96 = tpu.memref_slice %arg11[%add3A_7, %dma_wait3A_95] : memref<10240x64xf32, #tpu.memory_space<vmem_shared>> -> memref<128x64xf32, #tpu.memory_space<vmem_shared>>
      tpu.wait_dma2 semaphore(%run_scoped3A : memref<!tpu.dma_semaphore, #tpu.memory_space<semaphore_mem>>) src(%arg10 : memref<128x64xf32, #tpu.memory_space<vmem>>) dst(%dma_wait3A_96 : memref<128x64xf32, #tpu.memory_space<vmem_shared>>)
      tpu.yield
    }) : () -> ()
    %mul3A_8 = arith.constant 640 : i32
    %mul3A_9 = arith.muli %arg1, %mul3A_8 : i32
    %add3A_10 = arith.constant 128 : i32
    %add3A_11 = arith.addi %mul3A_9, %add3A_10 : i32
    "tpu.region"() ({
      %run_scoped3A = tpu.sem_alloc : memref<!tpu.dma_semaphore, #tpu.memory_space<semaphore_mem>>
      %dma_start3A_89 = arith.constant 0 : i32
      %dma_start3A_90 = tpu.memref_slice %arg11[%add3A_11, %dma_start3A_89] : memref<10240x64xf32, #tpu.memory_space<vmem_shared>> -> memref<128x64xf32, #tpu.memory_space<vmem_shared>>
      %dma_start3A_91 = arith.constant 0 : i32
      %dma_start3A_92 = tpu.memref_slice %arg11[%add3A_11, %dma_start3A_91] : memref<10240x64xf32, #tpu.memory_space<vmem_shared>> -> memref<128x64xf32, #tpu.memory_space<vmem_shared>>
      tpu.enqueue_dma source(%arg10 : memref<128x64xf32, #tpu.memory_space<vmem>>) target(%dma_start3A_92 : memref<128x64xf32, #tpu.memory_space<vmem_shared>>) target_semaphore(%run_scoped3A : memref<!tpu.dma_semaphore, #tpu.memory_space<semaphore_mem>>)
      %dma_wait3A_93 = arith.constant 0 : i32
      %dma_wait3A_94 = tpu.memref_slice %arg11[%add3A_11, %dma_wait3A_93] : memref<10240x64xf32, #tpu.memory_space<vmem_shared>> -> memref<128x64xf32, #tpu.memory_space<vmem_shared>>
      %dma_wait3A_95 = arith.constant 0 : i32
      %dma_wait3A_96 = tpu.memref_slice %arg11[%add3A_11, %dma_wait3A_95] : memref<10240x64xf32, #tpu.memory_space<vmem_shared>> -> memref<128x64xf32, #tpu.memory_space<vmem_shared>>
      tpu.wait_dma2 semaphore(%run_scoped3A : memref<!tpu.dma_semaphore, #tpu.memory_space<semaphore_mem>>) src(%arg10 : memref<128x64xf32, #tpu.memory_space<vmem>>) dst(%dma_wait3A_96 : memref<128x64xf32, #tpu.memory_space<vmem_shared>>)
      tpu.yield
    }) : () -> ()
    %mul3A_12 = arith.constant 640 : i32
    %mul3A_13 = arith.muli %arg1, %mul3A_12 : i32
    %add3A_14 = arith.constant 256 : i32
    %add3A_15 = arith.addi %mul3A_13, %add3A_14 : i32
    "tpu.region"() ({
      %run_scoped3A = tpu.sem_alloc : memref<!tpu.dma_semaphore, #tpu.memory_space<semaphore_mem>>
      %dma_start3A_89 = arith.constant 0 : i32
      %dma_start3A_90 = tpu.memref_slice %arg11[%add3A_15, %dma_start3A_89] : memref<10240x64xf32, #tpu.memory_space<vmem_shared>> -> memref<128x64xf32, #tpu.memory_space<vmem_shared>>
      %dma_start3A_91 = arith.constant 0 : i32
      %dma_start3A_92 = tpu.memref_slice %arg11[%add3A_15, %dma_start3A_91] : memref<10240x64xf32, #tpu.memory_space<vmem_shared>> -> memref<128x64xf32, #tpu.memory_space<vmem_shared>>
      tpu.enqueue_dma source(%arg10 : memref<128x64xf32, #tpu.memory_space<vmem>>) target(%dma_start3A_92 : memref<128x64xf32, #tpu.memory_space<vmem_shared>>) target_semaphore(%run_scoped3A : memref<!tpu.dma_semaphore, #tpu.memory_space<semaphore_mem>>)
      %dma_wait3A_93 = arith.constant 0 : i32
      %dma_wait3A_94 = tpu.memref_slice %arg11[%add3A_15, %dma_wait3A_93] : memref<10240x64xf32, #tpu.memory_space<vmem_shared>> -> memref<128x64xf32, #tpu.memory_space<vmem_shared>>
      %dma_wait3A_95 = arith.constant 0 : i32
      %dma_wait3A_96 = tpu.memref_slice %arg11[%add3A_15, %dma_wait3A_95] : memref<10240x64xf32, #tpu.memory_space<vmem_shared>> -> memref<128x64xf32, #tpu.memory_space<vmem_shared>>
      tpu.wait_dma2 semaphore(%run_scoped3A : memref<!tpu.dma_semaphore, #tpu.memory_space<semaphore_mem>>) src(%arg10 : memref<128x64xf32, #tpu.memory_space<vmem>>) dst(%dma_wait3A_96 : memref<128x64xf32, #tpu.memory_space<vmem_shared>>)
      tpu.yield
    }) : () -> ()
    %mul3A_16 = arith.constant 640 : i32
    %mul3A_17 = arith.muli %arg1, %mul3A_16 : i32
    %add3A_18 = arith.constant 384 : i32
    %add3A_19 = arith.addi %mul3A_17, %add3A_18 : i32
    "tpu.region"() ({
      %run_scoped3A = tpu.sem_alloc : memref<!tpu.dma_semaphore, #tpu.memory_space<semaphore_mem>>
      %dma_start3A_89 = arith.constant 0 : i32
      %dma_start3A_90 = tpu.memref_slice %arg11[%add3A_19, %dma_start3A_89] : memref<10240x64xf32, #tpu.memory_space<vmem_shared>> -> memref<128x64xf32, #tpu.memory_space<vmem_shared>>
      %dma_start3A_91 = arith.constant 0 : i32
      %dma_start3A_92 = tpu.memref_slice %arg11[%add3A_19, %dma_start3A_91] : memref<10240x64xf32, #tpu.memory_space<vmem_shared>> -> memref<128x64xf32, #tpu.memory_space<vmem_shared>>
      tpu.enqueue_dma source(%arg10 : memref<128x64xf32, #tpu.memory_space<vmem>>) target(%dma_start3A_92 : memref<128x64xf32, #tpu.memory_space<vmem_shared>>) target_semaphore(%run_scoped3A : memref<!tpu.dma_semaphore, #tpu.memory_space<semaphore_mem>>)
      %dma_wait3A_93 = arith.constant 0 : i32
      %dma_wait3A_94 = tpu.memref_slice %arg11[%add3A_19, %dma_wait3A_93] : memref<10240x64xf32, #tpu.memory_space<vmem_shared>> -> memref<128x64xf32, #tpu.memory_space<vmem_shared>>
      %dma_wait3A_95 = arith.constant 0 : i32
      %dma_wait3A_96 = tpu.memref_slice %arg11[%add3A_19, %dma_wait3A_95] : memref<10240x64xf32, #tpu.memory_space<vmem_shared>> -> memref<128x64xf32, #tpu.memory_space<vmem_shared>>
      tpu.wait_dma2 semaphore(%run_scoped3A : memref<!tpu.dma_semaphore, #tpu.memory_space<semaphore_mem>>) src(%arg10 : memref<128x64xf32, #tpu.memory_space<vmem>>) dst(%dma_wait3A_96 : memref<128x64xf32, #tpu.memory_space<vmem_shared>>)
      tpu.yield
    }) : () -> ()
    %mul3A_20 = arith.constant 640 : i32
    %mul3A_21 = arith.muli %arg1, %mul3A_20 : i32
    %add3A_22 = arith.constant 512 : i32
    %add3A_23 = arith.addi %mul3A_21, %add3A_22 : i32
    "tpu.region"() ({
      %run_scoped3A = tpu.sem_alloc : memref<!tpu.dma_semaphore, #tpu.memory_space<semaphore_mem>>
      %dma_start3A_89 = arith.constant 0 : i32
      %dma_start3A_90 = tpu.memref_slice %arg11[%add3A_23, %dma_start3A_89] : memref<10240x64xf32, #tpu.memory_space<vmem_shared>> -> memref<128x64xf32, #tpu.memory_space<vmem_shared>>
      %dma_start3A_91 = arith.constant 0 : i32
      %dma_start3A_92 = tpu.memref_slice %arg11[%add3A_23, %dma_start3A_91] : memref<10240x64xf32, #tpu.memory_space<vmem_shared>> -> memref<128x64xf32, #tpu.memory_space<vmem_shared>>
      tpu.enqueue_dma source(%arg10 : memref<128x64xf32, #tpu.memory_space<vmem>>) target(%dma_start3A_92 : memref<128x64xf32, #tpu.memory_space<vmem_shared>>) target_semaphore(%run_scoped3A : memref<!tpu.dma_semaphore, #tpu.memory_space<semaphore_mem>>)
      %dma_wait3A_93 = arith.constant 0 : i32
      %dma_wait3A_94 = tpu.memref_slice %arg11[%add3A_23, %dma_wait3A_93] : memref<10240x64xf32, #tpu.memory_space<vmem_shared>> -> memref<128x64xf32, #tpu.memory_space<vmem_shared>>
      %dma_wait3A_95 = arith.constant 0 : i32
      %dma_wait3A_96 = tpu.memref_slice %arg11[%add3A_23, %dma_wait3A_95] : memref<10240x64xf32, #tpu.memory_space<vmem_shared>> -> memref<128x64xf32, #tpu.memory_space<vmem_shared>>
      tpu.wait_dma2 semaphore(%run_scoped3A : memref<!tpu.dma_semaphore, #tpu.memory_space<semaphore_mem>>) src(%arg10 : memref<128x64xf32, #tpu.memory_space<vmem>>) dst(%dma_wait3A_96 : memref<128x64xf32, #tpu.memory_space<vmem_shared>>)
      tpu.yield
    }) : () -> ()
    %barrier3A = arith.constant 0 : index
    tpu.barrier barrier_id(%barrier3A)
    %dma_start3A = arith.constant 0 : i32
    %dma_start3A_24 = arith.constant 0 : i32
    %dma_start3A_25 = arith.constant 0 : i32
    %dma_start3A_26 = arith.constant 0 : i32
    %dma_start3A_27 = tpu.memref_slice %arg8[%dma_start3A_24, %dma_start3A_25, %dma_start3A_26] : memref<2x125x64xf32, #tpu.memory_space<vmem>> -> memref<1x125x64xf32, #tpu.memory_space<vmem>>
    %dma_start3A_28 = tpu.memref_squeeze %dma_start3A_27 : memref<1x125x64xf32, #tpu.memory_space<vmem>> -> memref<125x64xf32, #tpu.memory_space<vmem>>
    %dma_start3A_29 = arith.constant 0 : i32
    %dma_start3A_30 = tpu.memref_slice %arg6[%dma_start3A, %dma_start3A_29] : memref<160x125xi32, #tpu.memory_space<vmem>> -> memref<1x125xi32, #tpu.memory_space<vmem>>
    %dma_start3A_31 = tpu.memref_squeeze %dma_start3A_30 : memref<1x125xi32, #tpu.memory_space<vmem>> -> memref<125xi32, #tpu.memory_space<vmem>>
    %dma_start3A_32 = arith.constant 0 : i32
    %dma_start3A_33 = arith.constant 0 : i32
    %dma_start3A_34 = tpu.memref_slice %arg2[%arg0, %dma_start3A_32, %dma_start3A_33] : memref<2x10000x64xf32, #tpu.memory_space<hbm>> -> memref<1x10000x64xf32, #tpu.memory_space<hbm>>
    %dma_start3A_35 = tpu.memref_squeeze %dma_start3A_34 : memref<1x10000x64xf32, #tpu.memory_space<hbm>> -> memref<10000x64xf32, #tpu.memory_space<hbm>>
    %dma_start3A_36 = arith.constant 0 : i32
    %dma_start3A_37 = arith.constant 0 : i32
    %dma_start3A_38 = tpu.memref_slice %dma_start3A_35[%dma_start3A_36, %dma_start3A_37] : memref<10000x64xf32, #tpu.memory_space<hbm>> -> memref<10000x64xf32, #tpu.memory_space<hbm>>
    tpu.enqueue_indirect_dma source(%dma_start3A_38 : memref<10000x64xf32, #tpu.memory_space<hbm>>) target(%dma_start3A_28 : memref<125x64xf32, #tpu.memory_space<vmem>>) offsets(%dma_start3A_31 : memref<125xi32, #tpu.memory_space<vmem>>) semaphore(%arg12 : memref<!tpu.dma_semaphore, #tpu.memory_space<semaphore_mem>>)
    %dma_start3A_39 = arith.constant 1 : i32
    %dma_start3A_40 = arith.constant 1 : i32
    %dma_start3A_41 = arith.constant 0 : i32
    %dma_start3A_42 = arith.constant 0 : i32
    %dma_start3A_43 = tpu.memref_slice %arg8[%dma_start3A_40, %dma_start3A_41, %dma_start3A_42] : memref<2x125x64xf32, #tpu.memory_space<vmem>> -> memref<1x125x64xf32, #tpu.memory_space<vmem>>
    %dma_start3A_44 = tpu.memref_squeeze %dma_start3A_43 : memref<1x125x64xf32, #tpu.memory_space<vmem>> -> memref<125x64xf32, #tpu.memory_space<vmem>>
    %dma_start3A_45 = arith.constant 0 : i32
    %dma_start3A_46 = tpu.memref_slice %arg6[%dma_start3A_39, %dma_start3A_45] : memref<160x125xi32, #tpu.memory_space<vmem>> -> memref<1x125xi32, #tpu.memory_space<vmem>>
    %dma_start3A_47 = tpu.memref_squeeze %dma_start3A_46 : memref<1x125xi32, #tpu.memory_space<vmem>> -> memref<125xi32, #tpu.memory_space<vmem>>
    %dma_start3A_48 = arith.constant 0 : i32
    %dma_start3A_49 = arith.constant 0 : i32
    %dma_start3A_50 = tpu.memref_slice %arg2[%arg0, %dma_start3A_48, %dma_start3A_49] : memref<2x10000x64xf32, #tpu.memory_space<hbm>> -> memref<1x10000x64xf32, #tpu.memory_space<hbm>>
    %dma_start3A_51 = tpu.memref_squeeze %dma_start3A_50 : memref<1x10000x64xf32, #tpu.memory_space<hbm>> -> memref<10000x64xf32, #tpu.memory_space<hbm>>
    %dma_start3A_52 = arith.constant 0 : i32
    %dma_start3A_53 = arith.constant 0 : i32
    %dma_start3A_54 = tpu.memref_slice %dma_start3A_51[%dma_start3A_52, %dma_start3A_53] : memref<10000x64xf32, #tpu.memory_space<hbm>> -> memref<10000x64xf32, #tpu.memory_space<hbm>>
    tpu.enqueue_indirect_dma source(%dma_start3A_54 : memref<10000x64xf32, #tpu.memory_space<hbm>>) target(%dma_start3A_44 : memref<125x64xf32, #tpu.memory_space<vmem>>) offsets(%dma_start3A_47 : memref<125xi32, #tpu.memory_space<vmem>>) semaphore(%arg12 : memref<!tpu.dma_semaphore, #tpu.memory_space<semaphore_mem>>)
    %scan3A_55 = arith.constant 0 : i32
    %scan3A_56 = arith.constant 0 : i32
    %scan3A_57 = arith.constant 40 : i32
    %scan3A_58 = arith.addi %scan3A_56, %scan3A_57 : i32
    %scan3A_59 = arith.constant 1 : i32
    scf.for %scan3A_89 = %scan3A_56 to %scan3A_58 step %scan3A_59  : i32 {
      %mul3A_90 = arith.constant 2 : i32
      %mul3A_91 = arith.muli %mul3A_90, %scan3A_89 : i32
      %gt3A = arith.constant 0 : i32
      %gt3A_92 = arith.cmpi sgt, %scan3A_89, %gt3A : i32
      %convert_element_type3A = arith.extui %gt3A_92 : i1 to i32
      %cond3A = arith.constant 0 : i32
      %cond3A_93 = arith.cmpi ne, %convert_element_type3A, %cond3A : i32
      scf.if %cond3A_93 {
        %sub3A = arith.constant 1 : i32
        %sub3A_308 = arith.subi %mul3A_91, %sub3A : i32
        %mul3A_309 = arith.constant 2 : i32
        %mul3A_310 = arith.muli %sub3A_308, %mul3A_309 : i32
        %add3A_311 = arith.constant 0 : i32
        %add3A_312 = arith.addi %mul3A_310, %add3A_311 : i32
        %dma_wait3A_313 = arith.constant 0 : i32
        %dma_wait3A_314 = arith.constant 0 : i32
        %dma_wait3A_315 = arith.constant 0 : i32
        %dma_wait3A_316 = tpu.memref_slice %arg9[%dma_wait3A_313, %dma_wait3A_314, %dma_wait3A_315] : memref<2x125x64xf32, #tpu.memory_space<vmem>> -> memref<1x125x64xf32, #tpu.memory_space<vmem>>
        %dma_wait3A_317 = tpu.memref_squeeze %dma_wait3A_316 : memref<1x125x64xf32, #tpu.memory_space<vmem>> -> memref<125x64xf32, #tpu.memory_space<vmem>>
        %dma_wait3A_318 = arith.constant 0 : i32
        %dma_wait3A_319 = tpu.memref_slice %arg7[%add3A_312, %dma_wait3A_318] : memref<160x125xi32, #tpu.memory_space<vmem>> -> memref<1x125xi32, #tpu.memory_space<vmem>>
        %dma_wait3A_320 = tpu.memref_squeeze %dma_wait3A_319 : memref<1x125xi32, #tpu.memory_space<vmem>> -> memref<125xi32, #tpu.memory_space<vmem>>
        %dma_wait3A_321 = arith.constant 0 : i32
        %dma_wait3A_322 = arith.constant 0 : i32
        %dma_wait3A_323 = tpu.memref_slice %arg11[%dma_wait3A_321, %dma_wait3A_322] : memref<10240x64xf32, #tpu.memory_space<vmem_shared>> -> memref<10240x64xf32, #tpu.memory_space<vmem_shared>>
        tpu.wait_indirect_dma semaphore(%arg15 : memref<!tpu.dma_semaphore, #tpu.memory_space<semaphore_mem>>) src(%dma_wait3A_317 : memref<125x64xf32, #tpu.memory_space<vmem>>) dst(%dma_wait3A_323 : memref<10240x64xf32, #tpu.memory_space<vmem_shared>>)
        %mul3A_324 = arith.constant 2 : i32
        %mul3A_325 = arith.muli %sub3A_308, %mul3A_324 : i32
        %add3A_326 = arith.constant 1 : i32
        %add3A_327 = arith.addi %mul3A_325, %add3A_326 : i32
        %dma_wait3A_328 = arith.constant 1 : i32
        %dma_wait3A_329 = arith.constant 0 : i32
        %dma_wait3A_330 = arith.constant 0 : i32
        %dma_wait3A_331 = tpu.memref_slice %arg9[%dma_wait3A_328, %dma_wait3A_329, %dma_wait3A_330] : memref<2x125x64xf32, #tpu.memory_space<vmem>> -> memref<1x125x64xf32, #tpu.memory_space<vmem>>
        %dma_wait3A_332 = tpu.memref_squeeze %dma_wait3A_331 : memref<1x125x64xf32, #tpu.memory_space<vmem>> -> memref<125x64xf32, #tpu.memory_space<vmem>>
        %dma_wait3A_333 = arith.constant 0 : i32
        %dma_wait3A_334 = tpu.memref_slice %arg7[%add3A_327, %dma_wait3A_333] : memref<160x125xi32, #tpu.memory_space<vmem>> -> memref<1x125xi32, #tpu.memory_space<vmem>>
        %dma_wait3A_335 = tpu.memref_squeeze %dma_wait3A_334 : memref<1x125xi32, #tpu.memory_space<vmem>> -> memref<125xi32, #tpu.memory_space<vmem>>
        %dma_wait3A_336 = arith.constant 0 : i32
        %dma_wait3A_337 = arith.constant 0 : i32
        %dma_wait3A_338 = tpu.memref_slice %arg11[%dma_wait3A_336, %dma_wait3A_337] : memref<10240x64xf32, #tpu.memory_space<vmem_shared>> -> memref<10240x64xf32, #tpu.memory_space<vmem_shared>>
        tpu.wait_indirect_dma semaphore(%arg15 : memref<!tpu.dma_semaphore, #tpu.memory_space<semaphore_mem>>) src(%dma_wait3A_332 : memref<125x64xf32, #tpu.memory_space<vmem>>) dst(%dma_wait3A_338 : memref<10240x64xf32, #tpu.memory_space<vmem_shared>>)
      } else {
      }
      %add3A_94 = arith.constant 1 : i32
      %add3A_95 = arith.addi %mul3A_91, %add3A_94 : i32
      %mul3A_96 = arith.constant 2 : i32
      %mul3A_97 = arith.muli %add3A_95, %mul3A_96 : i32
      %add3A_98 = arith.constant 0 : i32
      %add3A_99 = arith.addi %mul3A_97, %add3A_98 : i32
      %dma_start3A_100 = arith.constant 0 : i32
      %dma_start3A_101 = arith.constant 0 : i32
      %dma_start3A_102 = arith.constant 0 : i32
      %dma_start3A_103 = tpu.memref_slice %arg9[%dma_start3A_100, %dma_start3A_101, %dma_start3A_102] : memref<2x125x64xf32, #tpu.memory_space<vmem>> -> memref<1x125x64xf32, #tpu.memory_space<vmem>>
      %dma_start3A_104 = tpu.memref_squeeze %dma_start3A_103 : memref<1x125x64xf32, #tpu.memory_space<vmem>> -> memref<125x64xf32, #tpu.memory_space<vmem>>
      %dma_start3A_105 = arith.constant 0 : i32
      %dma_start3A_106 = tpu.memref_slice %arg6[%add3A_99, %dma_start3A_105] : memref<160x125xi32, #tpu.memory_space<vmem>> -> memref<1x125xi32, #tpu.memory_space<vmem>>
      %dma_start3A_107 = tpu.memref_squeeze %dma_start3A_106 : memref<1x125xi32, #tpu.memory_space<vmem>> -> memref<125xi32, #tpu.memory_space<vmem>>
      %dma_start3A_108 = arith.constant 0 : i32
      %dma_start3A_109 = arith.constant 0 : i32
      %dma_start3A_110 = tpu.memref_slice %arg2[%arg0, %dma_start3A_108, %dma_start3A_109] : memref<2x10000x64xf32, #tpu.memory_space<hbm>> -> memref<1x10000x64xf32, #tpu.memory_space<hbm>>
      %dma_start3A_111 = tpu.memref_squeeze %dma_start3A_110 : memref<1x10000x64xf32, #tpu.memory_space<hbm>> -> memref<10000x64xf32, #tpu.memory_space<hbm>>
      %dma_start3A_112 = arith.constant 0 : i32
      %dma_start3A_113 = arith.constant 0 : i32
      %dma_start3A_114 = tpu.memref_slice %dma_start3A_111[%dma_start3A_112, %dma_start3A_113] : memref<10000x64xf32, #tpu.memory_space<hbm>> -> memref<10000x64xf32, #tpu.memory_space<hbm>>
      tpu.enqueue_indirect_dma source(%dma_start3A_114 : memref<10000x64xf32, #tpu.memory_space<hbm>>) target(%dma_start3A_104 : memref<125x64xf32, #tpu.memory_space<vmem>>) offsets(%dma_start3A_107 : memref<125xi32, #tpu.memory_space<vmem>>) semaphore(%arg13 : memref<!tpu.dma_semaphore, #tpu.memory_space<semaphore_mem>>)
      %mul3A_115 = arith.constant 2 : i32
      %mul3A_116 = arith.muli %add3A_95, %mul3A_115 : i32
      %add3A_117 = arith.constant 1 : i32
      %add3A_118 = arith.addi %mul3A_116, %add3A_117 : i32
      %dma_start3A_119 = arith.constant 1 : i32
      %dma_start3A_120 = arith.constant 0 : i32
      %dma_start3A_121 = arith.constant 0 : i32
      %dma_start3A_122 = tpu.memref_slice %arg9[%dma_start3A_119, %dma_start3A_120, %dma_start3A_121] : memref<2x125x64xf32, #tpu.memory_space<vmem>> -> memref<1x125x64xf32, #tpu.memory_space<vmem>>
      %dma_start3A_123 = tpu.memref_squeeze %dma_start3A_122 : memref<1x125x64xf32, #tpu.memory_space<vmem>> -> memref<125x64xf32, #tpu.memory_space<vmem>>
      %dma_start3A_124 = arith.constant 0 : i32
      %dma_start3A_125 = tpu.memref_slice %arg6[%add3A_118, %dma_start3A_124] : memref<160x125xi32, #tpu.memory_space<vmem>> -> memref<1x125xi32, #tpu.memory_space<vmem>>
      %dma_start3A_126 = tpu.memref_squeeze %dma_start3A_125 : memref<1x125xi32, #tpu.memory_space<vmem>> -> memref<125xi32, #tpu.memory_space<vmem>>
      %dma_start3A_127 = arith.constant 0 : i32
      %dma_start3A_128 = arith.constant 0 : i32
      %dma_start3A_129 = tpu.memref_slice %arg2[%arg0, %dma_start3A_127, %dma_start3A_128] : memref<2x10000x64xf32, #tpu.memory_space<hbm>> -> memref<1x10000x64xf32, #tpu.memory_space<hbm>>
      %dma_start3A_130 = tpu.memref_squeeze %dma_start3A_129 : memref<1x10000x64xf32, #tpu.memory_space<hbm>> -> memref<10000x64xf32, #tpu.memory_space<hbm>>
      %dma_start3A_131 = arith.constant 0 : i32
      %dma_start3A_132 = arith.constant 0 : i32
      %dma_start3A_133 = tpu.memref_slice %dma_start3A_130[%dma_start3A_131, %dma_start3A_132] : memref<10000x64xf32, #tpu.memory_space<hbm>> -> memref<10000x64xf32, #tpu.memory_space<hbm>>
      tpu.enqueue_indirect_dma source(%dma_start3A_133 : memref<10000x64xf32, #tpu.memory_space<hbm>>) target(%dma_start3A_123 : memref<125x64xf32, #tpu.memory_space<vmem>>) offsets(%dma_start3A_126 : memref<125xi32, #tpu.memory_space<vmem>>) semaphore(%arg13 : memref<!tpu.dma_semaphore, #tpu.memory_space<semaphore_mem>>)
      %mul3A_134 = arith.constant 2 : i32
      %mul3A_135 = arith.muli %mul3A_91, %mul3A_134 : i32
      %add3A_136 = arith.constant 0 : i32
      %add3A_137 = arith.addi %mul3A_135, %add3A_136 : i32
      %dma_wait3A_138 = arith.constant 0 : i32
      %dma_wait3A_139 = arith.constant 0 : i32
      %dma_wait3A_140 = arith.constant 0 : i32
      %dma_wait3A_141 = tpu.memref_slice %arg8[%dma_wait3A_138, %dma_wait3A_139, %dma_wait3A_140] : memref<2x125x64xf32, #tpu.memory_space<vmem>> -> memref<1x125x64xf32, #tpu.memory_space<vmem>>
      %dma_wait3A_142 = tpu.memref_squeeze %dma_wait3A_141 : memref<1x125x64xf32, #tpu.memory_space<vmem>> -> memref<125x64xf32, #tpu.memory_space<vmem>>
      %dma_wait3A_143 = arith.constant 0 : i32
      %dma_wait3A_144 = tpu.memref_slice %arg6[%add3A_137, %dma_wait3A_143] : memref<160x125xi32, #tpu.memory_space<vmem>> -> memref<1x125xi32, #tpu.memory_space<vmem>>
      %dma_wait3A_145 = tpu.memref_squeeze %dma_wait3A_144 : memref<1x125xi32, #tpu.memory_space<vmem>> -> memref<125xi32, #tpu.memory_space<vmem>>
      %dma_wait3A_146 = arith.constant 0 : i32
      %dma_wait3A_147 = arith.constant 0 : i32
      %dma_wait3A_148 = tpu.memref_slice %arg2[%arg0, %dma_wait3A_146, %dma_wait3A_147] : memref<2x10000x64xf32, #tpu.memory_space<hbm>> -> memref<1x10000x64xf32, #tpu.memory_space<hbm>>
      %dma_wait3A_149 = tpu.memref_squeeze %dma_wait3A_148 : memref<1x10000x64xf32, #tpu.memory_space<hbm>> -> memref<10000x64xf32, #tpu.memory_space<hbm>>
      %dma_wait3A_150 = arith.constant 0 : i32
      %dma_wait3A_151 = arith.constant 0 : i32
      %dma_wait3A_152 = tpu.memref_slice %dma_wait3A_149[%dma_wait3A_150, %dma_wait3A_151] : memref<10000x64xf32, #tpu.memory_space<hbm>> -> memref<10000x64xf32, #tpu.memory_space<hbm>>
      tpu.wait_indirect_dma semaphore(%arg12 : memref<!tpu.dma_semaphore, #tpu.memory_space<semaphore_mem>>) src(%dma_wait3A_152 : memref<10000x64xf32, #tpu.memory_space<hbm>>) dst(%dma_wait3A_142 : memref<125x64xf32, #tpu.memory_space<vmem>>)
      %mul3A_153 = arith.constant 2 : i32
      %mul3A_154 = arith.muli %mul3A_91, %mul3A_153 : i32
      %add3A_155 = arith.constant 1 : i32
      %add3A_156 = arith.addi %mul3A_154, %add3A_155 : i32
      %dma_wait3A_157 = arith.constant 1 : i32
      %dma_wait3A_158 = arith.constant 0 : i32
      %dma_wait3A_159 = arith.constant 0 : i32
      %dma_wait3A_160 = tpu.memref_slice %arg8[%dma_wait3A_157, %dma_wait3A_158, %dma_wait3A_159] : memref<2x125x64xf32, #tpu.memory_space<vmem>> -> memref<1x125x64xf32, #tpu.memory_space<vmem>>
      %dma_wait3A_161 = tpu.memref_squeeze %dma_wait3A_160 : memref<1x125x64xf32, #tpu.memory_space<vmem>> -> memref<125x64xf32, #tpu.memory_space<vmem>>
      %dma_wait3A_162 = arith.constant 0 : i32
      %dma_wait3A_163 = tpu.memref_slice %arg6[%add3A_156, %dma_wait3A_162] : memref<160x125xi32, #tpu.memory_space<vmem>> -> memref<1x125xi32, #tpu.memory_space<vmem>>
      %dma_wait3A_164 = tpu.memref_squeeze %dma_wait3A_163 : memref<1x125xi32, #tpu.memory_space<vmem>> -> memref<125xi32, #tpu.memory_space<vmem>>
      %dma_wait3A_165 = arith.constant 0 : i32
      %dma_wait3A_166 = arith.constant 0 : i32
      %dma_wait3A_167 = tpu.memref_slice %arg2[%arg0, %dma_wait3A_165, %dma_wait3A_166] : memref<2x10000x64xf32, #tpu.memory_space<hbm>> -> memref<1x10000x64xf32, #tpu.memory_space<hbm>>
      %dma_wait3A_168 = tpu.memref_squeeze %dma_wait3A_167 : memref<1x10000x64xf32, #tpu.memory_space<hbm>> -> memref<10000x64xf32, #tpu.memory_space<hbm>>
      %dma_wait3A_169 = arith.constant 0 : i32
      %dma_wait3A_170 = arith.constant 0 : i32
      %dma_wait3A_171 = tpu.memref_slice %dma_wait3A_168[%dma_wait3A_169, %dma_wait3A_170] : memref<10000x64xf32, #tpu.memory_space<hbm>> -> memref<10000x64xf32, #tpu.memory_space<hbm>>
      tpu.wait_indirect_dma semaphore(%arg12 : memref<!tpu.dma_semaphore, #tpu.memory_space<semaphore_mem>>) src(%dma_wait3A_171 : memref<10000x64xf32, #tpu.memory_space<hbm>>) dst(%dma_wait3A_161 : memref<125x64xf32, #tpu.memory_space<vmem>>)
      %mul3A_172 = arith.constant 2 : i32
      %mul3A_173 = arith.muli %mul3A_91, %mul3A_172 : i32
      %add3A_174 = arith.constant 0 : i32
      %add3A_175 = arith.addi %mul3A_173, %add3A_174 : i32
      %dma_start3A_176 = arith.constant 0 : i32
      %dma_start3A_177 = arith.constant 0 : i32
      %dma_start3A_178 = arith.constant 0 : i32
      %dma_start3A_179 = tpu.memref_slice %arg8[%dma_start3A_176, %dma_start3A_177, %dma_start3A_178] : memref<2x125x64xf32, #tpu.memory_space<vmem>> -> memref<1x125x64xf32, #tpu.memory_space<vmem>>
      %dma_start3A_180 = tpu.memref_squeeze %dma_start3A_179 : memref<1x125x64xf32, #tpu.memory_space<vmem>> -> memref<125x64xf32, #tpu.memory_space<vmem>>
      %dma_start3A_181 = arith.constant 0 : i32
      %dma_start3A_182 = tpu.memref_slice %arg7[%add3A_175, %dma_start3A_181] : memref<160x125xi32, #tpu.memory_space<vmem>> -> memref<1x125xi32, #tpu.memory_space<vmem>>
      %dma_start3A_183 = tpu.memref_squeeze %dma_start3A_182 : memref<1x125xi32, #tpu.memory_space<vmem>> -> memref<125xi32, #tpu.memory_space<vmem>>
      %dma_start3A_184 = arith.constant 0 : i32
      %dma_start3A_185 = arith.constant 0 : i32
      %dma_start3A_186 = tpu.memref_slice %arg11[%dma_start3A_184, %dma_start3A_185] : memref<10240x64xf32, #tpu.memory_space<vmem_shared>> -> memref<10240x64xf32, #tpu.memory_space<vmem_shared>>
      tpu.enqueue_indirect_dma source(%dma_start3A_180 : memref<125x64xf32, #tpu.memory_space<vmem>>) target(%dma_start3A_186 : memref<10240x64xf32, #tpu.memory_space<vmem_shared>>) offsets(%dma_start3A_183 : memref<125xi32, #tpu.memory_space<vmem>>) semaphore(%arg14 : memref<!tpu.dma_semaphore, #tpu.memory_space<semaphore_mem>>) {add = true}
      %mul3A_187 = arith.constant 2 : i32
      %mul3A_188 = arith.muli %mul3A_91, %mul3A_187 : i32
      %add3A_189 = arith.constant 1 : i32
      %add3A_190 = arith.addi %mul3A_188, %add3A_189 : i32
      %dma_start3A_191 = arith.constant 1 : i32
      %dma_start3A_192 = arith.constant 0 : i32
      %dma_start3A_193 = arith.constant 0 : i32
      %dma_start3A_194 = tpu.memref_slice %arg8[%dma_start3A_191, %dma_start3A_192, %dma_start3A_193] : memref<2x125x64xf32, #tpu.memory_space<vmem>> -> memref<1x125x64xf32, #tpu.memory_space<vmem>>
      %dma_start3A_195 = tpu.memref_squeeze %dma_start3A_194 : memref<1x125x64xf32, #tpu.memory_space<vmem>> -> memref<125x64xf32, #tpu.memory_space<vmem>>
      %dma_start3A_196 = arith.constant 0 : i32
      %dma_start3A_197 = tpu.memref_slice %arg7[%add3A_190, %dma_start3A_196] : memref<160x125xi32, #tpu.memory_space<vmem>> -> memref<1x125xi32, #tpu.memory_space<vmem>>
      %dma_start3A_198 = tpu.memref_squeeze %dma_start3A_197 : memref<1x125xi32, #tpu.memory_space<vmem>> -> memref<125xi32, #tpu.memory_space<vmem>>
      %dma_start3A_199 = arith.constant 0 : i32
      %dma_start3A_200 = arith.constant 0 : i32
      %dma_start3A_201 = tpu.memref_slice %arg11[%dma_start3A_199, %dma_start3A_200] : memref<10240x64xf32, #tpu.memory_space<vmem_shared>> -> memref<10240x64xf32, #tpu.memory_space<vmem_shared>>
      tpu.enqueue_indirect_dma source(%dma_start3A_195 : memref<125x64xf32, #tpu.memory_space<vmem>>) target(%dma_start3A_201 : memref<10240x64xf32, #tpu.memory_space<vmem_shared>>) offsets(%dma_start3A_198 : memref<125xi32, #tpu.memory_space<vmem>>) semaphore(%arg14 : memref<!tpu.dma_semaphore, #tpu.memory_space<semaphore_mem>>) {add = true}
      %mul3A_202 = arith.constant 2 : i32
      %mul3A_203 = arith.muli %mul3A_91, %mul3A_202 : i32
      %add3A_204 = arith.constant 0 : i32
      %add3A_205 = arith.addi %mul3A_203, %add3A_204 : i32
      %dma_wait3A_206 = arith.constant 0 : i32
      %dma_wait3A_207 = arith.constant 0 : i32
      %dma_wait3A_208 = arith.constant 0 : i32
      %dma_wait3A_209 = tpu.memref_slice %arg8[%dma_wait3A_206, %dma_wait3A_207, %dma_wait3A_208] : memref<2x125x64xf32, #tpu.memory_space<vmem>> -> memref<1x125x64xf32, #tpu.memory_space<vmem>>
      %dma_wait3A_210 = tpu.memref_squeeze %dma_wait3A_209 : memref<1x125x64xf32, #tpu.memory_space<vmem>> -> memref<125x64xf32, #tpu.memory_space<vmem>>
      %dma_wait3A_211 = arith.constant 0 : i32
      %dma_wait3A_212 = tpu.memref_slice %arg7[%add3A_205, %dma_wait3A_211] : memref<160x125xi32, #tpu.memory_space<vmem>> -> memref<1x125xi32, #tpu.memory_space<vmem>>
      %dma_wait3A_213 = tpu.memref_squeeze %dma_wait3A_212 : memref<1x125xi32, #tpu.memory_space<vmem>> -> memref<125xi32, #tpu.memory_space<vmem>>
      %dma_wait3A_214 = arith.constant 0 : i32
      %dma_wait3A_215 = arith.constant 0 : i32
      %dma_wait3A_216 = tpu.memref_slice %arg11[%dma_wait3A_214, %dma_wait3A_215] : memref<10240x64xf32, #tpu.memory_space<vmem_shared>> -> memref<10240x64xf32, #tpu.memory_space<vmem_shared>>
      tpu.wait_indirect_dma semaphore(%arg14 : memref<!tpu.dma_semaphore, #tpu.memory_space<semaphore_mem>>) src(%dma_wait3A_210 : memref<125x64xf32, #tpu.memory_space<vmem>>) dst(%dma_wait3A_216 : memref<10240x64xf32, #tpu.memory_space<vmem_shared>>)
      %mul3A_217 = arith.constant 2 : i32
      %mul3A_218 = arith.muli %mul3A_91, %mul3A_217 : i32
      %add3A_219 = arith.constant 1 : i32
      %add3A_220 = arith.addi %mul3A_218, %add3A_219 : i32
      %dma_wait3A_221 = arith.constant 1 : i32
      %dma_wait3A_222 = arith.constant 0 : i32
      %dma_wait3A_223 = arith.constant 0 : i32
      %dma_wait3A_224 = tpu.memref_slice %arg8[%dma_wait3A_221, %dma_wait3A_222, %dma_wait3A_223] : memref<2x125x64xf32, #tpu.memory_space<vmem>> -> memref<1x125x64xf32, #tpu.memory_space<vmem>>
      %dma_wait3A_225 = tpu.memref_squeeze %dma_wait3A_224 : memref<1x125x64xf32, #tpu.memory_space<vmem>> -> memref<125x64xf32, #tpu.memory_space<vmem>>
      %dma_wait3A_226 = arith.constant 0 : i32
      %dma_wait3A_227 = tpu.memref_slice %arg7[%add3A_220, %dma_wait3A_226] : memref<160x125xi32, #tpu.memory_space<vmem>> -> memref<1x125xi32, #tpu.memory_space<vmem>>
      %dma_wait3A_228 = tpu.memref_squeeze %dma_wait3A_227 : memref<1x125xi32, #tpu.memory_space<vmem>> -> memref<125xi32, #tpu.memory_space<vmem>>
      %dma_wait3A_229 = arith.constant 0 : i32
      %dma_wait3A_230 = arith.constant 0 : i32
      %dma_wait3A_231 = tpu.memref_slice %arg11[%dma_wait3A_229, %dma_wait3A_230] : memref<10240x64xf32, #tpu.memory_space<vmem_shared>> -> memref<10240x64xf32, #tpu.memory_space<vmem_shared>>
      tpu.wait_indirect_dma semaphore(%arg14 : memref<!tpu.dma_semaphore, #tpu.memory_space<semaphore_mem>>) src(%dma_wait3A_225 : memref<125x64xf32, #tpu.memory_space<vmem>>) dst(%dma_wait3A_231 : memref<10240x64xf32, #tpu.memory_space<vmem_shared>>)
      %lt3A = arith.constant 39 : i32
      %lt3A_232 = arith.cmpi slt, %scan3A_89, %lt3A : i32
      %convert_element_type3A_233 = arith.extui %lt3A_232 : i1 to i32
      %cond3A_234 = arith.constant 0 : i32
      %cond3A_235 = arith.cmpi ne, %convert_element_type3A_233, %cond3A_234 : i32
      scf.if %cond3A_235 {
        %add3A_308 = arith.constant 2 : i32
        %add3A_309 = arith.addi %mul3A_91, %add3A_308 : i32
        %mul3A_310 = arith.constant 2 : i32
        %mul3A_311 = arith.muli %add3A_309, %mul3A_310 : i32
        %add3A_312 = arith.constant 0 : i32
        %add3A_313 = arith.addi %mul3A_311, %add3A_312 : i32
        %dma_start3A_314 = arith.constant 0 : i32
        %dma_start3A_315 = arith.constant 0 : i32
        %dma_start3A_316 = arith.constant 0 : i32
        %dma_start3A_317 = tpu.memref_slice %arg8[%dma_start3A_314, %dma_start3A_315, %dma_start3A_316] : memref<2x125x64xf32, #tpu.memory_space<vmem>> -> memref<1x125x64xf32, #tpu.memory_space<vmem>>
        %dma_start3A_318 = tpu.memref_squeeze %dma_start3A_317 : memref<1x125x64xf32, #tpu.memory_space<vmem>> -> memref<125x64xf32, #tpu.memory_space<vmem>>
        %dma_start3A_319 = arith.constant 0 : i32
        %dma_start3A_320 = tpu.memref_slice %arg6[%add3A_313, %dma_start3A_319] : memref<160x125xi32, #tpu.memory_space<vmem>> -> memref<1x125xi32, #tpu.memory_space<vmem>>
        %dma_start3A_321 = tpu.memref_squeeze %dma_start3A_320 : memref<1x125xi32, #tpu.memory_space<vmem>> -> memref<125xi32, #tpu.memory_space<vmem>>
        %dma_start3A_322 = arith.constant 0 : i32
        %dma_start3A_323 = arith.constant 0 : i32
        %dma_start3A_324 = tpu.memref_slice %arg2[%arg0, %dma_start3A_322, %dma_start3A_323] : memref<2x10000x64xf32, #tpu.memory_space<hbm>> -> memref<1x10000x64xf32, #tpu.memory_space<hbm>>
        %dma_start3A_325 = tpu.memref_squeeze %dma_start3A_324 : memref<1x10000x64xf32, #tpu.memory_space<hbm>> -> memref<10000x64xf32, #tpu.memory_space<hbm>>
        %dma_start3A_326 = arith.constant 0 : i32
        %dma_start3A_327 = arith.constant 0 : i32
        %dma_start3A_328 = tpu.memref_slice %dma_start3A_325[%dma_start3A_326, %dma_start3A_327] : memref<10000x64xf32, #tpu.memory_space<hbm>> -> memref<10000x64xf32, #tpu.memory_space<hbm>>
        tpu.enqueue_indirect_dma source(%dma_start3A_328 : memref<10000x64xf32, #tpu.memory_space<hbm>>) target(%dma_start3A_318 : memref<125x64xf32, #tpu.memory_space<vmem>>) offsets(%dma_start3A_321 : memref<125xi32, #tpu.memory_space<vmem>>) semaphore(%arg12 : memref<!tpu.dma_semaphore, #tpu.memory_space<semaphore_mem>>)
        %mul3A_329 = arith.constant 2 : i32
        %mul3A_330 = arith.muli %add3A_309, %mul3A_329 : i32
        %add3A_331 = arith.constant 1 : i32
        %add3A_332 = arith.addi %mul3A_330, %add3A_331 : i32
        %dma_start3A_333 = arith.constant 1 : i32
        %dma_start3A_334 = arith.constant 0 : i32
        %dma_start3A_335 = arith.constant 0 : i32
        %dma_start3A_336 = tpu.memref_slice %arg8[%dma_start3A_333, %dma_start3A_334, %dma_start3A_335] : memref<2x125x64xf32, #tpu.memory_space<vmem>> -> memref<1x125x64xf32, #tpu.memory_space<vmem>>
        %dma_start3A_337 = tpu.memref_squeeze %dma_start3A_336 : memref<1x125x64xf32, #tpu.memory_space<vmem>> -> memref<125x64xf32, #tpu.memory_space<vmem>>
        %dma_start3A_338 = arith.constant 0 : i32
        %dma_start3A_339 = tpu.memref_slice %arg6[%add3A_332, %dma_start3A_338] : memref<160x125xi32, #tpu.memory_space<vmem>> -> memref<1x125xi32, #tpu.memory_space<vmem>>
        %dma_start3A_340 = tpu.memref_squeeze %dma_start3A_339 : memref<1x125xi32, #tpu.memory_space<vmem>> -> memref<125xi32, #tpu.memory_space<vmem>>
        %dma_start3A_341 = arith.constant 0 : i32
        %dma_start3A_342 = arith.constant 0 : i32
        %dma_start3A_343 = tpu.memref_slice %arg2[%arg0, %dma_start3A_341, %dma_start3A_342] : memref<2x10000x64xf32, #tpu.memory_space<hbm>> -> memref<1x10000x64xf32, #tpu.memory_space<hbm>>
        %dma_start3A_344 = tpu.memref_squeeze %dma_start3A_343 : memref<1x10000x64xf32, #tpu.memory_space<hbm>> -> memref<10000x64xf32, #tpu.memory_space<hbm>>
        %dma_start3A_345 = arith.constant 0 : i32
        %dma_start3A_346 = arith.constant 0 : i32
        %dma_start3A_347 = tpu.memref_slice %dma_start3A_344[%dma_start3A_345, %dma_start3A_346] : memref<10000x64xf32, #tpu.memory_space<hbm>> -> memref<10000x64xf32, #tpu.memory_space<hbm>>
        tpu.enqueue_indirect_dma source(%dma_start3A_347 : memref<10000x64xf32, #tpu.memory_space<hbm>>) target(%dma_start3A_337 : memref<125x64xf32, #tpu.memory_space<vmem>>) offsets(%dma_start3A_340 : memref<125xi32, #tpu.memory_space<vmem>>) semaphore(%arg12 : memref<!tpu.dma_semaphore, #tpu.memory_space<semaphore_mem>>)
      } else {
      }
      %add3A_236 = arith.constant 1 : i32
      %add3A_237 = arith.addi %mul3A_91, %add3A_236 : i32
      %mul3A_238 = arith.constant 2 : i32
      %mul3A_239 = arith.muli %add3A_237, %mul3A_238 : i32
      %add3A_240 = arith.constant 0 : i32
      %add3A_241 = arith.addi %mul3A_239, %add3A_240 : i32
      %dma_wait3A_242 = arith.constant 0 : i32
      %dma_wait3A_243 = arith.constant 0 : i32
      %dma_wait3A_244 = arith.constant 0 : i32
      %dma_wait3A_245 = tpu.memref_slice %arg9[%dma_wait3A_242, %dma_wait3A_243, %dma_wait3A_244] : memref<2x125x64xf32, #tpu.memory_space<vmem>> -> memref<1x125x64xf32, #tpu.memory_space<vmem>>
      %dma_wait3A_246 = tpu.memref_squeeze %dma_wait3A_245 : memref<1x125x64xf32, #tpu.memory_space<vmem>> -> memref<125x64xf32, #tpu.memory_space<vmem>>
      %dma_wait3A_247 = arith.constant 0 : i32
      %dma_wait3A_248 = tpu.memref_slice %arg6[%add3A_241, %dma_wait3A_247] : memref<160x125xi32, #tpu.memory_space<vmem>> -> memref<1x125xi32, #tpu.memory_space<vmem>>
      %dma_wait3A_249 = tpu.memref_squeeze %dma_wait3A_248 : memref<1x125xi32, #tpu.memory_space<vmem>> -> memref<125xi32, #tpu.memory_space<vmem>>
      %dma_wait3A_250 = arith.constant 0 : i32
      %dma_wait3A_251 = arith.constant 0 : i32
      %dma_wait3A_252 = tpu.memref_slice %arg2[%arg0, %dma_wait3A_250, %dma_wait3A_251] : memref<2x10000x64xf32, #tpu.memory_space<hbm>> -> memref<1x10000x64xf32, #tpu.memory_space<hbm>>
      %dma_wait3A_253 = tpu.memref_squeeze %dma_wait3A_252 : memref<1x10000x64xf32, #tpu.memory_space<hbm>> -> memref<10000x64xf32, #tpu.memory_space<hbm>>
      %dma_wait3A_254 = arith.constant 0 : i32
      %dma_wait3A_255 = arith.constant 0 : i32
      %dma_wait3A_256 = tpu.memref_slice %dma_wait3A_253[%dma_wait3A_254, %dma_wait3A_255] : memref<10000x64xf32, #tpu.memory_space<hbm>> -> memref<10000x64xf32, #tpu.memory_space<hbm>>
      tpu.wait_indirect_dma semaphore(%arg13 : memref<!tpu.dma_semaphore, #tpu.memory_space<semaphore_mem>>) src(%dma_wait3A_256 : memref<10000x64xf32, #tpu.memory_space<hbm>>) dst(%dma_wait3A_246 : memref<125x64xf32, #tpu.memory_space<vmem>>)
      %mul3A_257 = arith.constant 2 : i32
      %mul3A_258 = arith.muli %add3A_237, %mul3A_257 : i32
      %add3A_259 = arith.constant 1 : i32
      %add3A_260 = arith.addi %mul3A_258, %add3A_259 : i32
      %dma_wait3A_261 = arith.constant 1 : i32
      %dma_wait3A_262 = arith.constant 0 : i32
      %dma_wait3A_263 = arith.constant 0 : i32
      %dma_wait3A_264 = tpu.memref_slice %arg9[%dma_wait3A_261, %dma_wait3A_262, %dma_wait3A_263] : memref<2x125x64xf32, #tpu.memory_space<vmem>> -> memref<1x125x64xf32, #tpu.memory_space<vmem>>
      %dma_wait3A_265 = tpu.memref_squeeze %dma_wait3A_264 : memref<1x125x64xf32, #tpu.memory_space<vmem>> -> memref<125x64xf32, #tpu.memory_space<vmem>>
      %dma_wait3A_266 = arith.constant 0 : i32
      %dma_wait3A_267 = tpu.memref_slice %arg6[%add3A_260, %dma_wait3A_266] : memref<160x125xi32, #tpu.memory_space<vmem>> -> memref<1x125xi32, #tpu.memory_space<vmem>>
      %dma_wait3A_268 = tpu.memref_squeeze %dma_wait3A_267 : memref<1x125xi32, #tpu.memory_space<vmem>> -> memref<125xi32, #tpu.memory_space<vmem>>
      %dma_wait3A_269 = arith.constant 0 : i32
      %dma_wait3A_270 = arith.constant 0 : i32
      %dma_wait3A_271 = tpu.memref_slice %arg2[%arg0, %dma_wait3A_269, %dma_wait3A_270] : memref<2x10000x64xf32, #tpu.memory_space<hbm>> -> memref<1x10000x64xf32, #tpu.memory_space<hbm>>
      %dma_wait3A_272 = tpu.memref_squeeze %dma_wait3A_271 : memref<1x10000x64xf32, #tpu.memory_space<hbm>> -> memref<10000x64xf32, #tpu.memory_space<hbm>>
      %dma_wait3A_273 = arith.constant 0 : i32
      %dma_wait3A_274 = arith.constant 0 : i32
      %dma_wait3A_275 = tpu.memref_slice %dma_wait3A_272[%dma_wait3A_273, %dma_wait3A_274] : memref<10000x64xf32, #tpu.memory_space<hbm>> -> memref<10000x64xf32, #tpu.memory_space<hbm>>
      tpu.wait_indirect_dma semaphore(%arg13 : memref<!tpu.dma_semaphore, #tpu.memory_space<semaphore_mem>>) src(%dma_wait3A_275 : memref<10000x64xf32, #tpu.memory_space<hbm>>) dst(%dma_wait3A_265 : memref<125x64xf32, #tpu.memory_space<vmem>>)
      %add3A_276 = arith.constant 1 : i32
      %add3A_277 = arith.addi %mul3A_91, %add3A_276 : i32
      %mul3A_278 = arith.constant 2 : i32
      %mul3A_279 = arith.muli %add3A_277, %mul3A_278 : i32
      %add3A_280 = arith.constant 0 : i32
      %add3A_281 = arith.addi %mul3A_279, %add3A_280 : i32
      %dma_start3A_282 = arith.constant 0 : i32
      %dma_start3A_283 = arith.constant 0 : i32
      %dma_start3A_284 = arith.constant 0 : i32
      %dma_start3A_285 = tpu.memref_slice %arg9[%dma_start3A_282, %dma_start3A_283, %dma_start3A_284] : memref<2x125x64xf32, #tpu.memory_space<vmem>> -> memref<1x125x64xf32, #tpu.memory_space<vmem>>
      %dma_start3A_286 = tpu.memref_squeeze %dma_start3A_285 : memref<1x125x64xf32, #tpu.memory_space<vmem>> -> memref<125x64xf32, #tpu.memory_space<vmem>>
      %dma_start3A_287 = arith.constant 0 : i32
      %dma_start3A_288 = tpu.memref_slice %arg7[%add3A_281, %dma_start3A_287] : memref<160x125xi32, #tpu.memory_space<vmem>> -> memref<1x125xi32, #tpu.memory_space<vmem>>
      %dma_start3A_289 = tpu.memref_squeeze %dma_start3A_288 : memref<1x125xi32, #tpu.memory_space<vmem>> -> memref<125xi32, #tpu.memory_space<vmem>>
      %dma_start3A_290 = arith.constant 0 : i32
      %dma_start3A_291 = arith.constant 0 : i32
      %dma_start3A_292 = tpu.memref_slice %arg11[%dma_start3A_290, %dma_start3A_291] : memref<10240x64xf32, #tpu.memory_space<vmem_shared>> -> memref<10240x64xf32, #tpu.memory_space<vmem_shared>>
      tpu.enqueue_indirect_dma source(%dma_start3A_286 : memref<125x64xf32, #tpu.memory_space<vmem>>) target(%dma_start3A_292 : memref<10240x64xf32, #tpu.memory_space<vmem_shared>>) offsets(%dma_start3A_289 : memref<125xi32, #tpu.memory_space<vmem>>) semaphore(%arg15 : memref<!tpu.dma_semaphore, #tpu.memory_space<semaphore_mem>>) {add = true}
      %mul3A_293 = arith.constant 2 : i32
      %mul3A_294 = arith.muli %add3A_277, %mul3A_293 : i32
      %add3A_295 = arith.constant 1 : i32
      %add3A_296 = arith.addi %mul3A_294, %add3A_295 : i32
      %dma_start3A_297 = arith.constant 1 : i32
      %dma_start3A_298 = arith.constant 0 : i32
      %dma_start3A_299 = arith.constant 0 : i32
      %dma_start3A_300 = tpu.memref_slice %arg9[%dma_start3A_297, %dma_start3A_298, %dma_start3A_299] : memref<2x125x64xf32, #tpu.memory_space<vmem>> -> memref<1x125x64xf32, #tpu.memory_space<vmem>>
      %dma_start3A_301 = tpu.memref_squeeze %dma_start3A_300 : memref<1x125x64xf32, #tpu.memory_space<vmem>> -> memref<125x64xf32, #tpu.memory_space<vmem>>
      %dma_start3A_302 = arith.constant 0 : i32
      %dma_start3A_303 = tpu.memref_slice %arg7[%add3A_296, %dma_start3A_302] : memref<160x125xi32, #tpu.memory_space<vmem>> -> memref<1x125xi32, #tpu.memory_space<vmem>>
      %dma_start3A_304 = tpu.memref_squeeze %dma_start3A_303 : memref<1x125xi32, #tpu.memory_space<vmem>> -> memref<125xi32, #tpu.memory_space<vmem>>
      %dma_start3A_305 = arith.constant 0 : i32
      %dma_start3A_306 = arith.constant 0 : i32
      %dma_start3A_307 = tpu.memref_slice %arg11[%dma_start3A_305, %dma_start3A_306] : memref<10240x64xf32, #tpu.memory_space<vmem_shared>> -> memref<10240x64xf32, #tpu.memory_space<vmem_shared>>
      tpu.enqueue_indirect_dma source(%dma_start3A_301 : memref<125x64xf32, #tpu.memory_space<vmem>>) target(%dma_start3A_307 : memref<10240x64xf32, #tpu.memory_space<vmem_shared>>) offsets(%dma_start3A_304 : memref<125xi32, #tpu.memory_space<vmem>>) semaphore(%arg15 : memref<!tpu.dma_semaphore, #tpu.memory_space<semaphore_mem>>) {add = true}
    }
    %scan3A_60 = arith.constant 40 : i32
    %dma_wait3A = arith.constant 0 : i32
    %dma_wait3A_61 = arith.constant 158 : i32
    %dma_wait3A_62 = arith.constant 0 : i32
    %dma_wait3A_63 = arith.constant 0 : i32
    %dma_wait3A_64 = tpu.memref_slice %arg9[%dma_wait3A, %dma_wait3A_62, %dma_wait3A_63] : memref<2x125x64xf32, #tpu.memory_space<vmem>> -> memref<1x125x64xf32, #tpu.memory_space<vmem>>
    %dma_wait3A_65 = tpu.memref_squeeze %dma_wait3A_64 : memref<1x125x64xf32, #tpu.memory_space<vmem>> -> memref<125x64xf32, #tpu.memory_space<vmem>>
    %dma_wait3A_66 = arith.constant 0 : i32
    %dma_wait3A_67 = tpu.memref_slice %arg7[%dma_wait3A_61, %dma_wait3A_66] : memref<160x125xi32, #tpu.memory_space<vmem>> -> memref<1x125xi32, #tpu.memory_space<vmem>>
    %dma_wait3A_68 = tpu.memref_squeeze %dma_wait3A_67 : memref<1x125xi32, #tpu.memory_space<vmem>> -> memref<125xi32, #tpu.memory_space<vmem>>
    %dma_wait3A_69 = arith.constant 0 : i32
    %dma_wait3A_70 = arith.constant 0 : i32
    %dma_wait3A_71 = tpu.memref_slice %arg11[%dma_wait3A_69, %dma_wait3A_70] : memref<10240x64xf32, #tpu.memory_space<vmem_shared>> -> memref<10240x64xf32, #tpu.memory_space<vmem_shared>>
    tpu.wait_indirect_dma semaphore(%arg15 : memref<!tpu.dma_semaphore, #tpu.memory_space<semaphore_mem>>) src(%dma_wait3A_65 : memref<125x64xf32, #tpu.memory_space<vmem>>) dst(%dma_wait3A_71 : memref<10240x64xf32, #tpu.memory_space<vmem_shared>>)
    %dma_wait3A_72 = arith.constant 1 : i32
    %dma_wait3A_73 = arith.constant 159 : i32
    %dma_wait3A_74 = arith.constant 0 : i32
    %dma_wait3A_75 = arith.constant 0 : i32
    %dma_wait3A_76 = tpu.memref_slice %arg9[%dma_wait3A_72, %dma_wait3A_74, %dma_wait3A_75] : memref<2x125x64xf32, #tpu.memory_space<vmem>> -> memref<1x125x64xf32, #tpu.memory_space<vmem>>
    %dma_wait3A_77 = tpu.memref_squeeze %dma_wait3A_76 : memref<1x125x64xf32, #tpu.memory_space<vmem>> -> memref<125x64xf32, #tpu.memory_space<vmem>>
    %dma_wait3A_78 = arith.constant 0 : i32
    %dma_wait3A_79 = tpu.memref_slice %arg7[%dma_wait3A_73, %dma_wait3A_78] : memref<160x125xi32, #tpu.memory_space<vmem>> -> memref<1x125xi32, #tpu.memory_space<vmem>>
    %dma_wait3A_80 = tpu.memref_squeeze %dma_wait3A_79 : memref<1x125xi32, #tpu.memory_space<vmem>> -> memref<125xi32, #tpu.memory_space<vmem>>
    %dma_wait3A_81 = arith.constant 0 : i32
    %dma_wait3A_82 = arith.constant 0 : i32
    %dma_wait3A_83 = tpu.memref_slice %arg11[%dma_wait3A_81, %dma_wait3A_82] : memref<10240x64xf32, #tpu.memory_space<vmem_shared>> -> memref<10240x64xf32, #tpu.memory_space<vmem_shared>>
    tpu.wait_indirect_dma semaphore(%arg15 : memref<!tpu.dma_semaphore, #tpu.memory_space<semaphore_mem>>) src(%dma_wait3A_77 : memref<125x64xf32, #tpu.memory_space<vmem>>) dst(%dma_wait3A_83 : memref<10240x64xf32, #tpu.memory_space<vmem_shared>>)
    %barrier3A_84 = arith.constant 0 : index
    tpu.barrier barrier_id(%barrier3A_84)
    %mul3A_85 = arith.constant 640 : i32
    %mul3A_86 = arith.muli %arg1, %mul3A_85 : i32
    %mul3A_87 = arith.constant 640 : i32
    %mul3A_88 = arith.muli %arg1, %mul3A_87 : i32
    "tpu.region"() ({
      %run_scoped3A = tpu.sem_alloc : memref<!tpu.dma_semaphore, #tpu.memory_space<semaphore_mem>>
      %dma_start3A_89 = arith.constant 0 : i32
      %dma_start3A_90 = tpu.memref_slice %arg5[%arg0, %mul3A_88, %dma_start3A_89] : memref<2x10240x64xf32, #tpu.memory_space<hbm>> -> memref<1x640x64xf32, #tpu.memory_space<hbm>>
      %dma_start3A_91 = tpu.memref_squeeze %dma_start3A_90 : memref<1x640x64xf32, #tpu.memory_space<hbm>> -> memref<640x64xf32, #tpu.memory_space<hbm>>
      %dma_start3A_92 = arith.constant 0 : i32
      %dma_start3A_93 = tpu.memref_slice %arg11[%mul3A_86, %dma_start3A_92] : memref<10240x64xf32, #tpu.memory_space<vmem_shared>> -> memref<640x64xf32, #tpu.memory_space<vmem_shared>>
      tpu.enqueue_dma source(%dma_start3A_93 : memref<640x64xf32, #tpu.memory_space<vmem_shared>>) target(%dma_start3A_91 : memref<640x64xf32, #tpu.memory_space<hbm>>) target_semaphore(%run_scoped3A : memref<!tpu.dma_semaphore, #tpu.memory_space<semaphore_mem>>)
      %dma_wait3A_94 = arith.constant 0 : i32
      %dma_wait3A_95 = tpu.memref_slice %arg5[%arg0, %mul3A_88, %dma_wait3A_94] : memref<2x10240x64xf32, #tpu.memory_space<hbm>> -> memref<1x640x64xf32, #tpu.memory_space<hbm>>
      %dma_wait3A_96 = tpu.memref_squeeze %dma_wait3A_95 : memref<1x640x64xf32, #tpu.memory_space<hbm>> -> memref<640x64xf32, #tpu.memory_space<hbm>>
      %dma_wait3A_97 = arith.constant 0 : i32
      %dma_wait3A_98 = tpu.memref_slice %arg11[%mul3A_86, %dma_wait3A_97] : memref<10240x64xf32, #tpu.memory_space<vmem_shared>> -> memref<640x64xf32, #tpu.memory_space<vmem_shared>>
      tpu.wait_dma2 semaphore(%run_scoped3A : memref<!tpu.dma_semaphore, #tpu.memory_space<semaphore_mem>>) src(%dma_wait3A_98 : memref<640x64xf32, #tpu.memory_space<vmem_shared>>) dst(%dma_wait3A_96 : memref<640x64xf32, #tpu.memory_space<hbm>>)
      tpu.yield
    }) : () -> ()
    return
  }
}

#map = affine_map<(d0, d1) -> (0, 0, 0)>
module attributes {stable_mosaic.version = 14 : i64} {
  func.func @_sc_degree(%arg0: i32, %arg1: i32, %arg2: memref<16x160x125xi32, #tpu.memory_space<hbm>>, %arg3: memref<2x10240x16xf32, #tpu.memory_space<hbm>>, %arg4: memref<80x125xi32, #tpu.memory_space<vmem>>, %arg5: memref<125x16xf32, #tpu.memory_space<vmem>>, %arg6: memref<128x16xf32, #tpu.memory_space<vmem>>, %arg7: memref<10240x16xf32, #tpu.memory_space<vmem_shared>>) attributes {dimension_semantics = [#tpu.dimension_semantics<core_parallel>, #tpu.dimension_semantics<subcore_parallel>], iteration_bounds = array<i64: 2, 16>, scalar_prefetch = 0 : i64, scratch_operands = 4 : i64, tpu.core_type = #tpu.core_type<sc_vector_subcore>, window_params = [{transform_indices = #map}, {transform_indices = #map}]} {
    %mul3A = arith.constant 80 : i32
    %mul3A_0 = arith.muli %arg0, %mul3A : i32
    "tpu.region"() ({
      %run_scoped3A = tpu.sem_alloc : memref<!tpu.dma_semaphore, #tpu.memory_space<semaphore_mem>>
      %dma_start3A = arith.constant 0 : i32
      %dma_start3A_45 = tpu.memref_slice %arg2[%arg1, %mul3A_0, %dma_start3A] : memref<16x160x125xi32, #tpu.memory_space<hbm>> -> memref<1x80x125xi32, #tpu.memory_space<hbm>>
      %dma_start3A_46 = tpu.memref_squeeze %dma_start3A_45 : memref<1x80x125xi32, #tpu.memory_space<hbm>> -> memref<80x125xi32, #tpu.memory_space<hbm>>
      %dma_start3A_47 = arith.constant 0 : i32
      %dma_start3A_48 = tpu.memref_slice %arg2[%arg1, %mul3A_0, %dma_start3A_47] : memref<16x160x125xi32, #tpu.memory_space<hbm>> -> memref<1x80x125xi32, #tpu.memory_space<hbm>>
      %dma_start3A_49 = tpu.memref_squeeze %dma_start3A_48 : memref<1x80x125xi32, #tpu.memory_space<hbm>> -> memref<80x125xi32, #tpu.memory_space<hbm>>
      tpu.enqueue_dma source(%dma_start3A_49 : memref<80x125xi32, #tpu.memory_space<hbm>>) target(%arg4 : memref<80x125xi32, #tpu.memory_space<vmem>>) target_semaphore(%run_scoped3A : memref<!tpu.dma_semaphore, #tpu.memory_space<semaphore_mem>>)
      %dma_wait3A = arith.constant 0 : i32
      %dma_wait3A_50 = tpu.memref_slice %arg2[%arg1, %mul3A_0, %dma_wait3A] : memref<16x160x125xi32, #tpu.memory_space<hbm>> -> memref<1x80x125xi32, #tpu.memory_space<hbm>>
      %dma_wait3A_51 = tpu.memref_squeeze %dma_wait3A_50 : memref<1x80x125xi32, #tpu.memory_space<hbm>> -> memref<80x125xi32, #tpu.memory_space<hbm>>
      %dma_wait3A_52 = arith.constant 0 : i32
      %dma_wait3A_53 = tpu.memref_slice %arg2[%arg1, %mul3A_0, %dma_wait3A_52] : memref<16x160x125xi32, #tpu.memory_space<hbm>> -> memref<1x80x125xi32, #tpu.memory_space<hbm>>
      %dma_wait3A_54 = tpu.memref_squeeze %dma_wait3A_53 : memref<1x80x125xi32, #tpu.memory_space<hbm>> -> memref<80x125xi32, #tpu.memory_space<hbm>>
      tpu.wait_dma2 semaphore(%run_scoped3A : memref<!tpu.dma_semaphore, #tpu.memory_space<semaphore_mem>>) src(%dma_wait3A_54 : memref<80x125xi32, #tpu.memory_space<hbm>>) dst(%arg4 : memref<80x125xi32, #tpu.memory_space<vmem>>)
      tpu.yield
    }) : () -> ()
    %broadcast_in_dim3A = arith.constant 0.000000e+00 : f32
    %broadcast_in_dim3A_1 = vector.broadcast %broadcast_in_dim3A : f32 to vector<16xf32>
    %scan3A = arith.constant 0 : i32
    %scan3A_2 = arith.constant 0 : i32
    %scan3A_3 = arith.constant 128 : i32
    %scan3A_4 = arith.addi %scan3A_2, %scan3A_3 : i32
    %scan3A_5 = arith.constant 1 : i32
    scf.for %scan3A_45 = %scan3A_2 to %scan3A_4 step %scan3A_5  : i32 {
      %swap3A = arith.index_cast %scan3A_45 : i32 to index
      %swap3A_46 = arith.constant 0 : index
      %swap3A_47 = tpu.vector_load %arg6[%swap3A, %swap3A_46] {strides = array<i32>} : memref<128x16xf32, #tpu.memory_space<vmem>>, vector<1x16xf32>,
      %swap3A_48 = vector.shape_cast %swap3A_47 : vector<1x16xf32> to vector<16xf32>
      %swap3A_49 = vector.shape_cast %broadcast_in_dim3A_1 : vector<16xf32> to vector<1x16xf32>
      tpu.vector_store %arg6[%swap3A, %swap3A_46], %swap3A_49 {strides = array<i32>} : memref<128x16xf32, #tpu.memory_space<vmem>>, vector<1x16xf32>,
    }
    %scan3A_6 = arith.constant 128 : i32
    %mul3A_7 = arith.constant 640 : i32
    %mul3A_8 = arith.muli %arg1, %mul3A_7 : i32
    %add3A = arith.constant 0 : i32
    %add3A_9 = arith.addi %mul3A_8, %add3A : i32
    "tpu.region"() ({
      %run_scoped3A = tpu.sem_alloc : memref<!tpu.dma_semaphore, #tpu.memory_space<semaphore_mem>>
      %dma_start3A = arith.constant 0 : i32
      %dma_start3A_45 = tpu.memref_slice %arg7[%add3A_9, %dma_start3A] : memref<10240x16xf32, #tpu.memory_space<vmem_shared>> -> memref<128x16xf32, #tpu.memory_space<vmem_shared>>
      %dma_start3A_46 = arith.constant 0 : i32
      %dma_start3A_47 = tpu.memref_slice %arg7[%add3A_9, %dma_start3A_46] : memref<10240x16xf32, #tpu.memory_space<vmem_shared>> -> memref<128x16xf32, #tpu.memory_space<vmem_shared>>
      tpu.enqueue_dma source(%arg6 : memref<128x16xf32, #tpu.memory_space<vmem>>) target(%dma_start3A_47 : memref<128x16xf32, #tpu.memory_space<vmem_shared>>) target_semaphore(%run_scoped3A : memref<!tpu.dma_semaphore, #tpu.memory_space<semaphore_mem>>)
      %dma_wait3A = arith.constant 0 : i32
      %dma_wait3A_48 = tpu.memref_slice %arg7[%add3A_9, %dma_wait3A] : memref<10240x16xf32, #tpu.memory_space<vmem_shared>> -> memref<128x16xf32, #tpu.memory_space<vmem_shared>>
      %dma_wait3A_49 = arith.constant 0 : i32
      %dma_wait3A_50 = tpu.memref_slice %arg7[%add3A_9, %dma_wait3A_49] : memref<10240x16xf32, #tpu.memory_space<vmem_shared>> -> memref<128x16xf32, #tpu.memory_space<vmem_shared>>
      tpu.wait_dma2 semaphore(%run_scoped3A : memref<!tpu.dma_semaphore, #tpu.memory_space<semaphore_mem>>) src(%arg6 : memref<128x16xf32, #tpu.memory_space<vmem>>) dst(%dma_wait3A_50 : memref<128x16xf32, #tpu.memory_space<vmem_shared>>)
      tpu.yield
    }) : () -> ()
    %mul3A_10 = arith.constant 640 : i32
    %mul3A_11 = arith.muli %arg1, %mul3A_10 : i32
    %add3A_12 = arith.constant 128 : i32
    %add3A_13 = arith.addi %mul3A_11, %add3A_12 : i32
    "tpu.region"() ({
      %run_scoped3A = tpu.sem_alloc : memref<!tpu.dma_semaphore, #tpu.memory_space<semaphore_mem>>
      %dma_start3A = arith.constant 0 : i32
      %dma_start3A_45 = tpu.memref_slice %arg7[%add3A_13, %dma_start3A] : memref<10240x16xf32, #tpu.memory_space<vmem_shared>> -> memref<128x16xf32, #tpu.memory_space<vmem_shared>>
      %dma_start3A_46 = arith.constant 0 : i32
      %dma_start3A_47 = tpu.memref_slice %arg7[%add3A_13, %dma_start3A_46] : memref<10240x16xf32, #tpu.memory_space<vmem_shared>> -> memref<128x16xf32, #tpu.memory_space<vmem_shared>>
      tpu.enqueue_dma source(%arg6 : memref<128x16xf32, #tpu.memory_space<vmem>>) target(%dma_start3A_47 : memref<128x16xf32, #tpu.memory_space<vmem_shared>>) target_semaphore(%run_scoped3A : memref<!tpu.dma_semaphore, #tpu.memory_space<semaphore_mem>>)
      %dma_wait3A = arith.constant 0 : i32
      %dma_wait3A_48 = tpu.memref_slice %arg7[%add3A_13, %dma_wait3A] : memref<10240x16xf32, #tpu.memory_space<vmem_shared>> -> memref<128x16xf32, #tpu.memory_space<vmem_shared>>
      %dma_wait3A_49 = arith.constant 0 : i32
      %dma_wait3A_50 = tpu.memref_slice %arg7[%add3A_13, %dma_wait3A_49] : memref<10240x16xf32, #tpu.memory_space<vmem_shared>> -> memref<128x16xf32, #tpu.memory_space<vmem_shared>>
      tpu.wait_dma2 semaphore(%run_scoped3A : memref<!tpu.dma_semaphore, #tpu.memory_space<semaphore_mem>>) src(%arg6 : memref<128x16xf32, #tpu.memory_space<vmem>>) dst(%dma_wait3A_50 : memref<128x16xf32, #tpu.memory_space<vmem_shared>>)
      tpu.yield
    }) : () -> ()
    %mul3A_14 = arith.constant 640 : i32
    %mul3A_15 = arith.muli %arg1, %mul3A_14 : i32
    %add3A_16 = arith.constant 256 : i32
    %add3A_17 = arith.addi %mul3A_15, %add3A_16 : i32
    "tpu.region"() ({
      %run_scoped3A = tpu.sem_alloc : memref<!tpu.dma_semaphore, #tpu.memory_space<semaphore_mem>>
      %dma_start3A = arith.constant 0 : i32
      %dma_start3A_45 = tpu.memref_slice %arg7[%add3A_17, %dma_start3A] : memref<10240x16xf32, #tpu.memory_space<vmem_shared>> -> memref<128x16xf32, #tpu.memory_space<vmem_shared>>
      %dma_start3A_46 = arith.constant 0 : i32
      %dma_start3A_47 = tpu.memref_slice %arg7[%add3A_17, %dma_start3A_46] : memref<10240x16xf32, #tpu.memory_space<vmem_shared>> -> memref<128x16xf32, #tpu.memory_space<vmem_shared>>
      tpu.enqueue_dma source(%arg6 : memref<128x16xf32, #tpu.memory_space<vmem>>) target(%dma_start3A_47 : memref<128x16xf32, #tpu.memory_space<vmem_shared>>) target_semaphore(%run_scoped3A : memref<!tpu.dma_semaphore, #tpu.memory_space<semaphore_mem>>)
      %dma_wait3A = arith.constant 0 : i32
      %dma_wait3A_48 = tpu.memref_slice %arg7[%add3A_17, %dma_wait3A] : memref<10240x16xf32, #tpu.memory_space<vmem_shared>> -> memref<128x16xf32, #tpu.memory_space<vmem_shared>>
      %dma_wait3A_49 = arith.constant 0 : i32
      %dma_wait3A_50 = tpu.memref_slice %arg7[%add3A_17, %dma_wait3A_49] : memref<10240x16xf32, #tpu.memory_space<vmem_shared>> -> memref<128x16xf32, #tpu.memory_space<vmem_shared>>
      tpu.wait_dma2 semaphore(%run_scoped3A : memref<!tpu.dma_semaphore, #tpu.memory_space<semaphore_mem>>) src(%arg6 : memref<128x16xf32, #tpu.memory_space<vmem>>) dst(%dma_wait3A_50 : memref<128x16xf32, #tpu.memory_space<vmem_shared>>)
      tpu.yield
    }) : () -> ()
    %mul3A_18 = arith.constant 640 : i32
    %mul3A_19 = arith.muli %arg1, %mul3A_18 : i32
    %add3A_20 = arith.constant 384 : i32
    %add3A_21 = arith.addi %mul3A_19, %add3A_20 : i32
    "tpu.region"() ({
      %run_scoped3A = tpu.sem_alloc : memref<!tpu.dma_semaphore, #tpu.memory_space<semaphore_mem>>
      %dma_start3A = arith.constant 0 : i32
      %dma_start3A_45 = tpu.memref_slice %arg7[%add3A_21, %dma_start3A] : memref<10240x16xf32, #tpu.memory_space<vmem_shared>> -> memref<128x16xf32, #tpu.memory_space<vmem_shared>>
      %dma_start3A_46 = arith.constant 0 : i32
      %dma_start3A_47 = tpu.memref_slice %arg7[%add3A_21, %dma_start3A_46] : memref<10240x16xf32, #tpu.memory_space<vmem_shared>> -> memref<128x16xf32, #tpu.memory_space<vmem_shared>>
      tpu.enqueue_dma source(%arg6 : memref<128x16xf32, #tpu.memory_space<vmem>>) target(%dma_start3A_47 : memref<128x16xf32, #tpu.memory_space<vmem_shared>>) target_semaphore(%run_scoped3A : memref<!tpu.dma_semaphore, #tpu.memory_space<semaphore_mem>>)
      %dma_wait3A = arith.constant 0 : i32
      %dma_wait3A_48 = tpu.memref_slice %arg7[%add3A_21, %dma_wait3A] : memref<10240x16xf32, #tpu.memory_space<vmem_shared>> -> memref<128x16xf32, #tpu.memory_space<vmem_shared>>
      %dma_wait3A_49 = arith.constant 0 : i32
      %dma_wait3A_50 = tpu.memref_slice %arg7[%add3A_21, %dma_wait3A_49] : memref<10240x16xf32, #tpu.memory_space<vmem_shared>> -> memref<128x16xf32, #tpu.memory_space<vmem_shared>>
      tpu.wait_dma2 semaphore(%run_scoped3A : memref<!tpu.dma_semaphore, #tpu.memory_space<semaphore_mem>>) src(%arg6 : memref<128x16xf32, #tpu.memory_space<vmem>>) dst(%dma_wait3A_50 : memref<128x16xf32, #tpu.memory_space<vmem_shared>>)
      tpu.yield
    }) : () -> ()
    %mul3A_22 = arith.constant 640 : i32
    %mul3A_23 = arith.muli %arg1, %mul3A_22 : i32
    %add3A_24 = arith.constant 512 : i32
    %add3A_25 = arith.addi %mul3A_23, %add3A_24 : i32
    "tpu.region"() ({
      %run_scoped3A = tpu.sem_alloc : memref<!tpu.dma_semaphore, #tpu.memory_space<semaphore_mem>>
      %dma_start3A = arith.constant 0 : i32
      %dma_start3A_45 = tpu.memref_slice %arg7[%add3A_25, %dma_start3A] : memref<10240x16xf32, #tpu.memory_space<vmem_shared>> -> memref<128x16xf32, #tpu.memory_space<vmem_shared>>
      %dma_start3A_46 = arith.constant 0 : i32
      %dma_start3A_47 = tpu.memref_slice %arg7[%add3A_25, %dma_start3A_46] : memref<10240x16xf32, #tpu.memory_space<vmem_shared>> -> memref<128x16xf32, #tpu.memory_space<vmem_shared>>
      tpu.enqueue_dma source(%arg6 : memref<128x16xf32, #tpu.memory_space<vmem>>) target(%dma_start3A_47 : memref<128x16xf32, #tpu.memory_space<vmem_shared>>) target_semaphore(%run_scoped3A : memref<!tpu.dma_semaphore, #tpu.memory_space<semaphore_mem>>)
      %dma_wait3A = arith.constant 0 : i32
      %dma_wait3A_48 = tpu.memref_slice %arg7[%add3A_25, %dma_wait3A] : memref<10240x16xf32, #tpu.memory_space<vmem_shared>> -> memref<128x16xf32, #tpu.memory_space<vmem_shared>>
      %dma_wait3A_49 = arith.constant 0 : i32
      %dma_wait3A_50 = tpu.memref_slice %arg7[%add3A_25, %dma_wait3A_49] : memref<10240x16xf32, #tpu.memory_space<vmem_shared>> -> memref<128x16xf32, #tpu.memory_space<vmem_shared>>
      tpu.wait_dma2 semaphore(%run_scoped3A : memref<!tpu.dma_semaphore, #tpu.memory_space<semaphore_mem>>) src(%arg6 : memref<128x16xf32, #tpu.memory_space<vmem>>) dst(%dma_wait3A_50 : memref<128x16xf32, #tpu.memory_space<vmem_shared>>)
      tpu.yield
    }) : () -> ()
    %broadcast_in_dim3A_26 = arith.constant 1.000000e+00 : f32
    %broadcast_in_dim3A_27 = vector.broadcast %broadcast_in_dim3A_26 : f32 to vector<16xf32>
    %scan3A_28 = arith.constant 0 : i32
    %scan3A_29 = arith.constant 0 : i32
    %scan3A_30 = arith.constant 125 : i32
    %scan3A_31 = arith.addi %scan3A_29, %scan3A_30 : i32
    %scan3A_32 = arith.constant 1 : i32
    scf.for %scan3A_45 = %scan3A_29 to %scan3A_31 step %scan3A_32  : i32 {
      %swap3A = arith.index_cast %scan3A_45 : i32 to index
      %swap3A_46 = arith.constant 0 : index
      %swap3A_47 = tpu.vector_load %arg5[%swap3A, %swap3A_46] {strides = array<i32>} : memref<125x16xf32, #tpu.memory_space<vmem>>, vector<1x16xf32>,
      %swap3A_48 = vector.shape_cast %swap3A_47 : vector<1x16xf32> to vector<16xf32>
      %swap3A_49 = vector.shape_cast %broadcast_in_dim3A_27 : vector<16xf32> to vector<1x16xf32>
      tpu.vector_store %arg5[%swap3A, %swap3A_46], %swap3A_49 {strides = array<i32>} : memref<125x16xf32, #tpu.memory_space<vmem>>, vector<1x16xf32>,
    }
    %scan3A_33 = arith.constant 125 : i32
    %barrier3A = arith.constant 0 : index
    tpu.barrier barrier_id(%barrier3A)
    %scan3A_34 = arith.constant 0 : i32
    %scan3A_35 = arith.constant 0 : i32
    %scan3A_36 = arith.constant 80 : i32
    %scan3A_37 = arith.addi %scan3A_35, %scan3A_36 : i32
    %scan3A_38 = arith.constant 1 : i32
    scf.for %scan3A_45 = %scan3A_35 to %scan3A_37 step %scan3A_38  : i32 {
      "tpu.region"() ({
        %run_scoped3A = tpu.sem_alloc : memref<!tpu.dma_semaphore, #tpu.memory_space<semaphore_mem>>
        %dma_start3A = arith.constant 0 : i32
        %dma_start3A_46 = tpu.memref_slice %arg4[%scan3A_45, %dma_start3A] : memref<80x125xi32, #tpu.memory_space<vmem>> -> memref<1x125xi32, #tpu.memory_space<vmem>>
        %dma_start3A_47 = tpu.memref_squeeze %dma_start3A_46 : memref<1x125xi32, #tpu.memory_space<vmem>> -> memref<125xi32, #tpu.memory_space<vmem>>
        %dma_start3A_48 = arith.constant 0 : i32
        %dma_start3A_49 = arith.constant 0 : i32
        %dma_start3A_50 = tpu.memref_slice %arg7[%dma_start3A_48, %dma_start3A_49] : memref<10240x16xf32, #tpu.memory_space<vmem_shared>> -> memref<10240x16xf32, #tpu.memory_space<vmem_shared>>
        tpu.enqueue_indirect_dma source(%arg5 : memref<125x16xf32, #tpu.memory_space<vmem>>) target(%dma_start3A_50 : memref<10240x16xf32, #tpu.memory_space<vmem_shared>>) offsets(%dma_start3A_47 : memref<125xi32, #tpu.memory_space<vmem>>) semaphore(%run_scoped3A : memref<!tpu.dma_semaphore, #tpu.memory_space<semaphore_mem>>) {add = true}
        %dma_wait3A = arith.constant 0 : i32
        %dma_wait3A_51 = tpu.memref_slice %arg4[%scan3A_45, %dma_wait3A] : memref<80x125xi32, #tpu.memory_space<vmem>> -> memref<1x125xi32, #tpu.memory_space<vmem>>
        %dma_wait3A_52 = tpu.memref_squeeze %dma_wait3A_51 : memref<1x125xi32, #tpu.memory_space<vmem>> -> memref<125xi32, #tpu.memory_space<vmem>>
        %dma_wait3A_53 = arith.constant 0 : i32
        %dma_wait3A_54 = arith.constant 0 : i32
        %dma_wait3A_55 = tpu.memref_slice %arg7[%dma_wait3A_53, %dma_wait3A_54] : memref<10240x16xf32, #tpu.memory_space<vmem_shared>> -> memref<10240x16xf32, #tpu.memory_space<vmem_shared>>
        tpu.wait_indirect_dma semaphore(%run_scoped3A : memref<!tpu.dma_semaphore, #tpu.memory_space<semaphore_mem>>) src(%arg5 : memref<125x16xf32, #tpu.memory_space<vmem>>) dst(%dma_wait3A_55 : memref<10240x16xf32, #tpu.memory_space<vmem_shared>>)
        tpu.yield
      }) : () -> ()
    }
    %scan3A_39 = arith.constant 80 : i32
    %barrier3A_40 = arith.constant 0 : index
    tpu.barrier barrier_id(%barrier3A_40)
    %mul3A_41 = arith.constant 640 : i32
    %mul3A_42 = arith.muli %arg1, %mul3A_41 : i32
    %mul3A_43 = arith.constant 640 : i32
    %mul3A_44 = arith.muli %arg1, %mul3A_43 : i32
    "tpu.region"() ({
      %run_scoped3A = tpu.sem_alloc : memref<!tpu.dma_semaphore, #tpu.memory_space<semaphore_mem>>
      %dma_start3A = arith.constant 0 : i32
      %dma_start3A_45 = tpu.memref_slice %arg3[%arg0, %mul3A_44, %dma_start3A] : memref<2x10240x16xf32, #tpu.memory_space<hbm>> -> memref<1x640x16xf32, #tpu.memory_space<hbm>>
      %dma_start3A_46 = tpu.memref_squeeze %dma_start3A_45 : memref<1x640x16xf32, #tpu.memory_space<hbm>> -> memref<640x16xf32, #tpu.memory_space<hbm>>
      %dma_start3A_47 = arith.constant 0 : i32
      %dma_start3A_48 = tpu.memref_slice %arg7[%mul3A_42, %dma_start3A_47] : memref<10240x16xf32, #tpu.memory_space<vmem_shared>> -> memref<640x16xf32, #tpu.memory_space<vmem_shared>>
      tpu.enqueue_dma source(%dma_start3A_48 : memref<640x16xf32, #tpu.memory_space<vmem_shared>>) target(%dma_start3A_46 : memref<640x16xf32, #tpu.memory_space<hbm>>) target_semaphore(%run_scoped3A : memref<!tpu.dma_semaphore, #tpu.memory_space<semaphore_mem>>)
      %dma_wait3A = arith.constant 0 : i32
      %dma_wait3A_49 = tpu.memref_slice %arg3[%arg0, %mul3A_44, %dma_wait3A] : memref<2x10240x16xf32, #tpu.memory_space<hbm>> -> memref<1x640x16xf32, #tpu.memory_space<hbm>>
      %dma_wait3A_50 = tpu.memref_squeeze %dma_wait3A_49 : memref<1x640x16xf32, #tpu.memory_space<hbm>> -> memref<640x16xf32, #tpu.memory_space<hbm>>
      %dma_wait3A_51 = arith.constant 0 : i32
      %dma_wait3A_52 = tpu.memref_slice %arg7[%mul3A_42, %dma_wait3A_51] : memref<10240x16xf32, #tpu.memory_space<vmem_shared>> -> memref<640x16xf32, #tpu.memory_space<vmem_shared>>
      tpu.wait_dma2 semaphore(%run_scoped3A : memref<!tpu.dma_semaphore, #tpu.memory_space<semaphore_mem>>) src(%dma_wait3A_52 : memref<640x16xf32, #tpu.memory_space<vmem_shared>>) dst(%dma_wait3A_50 : memref<640x16xf32, #tpu.memory_space<hbm>>)
      tpu.yield
    }) : () -> ()
    return
  }
}

#map = affine_map<(d0, d1) -> (0, 0, 0)>
module attributes {stable_mosaic.version = 14 : i64} {
  func.func @_sc_scatter(%arg0: i32, %arg1: i32, %arg2: memref<2x10000x64xf32, #tpu.memory_space<hbm>>, %arg3: memref<16x160x125xi32, #tpu.memory_space<hbm>>, %arg4: memref<16x160x125xi32, #tpu.memory_space<hbm>>, %arg5: memref<2x10240x64xf32, #tpu.memory_space<hbm>>, %arg6: memref<160x125xi32, #tpu.memory_space<vmem>>, %arg7: memref<160x125xi32, #tpu.memory_space<vmem>>, %arg8: memref<2x125x64xf32, #tpu.memory_space<vmem>>, %arg9: memref<2x125x64xf32, #tpu.memory_space<vmem>>, %arg10: memref<128x64xf32, #tpu.memory_space<vmem>>, %arg11: memref<10240x64xf32, #tpu.memory_space<vmem_shared>>, %arg12: memref<!tpu.dma_semaphore, #tpu.memory_space<semaphore_mem>>, %arg13: memref<!tpu.dma_semaphore, #tpu.memory_space<semaphore_mem>>, %arg14: memref<!tpu.dma_semaphore, #tpu.memory_space<semaphore_mem>>, %arg15: memref<!tpu.dma_semaphore, #tpu.memory_space<semaphore_mem>>) attributes {dimension_semantics = [#tpu.dimension_semantics<core_parallel>, #tpu.dimension_semantics<subcore_parallel>], iteration_bounds = array<i64: 2, 16>, scalar_prefetch = 0 : i64, scratch_operands = 10 : i64, tpu.core_type = #tpu.core_type<sc_vector_subcore>, window_params = [{transform_indices = #map}, {transform_indices = #map}, {transform_indices = #map}, {transform_indices = #map}]} {
    "tpu.region"() ({
      %run_scoped3A = tpu.sem_alloc : memref<!tpu.dma_semaphore, #tpu.memory_space<semaphore_mem>>
      %dma_start3A_89 = arith.constant 0 : i32
      %dma_start3A_90 = arith.constant 0 : i32
      %dma_start3A_91 = tpu.memref_slice %arg3[%arg1, %dma_start3A_89, %dma_start3A_90] : memref<16x160x125xi32, #tpu.memory_space<hbm>> -> memref<1x160x125xi32, #tpu.memory_space<hbm>>
      %dma_start3A_92 = tpu.memref_squeeze %dma_start3A_91 : memref<1x160x125xi32, #tpu.memory_space<hbm>> -> memref<160x125xi32, #tpu.memory_space<hbm>>
      %dma_start3A_93 = arith.constant 0 : i32
      %dma_start3A_94 = arith.constant 0 : i32
      %dma_start3A_95 = tpu.memref_slice %arg3[%arg1, %dma_start3A_93, %dma_start3A_94] : memref<16x160x125xi32, #tpu.memory_space<hbm>> -> memref<1x160x125xi32, #tpu.memory_space<hbm>>
      %dma_start3A_96 = tpu.memref_squeeze %dma_start3A_95 : memref<1x160x125xi32, #tpu.memory_space<hbm>> -> memref<160x125xi32, #tpu.memory_space<hbm>>
      tpu.enqueue_dma source(%dma_start3A_96 : memref<160x125xi32, #tpu.memory_space<hbm>>) target(%arg6 : memref<160x125xi32, #tpu.memory_space<vmem>>) target_semaphore(%run_scoped3A : memref<!tpu.dma_semaphore, #tpu.memory_space<semaphore_mem>>)
      %dma_wait3A_97 = arith.constant 0 : i32
      %dma_wait3A_98 = arith.constant 0 : i32
      %dma_wait3A_99 = tpu.memref_slice %arg3[%arg1, %dma_wait3A_97, %dma_wait3A_98] : memref<16x160x125xi32, #tpu.memory_space<hbm>> -> memref<1x160x125xi32, #tpu.memory_space<hbm>>
      %dma_wait3A_100 = tpu.memref_squeeze %dma_wait3A_99 : memref<1x160x125xi32, #tpu.memory_space<hbm>> -> memref<160x125xi32, #tpu.memory_space<hbm>>
      %dma_wait3A_101 = arith.constant 0 : i32
      %dma_wait3A_102 = arith.constant 0 : i32
      %dma_wait3A_103 = tpu.memref_slice %arg3[%arg1, %dma_wait3A_101, %dma_wait3A_102] : memref<16x160x125xi32, #tpu.memory_space<hbm>> -> memref<1x160x125xi32, #tpu.memory_space<hbm>>
      %dma_wait3A_104 = tpu.memref_squeeze %dma_wait3A_103 : memref<1x160x125xi32, #tpu.memory_space<hbm>> -> memref<160x125xi32, #tpu.memory_space<hbm>>
      tpu.wait_dma2 semaphore(%run_scoped3A : memref<!tpu.dma_semaphore, #tpu.memory_space<semaphore_mem>>) src(%dma_wait3A_104 : memref<160x125xi32, #tpu.memory_space<hbm>>) dst(%arg6 : memref<160x125xi32, #tpu.memory_space<vmem>>)
      tpu.yield
    }) : () -> ()
    "tpu.region"() ({
      %run_scoped3A = tpu.sem_alloc : memref<!tpu.dma_semaphore, #tpu.memory_space<semaphore_mem>>
      %dma_start3A_89 = arith.constant 0 : i32
      %dma_start3A_90 = arith.constant 0 : i32
      %dma_start3A_91 = tpu.memref_slice %arg4[%arg1, %dma_start3A_89, %dma_start3A_90] : memref<16x160x125xi32, #tpu.memory_space<hbm>> -> memref<1x160x125xi32, #tpu.memory_space<hbm>>
      %dma_start3A_92 = tpu.memref_squeeze %dma_start3A_91 : memref<1x160x125xi32, #tpu.memory_space<hbm>> -> memref<160x125xi32, #tpu.memory_space<hbm>>
      %dma_start3A_93 = arith.constant 0 : i32
      %dma_start3A_94 = arith.constant 0 : i32
      %dma_start3A_95 = tpu.memref_slice %arg4[%arg1, %dma_start3A_93, %dma_start3A_94] : memref<16x160x125xi32, #tpu.memory_space<hbm>> -> memref<1x160x125xi32, #tpu.memory_space<hbm>>
      %dma_start3A_96 = tpu.memref_squeeze %dma_start3A_95 : memref<1x160x125xi32, #tpu.memory_space<hbm>> -> memref<160x125xi32, #tpu.memory_space<hbm>>
      tpu.enqueue_dma source(%dma_start3A_96 : memref<160x125xi32, #tpu.memory_space<hbm>>) target(%arg7 : memref<160x125xi32, #tpu.memory_space<vmem>>) target_semaphore(%run_scoped3A : memref<!tpu.dma_semaphore, #tpu.memory_space<semaphore_mem>>)
      %dma_wait3A_97 = arith.constant 0 : i32
      %dma_wait3A_98 = arith.constant 0 : i32
      %dma_wait3A_99 = tpu.memref_slice %arg4[%arg1, %dma_wait3A_97, %dma_wait3A_98] : memref<16x160x125xi32, #tpu.memory_space<hbm>> -> memref<1x160x125xi32, #tpu.memory_space<hbm>>
      %dma_wait3A_100 = tpu.memref_squeeze %dma_wait3A_99 : memref<1x160x125xi32, #tpu.memory_space<hbm>> -> memref<160x125xi32, #tpu.memory_space<hbm>>
      %dma_wait3A_101 = arith.constant 0 : i32
      %dma_wait3A_102 = arith.constant 0 : i32
      %dma_wait3A_103 = tpu.memref_slice %arg4[%arg1, %dma_wait3A_101, %dma_wait3A_102] : memref<16x160x125xi32, #tpu.memory_space<hbm>> -> memref<1x160x125xi32, #tpu.memory_space<hbm>>
      %dma_wait3A_104 = tpu.memref_squeeze %dma_wait3A_103 : memref<1x160x125xi32, #tpu.memory_space<hbm>> -> memref<160x125xi32, #tpu.memory_space<hbm>>
      tpu.wait_dma2 semaphore(%run_scoped3A : memref<!tpu.dma_semaphore, #tpu.memory_space<semaphore_mem>>) src(%dma_wait3A_104 : memref<160x125xi32, #tpu.memory_space<hbm>>) dst(%arg7 : memref<160x125xi32, #tpu.memory_space<vmem>>)
      tpu.yield
    }) : () -> ()
    %broadcast_in_dim3A = arith.constant 0.000000e+00 : f32
    %broadcast_in_dim3A_0 = vector.broadcast %broadcast_in_dim3A : f32 to vector<16xf32>
    %scan3A = arith.constant 0 : i32
    %scan3A_1 = arith.constant 0 : i32
    %scan3A_2 = arith.constant 128 : i32
    %scan3A_3 = arith.addi %scan3A_1, %scan3A_2 : i32
    %scan3A_4 = arith.constant 1 : i32
    scf.for %scan3A_89 = %scan3A_1 to %scan3A_3 step %scan3A_4  : i32 {
      %swap3A = arith.index_cast %scan3A_89 : i32 to index
      %swap3A_90 = arith.constant 0 : index
      %swap3A_91 = tpu.vector_load %arg10[%swap3A, %swap3A_90] {strides = array<i32>} : memref<128x64xf32, #tpu.memory_space<vmem>>, vector<1x16xf32>,
      %swap3A_92 = vector.shape_cast %swap3A_91 : vector<1x16xf32> to vector<16xf32>
      %swap3A_93 = vector.shape_cast %broadcast_in_dim3A_0 : vector<16xf32> to vector<1x16xf32>
      tpu.vector_store %arg10[%swap3A, %swap3A_90], %swap3A_93 {strides = array<i32>} : memref<128x64xf32, #tpu.memory_space<vmem>>, vector<1x16xf32>,
      %swap3A_94 = arith.index_cast %scan3A_89 : i32 to index
      %swap3A_95 = arith.constant 16 : index
      %swap3A_96 = tpu.vector_load %arg10[%swap3A_94, %swap3A_95] {strides = array<i32>} : memref<128x64xf32, #tpu.memory_space<vmem>>, vector<1x16xf32>,
      %swap3A_97 = vector.shape_cast %swap3A_96 : vector<1x16xf32> to vector<16xf32>
      %swap3A_98 = vector.shape_cast %broadcast_in_dim3A_0 : vector<16xf32> to vector<1x16xf32>
      tpu.vector_store %arg10[%swap3A_94, %swap3A_95], %swap3A_98 {strides = array<i32>} : memref<128x64xf32, #tpu.memory_space<vmem>>, vector<1x16xf32>,
      %swap3A_99 = arith.index_cast %scan3A_89 : i32 to index
      %swap3A_100 = arith.constant 32 : index
      %swap3A_101 = tpu.vector_load %arg10[%swap3A_99, %swap3A_100] {strides = array<i32>} : memref<128x64xf32, #tpu.memory_space<vmem>>, vector<1x16xf32>,
      %swap3A_102 = vector.shape_cast %swap3A_101 : vector<1x16xf32> to vector<16xf32>
      %swap3A_103 = vector.shape_cast %broadcast_in_dim3A_0 : vector<16xf32> to vector<1x16xf32>
      tpu.vector_store %arg10[%swap3A_99, %swap3A_100], %swap3A_103 {strides = array<i32>} : memref<128x64xf32, #tpu.memory_space<vmem>>, vector<1x16xf32>,
      %swap3A_104 = arith.index_cast %scan3A_89 : i32 to index
      %swap3A_105 = arith.constant 48 : index
      %swap3A_106 = tpu.vector_load %arg10[%swap3A_104, %swap3A_105] {strides = array<i32>} : memref<128x64xf32, #tpu.memory_space<vmem>>, vector<1x16xf32>,
      %swap3A_107 = vector.shape_cast %swap3A_106 : vector<1x16xf32> to vector<16xf32>
      %swap3A_108 = vector.shape_cast %broadcast_in_dim3A_0 : vector<16xf32> to vector<1x16xf32>
      tpu.vector_store %arg10[%swap3A_104, %swap3A_105], %swap3A_108 {strides = array<i32>} : memref<128x64xf32, #tpu.memory_space<vmem>>, vector<1x16xf32>,
    }
    %scan3A_5 = arith.constant 128 : i32
    %mul3A = arith.constant 640 : i32
    %mul3A_6 = arith.muli %arg1, %mul3A : i32
    %add3A = arith.constant 0 : i32
    %add3A_7 = arith.addi %mul3A_6, %add3A : i32
    "tpu.region"() ({
      %run_scoped3A = tpu.sem_alloc : memref<!tpu.dma_semaphore, #tpu.memory_space<semaphore_mem>>
      %dma_start3A_89 = arith.constant 0 : i32
      %dma_start3A_90 = tpu.memref_slice %arg11[%add3A_7, %dma_start3A_89] : memref<10240x64xf32, #tpu.memory_space<vmem_shared>> -> memref<128x64xf32, #tpu.memory_space<vmem_shared>>
      %dma_start3A_91 = arith.constant 0 : i32
      %dma_start3A_92 = tpu.memref_slice %arg11[%add3A_7, %dma_start3A_91] : memref<10240x64xf32, #tpu.memory_space<vmem_shared>> -> memref<128x64xf32, #tpu.memory_space<vmem_shared>>
      tpu.enqueue_dma source(%arg10 : memref<128x64xf32, #tpu.memory_space<vmem>>) target(%dma_start3A_92 : memref<128x64xf32, #tpu.memory_space<vmem_shared>>) target_semaphore(%run_scoped3A : memref<!tpu.dma_semaphore, #tpu.memory_space<semaphore_mem>>)
      %dma_wait3A_93 = arith.constant 0 : i32
      %dma_wait3A_94 = tpu.memref_slice %arg11[%add3A_7, %dma_wait3A_93] : memref<10240x64xf32, #tpu.memory_space<vmem_shared>> -> memref<128x64xf32, #tpu.memory_space<vmem_shared>>
      %dma_wait3A_95 = arith.constant 0 : i32
      %dma_wait3A_96 = tpu.memref_slice %arg11[%add3A_7, %dma_wait3A_95] : memref<10240x64xf32, #tpu.memory_space<vmem_shared>> -> memref<128x64xf32, #tpu.memory_space<vmem_shared>>
      tpu.wait_dma2 semaphore(%run_scoped3A : memref<!tpu.dma_semaphore, #tpu.memory_space<semaphore_mem>>) src(%arg10 : memref<128x64xf32, #tpu.memory_space<vmem>>) dst(%dma_wait3A_96 : memref<128x64xf32, #tpu.memory_space<vmem_shared>>)
      tpu.yield
    }) : () -> ()
    %mul3A_8 = arith.constant 640 : i32
    %mul3A_9 = arith.muli %arg1, %mul3A_8 : i32
    %add3A_10 = arith.constant 128 : i32
    %add3A_11 = arith.addi %mul3A_9, %add3A_10 : i32
    "tpu.region"() ({
      %run_scoped3A = tpu.sem_alloc : memref<!tpu.dma_semaphore, #tpu.memory_space<semaphore_mem>>
      %dma_start3A_89 = arith.constant 0 : i32
      %dma_start3A_90 = tpu.memref_slice %arg11[%add3A_11, %dma_start3A_89] : memref<10240x64xf32, #tpu.memory_space<vmem_shared>> -> memref<128x64xf32, #tpu.memory_space<vmem_shared>>
      %dma_start3A_91 = arith.constant 0 : i32
      %dma_start3A_92 = tpu.memref_slice %arg11[%add3A_11, %dma_start3A_91] : memref<10240x64xf32, #tpu.memory_space<vmem_shared>> -> memref<128x64xf32, #tpu.memory_space<vmem_shared>>
      tpu.enqueue_dma source(%arg10 : memref<128x64xf32, #tpu.memory_space<vmem>>) target(%dma_start3A_92 : memref<128x64xf32, #tpu.memory_space<vmem_shared>>) target_semaphore(%run_scoped3A : memref<!tpu.dma_semaphore, #tpu.memory_space<semaphore_mem>>)
      %dma_wait3A_93 = arith.constant 0 : i32
      %dma_wait3A_94 = tpu.memref_slice %arg11[%add3A_11, %dma_wait3A_93] : memref<10240x64xf32, #tpu.memory_space<vmem_shared>> -> memref<128x64xf32, #tpu.memory_space<vmem_shared>>
      %dma_wait3A_95 = arith.constant 0 : i32
      %dma_wait3A_96 = tpu.memref_slice %arg11[%add3A_11, %dma_wait3A_95] : memref<10240x64xf32, #tpu.memory_space<vmem_shared>> -> memref<128x64xf32, #tpu.memory_space<vmem_shared>>
      tpu.wait_dma2 semaphore(%run_scoped3A : memref<!tpu.dma_semaphore, #tpu.memory_space<semaphore_mem>>) src(%arg10 : memref<128x64xf32, #tpu.memory_space<vmem>>) dst(%dma_wait3A_96 : memref<128x64xf32, #tpu.memory_space<vmem_shared>>)
      tpu.yield
    }) : () -> ()
    %mul3A_12 = arith.constant 640 : i32
    %mul3A_13 = arith.muli %arg1, %mul3A_12 : i32
    %add3A_14 = arith.constant 256 : i32
    %add3A_15 = arith.addi %mul3A_13, %add3A_14 : i32
    "tpu.region"() ({
      %run_scoped3A = tpu.sem_alloc : memref<!tpu.dma_semaphore, #tpu.memory_space<semaphore_mem>>
      %dma_start3A_89 = arith.constant 0 : i32
      %dma_start3A_90 = tpu.memref_slice %arg11[%add3A_15, %dma_start3A_89] : memref<10240x64xf32, #tpu.memory_space<vmem_shared>> -> memref<128x64xf32, #tpu.memory_space<vmem_shared>>
      %dma_start3A_91 = arith.constant 0 : i32
      %dma_start3A_92 = tpu.memref_slice %arg11[%add3A_15, %dma_start3A_91] : memref<10240x64xf32, #tpu.memory_space<vmem_shared>> -> memref<128x64xf32, #tpu.memory_space<vmem_shared>>
      tpu.enqueue_dma source(%arg10 : memref<128x64xf32, #tpu.memory_space<vmem>>) target(%dma_start3A_92 : memref<128x64xf32, #tpu.memory_space<vmem_shared>>) target_semaphore(%run_scoped3A : memref<!tpu.dma_semaphore, #tpu.memory_space<semaphore_mem>>)
      %dma_wait3A_93 = arith.constant 0 : i32
      %dma_wait3A_94 = tpu.memref_slice %arg11[%add3A_15, %dma_wait3A_93] : memref<10240x64xf32, #tpu.memory_space<vmem_shared>> -> memref<128x64xf32, #tpu.memory_space<vmem_shared>>
      %dma_wait3A_95 = arith.constant 0 : i32
      %dma_wait3A_96 = tpu.memref_slice %arg11[%add3A_15, %dma_wait3A_95] : memref<10240x64xf32, #tpu.memory_space<vmem_shared>> -> memref<128x64xf32, #tpu.memory_space<vmem_shared>>
      tpu.wait_dma2 semaphore(%run_scoped3A : memref<!tpu.dma_semaphore, #tpu.memory_space<semaphore_mem>>) src(%arg10 : memref<128x64xf32, #tpu.memory_space<vmem>>) dst(%dma_wait3A_96 : memref<128x64xf32, #tpu.memory_space<vmem_shared>>)
      tpu.yield
    }) : () -> ()
    %mul3A_16 = arith.constant 640 : i32
    %mul3A_17 = arith.muli %arg1, %mul3A_16 : i32
    %add3A_18 = arith.constant 384 : i32
    %add3A_19 = arith.addi %mul3A_17, %add3A_18 : i32
    "tpu.region"() ({
      %run_scoped3A = tpu.sem_alloc : memref<!tpu.dma_semaphore, #tpu.memory_space<semaphore_mem>>
      %dma_start3A_89 = arith.constant 0 : i32
      %dma_start3A_90 = tpu.memref_slice %arg11[%add3A_19, %dma_start3A_89] : memref<10240x64xf32, #tpu.memory_space<vmem_shared>> -> memref<128x64xf32, #tpu.memory_space<vmem_shared>>
      %dma_start3A_91 = arith.constant 0 : i32
      %dma_start3A_92 = tpu.memref_slice %arg11[%add3A_19, %dma_start3A_91] : memref<10240x64xf32, #tpu.memory_space<vmem_shared>> -> memref<128x64xf32, #tpu.memory_space<vmem_shared>>
      tpu.enqueue_dma source(%arg10 : memref<128x64xf32, #tpu.memory_space<vmem>>) target(%dma_start3A_92 : memref<128x64xf32, #tpu.memory_space<vmem_shared>>) target_semaphore(%run_scoped3A : memref<!tpu.dma_semaphore, #tpu.memory_space<semaphore_mem>>)
      %dma_wait3A_93 = arith.constant 0 : i32
      %dma_wait3A_94 = tpu.memref_slice %arg11[%add3A_19, %dma_wait3A_93] : memref<10240x64xf32, #tpu.memory_space<vmem_shared>> -> memref<128x64xf32, #tpu.memory_space<vmem_shared>>
      %dma_wait3A_95 = arith.constant 0 : i32
      %dma_wait3A_96 = tpu.memref_slice %arg11[%add3A_19, %dma_wait3A_95] : memref<10240x64xf32, #tpu.memory_space<vmem_shared>> -> memref<128x64xf32, #tpu.memory_space<vmem_shared>>
      tpu.wait_dma2 semaphore(%run_scoped3A : memref<!tpu.dma_semaphore, #tpu.memory_space<semaphore_mem>>) src(%arg10 : memref<128x64xf32, #tpu.memory_space<vmem>>) dst(%dma_wait3A_96 : memref<128x64xf32, #tpu.memory_space<vmem_shared>>)
      tpu.yield
    }) : () -> ()
    %mul3A_20 = arith.constant 640 : i32
    %mul3A_21 = arith.muli %arg1, %mul3A_20 : i32
    %add3A_22 = arith.constant 512 : i32
    %add3A_23 = arith.addi %mul3A_21, %add3A_22 : i32
    "tpu.region"() ({
      %run_scoped3A = tpu.sem_alloc : memref<!tpu.dma_semaphore, #tpu.memory_space<semaphore_mem>>
      %dma_start3A_89 = arith.constant 0 : i32
      %dma_start3A_90 = tpu.memref_slice %arg11[%add3A_23, %dma_start3A_89] : memref<10240x64xf32, #tpu.memory_space<vmem_shared>> -> memref<128x64xf32, #tpu.memory_space<vmem_shared>>
      %dma_start3A_91 = arith.constant 0 : i32
      %dma_start3A_92 = tpu.memref_slice %arg11[%add3A_23, %dma_start3A_91] : memref<10240x64xf32, #tpu.memory_space<vmem_shared>> -> memref<128x64xf32, #tpu.memory_space<vmem_shared>>
      tpu.enqueue_dma source(%arg10 : memref<128x64xf32, #tpu.memory_space<vmem>>) target(%dma_start3A_92 : memref<128x64xf32, #tpu.memory_space<vmem_shared>>) target_semaphore(%run_scoped3A : memref<!tpu.dma_semaphore, #tpu.memory_space<semaphore_mem>>)
      %dma_wait3A_93 = arith.constant 0 : i32
      %dma_wait3A_94 = tpu.memref_slice %arg11[%add3A_23, %dma_wait3A_93] : memref<10240x64xf32, #tpu.memory_space<vmem_shared>> -> memref<128x64xf32, #tpu.memory_space<vmem_shared>>
      %dma_wait3A_95 = arith.constant 0 : i32
      %dma_wait3A_96 = tpu.memref_slice %arg11[%add3A_23, %dma_wait3A_95] : memref<10240x64xf32, #tpu.memory_space<vmem_shared>> -> memref<128x64xf32, #tpu.memory_space<vmem_shared>>
      tpu.wait_dma2 semaphore(%run_scoped3A : memref<!tpu.dma_semaphore, #tpu.memory_space<semaphore_mem>>) src(%arg10 : memref<128x64xf32, #tpu.memory_space<vmem>>) dst(%dma_wait3A_96 : memref<128x64xf32, #tpu.memory_space<vmem_shared>>)
      tpu.yield
    }) : () -> ()
    %barrier3A = arith.constant 0 : index
    tpu.barrier barrier_id(%barrier3A)
    %dma_start3A = arith.constant 0 : i32
    %dma_start3A_24 = arith.constant 0 : i32
    %dma_start3A_25 = arith.constant 0 : i32
    %dma_start3A_26 = arith.constant 0 : i32
    %dma_start3A_27 = tpu.memref_slice %arg8[%dma_start3A_24, %dma_start3A_25, %dma_start3A_26] : memref<2x125x64xf32, #tpu.memory_space<vmem>> -> memref<1x125x64xf32, #tpu.memory_space<vmem>>
    %dma_start3A_28 = tpu.memref_squeeze %dma_start3A_27 : memref<1x125x64xf32, #tpu.memory_space<vmem>> -> memref<125x64xf32, #tpu.memory_space<vmem>>
    %dma_start3A_29 = arith.constant 0 : i32
    %dma_start3A_30 = tpu.memref_slice %arg6[%dma_start3A, %dma_start3A_29] : memref<160x125xi32, #tpu.memory_space<vmem>> -> memref<1x125xi32, #tpu.memory_space<vmem>>
    %dma_start3A_31 = tpu.memref_squeeze %dma_start3A_30 : memref<1x125xi32, #tpu.memory_space<vmem>> -> memref<125xi32, #tpu.memory_space<vmem>>
    %dma_start3A_32 = arith.constant 0 : i32
    %dma_start3A_33 = arith.constant 0 : i32
    %dma_start3A_34 = tpu.memref_slice %arg2[%arg0, %dma_start3A_32, %dma_start3A_33] : memref<2x10000x64xf32, #tpu.memory_space<hbm>> -> memref<1x10000x64xf32, #tpu.memory_space<hbm>>
    %dma_start3A_35 = tpu.memref_squeeze %dma_start3A_34 : memref<1x10000x64xf32, #tpu.memory_space<hbm>> -> memref<10000x64xf32, #tpu.memory_space<hbm>>
    %dma_start3A_36 = arith.constant 0 : i32
    %dma_start3A_37 = arith.constant 0 : i32
    %dma_start3A_38 = tpu.memref_slice %dma_start3A_35[%dma_start3A_36, %dma_start3A_37] : memref<10000x64xf32, #tpu.memory_space<hbm>> -> memref<10000x64xf32, #tpu.memory_space<hbm>>
    tpu.enqueue_indirect_dma source(%dma_start3A_38 : memref<10000x64xf32, #tpu.memory_space<hbm>>) target(%dma_start3A_28 : memref<125x64xf32, #tpu.memory_space<vmem>>) offsets(%dma_start3A_31 : memref<125xi32, #tpu.memory_space<vmem>>) semaphore(%arg12 : memref<!tpu.dma_semaphore, #tpu.memory_space<semaphore_mem>>)
    %dma_start3A_39 = arith.constant 1 : i32
    %dma_start3A_40 = arith.constant 1 : i32
    %dma_start3A_41 = arith.constant 0 : i32
    %dma_start3A_42 = arith.constant 0 : i32
    %dma_start3A_43 = tpu.memref_slice %arg8[%dma_start3A_40, %dma_start3A_41, %dma_start3A_42] : memref<2x125x64xf32, #tpu.memory_space<vmem>> -> memref<1x125x64xf32, #tpu.memory_space<vmem>>
    %dma_start3A_44 = tpu.memref_squeeze %dma_start3A_43 : memref<1x125x64xf32, #tpu.memory_space<vmem>> -> memref<125x64xf32, #tpu.memory_space<vmem>>
    %dma_start3A_45 = arith.constant 0 : i32
    %dma_start3A_46 = tpu.memref_slice %arg6[%dma_start3A_39, %dma_start3A_45] : memref<160x125xi32, #tpu.memory_space<vmem>> -> memref<1x125xi32, #tpu.memory_space<vmem>>
    %dma_start3A_47 = tpu.memref_squeeze %dma_start3A_46 : memref<1x125xi32, #tpu.memory_space<vmem>> -> memref<125xi32, #tpu.memory_space<vmem>>
    %dma_start3A_48 = arith.constant 0 : i32
    %dma_start3A_49 = arith.constant 0 : i32
    %dma_start3A_50 = tpu.memref_slice %arg2[%arg0, %dma_start3A_48, %dma_start3A_49] : memref<2x10000x64xf32, #tpu.memory_space<hbm>> -> memref<1x10000x64xf32, #tpu.memory_space<hbm>>
    %dma_start3A_51 = tpu.memref_squeeze %dma_start3A_50 : memref<1x10000x64xf32, #tpu.memory_space<hbm>> -> memref<10000x64xf32, #tpu.memory_space<hbm>>
    %dma_start3A_52 = arith.constant 0 : i32
    %dma_start3A_53 = arith.constant 0 : i32
    %dma_start3A_54 = tpu.memref_slice %dma_start3A_51[%dma_start3A_52, %dma_start3A_53] : memref<10000x64xf32, #tpu.memory_space<hbm>> -> memref<10000x64xf32, #tpu.memory_space<hbm>>
    tpu.enqueue_indirect_dma source(%dma_start3A_54 : memref<10000x64xf32, #tpu.memory_space<hbm>>) target(%dma_start3A_44 : memref<125x64xf32, #tpu.memory_space<vmem>>) offsets(%dma_start3A_47 : memref<125xi32, #tpu.memory_space<vmem>>) semaphore(%arg12 : memref<!tpu.dma_semaphore, #tpu.memory_space<semaphore_mem>>)
    %scan3A_55 = arith.constant 0 : i32
    %scan3A_56 = arith.constant 0 : i32
    %scan3A_57 = arith.constant 40 : i32
    %scan3A_58 = arith.addi %scan3A_56, %scan3A_57 : i32
    %scan3A_59 = arith.constant 1 : i32
    scf.for %scan3A_89 = %scan3A_56 to %scan3A_58 step %scan3A_59  : i32 {
      %mul3A_90 = arith.constant 2 : i32
      %mul3A_91 = arith.muli %mul3A_90, %scan3A_89 : i32
      %gt3A = arith.constant 0 : i32
      %gt3A_92 = arith.cmpi sgt, %scan3A_89, %gt3A : i32
      %convert_element_type3A = arith.extui %gt3A_92 : i1 to i32
      %cond3A = arith.constant 0 : i32
      %cond3A_93 = arith.cmpi ne, %convert_element_type3A, %cond3A : i32
      scf.if %cond3A_93 {
        %sub3A = arith.constant 1 : i32
        %sub3A_308 = arith.subi %mul3A_91, %sub3A : i32
        %mul3A_309 = arith.constant 2 : i32
        %mul3A_310 = arith.muli %sub3A_308, %mul3A_309 : i32
        %add3A_311 = arith.constant 0 : i32
        %add3A_312 = arith.addi %mul3A_310, %add3A_311 : i32
        %dma_wait3A_313 = arith.constant 0 : i32
        %dma_wait3A_314 = arith.constant 0 : i32
        %dma_wait3A_315 = arith.constant 0 : i32
        %dma_wait3A_316 = tpu.memref_slice %arg9[%dma_wait3A_313, %dma_wait3A_314, %dma_wait3A_315] : memref<2x125x64xf32, #tpu.memory_space<vmem>> -> memref<1x125x64xf32, #tpu.memory_space<vmem>>
        %dma_wait3A_317 = tpu.memref_squeeze %dma_wait3A_316 : memref<1x125x64xf32, #tpu.memory_space<vmem>> -> memref<125x64xf32, #tpu.memory_space<vmem>>
        %dma_wait3A_318 = arith.constant 0 : i32
        %dma_wait3A_319 = tpu.memref_slice %arg7[%add3A_312, %dma_wait3A_318] : memref<160x125xi32, #tpu.memory_space<vmem>> -> memref<1x125xi32, #tpu.memory_space<vmem>>
        %dma_wait3A_320 = tpu.memref_squeeze %dma_wait3A_319 : memref<1x125xi32, #tpu.memory_space<vmem>> -> memref<125xi32, #tpu.memory_space<vmem>>
        %dma_wait3A_321 = arith.constant 0 : i32
        %dma_wait3A_322 = arith.constant 0 : i32
        %dma_wait3A_323 = tpu.memref_slice %arg11[%dma_wait3A_321, %dma_wait3A_322] : memref<10240x64xf32, #tpu.memory_space<vmem_shared>> -> memref<10240x64xf32, #tpu.memory_space<vmem_shared>>
        tpu.wait_indirect_dma semaphore(%arg15 : memref<!tpu.dma_semaphore, #tpu.memory_space<semaphore_mem>>) src(%dma_wait3A_317 : memref<125x64xf32, #tpu.memory_space<vmem>>) dst(%dma_wait3A_323 : memref<10240x64xf32, #tpu.memory_space<vmem_shared>>)
        %mul3A_324 = arith.constant 2 : i32
        %mul3A_325 = arith.muli %sub3A_308, %mul3A_324 : i32
        %add3A_326 = arith.constant 1 : i32
        %add3A_327 = arith.addi %mul3A_325, %add3A_326 : i32
        %dma_wait3A_328 = arith.constant 1 : i32
        %dma_wait3A_329 = arith.constant 0 : i32
        %dma_wait3A_330 = arith.constant 0 : i32
        %dma_wait3A_331 = tpu.memref_slice %arg9[%dma_wait3A_328, %dma_wait3A_329, %dma_wait3A_330] : memref<2x125x64xf32, #tpu.memory_space<vmem>> -> memref<1x125x64xf32, #tpu.memory_space<vmem>>
        %dma_wait3A_332 = tpu.memref_squeeze %dma_wait3A_331 : memref<1x125x64xf32, #tpu.memory_space<vmem>> -> memref<125x64xf32, #tpu.memory_space<vmem>>
        %dma_wait3A_333 = arith.constant 0 : i32
        %dma_wait3A_334 = tpu.memref_slice %arg7[%add3A_327, %dma_wait3A_333] : memref<160x125xi32, #tpu.memory_space<vmem>> -> memref<1x125xi32, #tpu.memory_space<vmem>>
        %dma_wait3A_335 = tpu.memref_squeeze %dma_wait3A_334 : memref<1x125xi32, #tpu.memory_space<vmem>> -> memref<125xi32, #tpu.memory_space<vmem>>
        %dma_wait3A_336 = arith.constant 0 : i32
        %dma_wait3A_337 = arith.constant 0 : i32
        %dma_wait3A_338 = tpu.memref_slice %arg11[%dma_wait3A_336, %dma_wait3A_337] : memref<10240x64xf32, #tpu.memory_space<vmem_shared>> -> memref<10240x64xf32, #tpu.memory_space<vmem_shared>>
        tpu.wait_indirect_dma semaphore(%arg15 : memref<!tpu.dma_semaphore, #tpu.memory_space<semaphore_mem>>) src(%dma_wait3A_332 : memref<125x64xf32, #tpu.memory_space<vmem>>) dst(%dma_wait3A_338 : memref<10240x64xf32, #tpu.memory_space<vmem_shared>>)
      } else {
      }
      %add3A_94 = arith.constant 1 : i32
      %add3A_95 = arith.addi %mul3A_91, %add3A_94 : i32
      %mul3A_96 = arith.constant 2 : i32
      %mul3A_97 = arith.muli %add3A_95, %mul3A_96 : i32
      %add3A_98 = arith.constant 0 : i32
      %add3A_99 = arith.addi %mul3A_97, %add3A_98 : i32
      %dma_start3A_100 = arith.constant 0 : i32
      %dma_start3A_101 = arith.constant 0 : i32
      %dma_start3A_102 = arith.constant 0 : i32
      %dma_start3A_103 = tpu.memref_slice %arg9[%dma_start3A_100, %dma_start3A_101, %dma_start3A_102] : memref<2x125x64xf32, #tpu.memory_space<vmem>> -> memref<1x125x64xf32, #tpu.memory_space<vmem>>
      %dma_start3A_104 = tpu.memref_squeeze %dma_start3A_103 : memref<1x125x64xf32, #tpu.memory_space<vmem>> -> memref<125x64xf32, #tpu.memory_space<vmem>>
      %dma_start3A_105 = arith.constant 0 : i32
      %dma_start3A_106 = tpu.memref_slice %arg6[%add3A_99, %dma_start3A_105] : memref<160x125xi32, #tpu.memory_space<vmem>> -> memref<1x125xi32, #tpu.memory_space<vmem>>
      %dma_start3A_107 = tpu.memref_squeeze %dma_start3A_106 : memref<1x125xi32, #tpu.memory_space<vmem>> -> memref<125xi32, #tpu.memory_space<vmem>>
      %dma_start3A_108 = arith.constant 0 : i32
      %dma_start3A_109 = arith.constant 0 : i32
      %dma_start3A_110 = tpu.memref_slice %arg2[%arg0, %dma_start3A_108, %dma_start3A_109] : memref<2x10000x64xf32, #tpu.memory_space<hbm>> -> memref<1x10000x64xf32, #tpu.memory_space<hbm>>
      %dma_start3A_111 = tpu.memref_squeeze %dma_start3A_110 : memref<1x10000x64xf32, #tpu.memory_space<hbm>> -> memref<10000x64xf32, #tpu.memory_space<hbm>>
      %dma_start3A_112 = arith.constant 0 : i32
      %dma_start3A_113 = arith.constant 0 : i32
      %dma_start3A_114 = tpu.memref_slice %dma_start3A_111[%dma_start3A_112, %dma_start3A_113] : memref<10000x64xf32, #tpu.memory_space<hbm>> -> memref<10000x64xf32, #tpu.memory_space<hbm>>
      tpu.enqueue_indirect_dma source(%dma_start3A_114 : memref<10000x64xf32, #tpu.memory_space<hbm>>) target(%dma_start3A_104 : memref<125x64xf32, #tpu.memory_space<vmem>>) offsets(%dma_start3A_107 : memref<125xi32, #tpu.memory_space<vmem>>) semaphore(%arg13 : memref<!tpu.dma_semaphore, #tpu.memory_space<semaphore_mem>>)
      %mul3A_115 = arith.constant 2 : i32
      %mul3A_116 = arith.muli %add3A_95, %mul3A_115 : i32
      %add3A_117 = arith.constant 1 : i32
      %add3A_118 = arith.addi %mul3A_116, %add3A_117 : i32
      %dma_start3A_119 = arith.constant 1 : i32
      %dma_start3A_120 = arith.constant 0 : i32
      %dma_start3A_121 = arith.constant 0 : i32
      %dma_start3A_122 = tpu.memref_slice %arg9[%dma_start3A_119, %dma_start3A_120, %dma_start3A_121] : memref<2x125x64xf32, #tpu.memory_space<vmem>> -> memref<1x125x64xf32, #tpu.memory_space<vmem>>
      %dma_start3A_123 = tpu.memref_squeeze %dma_start3A_122 : memref<1x125x64xf32, #tpu.memory_space<vmem>> -> memref<125x64xf32, #tpu.memory_space<vmem>>
      %dma_start3A_124 = arith.constant 0 : i32
      %dma_start3A_125 = tpu.memref_slice %arg6[%add3A_118, %dma_start3A_124] : memref<160x125xi32, #tpu.memory_space<vmem>> -> memref<1x125xi32, #tpu.memory_space<vmem>>
      %dma_start3A_126 = tpu.memref_squeeze %dma_start3A_125 : memref<1x125xi32, #tpu.memory_space<vmem>> -> memref<125xi32, #tpu.memory_space<vmem>>
      %dma_start3A_127 = arith.constant 0 : i32
      %dma_start3A_128 = arith.constant 0 : i32
      %dma_start3A_129 = tpu.memref_slice %arg2[%arg0, %dma_start3A_127, %dma_start3A_128] : memref<2x10000x64xf32, #tpu.memory_space<hbm>> -> memref<1x10000x64xf32, #tpu.memory_space<hbm>>
      %dma_start3A_130 = tpu.memref_squeeze %dma_start3A_129 : memref<1x10000x64xf32, #tpu.memory_space<hbm>> -> memref<10000x64xf32, #tpu.memory_space<hbm>>
      %dma_start3A_131 = arith.constant 0 : i32
      %dma_start3A_132 = arith.constant 0 : i32
      %dma_start3A_133 = tpu.memref_slice %dma_start3A_130[%dma_start3A_131, %dma_start3A_132] : memref<10000x64xf32, #tpu.memory_space<hbm>> -> memref<10000x64xf32, #tpu.memory_space<hbm>>
      tpu.enqueue_indirect_dma source(%dma_start3A_133 : memref<10000x64xf32, #tpu.memory_space<hbm>>) target(%dma_start3A_123 : memref<125x64xf32, #tpu.memory_space<vmem>>) offsets(%dma_start3A_126 : memref<125xi32, #tpu.memory_space<vmem>>) semaphore(%arg13 : memref<!tpu.dma_semaphore, #tpu.memory_space<semaphore_mem>>)
      %mul3A_134 = arith.constant 2 : i32
      %mul3A_135 = arith.muli %mul3A_91, %mul3A_134 : i32
      %add3A_136 = arith.constant 0 : i32
      %add3A_137 = arith.addi %mul3A_135, %add3A_136 : i32
      %dma_wait3A_138 = arith.constant 0 : i32
      %dma_wait3A_139 = arith.constant 0 : i32
      %dma_wait3A_140 = arith.constant 0 : i32
      %dma_wait3A_141 = tpu.memref_slice %arg8[%dma_wait3A_138, %dma_wait3A_139, %dma_wait3A_140] : memref<2x125x64xf32, #tpu.memory_space<vmem>> -> memref<1x125x64xf32, #tpu.memory_space<vmem>>
      %dma_wait3A_142 = tpu.memref_squeeze %dma_wait3A_141 : memref<1x125x64xf32, #tpu.memory_space<vmem>> -> memref<125x64xf32, #tpu.memory_space<vmem>>
      %dma_wait3A_143 = arith.constant 0 : i32
      %dma_wait3A_144 = tpu.memref_slice %arg6[%add3A_137, %dma_wait3A_143] : memref<160x125xi32, #tpu.memory_space<vmem>> -> memref<1x125xi32, #tpu.memory_space<vmem>>
      %dma_wait3A_145 = tpu.memref_squeeze %dma_wait3A_144 : memref<1x125xi32, #tpu.memory_space<vmem>> -> memref<125xi32, #tpu.memory_space<vmem>>
      %dma_wait3A_146 = arith.constant 0 : i32
      %dma_wait3A_147 = arith.constant 0 : i32
      %dma_wait3A_148 = tpu.memref_slice %arg2[%arg0, %dma_wait3A_146, %dma_wait3A_147] : memref<2x10000x64xf32, #tpu.memory_space<hbm>> -> memref<1x10000x64xf32, #tpu.memory_space<hbm>>
      %dma_wait3A_149 = tpu.memref_squeeze %dma_wait3A_148 : memref<1x10000x64xf32, #tpu.memory_space<hbm>> -> memref<10000x64xf32, #tpu.memory_space<hbm>>
      %dma_wait3A_150 = arith.constant 0 : i32
      %dma_wait3A_151 = arith.constant 0 : i32
      %dma_wait3A_152 = tpu.memref_slice %dma_wait3A_149[%dma_wait3A_150, %dma_wait3A_151] : memref<10000x64xf32, #tpu.memory_space<hbm>> -> memref<10000x64xf32, #tpu.memory_space<hbm>>
      tpu.wait_indirect_dma semaphore(%arg12 : memref<!tpu.dma_semaphore, #tpu.memory_space<semaphore_mem>>) src(%dma_wait3A_152 : memref<10000x64xf32, #tpu.memory_space<hbm>>) dst(%dma_wait3A_142 : memref<125x64xf32, #tpu.memory_space<vmem>>)
      %mul3A_153 = arith.constant 2 : i32
      %mul3A_154 = arith.muli %mul3A_91, %mul3A_153 : i32
      %add3A_155 = arith.constant 1 : i32
      %add3A_156 = arith.addi %mul3A_154, %add3A_155 : i32
      %dma_wait3A_157 = arith.constant 1 : i32
      %dma_wait3A_158 = arith.constant 0 : i32
      %dma_wait3A_159 = arith.constant 0 : i32
      %dma_wait3A_160 = tpu.memref_slice %arg8[%dma_wait3A_157, %dma_wait3A_158, %dma_wait3A_159] : memref<2x125x64xf32, #tpu.memory_space<vmem>> -> memref<1x125x64xf32, #tpu.memory_space<vmem>>
      %dma_wait3A_161 = tpu.memref_squeeze %dma_wait3A_160 : memref<1x125x64xf32, #tpu.memory_space<vmem>> -> memref<125x64xf32, #tpu.memory_space<vmem>>
      %dma_wait3A_162 = arith.constant 0 : i32
      %dma_wait3A_163 = tpu.memref_slice %arg6[%add3A_156, %dma_wait3A_162] : memref<160x125xi32, #tpu.memory_space<vmem>> -> memref<1x125xi32, #tpu.memory_space<vmem>>
      %dma_wait3A_164 = tpu.memref_squeeze %dma_wait3A_163 : memref<1x125xi32, #tpu.memory_space<vmem>> -> memref<125xi32, #tpu.memory_space<vmem>>
      %dma_wait3A_165 = arith.constant 0 : i32
      %dma_wait3A_166 = arith.constant 0 : i32
      %dma_wait3A_167 = tpu.memref_slice %arg2[%arg0, %dma_wait3A_165, %dma_wait3A_166] : memref<2x10000x64xf32, #tpu.memory_space<hbm>> -> memref<1x10000x64xf32, #tpu.memory_space<hbm>>
      %dma_wait3A_168 = tpu.memref_squeeze %dma_wait3A_167 : memref<1x10000x64xf32, #tpu.memory_space<hbm>> -> memref<10000x64xf32, #tpu.memory_space<hbm>>
      %dma_wait3A_169 = arith.constant 0 : i32
      %dma_wait3A_170 = arith.constant 0 : i32
      %dma_wait3A_171 = tpu.memref_slice %dma_wait3A_168[%dma_wait3A_169, %dma_wait3A_170] : memref<10000x64xf32, #tpu.memory_space<hbm>> -> memref<10000x64xf32, #tpu.memory_space<hbm>>
      tpu.wait_indirect_dma semaphore(%arg12 : memref<!tpu.dma_semaphore, #tpu.memory_space<semaphore_mem>>) src(%dma_wait3A_171 : memref<10000x64xf32, #tpu.memory_space<hbm>>) dst(%dma_wait3A_161 : memref<125x64xf32, #tpu.memory_space<vmem>>)
      %mul3A_172 = arith.constant 2 : i32
      %mul3A_173 = arith.muli %mul3A_91, %mul3A_172 : i32
      %add3A_174 = arith.constant 0 : i32
      %add3A_175 = arith.addi %mul3A_173, %add3A_174 : i32
      %dma_start3A_176 = arith.constant 0 : i32
      %dma_start3A_177 = arith.constant 0 : i32
      %dma_start3A_178 = arith.constant 0 : i32
      %dma_start3A_179 = tpu.memref_slice %arg8[%dma_start3A_176, %dma_start3A_177, %dma_start3A_178] : memref<2x125x64xf32, #tpu.memory_space<vmem>> -> memref<1x125x64xf32, #tpu.memory_space<vmem>>
      %dma_start3A_180 = tpu.memref_squeeze %dma_start3A_179 : memref<1x125x64xf32, #tpu.memory_space<vmem>> -> memref<125x64xf32, #tpu.memory_space<vmem>>
      %dma_start3A_181 = arith.constant 0 : i32
      %dma_start3A_182 = tpu.memref_slice %arg7[%add3A_175, %dma_start3A_181] : memref<160x125xi32, #tpu.memory_space<vmem>> -> memref<1x125xi32, #tpu.memory_space<vmem>>
      %dma_start3A_183 = tpu.memref_squeeze %dma_start3A_182 : memref<1x125xi32, #tpu.memory_space<vmem>> -> memref<125xi32, #tpu.memory_space<vmem>>
      %dma_start3A_184 = arith.constant 0 : i32
      %dma_start3A_185 = arith.constant 0 : i32
      %dma_start3A_186 = tpu.memref_slice %arg11[%dma_start3A_184, %dma_start3A_185] : memref<10240x64xf32, #tpu.memory_space<vmem_shared>> -> memref<10240x64xf32, #tpu.memory_space<vmem_shared>>
      tpu.enqueue_indirect_dma source(%dma_start3A_180 : memref<125x64xf32, #tpu.memory_space<vmem>>) target(%dma_start3A_186 : memref<10240x64xf32, #tpu.memory_space<vmem_shared>>) offsets(%dma_start3A_183 : memref<125xi32, #tpu.memory_space<vmem>>) semaphore(%arg14 : memref<!tpu.dma_semaphore, #tpu.memory_space<semaphore_mem>>) {add = true}
      %mul3A_187 = arith.constant 2 : i32
      %mul3A_188 = arith.muli %mul3A_91, %mul3A_187 : i32
      %add3A_189 = arith.constant 1 : i32
      %add3A_190 = arith.addi %mul3A_188, %add3A_189 : i32
      %dma_start3A_191 = arith.constant 1 : i32
      %dma_start3A_192 = arith.constant 0 : i32
      %dma_start3A_193 = arith.constant 0 : i32
      %dma_start3A_194 = tpu.memref_slice %arg8[%dma_start3A_191, %dma_start3A_192, %dma_start3A_193] : memref<2x125x64xf32, #tpu.memory_space<vmem>> -> memref<1x125x64xf32, #tpu.memory_space<vmem>>
      %dma_start3A_195 = tpu.memref_squeeze %dma_start3A_194 : memref<1x125x64xf32, #tpu.memory_space<vmem>> -> memref<125x64xf32, #tpu.memory_space<vmem>>
      %dma_start3A_196 = arith.constant 0 : i32
      %dma_start3A_197 = tpu.memref_slice %arg7[%add3A_190, %dma_start3A_196] : memref<160x125xi32, #tpu.memory_space<vmem>> -> memref<1x125xi32, #tpu.memory_space<vmem>>
      %dma_start3A_198 = tpu.memref_squeeze %dma_start3A_197 : memref<1x125xi32, #tpu.memory_space<vmem>> -> memref<125xi32, #tpu.memory_space<vmem>>
      %dma_start3A_199 = arith.constant 0 : i32
      %dma_start3A_200 = arith.constant 0 : i32
      %dma_start3A_201 = tpu.memref_slice %arg11[%dma_start3A_199, %dma_start3A_200] : memref<10240x64xf32, #tpu.memory_space<vmem_shared>> -> memref<10240x64xf32, #tpu.memory_space<vmem_shared>>
      tpu.enqueue_indirect_dma source(%dma_start3A_195 : memref<125x64xf32, #tpu.memory_space<vmem>>) target(%dma_start3A_201 : memref<10240x64xf32, #tpu.memory_space<vmem_shared>>) offsets(%dma_start3A_198 : memref<125xi32, #tpu.memory_space<vmem>>) semaphore(%arg14 : memref<!tpu.dma_semaphore, #tpu.memory_space<semaphore_mem>>) {add = true}
      %mul3A_202 = arith.constant 2 : i32
      %mul3A_203 = arith.muli %mul3A_91, %mul3A_202 : i32
      %add3A_204 = arith.constant 0 : i32
      %add3A_205 = arith.addi %mul3A_203, %add3A_204 : i32
      %dma_wait3A_206 = arith.constant 0 : i32
      %dma_wait3A_207 = arith.constant 0 : i32
      %dma_wait3A_208 = arith.constant 0 : i32
      %dma_wait3A_209 = tpu.memref_slice %arg8[%dma_wait3A_206, %dma_wait3A_207, %dma_wait3A_208] : memref<2x125x64xf32, #tpu.memory_space<vmem>> -> memref<1x125x64xf32, #tpu.memory_space<vmem>>
      %dma_wait3A_210 = tpu.memref_squeeze %dma_wait3A_209 : memref<1x125x64xf32, #tpu.memory_space<vmem>> -> memref<125x64xf32, #tpu.memory_space<vmem>>
      %dma_wait3A_211 = arith.constant 0 : i32
      %dma_wait3A_212 = tpu.memref_slice %arg7[%add3A_205, %dma_wait3A_211] : memref<160x125xi32, #tpu.memory_space<vmem>> -> memref<1x125xi32, #tpu.memory_space<vmem>>
      %dma_wait3A_213 = tpu.memref_squeeze %dma_wait3A_212 : memref<1x125xi32, #tpu.memory_space<vmem>> -> memref<125xi32, #tpu.memory_space<vmem>>
      %dma_wait3A_214 = arith.constant 0 : i32
      %dma_wait3A_215 = arith.constant 0 : i32
      %dma_wait3A_216 = tpu.memref_slice %arg11[%dma_wait3A_214, %dma_wait3A_215] : memref<10240x64xf32, #tpu.memory_space<vmem_shared>> -> memref<10240x64xf32, #tpu.memory_space<vmem_shared>>
      tpu.wait_indirect_dma semaphore(%arg14 : memref<!tpu.dma_semaphore, #tpu.memory_space<semaphore_mem>>) src(%dma_wait3A_210 : memref<125x64xf32, #tpu.memory_space<vmem>>) dst(%dma_wait3A_216 : memref<10240x64xf32, #tpu.memory_space<vmem_shared>>)
      %mul3A_217 = arith.constant 2 : i32
      %mul3A_218 = arith.muli %mul3A_91, %mul3A_217 : i32
      %add3A_219 = arith.constant 1 : i32
      %add3A_220 = arith.addi %mul3A_218, %add3A_219 : i32
      %dma_wait3A_221 = arith.constant 1 : i32
      %dma_wait3A_222 = arith.constant 0 : i32
      %dma_wait3A_223 = arith.constant 0 : i32
      %dma_wait3A_224 = tpu.memref_slice %arg8[%dma_wait3A_221, %dma_wait3A_222, %dma_wait3A_223] : memref<2x125x64xf32, #tpu.memory_space<vmem>> -> memref<1x125x64xf32, #tpu.memory_space<vmem>>
      %dma_wait3A_225 = tpu.memref_squeeze %dma_wait3A_224 : memref<1x125x64xf32, #tpu.memory_space<vmem>> -> memref<125x64xf32, #tpu.memory_space<vmem>>
      %dma_wait3A_226 = arith.constant 0 : i32
      %dma_wait3A_227 = tpu.memref_slice %arg7[%add3A_220, %dma_wait3A_226] : memref<160x125xi32, #tpu.memory_space<vmem>> -> memref<1x125xi32, #tpu.memory_space<vmem>>
      %dma_wait3A_228 = tpu.memref_squeeze %dma_wait3A_227 : memref<1x125xi32, #tpu.memory_space<vmem>> -> memref<125xi32, #tpu.memory_space<vmem>>
      %dma_wait3A_229 = arith.constant 0 : i32
      %dma_wait3A_230 = arith.constant 0 : i32
      %dma_wait3A_231 = tpu.memref_slice %arg11[%dma_wait3A_229, %dma_wait3A_230] : memref<10240x64xf32, #tpu.memory_space<vmem_shared>> -> memref<10240x64xf32, #tpu.memory_space<vmem_shared>>
      tpu.wait_indirect_dma semaphore(%arg14 : memref<!tpu.dma_semaphore, #tpu.memory_space<semaphore_mem>>) src(%dma_wait3A_225 : memref<125x64xf32, #tpu.memory_space<vmem>>) dst(%dma_wait3A_231 : memref<10240x64xf32, #tpu.memory_space<vmem_shared>>)
      %lt3A = arith.constant 39 : i32
      %lt3A_232 = arith.cmpi slt, %scan3A_89, %lt3A : i32
      %convert_element_type3A_233 = arith.extui %lt3A_232 : i1 to i32
      %cond3A_234 = arith.constant 0 : i32
      %cond3A_235 = arith.cmpi ne, %convert_element_type3A_233, %cond3A_234 : i32
      scf.if %cond3A_235 {
        %add3A_308 = arith.constant 2 : i32
        %add3A_309 = arith.addi %mul3A_91, %add3A_308 : i32
        %mul3A_310 = arith.constant 2 : i32
        %mul3A_311 = arith.muli %add3A_309, %mul3A_310 : i32
        %add3A_312 = arith.constant 0 : i32
        %add3A_313 = arith.addi %mul3A_311, %add3A_312 : i32
        %dma_start3A_314 = arith.constant 0 : i32
        %dma_start3A_315 = arith.constant 0 : i32
        %dma_start3A_316 = arith.constant 0 : i32
        %dma_start3A_317 = tpu.memref_slice %arg8[%dma_start3A_314, %dma_start3A_315, %dma_start3A_316] : memref<2x125x64xf32, #tpu.memory_space<vmem>> -> memref<1x125x64xf32, #tpu.memory_space<vmem>>
        %dma_start3A_318 = tpu.memref_squeeze %dma_start3A_317 : memref<1x125x64xf32, #tpu.memory_space<vmem>> -> memref<125x64xf32, #tpu.memory_space<vmem>>
        %dma_start3A_319 = arith.constant 0 : i32
        %dma_start3A_320 = tpu.memref_slice %arg6[%add3A_313, %dma_start3A_319] : memref<160x125xi32, #tpu.memory_space<vmem>> -> memref<1x125xi32, #tpu.memory_space<vmem>>
        %dma_start3A_321 = tpu.memref_squeeze %dma_start3A_320 : memref<1x125xi32, #tpu.memory_space<vmem>> -> memref<125xi32, #tpu.memory_space<vmem>>
        %dma_start3A_322 = arith.constant 0 : i32
        %dma_start3A_323 = arith.constant 0 : i32
        %dma_start3A_324 = tpu.memref_slice %arg2[%arg0, %dma_start3A_322, %dma_start3A_323] : memref<2x10000x64xf32, #tpu.memory_space<hbm>> -> memref<1x10000x64xf32, #tpu.memory_space<hbm>>
        %dma_start3A_325 = tpu.memref_squeeze %dma_start3A_324 : memref<1x10000x64xf32, #tpu.memory_space<hbm>> -> memref<10000x64xf32, #tpu.memory_space<hbm>>
        %dma_start3A_326 = arith.constant 0 : i32
        %dma_start3A_327 = arith.constant 0 : i32
        %dma_start3A_328 = tpu.memref_slice %dma_start3A_325[%dma_start3A_326, %dma_start3A_327] : memref<10000x64xf32, #tpu.memory_space<hbm>> -> memref<10000x64xf32, #tpu.memory_space<hbm>>
        tpu.enqueue_indirect_dma source(%dma_start3A_328 : memref<10000x64xf32, #tpu.memory_space<hbm>>) target(%dma_start3A_318 : memref<125x64xf32, #tpu.memory_space<vmem>>) offsets(%dma_start3A_321 : memref<125xi32, #tpu.memory_space<vmem>>) semaphore(%arg12 : memref<!tpu.dma_semaphore, #tpu.memory_space<semaphore_mem>>)
        %mul3A_329 = arith.constant 2 : i32
        %mul3A_330 = arith.muli %add3A_309, %mul3A_329 : i32
        %add3A_331 = arith.constant 1 : i32
        %add3A_332 = arith.addi %mul3A_330, %add3A_331 : i32
        %dma_start3A_333 = arith.constant 1 : i32
        %dma_start3A_334 = arith.constant 0 : i32
        %dma_start3A_335 = arith.constant 0 : i32
        %dma_start3A_336 = tpu.memref_slice %arg8[%dma_start3A_333, %dma_start3A_334, %dma_start3A_335] : memref<2x125x64xf32, #tpu.memory_space<vmem>> -> memref<1x125x64xf32, #tpu.memory_space<vmem>>
        %dma_start3A_337 = tpu.memref_squeeze %dma_start3A_336 : memref<1x125x64xf32, #tpu.memory_space<vmem>> -> memref<125x64xf32, #tpu.memory_space<vmem>>
        %dma_start3A_338 = arith.constant 0 : i32
        %dma_start3A_339 = tpu.memref_slice %arg6[%add3A_332, %dma_start3A_338] : memref<160x125xi32, #tpu.memory_space<vmem>> -> memref<1x125xi32, #tpu.memory_space<vmem>>
        %dma_start3A_340 = tpu.memref_squeeze %dma_start3A_339 : memref<1x125xi32, #tpu.memory_space<vmem>> -> memref<125xi32, #tpu.memory_space<vmem>>
        %dma_start3A_341 = arith.constant 0 : i32
        %dma_start3A_342 = arith.constant 0 : i32
        %dma_start3A_343 = tpu.memref_slice %arg2[%arg0, %dma_start3A_341, %dma_start3A_342] : memref<2x10000x64xf32, #tpu.memory_space<hbm>> -> memref<1x10000x64xf32, #tpu.memory_space<hbm>>
        %dma_start3A_344 = tpu.memref_squeeze %dma_start3A_343 : memref<1x10000x64xf32, #tpu.memory_space<hbm>> -> memref<10000x64xf32, #tpu.memory_space<hbm>>
        %dma_start3A_345 = arith.constant 0 : i32
        %dma_start3A_346 = arith.constant 0 : i32
        %dma_start3A_347 = tpu.memref_slice %dma_start3A_344[%dma_start3A_345, %dma_start3A_346] : memref<10000x64xf32, #tpu.memory_space<hbm>> -> memref<10000x64xf32, #tpu.memory_space<hbm>>
        tpu.enqueue_indirect_dma source(%dma_start3A_347 : memref<10000x64xf32, #tpu.memory_space<hbm>>) target(%dma_start3A_337 : memref<125x64xf32, #tpu.memory_space<vmem>>) offsets(%dma_start3A_340 : memref<125xi32, #tpu.memory_space<vmem>>) semaphore(%arg12 : memref<!tpu.dma_semaphore, #tpu.memory_space<semaphore_mem>>)
      } else {
      }
      %add3A_236 = arith.constant 1 : i32
      %add3A_237 = arith.addi %mul3A_91, %add3A_236 : i32
      %mul3A_238 = arith.constant 2 : i32
      %mul3A_239 = arith.muli %add3A_237, %mul3A_238 : i32
      %add3A_240 = arith.constant 0 : i32
      %add3A_241 = arith.addi %mul3A_239, %add3A_240 : i32
      %dma_wait3A_242 = arith.constant 0 : i32
      %dma_wait3A_243 = arith.constant 0 : i32
      %dma_wait3A_244 = arith.constant 0 : i32
      %dma_wait3A_245 = tpu.memref_slice %arg9[%dma_wait3A_242, %dma_wait3A_243, %dma_wait3A_244] : memref<2x125x64xf32, #tpu.memory_space<vmem>> -> memref<1x125x64xf32, #tpu.memory_space<vmem>>
      %dma_wait3A_246 = tpu.memref_squeeze %dma_wait3A_245 : memref<1x125x64xf32, #tpu.memory_space<vmem>> -> memref<125x64xf32, #tpu.memory_space<vmem>>
      %dma_wait3A_247 = arith.constant 0 : i32
      %dma_wait3A_248 = tpu.memref_slice %arg6[%add3A_241, %dma_wait3A_247] : memref<160x125xi32, #tpu.memory_space<vmem>> -> memref<1x125xi32, #tpu.memory_space<vmem>>
      %dma_wait3A_249 = tpu.memref_squeeze %dma_wait3A_248 : memref<1x125xi32, #tpu.memory_space<vmem>> -> memref<125xi32, #tpu.memory_space<vmem>>
      %dma_wait3A_250 = arith.constant 0 : i32
      %dma_wait3A_251 = arith.constant 0 : i32
      %dma_wait3A_252 = tpu.memref_slice %arg2[%arg0, %dma_wait3A_250, %dma_wait3A_251] : memref<2x10000x64xf32, #tpu.memory_space<hbm>> -> memref<1x10000x64xf32, #tpu.memory_space<hbm>>
      %dma_wait3A_253 = tpu.memref_squeeze %dma_wait3A_252 : memref<1x10000x64xf32, #tpu.memory_space<hbm>> -> memref<10000x64xf32, #tpu.memory_space<hbm>>
      %dma_wait3A_254 = arith.constant 0 : i32
      %dma_wait3A_255 = arith.constant 0 : i32
      %dma_wait3A_256 = tpu.memref_slice %dma_wait3A_253[%dma_wait3A_254, %dma_wait3A_255] : memref<10000x64xf32, #tpu.memory_space<hbm>> -> memref<10000x64xf32, #tpu.memory_space<hbm>>
      tpu.wait_indirect_dma semaphore(%arg13 : memref<!tpu.dma_semaphore, #tpu.memory_space<semaphore_mem>>) src(%dma_wait3A_256 : memref<10000x64xf32, #tpu.memory_space<hbm>>) dst(%dma_wait3A_246 : memref<125x64xf32, #tpu.memory_space<vmem>>)
      %mul3A_257 = arith.constant 2 : i32
      %mul3A_258 = arith.muli %add3A_237, %mul3A_257 : i32
      %add3A_259 = arith.constant 1 : i32
      %add3A_260 = arith.addi %mul3A_258, %add3A_259 : i32
      %dma_wait3A_261 = arith.constant 1 : i32
      %dma_wait3A_262 = arith.constant 0 : i32
      %dma_wait3A_263 = arith.constant 0 : i32
      %dma_wait3A_264 = tpu.memref_slice %arg9[%dma_wait3A_261, %dma_wait3A_262, %dma_wait3A_263] : memref<2x125x64xf32, #tpu.memory_space<vmem>> -> memref<1x125x64xf32, #tpu.memory_space<vmem>>
      %dma_wait3A_265 = tpu.memref_squeeze %dma_wait3A_264 : memref<1x125x64xf32, #tpu.memory_space<vmem>> -> memref<125x64xf32, #tpu.memory_space<vmem>>
      %dma_wait3A_266 = arith.constant 0 : i32
      %dma_wait3A_267 = tpu.memref_slice %arg6[%add3A_260, %dma_wait3A_266] : memref<160x125xi32, #tpu.memory_space<vmem>> -> memref<1x125xi32, #tpu.memory_space<vmem>>
      %dma_wait3A_268 = tpu.memref_squeeze %dma_wait3A_267 : memref<1x125xi32, #tpu.memory_space<vmem>> -> memref<125xi32, #tpu.memory_space<vmem>>
      %dma_wait3A_269 = arith.constant 0 : i32
      %dma_wait3A_270 = arith.constant 0 : i32
      %dma_wait3A_271 = tpu.memref_slice %arg2[%arg0, %dma_wait3A_269, %dma_wait3A_270] : memref<2x10000x64xf32, #tpu.memory_space<hbm>> -> memref<1x10000x64xf32, #tpu.memory_space<hbm>>
      %dma_wait3A_272 = tpu.memref_squeeze %dma_wait3A_271 : memref<1x10000x64xf32, #tpu.memory_space<hbm>> -> memref<10000x64xf32, #tpu.memory_space<hbm>>
      %dma_wait3A_273 = arith.constant 0 : i32
      %dma_wait3A_274 = arith.constant 0 : i32
      %dma_wait3A_275 = tpu.memref_slice %dma_wait3A_272[%dma_wait3A_273, %dma_wait3A_274] : memref<10000x64xf32, #tpu.memory_space<hbm>> -> memref<10000x64xf32, #tpu.memory_space<hbm>>
      tpu.wait_indirect_dma semaphore(%arg13 : memref<!tpu.dma_semaphore, #tpu.memory_space<semaphore_mem>>) src(%dma_wait3A_275 : memref<10000x64xf32, #tpu.memory_space<hbm>>) dst(%dma_wait3A_265 : memref<125x64xf32, #tpu.memory_space<vmem>>)
      %add3A_276 = arith.constant 1 : i32
      %add3A_277 = arith.addi %mul3A_91, %add3A_276 : i32
      %mul3A_278 = arith.constant 2 : i32
      %mul3A_279 = arith.muli %add3A_277, %mul3A_278 : i32
      %add3A_280 = arith.constant 0 : i32
      %add3A_281 = arith.addi %mul3A_279, %add3A_280 : i32
      %dma_start3A_282 = arith.constant 0 : i32
      %dma_start3A_283 = arith.constant 0 : i32
      %dma_start3A_284 = arith.constant 0 : i32
      %dma_start3A_285 = tpu.memref_slice %arg9[%dma_start3A_282, %dma_start3A_283, %dma_start3A_284] : memref<2x125x64xf32, #tpu.memory_space<vmem>> -> memref<1x125x64xf32, #tpu.memory_space<vmem>>
      %dma_start3A_286 = tpu.memref_squeeze %dma_start3A_285 : memref<1x125x64xf32, #tpu.memory_space<vmem>> -> memref<125x64xf32, #tpu.memory_space<vmem>>
      %dma_start3A_287 = arith.constant 0 : i32
      %dma_start3A_288 = tpu.memref_slice %arg7[%add3A_281, %dma_start3A_287] : memref<160x125xi32, #tpu.memory_space<vmem>> -> memref<1x125xi32, #tpu.memory_space<vmem>>
      %dma_start3A_289 = tpu.memref_squeeze %dma_start3A_288 : memref<1x125xi32, #tpu.memory_space<vmem>> -> memref<125xi32, #tpu.memory_space<vmem>>
      %dma_start3A_290 = arith.constant 0 : i32
      %dma_start3A_291 = arith.constant 0 : i32
      %dma_start3A_292 = tpu.memref_slice %arg11[%dma_start3A_290, %dma_start3A_291] : memref<10240x64xf32, #tpu.memory_space<vmem_shared>> -> memref<10240x64xf32, #tpu.memory_space<vmem_shared>>
      tpu.enqueue_indirect_dma source(%dma_start3A_286 : memref<125x64xf32, #tpu.memory_space<vmem>>) target(%dma_start3A_292 : memref<10240x64xf32, #tpu.memory_space<vmem_shared>>) offsets(%dma_start3A_289 : memref<125xi32, #tpu.memory_space<vmem>>) semaphore(%arg15 : memref<!tpu.dma_semaphore, #tpu.memory_space<semaphore_mem>>) {add = true}
      %mul3A_293 = arith.constant 2 : i32
      %mul3A_294 = arith.muli %add3A_277, %mul3A_293 : i32
      %add3A_295 = arith.constant 1 : i32
      %add3A_296 = arith.addi %mul3A_294, %add3A_295 : i32
      %dma_start3A_297 = arith.constant 1 : i32
      %dma_start3A_298 = arith.constant 0 : i32
      %dma_start3A_299 = arith.constant 0 : i32
      %dma_start3A_300 = tpu.memref_slice %arg9[%dma_start3A_297, %dma_start3A_298, %dma_start3A_299] : memref<2x125x64xf32, #tpu.memory_space<vmem>> -> memref<1x125x64xf32, #tpu.memory_space<vmem>>
      %dma_start3A_301 = tpu.memref_squeeze %dma_start3A_300 : memref<1x125x64xf32, #tpu.memory_space<vmem>> -> memref<125x64xf32, #tpu.memory_space<vmem>>
      %dma_start3A_302 = arith.constant 0 : i32
      %dma_start3A_303 = tpu.memref_slice %arg7[%add3A_296, %dma_start3A_302] : memref<160x125xi32, #tpu.memory_space<vmem>> -> memref<1x125xi32, #tpu.memory_space<vmem>>
      %dma_start3A_304 = tpu.memref_squeeze %dma_start3A_303 : memref<1x125xi32, #tpu.memory_space<vmem>> -> memref<125xi32, #tpu.memory_space<vmem>>
      %dma_start3A_305 = arith.constant 0 : i32
      %dma_start3A_306 = arith.constant 0 : i32
      %dma_start3A_307 = tpu.memref_slice %arg11[%dma_start3A_305, %dma_start3A_306] : memref<10240x64xf32, #tpu.memory_space<vmem_shared>> -> memref<10240x64xf32, #tpu.memory_space<vmem_shared>>
      tpu.enqueue_indirect_dma source(%dma_start3A_301 : memref<125x64xf32, #tpu.memory_space<vmem>>) target(%dma_start3A_307 : memref<10240x64xf32, #tpu.memory_space<vmem_shared>>) offsets(%dma_start3A_304 : memref<125xi32, #tpu.memory_space<vmem>>) semaphore(%arg15 : memref<!tpu.dma_semaphore, #tpu.memory_space<semaphore_mem>>) {add = true}
    }
    %scan3A_60 = arith.constant 40 : i32
    %dma_wait3A = arith.constant 0 : i32
    %dma_wait3A_61 = arith.constant 158 : i32
    %dma_wait3A_62 = arith.constant 0 : i32
    %dma_wait3A_63 = arith.constant 0 : i32
    %dma_wait3A_64 = tpu.memref_slice %arg9[%dma_wait3A, %dma_wait3A_62, %dma_wait3A_63] : memref<2x125x64xf32, #tpu.memory_space<vmem>> -> memref<1x125x64xf32, #tpu.memory_space<vmem>>
    %dma_wait3A_65 = tpu.memref_squeeze %dma_wait3A_64 : memref<1x125x64xf32, #tpu.memory_space<vmem>> -> memref<125x64xf32, #tpu.memory_space<vmem>>
    %dma_wait3A_66 = arith.constant 0 : i32
    %dma_wait3A_67 = tpu.memref_slice %arg7[%dma_wait3A_61, %dma_wait3A_66] : memref<160x125xi32, #tpu.memory_space<vmem>> -> memref<1x125xi32, #tpu.memory_space<vmem>>
    %dma_wait3A_68 = tpu.memref_squeeze %dma_wait3A_67 : memref<1x125xi32, #tpu.memory_space<vmem>> -> memref<125xi32, #tpu.memory_space<vmem>>
    %dma_wait3A_69 = arith.constant 0 : i32
    %dma_wait3A_70 = arith.constant 0 : i32
    %dma_wait3A_71 = tpu.memref_slice %arg11[%dma_wait3A_69, %dma_wait3A_70] : memref<10240x64xf32, #tpu.memory_space<vmem_shared>> -> memref<10240x64xf32, #tpu.memory_space<vmem_shared>>
    tpu.wait_indirect_dma semaphore(%arg15 : memref<!tpu.dma_semaphore, #tpu.memory_space<semaphore_mem>>) src(%dma_wait3A_65 : memref<125x64xf32, #tpu.memory_space<vmem>>) dst(%dma_wait3A_71 : memref<10240x64xf32, #tpu.memory_space<vmem_shared>>)
    %dma_wait3A_72 = arith.constant 1 : i32
    %dma_wait3A_73 = arith.constant 159 : i32
    %dma_wait3A_74 = arith.constant 0 : i32
    %dma_wait3A_75 = arith.constant 0 : i32
    %dma_wait3A_76 = tpu.memref_slice %arg9[%dma_wait3A_72, %dma_wait3A_74, %dma_wait3A_75] : memref<2x125x64xf32, #tpu.memory_space<vmem>> -> memref<1x125x64xf32, #tpu.memory_space<vmem>>
    %dma_wait3A_77 = tpu.memref_squeeze %dma_wait3A_76 : memref<1x125x64xf32, #tpu.memory_space<vmem>> -> memref<125x64xf32, #tpu.memory_space<vmem>>
    %dma_wait3A_78 = arith.constant 0 : i32
    %dma_wait3A_79 = tpu.memref_slice %arg7[%dma_wait3A_73, %dma_wait3A_78] : memref<160x125xi32, #tpu.memory_space<vmem>> -> memref<1x125xi32, #tpu.memory_space<vmem>>
    %dma_wait3A_80 = tpu.memref_squeeze %dma_wait3A_79 : memref<1x125xi32, #tpu.memory_space<vmem>> -> memref<125xi32, #tpu.memory_space<vmem>>
    %dma_wait3A_81 = arith.constant 0 : i32
    %dma_wait3A_82 = arith.constant 0 : i32
    %dma_wait3A_83 = tpu.memref_slice %arg11[%dma_wait3A_81, %dma_wait3A_82] : memref<10240x64xf32, #tpu.memory_space<vmem_shared>> -> memref<10240x64xf32, #tpu.memory_space<vmem_shared>>
    tpu.wait_indirect_dma semaphore(%arg15 : memref<!tpu.dma_semaphore, #tpu.memory_space<semaphore_mem>>) src(%dma_wait3A_77 : memref<125x64xf32, #tpu.memory_space<vmem>>) dst(%dma_wait3A_83 : memref<10240x64xf32, #tpu.memory_space<vmem_shared>>)
    %barrier3A_84 = arith.constant 0 : index
    tpu.barrier barrier_id(%barrier3A_84)
    %mul3A_85 = arith.constant 640 : i32
    %mul3A_86 = arith.muli %arg1, %mul3A_85 : i32
    %mul3A_87 = arith.constant 640 : i32
    %mul3A_88 = arith.muli %arg1, %mul3A_87 : i32
    "tpu.region"() ({
      %run_scoped3A = tpu.sem_alloc : memref<!tpu.dma_semaphore, #tpu.memory_space<semaphore_mem>>
      %dma_start3A_89 = arith.constant 0 : i32
      %dma_start3A_90 = tpu.memref_slice %arg5[%arg0, %mul3A_88, %dma_start3A_89] : memref<2x10240x64xf32, #tpu.memory_space<hbm>> -> memref<1x640x64xf32, #tpu.memory_space<hbm>>
      %dma_start3A_91 = tpu.memref_squeeze %dma_start3A_90 : memref<1x640x64xf32, #tpu.memory_space<hbm>> -> memref<640x64xf32, #tpu.memory_space<hbm>>
      %dma_start3A_92 = arith.constant 0 : i32
      %dma_start3A_93 = tpu.memref_slice %arg11[%mul3A_86, %dma_start3A_92] : memref<10240x64xf32, #tpu.memory_space<vmem_shared>> -> memref<640x64xf32, #tpu.memory_space<vmem_shared>>
      tpu.enqueue_dma source(%dma_start3A_93 : memref<640x64xf32, #tpu.memory_space<vmem_shared>>) target(%dma_start3A_91 : memref<640x64xf32, #tpu.memory_space<hbm>>) target_semaphore(%run_scoped3A : memref<!tpu.dma_semaphore, #tpu.memory_space<semaphore_mem>>)
      %dma_wait3A_94 = arith.constant 0 : i32
      %dma_wait3A_95 = tpu.memref_slice %arg5[%arg0, %mul3A_88, %dma_wait3A_94] : memref<2x10240x64xf32, #tpu.memory_space<hbm>> -> memref<1x640x64xf32, #tpu.memory_space<hbm>>
      %dma_wait3A_96 = tpu.memref_squeeze %dma_wait3A_95 : memref<1x640x64xf32, #tpu.memory_space<hbm>> -> memref<640x64xf32, #tpu.memory_space<hbm>>
      %dma_wait3A_97 = arith.constant 0 : i32
      %dma_wait3A_98 = tpu.memref_slice %arg11[%mul3A_86, %dma_wait3A_97] : memref<10240x64xf32, #tpu.memory_space<vmem_shared>> -> memref<640x64xf32, #tpu.memory_space<vmem_shared>>
      tpu.wait_dma2 semaphore(%run_scoped3A : memref<!tpu.dma_semaphore, #tpu.memory_space<semaphore_mem>>) src(%dma_wait3A_98 : memref<640x64xf32, #tpu.memory_space<vmem_shared>>) dst(%dma_wait3A_96 : memref<640x64xf32, #tpu.memory_space<hbm>>)
      tpu.yield
    }) : () -> ()
    return
  }
}

#map = affine_map<(d0, d1) -> (0, 0, 0)>
module attributes {stable_mosaic.version = 14 : i64} {
  func.func @_sc_scatter(%arg0: i32, %arg1: i32, %arg2: memref<2x10000x64xf32, #tpu.memory_space<hbm>>, %arg3: memref<16x160x125xi32, #tpu.memory_space<hbm>>, %arg4: memref<16x160x125xi32, #tpu.memory_space<hbm>>, %arg5: memref<2x10240x64xf32, #tpu.memory_space<hbm>>, %arg6: memref<160x125xi32, #tpu.memory_space<vmem>>, %arg7: memref<160x125xi32, #tpu.memory_space<vmem>>, %arg8: memref<2x125x64xf32, #tpu.memory_space<vmem>>, %arg9: memref<2x125x64xf32, #tpu.memory_space<vmem>>, %arg10: memref<128x64xf32, #tpu.memory_space<vmem>>, %arg11: memref<10240x64xf32, #tpu.memory_space<vmem_shared>>, %arg12: memref<!tpu.dma_semaphore, #tpu.memory_space<semaphore_mem>>, %arg13: memref<!tpu.dma_semaphore, #tpu.memory_space<semaphore_mem>>, %arg14: memref<!tpu.dma_semaphore, #tpu.memory_space<semaphore_mem>>, %arg15: memref<!tpu.dma_semaphore, #tpu.memory_space<semaphore_mem>>) attributes {dimension_semantics = [#tpu.dimension_semantics<core_parallel>, #tpu.dimension_semantics<subcore_parallel>], iteration_bounds = array<i64: 2, 16>, scalar_prefetch = 0 : i64, scratch_operands = 10 : i64, tpu.core_type = #tpu.core_type<sc_vector_subcore>, window_params = [{transform_indices = #map}, {transform_indices = #map}, {transform_indices = #map}, {transform_indices = #map}]} {
    "tpu.region"() ({
      %run_scoped3A = tpu.sem_alloc : memref<!tpu.dma_semaphore, #tpu.memory_space<semaphore_mem>>
      %dma_start3A_89 = arith.constant 0 : i32
      %dma_start3A_90 = arith.constant 0 : i32
      %dma_start3A_91 = tpu.memref_slice %arg3[%arg1, %dma_start3A_89, %dma_start3A_90] : memref<16x160x125xi32, #tpu.memory_space<hbm>> -> memref<1x160x125xi32, #tpu.memory_space<hbm>>
      %dma_start3A_92 = tpu.memref_squeeze %dma_start3A_91 : memref<1x160x125xi32, #tpu.memory_space<hbm>> -> memref<160x125xi32, #tpu.memory_space<hbm>>
      %dma_start3A_93 = arith.constant 0 : i32
      %dma_start3A_94 = arith.constant 0 : i32
      %dma_start3A_95 = tpu.memref_slice %arg3[%arg1, %dma_start3A_93, %dma_start3A_94] : memref<16x160x125xi32, #tpu.memory_space<hbm>> -> memref<1x160x125xi32, #tpu.memory_space<hbm>>
      %dma_start3A_96 = tpu.memref_squeeze %dma_start3A_95 : memref<1x160x125xi32, #tpu.memory_space<hbm>> -> memref<160x125xi32, #tpu.memory_space<hbm>>
      tpu.enqueue_dma source(%dma_start3A_96 : memref<160x125xi32, #tpu.memory_space<hbm>>) target(%arg6 : memref<160x125xi32, #tpu.memory_space<vmem>>) target_semaphore(%run_scoped3A : memref<!tpu.dma_semaphore, #tpu.memory_space<semaphore_mem>>)
      %dma_wait3A_97 = arith.constant 0 : i32
      %dma_wait3A_98 = arith.constant 0 : i32
      %dma_wait3A_99 = tpu.memref_slice %arg3[%arg1, %dma_wait3A_97, %dma_wait3A_98] : memref<16x160x125xi32, #tpu.memory_space<hbm>> -> memref<1x160x125xi32, #tpu.memory_space<hbm>>
      %dma_wait3A_100 = tpu.memref_squeeze %dma_wait3A_99 : memref<1x160x125xi32, #tpu.memory_space<hbm>> -> memref<160x125xi32, #tpu.memory_space<hbm>>
      %dma_wait3A_101 = arith.constant 0 : i32
      %dma_wait3A_102 = arith.constant 0 : i32
      %dma_wait3A_103 = tpu.memref_slice %arg3[%arg1, %dma_wait3A_101, %dma_wait3A_102] : memref<16x160x125xi32, #tpu.memory_space<hbm>> -> memref<1x160x125xi32, #tpu.memory_space<hbm>>
      %dma_wait3A_104 = tpu.memref_squeeze %dma_wait3A_103 : memref<1x160x125xi32, #tpu.memory_space<hbm>> -> memref<160x125xi32, #tpu.memory_space<hbm>>
      tpu.wait_dma2 semaphore(%run_scoped3A : memref<!tpu.dma_semaphore, #tpu.memory_space<semaphore_mem>>) src(%dma_wait3A_104 : memref<160x125xi32, #tpu.memory_space<hbm>>) dst(%arg6 : memref<160x125xi32, #tpu.memory_space<vmem>>)
      tpu.yield
    }) : () -> ()
    "tpu.region"() ({
      %run_scoped3A = tpu.sem_alloc : memref<!tpu.dma_semaphore, #tpu.memory_space<semaphore_mem>>
      %dma_start3A_89 = arith.constant 0 : i32
      %dma_start3A_90 = arith.constant 0 : i32
      %dma_start3A_91 = tpu.memref_slice %arg4[%arg1, %dma_start3A_89, %dma_start3A_90] : memref<16x160x125xi32, #tpu.memory_space<hbm>> -> memref<1x160x125xi32, #tpu.memory_space<hbm>>
      %dma_start3A_92 = tpu.memref_squeeze %dma_start3A_91 : memref<1x160x125xi32, #tpu.memory_space<hbm>> -> memref<160x125xi32, #tpu.memory_space<hbm>>
      %dma_start3A_93 = arith.constant 0 : i32
      %dma_start3A_94 = arith.constant 0 : i32
      %dma_start3A_95 = tpu.memref_slice %arg4[%arg1, %dma_start3A_93, %dma_start3A_94] : memref<16x160x125xi32, #tpu.memory_space<hbm>> -> memref<1x160x125xi32, #tpu.memory_space<hbm>>
      %dma_start3A_96 = tpu.memref_squeeze %dma_start3A_95 : memref<1x160x125xi32, #tpu.memory_space<hbm>> -> memref<160x125xi32, #tpu.memory_space<hbm>>
      tpu.enqueue_dma source(%dma_start3A_96 : memref<160x125xi32, #tpu.memory_space<hbm>>) target(%arg7 : memref<160x125xi32, #tpu.memory_space<vmem>>) target_semaphore(%run_scoped3A : memref<!tpu.dma_semaphore, #tpu.memory_space<semaphore_mem>>)
      %dma_wait3A_97 = arith.constant 0 : i32
      %dma_wait3A_98 = arith.constant 0 : i32
      %dma_wait3A_99 = tpu.memref_slice %arg4[%arg1, %dma_wait3A_97, %dma_wait3A_98] : memref<16x160x125xi32, #tpu.memory_space<hbm>> -> memref<1x160x125xi32, #tpu.memory_space<hbm>>
      %dma_wait3A_100 = tpu.memref_squeeze %dma_wait3A_99 : memref<1x160x125xi32, #tpu.memory_space<hbm>> -> memref<160x125xi32, #tpu.memory_space<hbm>>
      %dma_wait3A_101 = arith.constant 0 : i32
      %dma_wait3A_102 = arith.constant 0 : i32
      %dma_wait3A_103 = tpu.memref_slice %arg4[%arg1, %dma_wait3A_101, %dma_wait3A_102] : memref<16x160x125xi32, #tpu.memory_space<hbm>> -> memref<1x160x125xi32, #tpu.memory_space<hbm>>
      %dma_wait3A_104 = tpu.memref_squeeze %dma_wait3A_103 : memref<1x160x125xi32, #tpu.memory_space<hbm>> -> memref<160x125xi32, #tpu.memory_space<hbm>>
      tpu.wait_dma2 semaphore(%run_scoped3A : memref<!tpu.dma_semaphore, #tpu.memory_space<semaphore_mem>>) src(%dma_wait3A_104 : memref<160x125xi32, #tpu.memory_space<hbm>>) dst(%arg7 : memref<160x125xi32, #tpu.memory_space<vmem>>)
      tpu.yield
    }) : () -> ()
    %broadcast_in_dim3A = arith.constant 0.000000e+00 : f32
    %broadcast_in_dim3A_0 = vector.broadcast %broadcast_in_dim3A : f32 to vector<16xf32>
    %scan3A = arith.constant 0 : i32
    %scan3A_1 = arith.constant 0 : i32
    %scan3A_2 = arith.constant 128 : i32
    %scan3A_3 = arith.addi %scan3A_1, %scan3A_2 : i32
    %scan3A_4 = arith.constant 1 : i32
    scf.for %scan3A_89 = %scan3A_1 to %scan3A_3 step %scan3A_4  : i32 {
      %swap3A = arith.index_cast %scan3A_89 : i32 to index
      %swap3A_90 = arith.constant 0 : index
      %swap3A_91 = tpu.vector_load %arg10[%swap3A, %swap3A_90] {strides = array<i32>} : memref<128x64xf32, #tpu.memory_space<vmem>>, vector<1x16xf32>,
      %swap3A_92 = vector.shape_cast %swap3A_91 : vector<1x16xf32> to vector<16xf32>
      %swap3A_93 = vector.shape_cast %broadcast_in_dim3A_0 : vector<16xf32> to vector<1x16xf32>
      tpu.vector_store %arg10[%swap3A, %swap3A_90], %swap3A_93 {strides = array<i32>} : memref<128x64xf32, #tpu.memory_space<vmem>>, vector<1x16xf32>,
      %swap3A_94 = arith.index_cast %scan3A_89 : i32 to index
      %swap3A_95 = arith.constant 16 : index
      %swap3A_96 = tpu.vector_load %arg10[%swap3A_94, %swap3A_95] {strides = array<i32>} : memref<128x64xf32, #tpu.memory_space<vmem>>, vector<1x16xf32>,
      %swap3A_97 = vector.shape_cast %swap3A_96 : vector<1x16xf32> to vector<16xf32>
      %swap3A_98 = vector.shape_cast %broadcast_in_dim3A_0 : vector<16xf32> to vector<1x16xf32>
      tpu.vector_store %arg10[%swap3A_94, %swap3A_95], %swap3A_98 {strides = array<i32>} : memref<128x64xf32, #tpu.memory_space<vmem>>, vector<1x16xf32>,
      %swap3A_99 = arith.index_cast %scan3A_89 : i32 to index
      %swap3A_100 = arith.constant 32 : index
      %swap3A_101 = tpu.vector_load %arg10[%swap3A_99, %swap3A_100] {strides = array<i32>} : memref<128x64xf32, #tpu.memory_space<vmem>>, vector<1x16xf32>,
      %swap3A_102 = vector.shape_cast %swap3A_101 : vector<1x16xf32> to vector<16xf32>
      %swap3A_103 = vector.shape_cast %broadcast_in_dim3A_0 : vector<16xf32> to vector<1x16xf32>
      tpu.vector_store %arg10[%swap3A_99, %swap3A_100], %swap3A_103 {strides = array<i32>} : memref<128x64xf32, #tpu.memory_space<vmem>>, vector<1x16xf32>,
      %swap3A_104 = arith.index_cast %scan3A_89 : i32 to index
      %swap3A_105 = arith.constant 48 : index
      %swap3A_106 = tpu.vector_load %arg10[%swap3A_104, %swap3A_105] {strides = array<i32>} : memref<128x64xf32, #tpu.memory_space<vmem>>, vector<1x16xf32>,
      %swap3A_107 = vector.shape_cast %swap3A_106 : vector<1x16xf32> to vector<16xf32>
      %swap3A_108 = vector.shape_cast %broadcast_in_dim3A_0 : vector<16xf32> to vector<1x16xf32>
      tpu.vector_store %arg10[%swap3A_104, %swap3A_105], %swap3A_108 {strides = array<i32>} : memref<128x64xf32, #tpu.memory_space<vmem>>, vector<1x16xf32>,
    }
    %scan3A_5 = arith.constant 128 : i32
    %mul3A = arith.constant 640 : i32
    %mul3A_6 = arith.muli %arg1, %mul3A : i32
    %add3A = arith.constant 0 : i32
    %add3A_7 = arith.addi %mul3A_6, %add3A : i32
    "tpu.region"() ({
      %run_scoped3A = tpu.sem_alloc : memref<!tpu.dma_semaphore, #tpu.memory_space<semaphore_mem>>
      %dma_start3A_89 = arith.constant 0 : i32
      %dma_start3A_90 = tpu.memref_slice %arg11[%add3A_7, %dma_start3A_89] : memref<10240x64xf32, #tpu.memory_space<vmem_shared>> -> memref<128x64xf32, #tpu.memory_space<vmem_shared>>
      %dma_start3A_91 = arith.constant 0 : i32
      %dma_start3A_92 = tpu.memref_slice %arg11[%add3A_7, %dma_start3A_91] : memref<10240x64xf32, #tpu.memory_space<vmem_shared>> -> memref<128x64xf32, #tpu.memory_space<vmem_shared>>
      tpu.enqueue_dma source(%arg10 : memref<128x64xf32, #tpu.memory_space<vmem>>) target(%dma_start3A_92 : memref<128x64xf32, #tpu.memory_space<vmem_shared>>) target_semaphore(%run_scoped3A : memref<!tpu.dma_semaphore, #tpu.memory_space<semaphore_mem>>)
      %dma_wait3A_93 = arith.constant 0 : i32
      %dma_wait3A_94 = tpu.memref_slice %arg11[%add3A_7, %dma_wait3A_93] : memref<10240x64xf32, #tpu.memory_space<vmem_shared>> -> memref<128x64xf32, #tpu.memory_space<vmem_shared>>
      %dma_wait3A_95 = arith.constant 0 : i32
      %dma_wait3A_96 = tpu.memref_slice %arg11[%add3A_7, %dma_wait3A_95] : memref<10240x64xf32, #tpu.memory_space<vmem_shared>> -> memref<128x64xf32, #tpu.memory_space<vmem_shared>>
      tpu.wait_dma2 semaphore(%run_scoped3A : memref<!tpu.dma_semaphore, #tpu.memory_space<semaphore_mem>>) src(%arg10 : memref<128x64xf32, #tpu.memory_space<vmem>>) dst(%dma_wait3A_96 : memref<128x64xf32, #tpu.memory_space<vmem_shared>>)
      tpu.yield
    }) : () -> ()
    %mul3A_8 = arith.constant 640 : i32
    %mul3A_9 = arith.muli %arg1, %mul3A_8 : i32
    %add3A_10 = arith.constant 128 : i32
    %add3A_11 = arith.addi %mul3A_9, %add3A_10 : i32
    "tpu.region"() ({
      %run_scoped3A = tpu.sem_alloc : memref<!tpu.dma_semaphore, #tpu.memory_space<semaphore_mem>>
      %dma_start3A_89 = arith.constant 0 : i32
      %dma_start3A_90 = tpu.memref_slice %arg11[%add3A_11, %dma_start3A_89] : memref<10240x64xf32, #tpu.memory_space<vmem_shared>> -> memref<128x64xf32, #tpu.memory_space<vmem_shared>>
      %dma_start3A_91 = arith.constant 0 : i32
      %dma_start3A_92 = tpu.memref_slice %arg11[%add3A_11, %dma_start3A_91] : memref<10240x64xf32, #tpu.memory_space<vmem_shared>> -> memref<128x64xf32, #tpu.memory_space<vmem_shared>>
      tpu.enqueue_dma source(%arg10 : memref<128x64xf32, #tpu.memory_space<vmem>>) target(%dma_start3A_92 : memref<128x64xf32, #tpu.memory_space<vmem_shared>>) target_semaphore(%run_scoped3A : memref<!tpu.dma_semaphore, #tpu.memory_space<semaphore_mem>>)
      %dma_wait3A_93 = arith.constant 0 : i32
      %dma_wait3A_94 = tpu.memref_slice %arg11[%add3A_11, %dma_wait3A_93] : memref<10240x64xf32, #tpu.memory_space<vmem_shared>> -> memref<128x64xf32, #tpu.memory_space<vmem_shared>>
      %dma_wait3A_95 = arith.constant 0 : i32
      %dma_wait3A_96 = tpu.memref_slice %arg11[%add3A_11, %dma_wait3A_95] : memref<10240x64xf32, #tpu.memory_space<vmem_shared>> -> memref<128x64xf32, #tpu.memory_space<vmem_shared>>
      tpu.wait_dma2 semaphore(%run_scoped3A : memref<!tpu.dma_semaphore, #tpu.memory_space<semaphore_mem>>) src(%arg10 : memref<128x64xf32, #tpu.memory_space<vmem>>) dst(%dma_wait3A_96 : memref<128x64xf32, #tpu.memory_space<vmem_shared>>)
      tpu.yield
    }) : () -> ()
    %mul3A_12 = arith.constant 640 : i32
    %mul3A_13 = arith.muli %arg1, %mul3A_12 : i32
    %add3A_14 = arith.constant 256 : i32
    %add3A_15 = arith.addi %mul3A_13, %add3A_14 : i32
    "tpu.region"() ({
      %run_scoped3A = tpu.sem_alloc : memref<!tpu.dma_semaphore, #tpu.memory_space<semaphore_mem>>
      %dma_start3A_89 = arith.constant 0 : i32
      %dma_start3A_90 = tpu.memref_slice %arg11[%add3A_15, %dma_start3A_89] : memref<10240x64xf32, #tpu.memory_space<vmem_shared>> -> memref<128x64xf32, #tpu.memory_space<vmem_shared>>
      %dma_start3A_91 = arith.constant 0 : i32
      %dma_start3A_92 = tpu.memref_slice %arg11[%add3A_15, %dma_start3A_91] : memref<10240x64xf32, #tpu.memory_space<vmem_shared>> -> memref<128x64xf32, #tpu.memory_space<vmem_shared>>
      tpu.enqueue_dma source(%arg10 : memref<128x64xf32, #tpu.memory_space<vmem>>) target(%dma_start3A_92 : memref<128x64xf32, #tpu.memory_space<vmem_shared>>) target_semaphore(%run_scoped3A : memref<!tpu.dma_semaphore, #tpu.memory_space<semaphore_mem>>)
      %dma_wait3A_93 = arith.constant 0 : i32
      %dma_wait3A_94 = tpu.memref_slice %arg11[%add3A_15, %dma_wait3A_93] : memref<10240x64xf32, #tpu.memory_space<vmem_shared>> -> memref<128x64xf32, #tpu.memory_space<vmem_shared>>
      %dma_wait3A_95 = arith.constant 0 : i32
      %dma_wait3A_96 = tpu.memref_slice %arg11[%add3A_15, %dma_wait3A_95] : memref<10240x64xf32, #tpu.memory_space<vmem_shared>> -> memref<128x64xf32, #tpu.memory_space<vmem_shared>>
      tpu.wait_dma2 semaphore(%run_scoped3A : memref<!tpu.dma_semaphore, #tpu.memory_space<semaphore_mem>>) src(%arg10 : memref<128x64xf32, #tpu.memory_space<vmem>>) dst(%dma_wait3A_96 : memref<128x64xf32, #tpu.memory_space<vmem_shared>>)
      tpu.yield
    }) : () -> ()
    %mul3A_16 = arith.constant 640 : i32
    %mul3A_17 = arith.muli %arg1, %mul3A_16 : i32
    %add3A_18 = arith.constant 384 : i32
    %add3A_19 = arith.addi %mul3A_17, %add3A_18 : i32
    "tpu.region"() ({
      %run_scoped3A = tpu.sem_alloc : memref<!tpu.dma_semaphore, #tpu.memory_space<semaphore_mem>>
      %dma_start3A_89 = arith.constant 0 : i32
      %dma_start3A_90 = tpu.memref_slice %arg11[%add3A_19, %dma_start3A_89] : memref<10240x64xf32, #tpu.memory_space<vmem_shared>> -> memref<128x64xf32, #tpu.memory_space<vmem_shared>>
      %dma_start3A_91 = arith.constant 0 : i32
      %dma_start3A_92 = tpu.memref_slice %arg11[%add3A_19, %dma_start3A_91] : memref<10240x64xf32, #tpu.memory_space<vmem_shared>> -> memref<128x64xf32, #tpu.memory_space<vmem_shared>>
      tpu.enqueue_dma source(%arg10 : memref<128x64xf32, #tpu.memory_space<vmem>>) target(%dma_start3A_92 : memref<128x64xf32, #tpu.memory_space<vmem_shared>>) target_semaphore(%run_scoped3A : memref<!tpu.dma_semaphore, #tpu.memory_space<semaphore_mem>>)
      %dma_wait3A_93 = arith.constant 0 : i32
      %dma_wait3A_94 = tpu.memref_slice %arg11[%add3A_19, %dma_wait3A_93] : memref<10240x64xf32, #tpu.memory_space<vmem_shared>> -> memref<128x64xf32, #tpu.memory_space<vmem_shared>>
      %dma_wait3A_95 = arith.constant 0 : i32
      %dma_wait3A_96 = tpu.memref_slice %arg11[%add3A_19, %dma_wait3A_95] : memref<10240x64xf32, #tpu.memory_space<vmem_shared>> -> memref<128x64xf32, #tpu.memory_space<vmem_shared>>
      tpu.wait_dma2 semaphore(%run_scoped3A : memref<!tpu.dma_semaphore, #tpu.memory_space<semaphore_mem>>) src(%arg10 : memref<128x64xf32, #tpu.memory_space<vmem>>) dst(%dma_wait3A_96 : memref<128x64xf32, #tpu.memory_space<vmem_shared>>)
      tpu.yield
    }) : () -> ()
    %mul3A_20 = arith.constant 640 : i32
    %mul3A_21 = arith.muli %arg1, %mul3A_20 : i32
    %add3A_22 = arith.constant 512 : i32
    %add3A_23 = arith.addi %mul3A_21, %add3A_22 : i32
    "tpu.region"() ({
      %run_scoped3A = tpu.sem_alloc : memref<!tpu.dma_semaphore, #tpu.memory_space<semaphore_mem>>
      %dma_start3A_89 = arith.constant 0 : i32
      %dma_start3A_90 = tpu.memref_slice %arg11[%add3A_23, %dma_start3A_89] : memref<10240x64xf32, #tpu.memory_space<vmem_shared>> -> memref<128x64xf32, #tpu.memory_space<vmem_shared>>
      %dma_start3A_91 = arith.constant 0 : i32
      %dma_start3A_92 = tpu.memref_slice %arg11[%add3A_23, %dma_start3A_91] : memref<10240x64xf32, #tpu.memory_space<vmem_shared>> -> memref<128x64xf32, #tpu.memory_space<vmem_shared>>
      tpu.enqueue_dma source(%arg10 : memref<128x64xf32, #tpu.memory_space<vmem>>) target(%dma_start3A_92 : memref<128x64xf32, #tpu.memory_space<vmem_shared>>) target_semaphore(%run_scoped3A : memref<!tpu.dma_semaphore, #tpu.memory_space<semaphore_mem>>)
      %dma_wait3A_93 = arith.constant 0 : i32
      %dma_wait3A_94 = tpu.memref_slice %arg11[%add3A_23, %dma_wait3A_93] : memref<10240x64xf32, #tpu.memory_space<vmem_shared>> -> memref<128x64xf32, #tpu.memory_space<vmem_shared>>
      %dma_wait3A_95 = arith.constant 0 : i32
      %dma_wait3A_96 = tpu.memref_slice %arg11[%add3A_23, %dma_wait3A_95] : memref<10240x64xf32, #tpu.memory_space<vmem_shared>> -> memref<128x64xf32, #tpu.memory_space<vmem_shared>>
      tpu.wait_dma2 semaphore(%run_scoped3A : memref<!tpu.dma_semaphore, #tpu.memory_space<semaphore_mem>>) src(%arg10 : memref<128x64xf32, #tpu.memory_space<vmem>>) dst(%dma_wait3A_96 : memref<128x64xf32, #tpu.memory_space<vmem_shared>>)
      tpu.yield
    }) : () -> ()
    %barrier3A = arith.constant 0 : index
    tpu.barrier barrier_id(%barrier3A)
    %dma_start3A = arith.constant 0 : i32
    %dma_start3A_24 = arith.constant 0 : i32
    %dma_start3A_25 = arith.constant 0 : i32
    %dma_start3A_26 = arith.constant 0 : i32
    %dma_start3A_27 = tpu.memref_slice %arg8[%dma_start3A_24, %dma_start3A_25, %dma_start3A_26] : memref<2x125x64xf32, #tpu.memory_space<vmem>> -> memref<1x125x64xf32, #tpu.memory_space<vmem>>
    %dma_start3A_28 = tpu.memref_squeeze %dma_start3A_27 : memref<1x125x64xf32, #tpu.memory_space<vmem>> -> memref<125x64xf32, #tpu.memory_space<vmem>>
    %dma_start3A_29 = arith.constant 0 : i32
    %dma_start3A_30 = tpu.memref_slice %arg6[%dma_start3A, %dma_start3A_29] : memref<160x125xi32, #tpu.memory_space<vmem>> -> memref<1x125xi32, #tpu.memory_space<vmem>>
    %dma_start3A_31 = tpu.memref_squeeze %dma_start3A_30 : memref<1x125xi32, #tpu.memory_space<vmem>> -> memref<125xi32, #tpu.memory_space<vmem>>
    %dma_start3A_32 = arith.constant 0 : i32
    %dma_start3A_33 = arith.constant 0 : i32
    %dma_start3A_34 = tpu.memref_slice %arg2[%arg0, %dma_start3A_32, %dma_start3A_33] : memref<2x10000x64xf32, #tpu.memory_space<hbm>> -> memref<1x10000x64xf32, #tpu.memory_space<hbm>>
    %dma_start3A_35 = tpu.memref_squeeze %dma_start3A_34 : memref<1x10000x64xf32, #tpu.memory_space<hbm>> -> memref<10000x64xf32, #tpu.memory_space<hbm>>
    %dma_start3A_36 = arith.constant 0 : i32
    %dma_start3A_37 = arith.constant 0 : i32
    %dma_start3A_38 = tpu.memref_slice %dma_start3A_35[%dma_start3A_36, %dma_start3A_37] : memref<10000x64xf32, #tpu.memory_space<hbm>> -> memref<10000x64xf32, #tpu.memory_space<hbm>>
    tpu.enqueue_indirect_dma source(%dma_start3A_38 : memref<10000x64xf32, #tpu.memory_space<hbm>>) target(%dma_start3A_28 : memref<125x64xf32, #tpu.memory_space<vmem>>) offsets(%dma_start3A_31 : memref<125xi32, #tpu.memory_space<vmem>>) semaphore(%arg12 : memref<!tpu.dma_semaphore, #tpu.memory_space<semaphore_mem>>)
    %dma_start3A_39 = arith.constant 1 : i32
    %dma_start3A_40 = arith.constant 1 : i32
    %dma_start3A_41 = arith.constant 0 : i32
    %dma_start3A_42 = arith.constant 0 : i32
    %dma_start3A_43 = tpu.memref_slice %arg8[%dma_start3A_40, %dma_start3A_41, %dma_start3A_42] : memref<2x125x64xf32, #tpu.memory_space<vmem>> -> memref<1x125x64xf32, #tpu.memory_space<vmem>>
    %dma_start3A_44 = tpu.memref_squeeze %dma_start3A_43 : memref<1x125x64xf32, #tpu.memory_space<vmem>> -> memref<125x64xf32, #tpu.memory_space<vmem>>
    %dma_start3A_45 = arith.constant 0 : i32
    %dma_start3A_46 = tpu.memref_slice %arg6[%dma_start3A_39, %dma_start3A_45] : memref<160x125xi32, #tpu.memory_space<vmem>> -> memref<1x125xi32, #tpu.memory_space<vmem>>
    %dma_start3A_47 = tpu.memref_squeeze %dma_start3A_46 : memref<1x125xi32, #tpu.memory_space<vmem>> -> memref<125xi32, #tpu.memory_space<vmem>>
    %dma_start3A_48 = arith.constant 0 : i32
    %dma_start3A_49 = arith.constant 0 : i32
    %dma_start3A_50 = tpu.memref_slice %arg2[%arg0, %dma_start3A_48, %dma_start3A_49] : memref<2x10000x64xf32, #tpu.memory_space<hbm>> -> memref<1x10000x64xf32, #tpu.memory_space<hbm>>
    %dma_start3A_51 = tpu.memref_squeeze %dma_start3A_50 : memref<1x10000x64xf32, #tpu.memory_space<hbm>> -> memref<10000x64xf32, #tpu.memory_space<hbm>>
    %dma_start3A_52 = arith.constant 0 : i32
    %dma_start3A_53 = arith.constant 0 : i32
    %dma_start3A_54 = tpu.memref_slice %dma_start3A_51[%dma_start3A_52, %dma_start3A_53] : memref<10000x64xf32, #tpu.memory_space<hbm>> -> memref<10000x64xf32, #tpu.memory_space<hbm>>
    tpu.enqueue_indirect_dma source(%dma_start3A_54 : memref<10000x64xf32, #tpu.memory_space<hbm>>) target(%dma_start3A_44 : memref<125x64xf32, #tpu.memory_space<vmem>>) offsets(%dma_start3A_47 : memref<125xi32, #tpu.memory_space<vmem>>) semaphore(%arg12 : memref<!tpu.dma_semaphore, #tpu.memory_space<semaphore_mem>>)
    %scan3A_55 = arith.constant 0 : i32
    %scan3A_56 = arith.constant 0 : i32
    %scan3A_57 = arith.constant 40 : i32
    %scan3A_58 = arith.addi %scan3A_56, %scan3A_57 : i32
    %scan3A_59 = arith.constant 1 : i32
    scf.for %scan3A_89 = %scan3A_56 to %scan3A_58 step %scan3A_59  : i32 {
      %mul3A_90 = arith.constant 2 : i32
      %mul3A_91 = arith.muli %mul3A_90, %scan3A_89 : i32
      %gt3A = arith.constant 0 : i32
      %gt3A_92 = arith.cmpi sgt, %scan3A_89, %gt3A : i32
      %convert_element_type3A = arith.extui %gt3A_92 : i1 to i32
      %cond3A = arith.constant 0 : i32
      %cond3A_93 = arith.cmpi ne, %convert_element_type3A, %cond3A : i32
      scf.if %cond3A_93 {
        %sub3A = arith.constant 1 : i32
        %sub3A_308 = arith.subi %mul3A_91, %sub3A : i32
        %mul3A_309 = arith.constant 2 : i32
        %mul3A_310 = arith.muli %sub3A_308, %mul3A_309 : i32
        %add3A_311 = arith.constant 0 : i32
        %add3A_312 = arith.addi %mul3A_310, %add3A_311 : i32
        %dma_wait3A_313 = arith.constant 0 : i32
        %dma_wait3A_314 = arith.constant 0 : i32
        %dma_wait3A_315 = arith.constant 0 : i32
        %dma_wait3A_316 = tpu.memref_slice %arg9[%dma_wait3A_313, %dma_wait3A_314, %dma_wait3A_315] : memref<2x125x64xf32, #tpu.memory_space<vmem>> -> memref<1x125x64xf32, #tpu.memory_space<vmem>>
        %dma_wait3A_317 = tpu.memref_squeeze %dma_wait3A_316 : memref<1x125x64xf32, #tpu.memory_space<vmem>> -> memref<125x64xf32, #tpu.memory_space<vmem>>
        %dma_wait3A_318 = arith.constant 0 : i32
        %dma_wait3A_319 = tpu.memref_slice %arg7[%add3A_312, %dma_wait3A_318] : memref<160x125xi32, #tpu.memory_space<vmem>> -> memref<1x125xi32, #tpu.memory_space<vmem>>
        %dma_wait3A_320 = tpu.memref_squeeze %dma_wait3A_319 : memref<1x125xi32, #tpu.memory_space<vmem>> -> memref<125xi32, #tpu.memory_space<vmem>>
        %dma_wait3A_321 = arith.constant 0 : i32
        %dma_wait3A_322 = arith.constant 0 : i32
        %dma_wait3A_323 = tpu.memref_slice %arg11[%dma_wait3A_321, %dma_wait3A_322] : memref<10240x64xf32, #tpu.memory_space<vmem_shared>> -> memref<10240x64xf32, #tpu.memory_space<vmem_shared>>
        tpu.wait_indirect_dma semaphore(%arg15 : memref<!tpu.dma_semaphore, #tpu.memory_space<semaphore_mem>>) src(%dma_wait3A_317 : memref<125x64xf32, #tpu.memory_space<vmem>>) dst(%dma_wait3A_323 : memref<10240x64xf32, #tpu.memory_space<vmem_shared>>)
        %mul3A_324 = arith.constant 2 : i32
        %mul3A_325 = arith.muli %sub3A_308, %mul3A_324 : i32
        %add3A_326 = arith.constant 1 : i32
        %add3A_327 = arith.addi %mul3A_325, %add3A_326 : i32
        %dma_wait3A_328 = arith.constant 1 : i32
        %dma_wait3A_329 = arith.constant 0 : i32
        %dma_wait3A_330 = arith.constant 0 : i32
        %dma_wait3A_331 = tpu.memref_slice %arg9[%dma_wait3A_328, %dma_wait3A_329, %dma_wait3A_330] : memref<2x125x64xf32, #tpu.memory_space<vmem>> -> memref<1x125x64xf32, #tpu.memory_space<vmem>>
        %dma_wait3A_332 = tpu.memref_squeeze %dma_wait3A_331 : memref<1x125x64xf32, #tpu.memory_space<vmem>> -> memref<125x64xf32, #tpu.memory_space<vmem>>
        %dma_wait3A_333 = arith.constant 0 : i32
        %dma_wait3A_334 = tpu.memref_slice %arg7[%add3A_327, %dma_wait3A_333] : memref<160x125xi32, #tpu.memory_space<vmem>> -> memref<1x125xi32, #tpu.memory_space<vmem>>
        %dma_wait3A_335 = tpu.memref_squeeze %dma_wait3A_334 : memref<1x125xi32, #tpu.memory_space<vmem>> -> memref<125xi32, #tpu.memory_space<vmem>>
        %dma_wait3A_336 = arith.constant 0 : i32
        %dma_wait3A_337 = arith.constant 0 : i32
        %dma_wait3A_338 = tpu.memref_slice %arg11[%dma_wait3A_336, %dma_wait3A_337] : memref<10240x64xf32, #tpu.memory_space<vmem_shared>> -> memref<10240x64xf32, #tpu.memory_space<vmem_shared>>
        tpu.wait_indirect_dma semaphore(%arg15 : memref<!tpu.dma_semaphore, #tpu.memory_space<semaphore_mem>>) src(%dma_wait3A_332 : memref<125x64xf32, #tpu.memory_space<vmem>>) dst(%dma_wait3A_338 : memref<10240x64xf32, #tpu.memory_space<vmem_shared>>)
      } else {
      }
      %add3A_94 = arith.constant 1 : i32
      %add3A_95 = arith.addi %mul3A_91, %add3A_94 : i32
      %mul3A_96 = arith.constant 2 : i32
      %mul3A_97 = arith.muli %add3A_95, %mul3A_96 : i32
      %add3A_98 = arith.constant 0 : i32
      %add3A_99 = arith.addi %mul3A_97, %add3A_98 : i32
      %dma_start3A_100 = arith.constant 0 : i32
      %dma_start3A_101 = arith.constant 0 : i32
      %dma_start3A_102 = arith.constant 0 : i32
      %dma_start3A_103 = tpu.memref_slice %arg9[%dma_start3A_100, %dma_start3A_101, %dma_start3A_102] : memref<2x125x64xf32, #tpu.memory_space<vmem>> -> memref<1x125x64xf32, #tpu.memory_space<vmem>>
      %dma_start3A_104 = tpu.memref_squeeze %dma_start3A_103 : memref<1x125x64xf32, #tpu.memory_space<vmem>> -> memref<125x64xf32, #tpu.memory_space<vmem>>
      %dma_start3A_105 = arith.constant 0 : i32
      %dma_start3A_106 = tpu.memref_slice %arg6[%add3A_99, %dma_start3A_105] : memref<160x125xi32, #tpu.memory_space<vmem>> -> memref<1x125xi32, #tpu.memory_space<vmem>>
      %dma_start3A_107 = tpu.memref_squeeze %dma_start3A_106 : memref<1x125xi32, #tpu.memory_space<vmem>> -> memref<125xi32, #tpu.memory_space<vmem>>
      %dma_start3A_108 = arith.constant 0 : i32
      %dma_start3A_109 = arith.constant 0 : i32
      %dma_start3A_110 = tpu.memref_slice %arg2[%arg0, %dma_start3A_108, %dma_start3A_109] : memref<2x10000x64xf32, #tpu.memory_space<hbm>> -> memref<1x10000x64xf32, #tpu.memory_space<hbm>>
      %dma_start3A_111 = tpu.memref_squeeze %dma_start3A_110 : memref<1x10000x64xf32, #tpu.memory_space<hbm>> -> memref<10000x64xf32, #tpu.memory_space<hbm>>
      %dma_start3A_112 = arith.constant 0 : i32
      %dma_start3A_113 = arith.constant 0 : i32
      %dma_start3A_114 = tpu.memref_slice %dma_start3A_111[%dma_start3A_112, %dma_start3A_113] : memref<10000x64xf32, #tpu.memory_space<hbm>> -> memref<10000x64xf32, #tpu.memory_space<hbm>>
      tpu.enqueue_indirect_dma source(%dma_start3A_114 : memref<10000x64xf32, #tpu.memory_space<hbm>>) target(%dma_start3A_104 : memref<125x64xf32, #tpu.memory_space<vmem>>) offsets(%dma_start3A_107 : memref<125xi32, #tpu.memory_space<vmem>>) semaphore(%arg13 : memref<!tpu.dma_semaphore, #tpu.memory_space<semaphore_mem>>)
      %mul3A_115 = arith.constant 2 : i32
      %mul3A_116 = arith.muli %add3A_95, %mul3A_115 : i32
      %add3A_117 = arith.constant 1 : i32
      %add3A_118 = arith.addi %mul3A_116, %add3A_117 : i32
      %dma_start3A_119 = arith.constant 1 : i32
      %dma_start3A_120 = arith.constant 0 : i32
      %dma_start3A_121 = arith.constant 0 : i32
      %dma_start3A_122 = tpu.memref_slice %arg9[%dma_start3A_119, %dma_start3A_120, %dma_start3A_121] : memref<2x125x64xf32, #tpu.memory_space<vmem>> -> memref<1x125x64xf32, #tpu.memory_space<vmem>>
      %dma_start3A_123 = tpu.memref_squeeze %dma_start3A_122 : memref<1x125x64xf32, #tpu.memory_space<vmem>> -> memref<125x64xf32, #tpu.memory_space<vmem>>
      %dma_start3A_124 = arith.constant 0 : i32
      %dma_start3A_125 = tpu.memref_slice %arg6[%add3A_118, %dma_start3A_124] : memref<160x125xi32, #tpu.memory_space<vmem>> -> memref<1x125xi32, #tpu.memory_space<vmem>>
      %dma_start3A_126 = tpu.memref_squeeze %dma_start3A_125 : memref<1x125xi32, #tpu.memory_space<vmem>> -> memref<125xi32, #tpu.memory_space<vmem>>
      %dma_start3A_127 = arith.constant 0 : i32
      %dma_start3A_128 = arith.constant 0 : i32
      %dma_start3A_129 = tpu.memref_slice %arg2[%arg0, %dma_start3A_127, %dma_start3A_128] : memref<2x10000x64xf32, #tpu.memory_space<hbm>> -> memref<1x10000x64xf32, #tpu.memory_space<hbm>>
      %dma_start3A_130 = tpu.memref_squeeze %dma_start3A_129 : memref<1x10000x64xf32, #tpu.memory_space<hbm>> -> memref<10000x64xf32, #tpu.memory_space<hbm>>
      %dma_start3A_131 = arith.constant 0 : i32
      %dma_start3A_132 = arith.constant 0 : i32
      %dma_start3A_133 = tpu.memref_slice %dma_start3A_130[%dma_start3A_131, %dma_start3A_132] : memref<10000x64xf32, #tpu.memory_space<hbm>> -> memref<10000x64xf32, #tpu.memory_space<hbm>>
      tpu.enqueue_indirect_dma source(%dma_start3A_133 : memref<10000x64xf32, #tpu.memory_space<hbm>>) target(%dma_start3A_123 : memref<125x64xf32, #tpu.memory_space<vmem>>) offsets(%dma_start3A_126 : memref<125xi32, #tpu.memory_space<vmem>>) semaphore(%arg13 : memref<!tpu.dma_semaphore, #tpu.memory_space<semaphore_mem>>)
      %mul3A_134 = arith.constant 2 : i32
      %mul3A_135 = arith.muli %mul3A_91, %mul3A_134 : i32
      %add3A_136 = arith.constant 0 : i32
      %add3A_137 = arith.addi %mul3A_135, %add3A_136 : i32
      %dma_wait3A_138 = arith.constant 0 : i32
      %dma_wait3A_139 = arith.constant 0 : i32
      %dma_wait3A_140 = arith.constant 0 : i32
      %dma_wait3A_141 = tpu.memref_slice %arg8[%dma_wait3A_138, %dma_wait3A_139, %dma_wait3A_140] : memref<2x125x64xf32, #tpu.memory_space<vmem>> -> memref<1x125x64xf32, #tpu.memory_space<vmem>>
      %dma_wait3A_142 = tpu.memref_squeeze %dma_wait3A_141 : memref<1x125x64xf32, #tpu.memory_space<vmem>> -> memref<125x64xf32, #tpu.memory_space<vmem>>
      %dma_wait3A_143 = arith.constant 0 : i32
      %dma_wait3A_144 = tpu.memref_slice %arg6[%add3A_137, %dma_wait3A_143] : memref<160x125xi32, #tpu.memory_space<vmem>> -> memref<1x125xi32, #tpu.memory_space<vmem>>
      %dma_wait3A_145 = tpu.memref_squeeze %dma_wait3A_144 : memref<1x125xi32, #tpu.memory_space<vmem>> -> memref<125xi32, #tpu.memory_space<vmem>>
      %dma_wait3A_146 = arith.constant 0 : i32
      %dma_wait3A_147 = arith.constant 0 : i32
      %dma_wait3A_148 = tpu.memref_slice %arg2[%arg0, %dma_wait3A_146, %dma_wait3A_147] : memref<2x10000x64xf32, #tpu.memory_space<hbm>> -> memref<1x10000x64xf32, #tpu.memory_space<hbm>>
      %dma_wait3A_149 = tpu.memref_squeeze %dma_wait3A_148 : memref<1x10000x64xf32, #tpu.memory_space<hbm>> -> memref<10000x64xf32, #tpu.memory_space<hbm>>
      %dma_wait3A_150 = arith.constant 0 : i32
      %dma_wait3A_151 = arith.constant 0 : i32
      %dma_wait3A_152 = tpu.memref_slice %dma_wait3A_149[%dma_wait3A_150, %dma_wait3A_151] : memref<10000x64xf32, #tpu.memory_space<hbm>> -> memref<10000x64xf32, #tpu.memory_space<hbm>>
      tpu.wait_indirect_dma semaphore(%arg12 : memref<!tpu.dma_semaphore, #tpu.memory_space<semaphore_mem>>) src(%dma_wait3A_152 : memref<10000x64xf32, #tpu.memory_space<hbm>>) dst(%dma_wait3A_142 : memref<125x64xf32, #tpu.memory_space<vmem>>)
      %mul3A_153 = arith.constant 2 : i32
      %mul3A_154 = arith.muli %mul3A_91, %mul3A_153 : i32
      %add3A_155 = arith.constant 1 : i32
      %add3A_156 = arith.addi %mul3A_154, %add3A_155 : i32
      %dma_wait3A_157 = arith.constant 1 : i32
      %dma_wait3A_158 = arith.constant 0 : i32
      %dma_wait3A_159 = arith.constant 0 : i32
      %dma_wait3A_160 = tpu.memref_slice %arg8[%dma_wait3A_157, %dma_wait3A_158, %dma_wait3A_159] : memref<2x125x64xf32, #tpu.memory_space<vmem>> -> memref<1x125x64xf32, #tpu.memory_space<vmem>>
      %dma_wait3A_161 = tpu.memref_squeeze %dma_wait3A_160 : memref<1x125x64xf32, #tpu.memory_space<vmem>> -> memref<125x64xf32, #tpu.memory_space<vmem>>
      %dma_wait3A_162 = arith.constant 0 : i32
      %dma_wait3A_163 = tpu.memref_slice %arg6[%add3A_156, %dma_wait3A_162] : memref<160x125xi32, #tpu.memory_space<vmem>> -> memref<1x125xi32, #tpu.memory_space<vmem>>
      %dma_wait3A_164 = tpu.memref_squeeze %dma_wait3A_163 : memref<1x125xi32, #tpu.memory_space<vmem>> -> memref<125xi32, #tpu.memory_space<vmem>>
      %dma_wait3A_165 = arith.constant 0 : i32
      %dma_wait3A_166 = arith.constant 0 : i32
      %dma_wait3A_167 = tpu.memref_slice %arg2[%arg0, %dma_wait3A_165, %dma_wait3A_166] : memref<2x10000x64xf32, #tpu.memory_space<hbm>> -> memref<1x10000x64xf32, #tpu.memory_space<hbm>>
      %dma_wait3A_168 = tpu.memref_squeeze %dma_wait3A_167 : memref<1x10000x64xf32, #tpu.memory_space<hbm>> -> memref<10000x64xf32, #tpu.memory_space<hbm>>
      %dma_wait3A_169 = arith.constant 0 : i32
      %dma_wait3A_170 = arith.constant 0 : i32
      %dma_wait3A_171 = tpu.memref_slice %dma_wait3A_168[%dma_wait3A_169, %dma_wait3A_170] : memref<10000x64xf32, #tpu.memory_space<hbm>> -> memref<10000x64xf32, #tpu.memory_space<hbm>>
      tpu.wait_indirect_dma semaphore(%arg12 : memref<!tpu.dma_semaphore, #tpu.memory_space<semaphore_mem>>) src(%dma_wait3A_171 : memref<10000x64xf32, #tpu.memory_space<hbm>>) dst(%dma_wait3A_161 : memref<125x64xf32, #tpu.memory_space<vmem>>)
      %mul3A_172 = arith.constant 2 : i32
      %mul3A_173 = arith.muli %mul3A_91, %mul3A_172 : i32
      %add3A_174 = arith.constant 0 : i32
      %add3A_175 = arith.addi %mul3A_173, %add3A_174 : i32
      %dma_start3A_176 = arith.constant 0 : i32
      %dma_start3A_177 = arith.constant 0 : i32
      %dma_start3A_178 = arith.constant 0 : i32
      %dma_start3A_179 = tpu.memref_slice %arg8[%dma_start3A_176, %dma_start3A_177, %dma_start3A_178] : memref<2x125x64xf32, #tpu.memory_space<vmem>> -> memref<1x125x64xf32, #tpu.memory_space<vmem>>
      %dma_start3A_180 = tpu.memref_squeeze %dma_start3A_179 : memref<1x125x64xf32, #tpu.memory_space<vmem>> -> memref<125x64xf32, #tpu.memory_space<vmem>>
      %dma_start3A_181 = arith.constant 0 : i32
      %dma_start3A_182 = tpu.memref_slice %arg7[%add3A_175, %dma_start3A_181] : memref<160x125xi32, #tpu.memory_space<vmem>> -> memref<1x125xi32, #tpu.memory_space<vmem>>
      %dma_start3A_183 = tpu.memref_squeeze %dma_start3A_182 : memref<1x125xi32, #tpu.memory_space<vmem>> -> memref<125xi32, #tpu.memory_space<vmem>>
      %dma_start3A_184 = arith.constant 0 : i32
      %dma_start3A_185 = arith.constant 0 : i32
      %dma_start3A_186 = tpu.memref_slice %arg11[%dma_start3A_184, %dma_start3A_185] : memref<10240x64xf32, #tpu.memory_space<vmem_shared>> -> memref<10240x64xf32, #tpu.memory_space<vmem_shared>>
      tpu.enqueue_indirect_dma source(%dma_start3A_180 : memref<125x64xf32, #tpu.memory_space<vmem>>) target(%dma_start3A_186 : memref<10240x64xf32, #tpu.memory_space<vmem_shared>>) offsets(%dma_start3A_183 : memref<125xi32, #tpu.memory_space<vmem>>) semaphore(%arg14 : memref<!tpu.dma_semaphore, #tpu.memory_space<semaphore_mem>>) {add = true}
      %mul3A_187 = arith.constant 2 : i32
      %mul3A_188 = arith.muli %mul3A_91, %mul3A_187 : i32
      %add3A_189 = arith.constant 1 : i32
      %add3A_190 = arith.addi %mul3A_188, %add3A_189 : i32
      %dma_start3A_191 = arith.constant 1 : i32
      %dma_start3A_192 = arith.constant 0 : i32
      %dma_start3A_193 = arith.constant 0 : i32
      %dma_start3A_194 = tpu.memref_slice %arg8[%dma_start3A_191, %dma_start3A_192, %dma_start3A_193] : memref<2x125x64xf32, #tpu.memory_space<vmem>> -> memref<1x125x64xf32, #tpu.memory_space<vmem>>
      %dma_start3A_195 = tpu.memref_squeeze %dma_start3A_194 : memref<1x125x64xf32, #tpu.memory_space<vmem>> -> memref<125x64xf32, #tpu.memory_space<vmem>>
      %dma_start3A_196 = arith.constant 0 : i32
      %dma_start3A_197 = tpu.memref_slice %arg7[%add3A_190, %dma_start3A_196] : memref<160x125xi32, #tpu.memory_space<vmem>> -> memref<1x125xi32, #tpu.memory_space<vmem>>
      %dma_start3A_198 = tpu.memref_squeeze %dma_start3A_197 : memref<1x125xi32, #tpu.memory_space<vmem>> -> memref<125xi32, #tpu.memory_space<vmem>>
      %dma_start3A_199 = arith.constant 0 : i32
      %dma_start3A_200 = arith.constant 0 : i32
      %dma_start3A_201 = tpu.memref_slice %arg11[%dma_start3A_199, %dma_start3A_200] : memref<10240x64xf32, #tpu.memory_space<vmem_shared>> -> memref<10240x64xf32, #tpu.memory_space<vmem_shared>>
      tpu.enqueue_indirect_dma source(%dma_start3A_195 : memref<125x64xf32, #tpu.memory_space<vmem>>) target(%dma_start3A_201 : memref<10240x64xf32, #tpu.memory_space<vmem_shared>>) offsets(%dma_start3A_198 : memref<125xi32, #tpu.memory_space<vmem>>) semaphore(%arg14 : memref<!tpu.dma_semaphore, #tpu.memory_space<semaphore_mem>>) {add = true}
      %mul3A_202 = arith.constant 2 : i32
      %mul3A_203 = arith.muli %mul3A_91, %mul3A_202 : i32
      %add3A_204 = arith.constant 0 : i32
      %add3A_205 = arith.addi %mul3A_203, %add3A_204 : i32
      %dma_wait3A_206 = arith.constant 0 : i32
      %dma_wait3A_207 = arith.constant 0 : i32
      %dma_wait3A_208 = arith.constant 0 : i32
      %dma_wait3A_209 = tpu.memref_slice %arg8[%dma_wait3A_206, %dma_wait3A_207, %dma_wait3A_208] : memref<2x125x64xf32, #tpu.memory_space<vmem>> -> memref<1x125x64xf32, #tpu.memory_space<vmem>>
      %dma_wait3A_210 = tpu.memref_squeeze %dma_wait3A_209 : memref<1x125x64xf32, #tpu.memory_space<vmem>> -> memref<125x64xf32, #tpu.memory_space<vmem>>
      %dma_wait3A_211 = arith.constant 0 : i32
      %dma_wait3A_212 = tpu.memref_slice %arg7[%add3A_205, %dma_wait3A_211] : memref<160x125xi32, #tpu.memory_space<vmem>> -> memref<1x125xi32, #tpu.memory_space<vmem>>
      %dma_wait3A_213 = tpu.memref_squeeze %dma_wait3A_212 : memref<1x125xi32, #tpu.memory_space<vmem>> -> memref<125xi32, #tpu.memory_space<vmem>>
      %dma_wait3A_214 = arith.constant 0 : i32
      %dma_wait3A_215 = arith.constant 0 : i32
      %dma_wait3A_216 = tpu.memref_slice %arg11[%dma_wait3A_214, %dma_wait3A_215] : memref<10240x64xf32, #tpu.memory_space<vmem_shared>> -> memref<10240x64xf32, #tpu.memory_space<vmem_shared>>
      tpu.wait_indirect_dma semaphore(%arg14 : memref<!tpu.dma_semaphore, #tpu.memory_space<semaphore_mem>>) src(%dma_wait3A_210 : memref<125x64xf32, #tpu.memory_space<vmem>>) dst(%dma_wait3A_216 : memref<10240x64xf32, #tpu.memory_space<vmem_shared>>)
      %mul3A_217 = arith.constant 2 : i32
      %mul3A_218 = arith.muli %mul3A_91, %mul3A_217 : i32
      %add3A_219 = arith.constant 1 : i32
      %add3A_220 = arith.addi %mul3A_218, %add3A_219 : i32
      %dma_wait3A_221 = arith.constant 1 : i32
      %dma_wait3A_222 = arith.constant 0 : i32
      %dma_wait3A_223 = arith.constant 0 : i32
      %dma_wait3A_224 = tpu.memref_slice %arg8[%dma_wait3A_221, %dma_wait3A_222, %dma_wait3A_223] : memref<2x125x64xf32, #tpu.memory_space<vmem>> -> memref<1x125x64xf32, #tpu.memory_space<vmem>>
      %dma_wait3A_225 = tpu.memref_squeeze %dma_wait3A_224 : memref<1x125x64xf32, #tpu.memory_space<vmem>> -> memref<125x64xf32, #tpu.memory_space<vmem>>
      %dma_wait3A_226 = arith.constant 0 : i32
      %dma_wait3A_227 = tpu.memref_slice %arg7[%add3A_220, %dma_wait3A_226] : memref<160x125xi32, #tpu.memory_space<vmem>> -> memref<1x125xi32, #tpu.memory_space<vmem>>
      %dma_wait3A_228 = tpu.memref_squeeze %dma_wait3A_227 : memref<1x125xi32, #tpu.memory_space<vmem>> -> memref<125xi32, #tpu.memory_space<vmem>>
      %dma_wait3A_229 = arith.constant 0 : i32
      %dma_wait3A_230 = arith.constant 0 : i32
      %dma_wait3A_231 = tpu.memref_slice %arg11[%dma_wait3A_229, %dma_wait3A_230] : memref<10240x64xf32, #tpu.memory_space<vmem_shared>> -> memref<10240x64xf32, #tpu.memory_space<vmem_shared>>
      tpu.wait_indirect_dma semaphore(%arg14 : memref<!tpu.dma_semaphore, #tpu.memory_space<semaphore_mem>>) src(%dma_wait3A_225 : memref<125x64xf32, #tpu.memory_space<vmem>>) dst(%dma_wait3A_231 : memref<10240x64xf32, #tpu.memory_space<vmem_shared>>)
      %lt3A = arith.constant 39 : i32
      %lt3A_232 = arith.cmpi slt, %scan3A_89, %lt3A : i32
      %convert_element_type3A_233 = arith.extui %lt3A_232 : i1 to i32
      %cond3A_234 = arith.constant 0 : i32
      %cond3A_235 = arith.cmpi ne, %convert_element_type3A_233, %cond3A_234 : i32
      scf.if %cond3A_235 {
        %add3A_308 = arith.constant 2 : i32
        %add3A_309 = arith.addi %mul3A_91, %add3A_308 : i32
        %mul3A_310 = arith.constant 2 : i32
        %mul3A_311 = arith.muli %add3A_309, %mul3A_310 : i32
        %add3A_312 = arith.constant 0 : i32
        %add3A_313 = arith.addi %mul3A_311, %add3A_312 : i32
        %dma_start3A_314 = arith.constant 0 : i32
        %dma_start3A_315 = arith.constant 0 : i32
        %dma_start3A_316 = arith.constant 0 : i32
        %dma_start3A_317 = tpu.memref_slice %arg8[%dma_start3A_314, %dma_start3A_315, %dma_start3A_316] : memref<2x125x64xf32, #tpu.memory_space<vmem>> -> memref<1x125x64xf32, #tpu.memory_space<vmem>>
        %dma_start3A_318 = tpu.memref_squeeze %dma_start3A_317 : memref<1x125x64xf32, #tpu.memory_space<vmem>> -> memref<125x64xf32, #tpu.memory_space<vmem>>
        %dma_start3A_319 = arith.constant 0 : i32
        %dma_start3A_320 = tpu.memref_slice %arg6[%add3A_313, %dma_start3A_319] : memref<160x125xi32, #tpu.memory_space<vmem>> -> memref<1x125xi32, #tpu.memory_space<vmem>>
        %dma_start3A_321 = tpu.memref_squeeze %dma_start3A_320 : memref<1x125xi32, #tpu.memory_space<vmem>> -> memref<125xi32, #tpu.memory_space<vmem>>
        %dma_start3A_322 = arith.constant 0 : i32
        %dma_start3A_323 = arith.constant 0 : i32
        %dma_start3A_324 = tpu.memref_slice %arg2[%arg0, %dma_start3A_322, %dma_start3A_323] : memref<2x10000x64xf32, #tpu.memory_space<hbm>> -> memref<1x10000x64xf32, #tpu.memory_space<hbm>>
        %dma_start3A_325 = tpu.memref_squeeze %dma_start3A_324 : memref<1x10000x64xf32, #tpu.memory_space<hbm>> -> memref<10000x64xf32, #tpu.memory_space<hbm>>
        %dma_start3A_326 = arith.constant 0 : i32
        %dma_start3A_327 = arith.constant 0 : i32
        %dma_start3A_328 = tpu.memref_slice %dma_start3A_325[%dma_start3A_326, %dma_start3A_327] : memref<10000x64xf32, #tpu.memory_space<hbm>> -> memref<10000x64xf32, #tpu.memory_space<hbm>>
        tpu.enqueue_indirect_dma source(%dma_start3A_328 : memref<10000x64xf32, #tpu.memory_space<hbm>>) target(%dma_start3A_318 : memref<125x64xf32, #tpu.memory_space<vmem>>) offsets(%dma_start3A_321 : memref<125xi32, #tpu.memory_space<vmem>>) semaphore(%arg12 : memref<!tpu.dma_semaphore, #tpu.memory_space<semaphore_mem>>)
        %mul3A_329 = arith.constant 2 : i32
        %mul3A_330 = arith.muli %add3A_309, %mul3A_329 : i32
        %add3A_331 = arith.constant 1 : i32
        %add3A_332 = arith.addi %mul3A_330, %add3A_331 : i32
        %dma_start3A_333 = arith.constant 1 : i32
        %dma_start3A_334 = arith.constant 0 : i32
        %dma_start3A_335 = arith.constant 0 : i32
        %dma_start3A_336 = tpu.memref_slice %arg8[%dma_start3A_333, %dma_start3A_334, %dma_start3A_335] : memref<2x125x64xf32, #tpu.memory_space<vmem>> -> memref<1x125x64xf32, #tpu.memory_space<vmem>>
        %dma_start3A_337 = tpu.memref_squeeze %dma_start3A_336 : memref<1x125x64xf32, #tpu.memory_space<vmem>> -> memref<125x64xf32, #tpu.memory_space<vmem>>
        %dma_start3A_338 = arith.constant 0 : i32
        %dma_start3A_339 = tpu.memref_slice %arg6[%add3A_332, %dma_start3A_338] : memref<160x125xi32, #tpu.memory_space<vmem>> -> memref<1x125xi32, #tpu.memory_space<vmem>>
        %dma_start3A_340 = tpu.memref_squeeze %dma_start3A_339 : memref<1x125xi32, #tpu.memory_space<vmem>> -> memref<125xi32, #tpu.memory_space<vmem>>
        %dma_start3A_341 = arith.constant 0 : i32
        %dma_start3A_342 = arith.constant 0 : i32
        %dma_start3A_343 = tpu.memref_slice %arg2[%arg0, %dma_start3A_341, %dma_start3A_342] : memref<2x10000x64xf32, #tpu.memory_space<hbm>> -> memref<1x10000x64xf32, #tpu.memory_space<hbm>>
        %dma_start3A_344 = tpu.memref_squeeze %dma_start3A_343 : memref<1x10000x64xf32, #tpu.memory_space<hbm>> -> memref<10000x64xf32, #tpu.memory_space<hbm>>
        %dma_start3A_345 = arith.constant 0 : i32
        %dma_start3A_346 = arith.constant 0 : i32
        %dma_start3A_347 = tpu.memref_slice %dma_start3A_344[%dma_start3A_345, %dma_start3A_346] : memref<10000x64xf32, #tpu.memory_space<hbm>> -> memref<10000x64xf32, #tpu.memory_space<hbm>>
        tpu.enqueue_indirect_dma source(%dma_start3A_347 : memref<10000x64xf32, #tpu.memory_space<hbm>>) target(%dma_start3A_337 : memref<125x64xf32, #tpu.memory_space<vmem>>) offsets(%dma_start3A_340 : memref<125xi32, #tpu.memory_space<vmem>>) semaphore(%arg12 : memref<!tpu.dma_semaphore, #tpu.memory_space<semaphore_mem>>)
      } else {
      }
      %add3A_236 = arith.constant 1 : i32
      %add3A_237 = arith.addi %mul3A_91, %add3A_236 : i32
      %mul3A_238 = arith.constant 2 : i32
      %mul3A_239 = arith.muli %add3A_237, %mul3A_238 : i32
      %add3A_240 = arith.constant 0 : i32
      %add3A_241 = arith.addi %mul3A_239, %add3A_240 : i32
      %dma_wait3A_242 = arith.constant 0 : i32
      %dma_wait3A_243 = arith.constant 0 : i32
      %dma_wait3A_244 = arith.constant 0 : i32
      %dma_wait3A_245 = tpu.memref_slice %arg9[%dma_wait3A_242, %dma_wait3A_243, %dma_wait3A_244] : memref<2x125x64xf32, #tpu.memory_space<vmem>> -> memref<1x125x64xf32, #tpu.memory_space<vmem>>
      %dma_wait3A_246 = tpu.memref_squeeze %dma_wait3A_245 : memref<1x125x64xf32, #tpu.memory_space<vmem>> -> memref<125x64xf32, #tpu.memory_space<vmem>>
      %dma_wait3A_247 = arith.constant 0 : i32
      %dma_wait3A_248 = tpu.memref_slice %arg6[%add3A_241, %dma_wait3A_247] : memref<160x125xi32, #tpu.memory_space<vmem>> -> memref<1x125xi32, #tpu.memory_space<vmem>>
      %dma_wait3A_249 = tpu.memref_squeeze %dma_wait3A_248 : memref<1x125xi32, #tpu.memory_space<vmem>> -> memref<125xi32, #tpu.memory_space<vmem>>
      %dma_wait3A_250 = arith.constant 0 : i32
      %dma_wait3A_251 = arith.constant 0 : i32
      %dma_wait3A_252 = tpu.memref_slice %arg2[%arg0, %dma_wait3A_250, %dma_wait3A_251] : memref<2x10000x64xf32, #tpu.memory_space<hbm>> -> memref<1x10000x64xf32, #tpu.memory_space<hbm>>
      %dma_wait3A_253 = tpu.memref_squeeze %dma_wait3A_252 : memref<1x10000x64xf32, #tpu.memory_space<hbm>> -> memref<10000x64xf32, #tpu.memory_space<hbm>>
      %dma_wait3A_254 = arith.constant 0 : i32
      %dma_wait3A_255 = arith.constant 0 : i32
      %dma_wait3A_256 = tpu.memref_slice %dma_wait3A_253[%dma_wait3A_254, %dma_wait3A_255] : memref<10000x64xf32, #tpu.memory_space<hbm>> -> memref<10000x64xf32, #tpu.memory_space<hbm>>
      tpu.wait_indirect_dma semaphore(%arg13 : memref<!tpu.dma_semaphore, #tpu.memory_space<semaphore_mem>>) src(%dma_wait3A_256 : memref<10000x64xf32, #tpu.memory_space<hbm>>) dst(%dma_wait3A_246 : memref<125x64xf32, #tpu.memory_space<vmem>>)
      %mul3A_257 = arith.constant 2 : i32
      %mul3A_258 = arith.muli %add3A_237, %mul3A_257 : i32
      %add3A_259 = arith.constant 1 : i32
      %add3A_260 = arith.addi %mul3A_258, %add3A_259 : i32
      %dma_wait3A_261 = arith.constant 1 : i32
      %dma_wait3A_262 = arith.constant 0 : i32
      %dma_wait3A_263 = arith.constant 0 : i32
      %dma_wait3A_264 = tpu.memref_slice %arg9[%dma_wait3A_261, %dma_wait3A_262, %dma_wait3A_263] : memref<2x125x64xf32, #tpu.memory_space<vmem>> -> memref<1x125x64xf32, #tpu.memory_space<vmem>>
      %dma_wait3A_265 = tpu.memref_squeeze %dma_wait3A_264 : memref<1x125x64xf32, #tpu.memory_space<vmem>> -> memref<125x64xf32, #tpu.memory_space<vmem>>
      %dma_wait3A_266 = arith.constant 0 : i32
      %dma_wait3A_267 = tpu.memref_slice %arg6[%add3A_260, %dma_wait3A_266] : memref<160x125xi32, #tpu.memory_space<vmem>> -> memref<1x125xi32, #tpu.memory_space<vmem>>
      %dma_wait3A_268 = tpu.memref_squeeze %dma_wait3A_267 : memref<1x125xi32, #tpu.memory_space<vmem>> -> memref<125xi32, #tpu.memory_space<vmem>>
      %dma_wait3A_269 = arith.constant 0 : i32
      %dma_wait3A_270 = arith.constant 0 : i32
      %dma_wait3A_271 = tpu.memref_slice %arg2[%arg0, %dma_wait3A_269, %dma_wait3A_270] : memref<2x10000x64xf32, #tpu.memory_space<hbm>> -> memref<1x10000x64xf32, #tpu.memory_space<hbm>>
      %dma_wait3A_272 = tpu.memref_squeeze %dma_wait3A_271 : memref<1x10000x64xf32, #tpu.memory_space<hbm>> -> memref<10000x64xf32, #tpu.memory_space<hbm>>
      %dma_wait3A_273 = arith.constant 0 : i32
      %dma_wait3A_274 = arith.constant 0 : i32
      %dma_wait3A_275 = tpu.memref_slice %dma_wait3A_272[%dma_wait3A_273, %dma_wait3A_274] : memref<10000x64xf32, #tpu.memory_space<hbm>> -> memref<10000x64xf32, #tpu.memory_space<hbm>>
      tpu.wait_indirect_dma semaphore(%arg13 : memref<!tpu.dma_semaphore, #tpu.memory_space<semaphore_mem>>) src(%dma_wait3A_275 : memref<10000x64xf32, #tpu.memory_space<hbm>>) dst(%dma_wait3A_265 : memref<125x64xf32, #tpu.memory_space<vmem>>)
      %add3A_276 = arith.constant 1 : i32
      %add3A_277 = arith.addi %mul3A_91, %add3A_276 : i32
      %mul3A_278 = arith.constant 2 : i32
      %mul3A_279 = arith.muli %add3A_277, %mul3A_278 : i32
      %add3A_280 = arith.constant 0 : i32
      %add3A_281 = arith.addi %mul3A_279, %add3A_280 : i32
      %dma_start3A_282 = arith.constant 0 : i32
      %dma_start3A_283 = arith.constant 0 : i32
      %dma_start3A_284 = arith.constant 0 : i32
      %dma_start3A_285 = tpu.memref_slice %arg9[%dma_start3A_282, %dma_start3A_283, %dma_start3A_284] : memref<2x125x64xf32, #tpu.memory_space<vmem>> -> memref<1x125x64xf32, #tpu.memory_space<vmem>>
      %dma_start3A_286 = tpu.memref_squeeze %dma_start3A_285 : memref<1x125x64xf32, #tpu.memory_space<vmem>> -> memref<125x64xf32, #tpu.memory_space<vmem>>
      %dma_start3A_287 = arith.constant 0 : i32
      %dma_start3A_288 = tpu.memref_slice %arg7[%add3A_281, %dma_start3A_287] : memref<160x125xi32, #tpu.memory_space<vmem>> -> memref<1x125xi32, #tpu.memory_space<vmem>>
      %dma_start3A_289 = tpu.memref_squeeze %dma_start3A_288 : memref<1x125xi32, #tpu.memory_space<vmem>> -> memref<125xi32, #tpu.memory_space<vmem>>
      %dma_start3A_290 = arith.constant 0 : i32
      %dma_start3A_291 = arith.constant 0 : i32
      %dma_start3A_292 = tpu.memref_slice %arg11[%dma_start3A_290, %dma_start3A_291] : memref<10240x64xf32, #tpu.memory_space<vmem_shared>> -> memref<10240x64xf32, #tpu.memory_space<vmem_shared>>
      tpu.enqueue_indirect_dma source(%dma_start3A_286 : memref<125x64xf32, #tpu.memory_space<vmem>>) target(%dma_start3A_292 : memref<10240x64xf32, #tpu.memory_space<vmem_shared>>) offsets(%dma_start3A_289 : memref<125xi32, #tpu.memory_space<vmem>>) semaphore(%arg15 : memref<!tpu.dma_semaphore, #tpu.memory_space<semaphore_mem>>) {add = true}
      %mul3A_293 = arith.constant 2 : i32
      %mul3A_294 = arith.muli %add3A_277, %mul3A_293 : i32
      %add3A_295 = arith.constant 1 : i32
      %add3A_296 = arith.addi %mul3A_294, %add3A_295 : i32
      %dma_start3A_297 = arith.constant 1 : i32
      %dma_start3A_298 = arith.constant 0 : i32
      %dma_start3A_299 = arith.constant 0 : i32
      %dma_start3A_300 = tpu.memref_slice %arg9[%dma_start3A_297, %dma_start3A_298, %dma_start3A_299] : memref<2x125x64xf32, #tpu.memory_space<vmem>> -> memref<1x125x64xf32, #tpu.memory_space<vmem>>
      %dma_start3A_301 = tpu.memref_squeeze %dma_start3A_300 : memref<1x125x64xf32, #tpu.memory_space<vmem>> -> memref<125x64xf32, #tpu.memory_space<vmem>>
      %dma_start3A_302 = arith.constant 0 : i32
      %dma_start3A_303 = tpu.memref_slice %arg7[%add3A_296, %dma_start3A_302] : memref<160x125xi32, #tpu.memory_space<vmem>> -> memref<1x125xi32, #tpu.memory_space<vmem>>
      %dma_start3A_304 = tpu.memref_squeeze %dma_start3A_303 : memref<1x125xi32, #tpu.memory_space<vmem>> -> memref<125xi32, #tpu.memory_space<vmem>>
      %dma_start3A_305 = arith.constant 0 : i32
      %dma_start3A_306 = arith.constant 0 : i32
      %dma_start3A_307 = tpu.memref_slice %arg11[%dma_start3A_305, %dma_start3A_306] : memref<10240x64xf32, #tpu.memory_space<vmem_shared>> -> memref<10240x64xf32, #tpu.memory_space<vmem_shared>>
      tpu.enqueue_indirect_dma source(%dma_start3A_301 : memref<125x64xf32, #tpu.memory_space<vmem>>) target(%dma_start3A_307 : memref<10240x64xf32, #tpu.memory_space<vmem_shared>>) offsets(%dma_start3A_304 : memref<125xi32, #tpu.memory_space<vmem>>) semaphore(%arg15 : memref<!tpu.dma_semaphore, #tpu.memory_space<semaphore_mem>>) {add = true}
    }
    %scan3A_60 = arith.constant 40 : i32
    %dma_wait3A = arith.constant 0 : i32
    %dma_wait3A_61 = arith.constant 158 : i32
    %dma_wait3A_62 = arith.constant 0 : i32
    %dma_wait3A_63 = arith.constant 0 : i32
    %dma_wait3A_64 = tpu.memref_slice %arg9[%dma_wait3A, %dma_wait3A_62, %dma_wait3A_63] : memref<2x125x64xf32, #tpu.memory_space<vmem>> -> memref<1x125x64xf32, #tpu.memory_space<vmem>>
    %dma_wait3A_65 = tpu.memref_squeeze %dma_wait3A_64 : memref<1x125x64xf32, #tpu.memory_space<vmem>> -> memref<125x64xf32, #tpu.memory_space<vmem>>
    %dma_wait3A_66 = arith.constant 0 : i32
    %dma_wait3A_67 = tpu.memref_slice %arg7[%dma_wait3A_61, %dma_wait3A_66] : memref<160x125xi32, #tpu.memory_space<vmem>> -> memref<1x125xi32, #tpu.memory_space<vmem>>
    %dma_wait3A_68 = tpu.memref_squeeze %dma_wait3A_67 : memref<1x125xi32, #tpu.memory_space<vmem>> -> memref<125xi32, #tpu.memory_space<vmem>>
    %dma_wait3A_69 = arith.constant 0 : i32
    %dma_wait3A_70 = arith.constant 0 : i32
    %dma_wait3A_71 = tpu.memref_slice %arg11[%dma_wait3A_69, %dma_wait3A_70] : memref<10240x64xf32, #tpu.memory_space<vmem_shared>> -> memref<10240x64xf32, #tpu.memory_space<vmem_shared>>
    tpu.wait_indirect_dma semaphore(%arg15 : memref<!tpu.dma_semaphore, #tpu.memory_space<semaphore_mem>>) src(%dma_wait3A_65 : memref<125x64xf32, #tpu.memory_space<vmem>>) dst(%dma_wait3A_71 : memref<10240x64xf32, #tpu.memory_space<vmem_shared>>)
    %dma_wait3A_72 = arith.constant 1 : i32
    %dma_wait3A_73 = arith.constant 159 : i32
    %dma_wait3A_74 = arith.constant 0 : i32
    %dma_wait3A_75 = arith.constant 0 : i32
    %dma_wait3A_76 = tpu.memref_slice %arg9[%dma_wait3A_72, %dma_wait3A_74, %dma_wait3A_75] : memref<2x125x64xf32, #tpu.memory_space<vmem>> -> memref<1x125x64xf32, #tpu.memory_space<vmem>>
    %dma_wait3A_77 = tpu.memref_squeeze %dma_wait3A_76 : memref<1x125x64xf32, #tpu.memory_space<vmem>> -> memref<125x64xf32, #tpu.memory_space<vmem>>
    %dma_wait3A_78 = arith.constant 0 : i32
    %dma_wait3A_79 = tpu.memref_slice %arg7[%dma_wait3A_73, %dma_wait3A_78] : memref<160x125xi32, #tpu.memory_space<vmem>> -> memref<1x125xi32, #tpu.memory_space<vmem>>
    %dma_wait3A_80 = tpu.memref_squeeze %dma_wait3A_79 : memref<1x125xi32, #tpu.memory_space<vmem>> -> memref<125xi32, #tpu.memory_space<vmem>>
    %dma_wait3A_81 = arith.constant 0 : i32
    %dma_wait3A_82 = arith.constant 0 : i32
    %dma_wait3A_83 = tpu.memref_slice %arg11[%dma_wait3A_81, %dma_wait3A_82] : memref<10240x64xf32, #tpu.memory_space<vmem_shared>> -> memref<10240x64xf32, #tpu.memory_space<vmem_shared>>
    tpu.wait_indirect_dma semaphore(%arg15 : memref<!tpu.dma_semaphore, #tpu.memory_space<semaphore_mem>>) src(%dma_wait3A_77 : memref<125x64xf32, #tpu.memory_space<vmem>>) dst(%dma_wait3A_83 : memref<10240x64xf32, #tpu.memory_space<vmem_shared>>)
    %barrier3A_84 = arith.constant 0 : index
    tpu.barrier barrier_id(%barrier3A_84)
    %mul3A_85 = arith.constant 640 : i32
    %mul3A_86 = arith.muli %arg1, %mul3A_85 : i32
    %mul3A_87 = arith.constant 640 : i32
    %mul3A_88 = arith.muli %arg1, %mul3A_87 : i32
    "tpu.region"() ({
      %run_scoped3A = tpu.sem_alloc : memref<!tpu.dma_semaphore, #tpu.memory_space<semaphore_mem>>
      %dma_start3A_89 = arith.constant 0 : i32
      %dma_start3A_90 = tpu.memref_slice %arg5[%arg0, %mul3A_88, %dma_start3A_89] : memref<2x10240x64xf32, #tpu.memory_space<hbm>> -> memref<1x640x64xf32, #tpu.memory_space<hbm>>
      %dma_start3A_91 = tpu.memref_squeeze %dma_start3A_90 : memref<1x640x64xf32, #tpu.memory_space<hbm>> -> memref<640x64xf32, #tpu.memory_space<hbm>>
      %dma_start3A_92 = arith.constant 0 : i32
      %dma_start3A_93 = tpu.memref_slice %arg11[%mul3A_86, %dma_start3A_92] : memref<10240x64xf32, #tpu.memory_space<vmem_shared>> -> memref<640x64xf32, #tpu.memory_space<vmem_shared>>
      tpu.enqueue_dma source(%dma_start3A_93 : memref<640x64xf32, #tpu.memory_space<vmem_shared>>) target(%dma_start3A_91 : memref<640x64xf32, #tpu.memory_space<hbm>>) target_semaphore(%run_scoped3A : memref<!tpu.dma_semaphore, #tpu.memory_space<semaphore_mem>>)
      %dma_wait3A_94 = arith.constant 0 : i32
      %dma_wait3A_95 = tpu.memref_slice %arg5[%arg0, %mul3A_88, %dma_wait3A_94] : memref<2x10240x64xf32, #tpu.memory_space<hbm>> -> memref<1x640x64xf32, #tpu.memory_space<hbm>>
      %dma_wait3A_96 = tpu.memref_squeeze %dma_wait3A_95 : memref<1x640x64xf32, #tpu.memory_space<hbm>> -> memref<640x64xf32, #tpu.memory_space<hbm>>
      %dma_wait3A_97 = arith.constant 0 : i32
      %dma_wait3A_98 = tpu.memref_slice %arg11[%mul3A_86, %dma_wait3A_97] : memref<10240x64xf32, #tpu.memory_space<vmem_shared>> -> memref<640x64xf32, #tpu.memory_space<vmem_shared>>
      tpu.wait_dma2 semaphore(%run_scoped3A : memref<!tpu.dma_semaphore, #tpu.memory_space<semaphore_mem>>) src(%dma_wait3A_98 : memref<640x64xf32, #tpu.memory_space<vmem_shared>>) dst(%dma_wait3A_96 : memref<640x64xf32, #tpu.memory_space<hbm>>)
      tpu.yield
    }) : () -> ()
    return
  }
}

module attributes {stable_mosaic.version = 14 : i64} {
  func.func @_tc_init_body(%arg0: i32, %arg1: memref<2000x8xf32, #tpu.memory_space<vmem>>, %arg2: memref<8x128xf32, #tpu.memory_space<vmem>>, %arg3: memref<1x128xf32, #tpu.memory_space<vmem>>, %arg4: memref<2x2000x16xf32, #tpu.memory_space<vmem>>, %arg5: memref<128x128xf32, #tpu.memory_space<vmem>>, %arg6: memref<2000x128xf32, #tpu.memory_space<vmem>>, %arg7: memref<2000x1xf32, #tpu.memory_space<vmem>>, %arg8: memref<2x2000x64xf32, #tpu.memory_space<vmem>>) attributes {dimension_semantics = [#tpu.dimension_semantics<arbitrary>], iteration_bounds = array<i64: 5>, scalar_prefetch = 0 : i64, scratch_operands = 0 : i64, tpu.core_type = #tpu.core_type<tc>, window_params = [{transform_indices = @transform_0, window_bounds = array<i64: 2000, 8>}, {pipeline_mode = #tpu.pipeline_mode<synchronous>, transform_indices = @transform_1, window_bounds = array<i64: 8, 128>}, {pipeline_mode = #tpu.pipeline_mode<synchronous>, transform_indices = @transform_2, window_bounds = array<i64: 1, 128>}, {transform_indices = @transform_3, window_bounds = array<i64: 2, 2000, 16>}, {pipeline_mode = #tpu.pipeline_mode<synchronous>, transform_indices = @transform_4, window_bounds = array<i64: 128, 128>}, {transform_indices = @transform_5, window_bounds = array<i64: 2000, 128>}, {transform_indices = @transform_6, window_bounds = array<i64: 2000, 1>}, {transform_indices = @transform_7, window_bounds = array<i64: 2, 2000, 64>}]} {
    %get3A = arith.constant 0 : index
    %get3A_0 = arith.constant 0 : index
    %get3A_1 = arith.constant 0 : index
    %get3A_2 = vector.load %arg4[%get3A, %get3A_0, %get3A_1] : memref<2x2000x16xf32, #tpu.memory_space<vmem>>, vector<1x2000x1xf32>
    %get3A_3 = vector.shape_cast %get3A_2 : vector<1x2000x1xf32> to vector<2000x1xf32>
    %get3A_4 = arith.constant 1 : index
    %get3A_5 = arith.constant 0 : index
    %get3A_6 = arith.constant 0 : index
    %get3A_7 = vector.load %arg4[%get3A_4, %get3A_5, %get3A_6] : memref<2x2000x16xf32, #tpu.memory_space<vmem>>, vector<1x2000x1xf32>
    %get3A_8 = vector.shape_cast %get3A_7 : vector<1x2000x1xf32> to vector<2000x1xf32>
    %add3A = arith.addf %get3A_3, %get3A_8 : vector<2000x1xf32>
    %add3A_9 = arith.constant 1.000000e+00 : f32
    %add3A_10 = vector.broadcast %add3A_9 : f32 to vector<2000x1xf32>
    %add3A_11 = arith.addf %add3A, %add3A_10 : vector<2000x1xf32>
    %rsqrt3A = math.rsqrt %add3A_11 : vector<2000x1xf32>
    %get3A_12 = arith.constant 0 : index
    %get3A_13 = arith.constant 0 : index
    %get3A_14 = vector.load %arg1[%get3A_12, %get3A_13] : memref<2000x8xf32, #tpu.memory_space<vmem>>, vector<2000x8xf32>
    %get3A_15 = arith.constant 0 : index
    %get3A_16 = arith.constant 0 : index
    %get3A_17 = vector.load %arg2[%get3A_15, %get3A_16] : memref<8x128xf32, #tpu.memory_space<vmem>>, vector<8x128xf32>
    %dot_general3A = arith.constant dense<0.000000e+00> : vector<2000x128xf32>
    %dot_general3A_18 = tpu.matmul %get3A_14, %get3A_17, %dot_general3A {dimension_numbers = #tpu.dot_dimension_numbers<[1], [0], [0], [1], [0, 0, 1, 1], [], []>, precision = #tpu.contract_precision<fp32>, transpose_lhs_hint = false} : vector<2000x8xf32>, vector<8x128xf32>, vector<2000x128xf32> -> vector<2000x128xf32>
    %get3A_19 = arith.constant 0 : index
    %get3A_20 = arith.constant 0 : index
    %get3A_21 = vector.load %arg3[%get3A_19, %get3A_20] : memref<1x128xf32, #tpu.memory_space<vmem>>, vector<1x128xf32>
    %add3A_22 = vector.broadcast %get3A_21 : vector<1x128xf32> to vector<2000x128xf32>
    %add3A_23 = arith.addf %dot_general3A_18, %add3A_22 : vector<2000x128xf32>
    %max3A = arith.constant 0.000000e+00 : f32
    %max3A_24 = vector.broadcast %max3A : f32 to vector<2000x128xf32>
    %max3A_25 = arith.maximumf %add3A_23, %max3A_24 : vector<2000x128xf32>
    %swap3A = arith.constant 0 : index
    %swap3A_26 = arith.constant 0 : index
    %swap3A_27 = vector.load %arg6[%swap3A, %swap3A_26] : memref<2000x128xf32, #tpu.memory_space<vmem>>, vector<2000x128xf32>
    tpu.vector_store %arg6[%swap3A, %swap3A_26], %max3A_25 {strides = array<i32>} : memref<2000x128xf32, #tpu.memory_space<vmem>>, vector<2000x128xf32>,
    %swap3A_28 = arith.constant 0 : index
    %swap3A_29 = arith.constant 0 : index
    %swap3A_30 = vector.load %arg7[%swap3A_28, %swap3A_29] : memref<2000x1xf32, #tpu.memory_space<vmem>>, vector<2000x1xf32>
    tpu.vector_store %arg7[%swap3A_28, %swap3A_29], %rsqrt3A {strides = array<i32>} : memref<2000x1xf32, #tpu.memory_space<vmem>>, vector<2000x1xf32>,
    %get3A_31 = arith.constant 0 : index
    %get3A_32 = arith.constant 0 : index
    %get3A_33 = vector.load %arg5[%get3A_31, %get3A_32] : memref<128x128xf32, #tpu.memory_space<vmem>>, vector<128x128xf32>
    %dot_general3A_34 = arith.constant dense<0.000000e+00> : vector<2000x128xf32>
    %dot_general3A_35 = tpu.matmul %max3A_25, %get3A_33, %dot_general3A_34 {dimension_numbers = #tpu.dot_dimension_numbers<[1], [0], [0], [1], [0, 0, 1, 1], [], []>, precision = #tpu.contract_precision<fp32>, transpose_lhs_hint = false} : vector<2000x128xf32>, vector<128x128xf32>, vector<2000x128xf32> -> vector<2000x128xf32>
    %mul3A = vector.broadcast %rsqrt3A : vector<2000x1xf32> to vector<2000x128xf32>
    %mul3A_36 = arith.mulf %dot_general3A_35, %mul3A : vector<2000x128xf32>
    %slice3A = vector.extract_strided_slice %mul3A_36 {offsets = [0, 0], sizes = [2000, 64], strides = [1, 1]} : vector<2000x128xf32> to vector<2000x64xf32>
    %swap3A_37 = arith.constant 0 : index
    %swap3A_38 = arith.constant 0 : index
    %swap3A_39 = arith.constant 0 : index
    %swap3A_40 = vector.load %arg8[%swap3A_37, %swap3A_38, %swap3A_39] : memref<2x2000x64xf32, #tpu.memory_space<vmem>>, vector<1x2000x64xf32>
    %swap3A_41 = vector.shape_cast %swap3A_40 : vector<1x2000x64xf32> to vector<2000x64xf32>
    %swap3A_42 = vector.shape_cast %slice3A : vector<2000x64xf32> to vector<1x2000x64xf32>
    tpu.vector_store %arg8[%swap3A_37, %swap3A_38, %swap3A_39], %swap3A_42 {strides = array<i32>} : memref<2x2000x64xf32, #tpu.memory_space<vmem>>, vector<1x2000x64xf32>,
    %slice3A_43 = vector.extract_strided_slice %mul3A_36 {offsets = [0, 64], sizes = [2000, 64], strides = [1, 1]} : vector<2000x128xf32> to vector<2000x64xf32>
    %swap3A_44 = arith.constant 1 : index
    %swap3A_45 = arith.constant 0 : index
    %swap3A_46 = arith.constant 0 : index
    %swap3A_47 = vector.load %arg8[%swap3A_44, %swap3A_45, %swap3A_46] : memref<2x2000x64xf32, #tpu.memory_space<vmem>>, vector<1x2000x64xf32>
    %swap3A_48 = vector.shape_cast %swap3A_47 : vector<1x2000x64xf32> to vector<2000x64xf32>
    %swap3A_49 = vector.shape_cast %slice3A_43 : vector<2000x64xf32> to vector<1x2000x64xf32>
    tpu.vector_store %arg8[%swap3A_44, %swap3A_45, %swap3A_46], %swap3A_49 {strides = array<i32>} : memref<2x2000x64xf32, #tpu.memory_space<vmem>>, vector<1x2000x64xf32>,
    return
  }
  func.func @transform_0(%arg0: i32) -> (i32, i32) {
    %c0_i32 = arith.constant 0 : i32
    %c0_i32_0 = arith.constant 0 : i32
    return %arg0, %c0_i32 : i32, i32
  }
  func.func @transform_1(%arg0: i32) -> (i32, i32) {
    %c0_i32 = arith.constant 0 : i32
    %c0_i32_0 = arith.constant 0 : i32
    %c0_i32_1 = arith.constant 0 : i32
    return %c0_i32, %c0_i32_0 : i32, i32
  }
  func.func @transform_2(%arg0: i32) -> (i32, i32) {
    %c0_i32 = arith.constant 0 : i32
    %c0_i32_0 = arith.constant 0 : i32
    %c0_i32_1 = arith.constant 0 : i32
    return %c0_i32, %c0_i32_0 : i32, i32
  }
  func.func @transform_3(%arg0: i32) -> (i32, i32, i32) {
    %c0_i32 = arith.constant 0 : i32
    %c0_i32_0 = arith.constant 0 : i32
    %c0_i32_1 = arith.constant 0 : i32
    return %c0_i32, %arg0, %c0_i32_0 : i32, i32, i32
  }
  func.func @transform_4(%arg0: i32) -> (i32, i32) {
    %c0_i32 = arith.constant 0 : i32
    %c0_i32_0 = arith.constant 0 : i32
    %c0_i32_1 = arith.constant 0 : i32
    return %c0_i32, %c0_i32_0 : i32, i32
  }
  func.func @transform_5(%arg0: i32) -> (i32, i32) {
    %c0_i32 = arith.constant 0 : i32
    %c0_i32_0 = arith.constant 0 : i32
    return %arg0, %c0_i32 : i32, i32
  }
  func.func @transform_6(%arg0: i32) -> (i32, i32) {
    %c0_i32 = arith.constant 0 : i32
    %c0_i32_0 = arith.constant 0 : i32
    return %arg0, %c0_i32 : i32, i32
  }
  func.func @transform_7(%arg0: i32) -> (i32, i32, i32) {
    %c0_i32 = arith.constant 0 : i32
    %c0_i32_0 = arith.constant 0 : i32
    %c0_i32_1 = arith.constant 0 : i32
    return %c0_i32, %arg0, %c0_i32_0 : i32, i32, i32
  }
}

module attributes {stable_mosaic.version = 14 : i64} {
  func.func @_tc_post_a_body(%arg0: i32, %arg1: memref<2x2000x64xf32, #tpu.memory_space<vmem>>, %arg2: memref<2x2000x64xf32, #tpu.memory_space<vmem>>, %arg3: memref<2000x1xf32, #tpu.memory_space<vmem>>, %arg4: memref<1x128xf32, #tpu.memory_space<vmem>>, %arg5: memref<2000x128xf32, #tpu.memory_space<vmem>>, %arg6: memref<1x128xf32, #tpu.memory_space<vmem>>, %arg7: memref<1x128xf32, #tpu.memory_space<vmem>>, %arg8: memref<1x128xf32, #tpu.memory_space<vmem>>, %arg9: memref<1x128xf32, #tpu.memory_space<vmem>>) attributes {dimension_semantics = [#tpu.dimension_semantics<arbitrary>], iteration_bounds = array<i64: 5>, scalar_prefetch = 0 : i64, scratch_operands = 2 : i64, tpu.core_type = #tpu.core_type<tc>, window_params = [{transform_indices = @transform_0, window_bounds = array<i64: 2, 2000, 64>}, {transform_indices = @transform_1, window_bounds = array<i64: 2, 2000, 64>}, {transform_indices = @transform_2, window_bounds = array<i64: 2000, 1>}, {pipeline_mode = #tpu.pipeline_mode<synchronous>, transform_indices = @transform_3, window_bounds = array<i64: 1, 128>}, {transform_indices = @transform_4, window_bounds = array<i64: 2000, 128>}, {pipeline_mode = #tpu.pipeline_mode<synchronous>, transform_indices = @transform_5, window_bounds = array<i64: 1, 128>}, {pipeline_mode = #tpu.pipeline_mode<synchronous>, transform_indices = @transform_6, window_bounds = array<i64: 1, 128>}]} {
    %eq3A = arith.constant 0 : i32
    %eq3A_0 = arith.cmpi eq, %arg0, %eq3A : i32
    %convert_element_type3A = arith.extui %eq3A_0 : i1 to i32
    %cond3A = arith.constant 0 : i32
    %cond3A_1 = arith.cmpi ne, %convert_element_type3A, %cond3A : i32
    scf.if %cond3A_1 {
      %broadcast_in_dim3A_64 = arith.constant 0.000000e+00 : f32
      %broadcast_in_dim3A_65 = vector.broadcast %broadcast_in_dim3A_64 : f32 to vector<1x128xf32>
      %swap3A_66 = arith.constant 0 : index
      %swap3A_67 = arith.constant 0 : index
      %swap3A_68 = vector.load %arg8[%swap3A_66, %swap3A_67] : memref<1x128xf32, #tpu.memory_space<vmem>>, vector<1x128xf32>
      tpu.vector_store %arg8[%swap3A_66, %swap3A_67], %broadcast_in_dim3A_65 {strides = array<i32>} : memref<1x128xf32, #tpu.memory_space<vmem>>, vector<1x128xf32>,
      %broadcast_in_dim3A_69 = arith.constant 0.000000e+00 : f32
      %broadcast_in_dim3A_70 = vector.broadcast %broadcast_in_dim3A_69 : f32 to vector<1x128xf32>
      %swap3A_71 = arith.constant 0 : index
      %swap3A_72 = arith.constant 0 : index
      %swap3A_73 = vector.load %arg9[%swap3A_71, %swap3A_72] : memref<1x128xf32, #tpu.memory_space<vmem>>, vector<1x128xf32>
      tpu.vector_store %arg9[%swap3A_71, %swap3A_72], %broadcast_in_dim3A_70 {strides = array<i32>} : memref<1x128xf32, #tpu.memory_space<vmem>>, vector<1x128xf32>,
    } else {
    }
    %get3A = arith.constant 0 : index
    %get3A_2 = arith.constant 0 : index
    %get3A_3 = arith.constant 0 : index
    %get3A_4 = vector.load %arg1[%get3A, %get3A_2, %get3A_3] : memref<2x2000x64xf32, #tpu.memory_space<vmem>>, vector<1x2000x64xf32>
    %get3A_5 = vector.shape_cast %get3A_4 : vector<1x2000x64xf32> to vector<2000x64xf32>
    %get3A_6 = arith.constant 1 : index
    %get3A_7 = arith.constant 0 : index
    %get3A_8 = arith.constant 0 : index
    %get3A_9 = vector.load %arg1[%get3A_6, %get3A_7, %get3A_8] : memref<2x2000x64xf32, #tpu.memory_space<vmem>>, vector<1x2000x64xf32>
    %get3A_10 = vector.shape_cast %get3A_9 : vector<1x2000x64xf32> to vector<2000x64xf32>
    %concatenate3A = tpu.concatenate %get3A_5, %get3A_10 in 1 : vector<2000x64xf32>, vector<2000x64xf32> -> vector<2000x128xf32>
    %get3A_11 = arith.constant 0 : index
    %get3A_12 = arith.constant 0 : index
    %get3A_13 = arith.constant 0 : index
    %get3A_14 = vector.load %arg2[%get3A_11, %get3A_12, %get3A_13] : memref<2x2000x64xf32, #tpu.memory_space<vmem>>, vector<1x2000x64xf32>
    %get3A_15 = vector.shape_cast %get3A_14 : vector<1x2000x64xf32> to vector<2000x64xf32>
    %get3A_16 = arith.constant 1 : index
    %get3A_17 = arith.constant 0 : index
    %get3A_18 = arith.constant 0 : index
    %get3A_19 = vector.load %arg2[%get3A_16, %get3A_17, %get3A_18] : memref<2x2000x64xf32, #tpu.memory_space<vmem>>, vector<1x2000x64xf32>
    %get3A_20 = vector.shape_cast %get3A_19 : vector<1x2000x64xf32> to vector<2000x64xf32>
    %concatenate3A_21 = tpu.concatenate %get3A_15, %get3A_20 in 1 : vector<2000x64xf32>, vector<2000x64xf32> -> vector<2000x128xf32>
    %get3A_22 = arith.constant 0 : index
    %get3A_23 = arith.constant 0 : index
    %get3A_24 = vector.load %arg3[%get3A_22, %get3A_23] : memref<2000x1xf32, #tpu.memory_space<vmem>>, vector<2000x1xf32>
    %add3A = arith.addf %concatenate3A, %concatenate3A_21 : vector<2000x128xf32>
    %mul3A = vector.broadcast %get3A_24 : vector<2000x1xf32> to vector<2000x128xf32>
    %mul3A_25 = arith.mulf %mul3A, %add3A : vector<2000x128xf32>
    %get3A_26 = arith.constant 0 : index
    %get3A_27 = arith.constant 0 : index
    %get3A_28 = vector.load %arg4[%get3A_26, %get3A_27] : memref<1x128xf32, #tpu.memory_space<vmem>>, vector<1x128xf32>
    %add3A_29 = vector.broadcast %get3A_28 : vector<1x128xf32> to vector<2000x128xf32>
    %add3A_30 = arith.addf %mul3A_25, %add3A_29 : vector<2000x128xf32>
    %swap3A = arith.constant 0 : index
    %swap3A_31 = arith.constant 0 : index
    %swap3A_32 = vector.load %arg5[%swap3A, %swap3A_31] : memref<2000x128xf32, #tpu.memory_space<vmem>>, vector<2000x128xf32>
    tpu.vector_store %arg5[%swap3A, %swap3A_31], %add3A_30 {strides = array<i32>} : memref<2000x128xf32, #tpu.memory_space<vmem>>, vector<2000x128xf32>,
    %get3A_33 = arith.constant 0 : index
    %get3A_34 = arith.constant 0 : index
    %get3A_35 = vector.load %arg8[%get3A_33, %get3A_34] : memref<1x128xf32, #tpu.memory_space<vmem>>, vector<1x128xf32>
    %reduce_sum3A = arith.constant dense<0.000000e+00> : vector<128xf32>
    %reduce_sum3A_36 = vector.multi_reduction <add>, %add3A_30, %reduce_sum3A [0] : vector<2000x128xf32> to vector<128xf32>
    %broadcast_in_dim3A = vector.shape_cast %reduce_sum3A_36 : vector<128xf32> to vector<1x128xf32>
    %add3A_37 = arith.addf %get3A_35, %broadcast_in_dim3A : vector<1x128xf32>
    %swap3A_38 = arith.constant 0 : index
    %swap3A_39 = arith.constant 0 : index
    %swap3A_40 = vector.load %arg8[%swap3A_38, %swap3A_39] : memref<1x128xf32, #tpu.memory_space<vmem>>, vector<1x128xf32>
    tpu.vector_store %arg8[%swap3A_38, %swap3A_39], %add3A_37 {strides = array<i32>} : memref<1x128xf32, #tpu.memory_space<vmem>>, vector<1x128xf32>,
    %get3A_41 = arith.constant 0 : index
    %get3A_42 = arith.constant 0 : index
    %get3A_43 = vector.load %arg9[%get3A_41, %get3A_42] : memref<1x128xf32, #tpu.memory_space<vmem>>, vector<1x128xf32>
    %mul3A_44 = arith.mulf %add3A_30, %add3A_30 : vector<2000x128xf32>
    %reduce_sum3A_45 = arith.constant dense<0.000000e+00> : vector<128xf32>
    %reduce_sum3A_46 = vector.multi_reduction <add>, %mul3A_44, %reduce_sum3A_45 [0] : vector<2000x128xf32> to vector<128xf32>
    %broadcast_in_dim3A_47 = vector.shape_cast %reduce_sum3A_46 : vector<128xf32> to vector<1x128xf32>
    %add3A_48 = arith.addf %get3A_43, %broadcast_in_dim3A_47 : vector<1x128xf32>
    %swap3A_49 = arith.constant 0 : index
    %swap3A_50 = arith.constant 0 : index
    %swap3A_51 = vector.load %arg9[%swap3A_49, %swap3A_50] : memref<1x128xf32, #tpu.memory_space<vmem>>, vector<1x128xf32>
    tpu.vector_store %arg9[%swap3A_49, %swap3A_50], %add3A_48 {strides = array<i32>} : memref<1x128xf32, #tpu.memory_space<vmem>>, vector<1x128xf32>,
    %get3A_52 = arith.constant 0 : index
    %get3A_53 = arith.constant 0 : index
    %get3A_54 = vector.load %arg8[%get3A_52, %get3A_53] : memref<1x128xf32, #tpu.memory_space<vmem>>, vector<1x128xf32>
    %swap3A_55 = arith.constant 0 : index
    %swap3A_56 = arith.constant 0 : index
    %swap3A_57 = vector.load %arg6[%swap3A_55, %swap3A_56] : memref<1x128xf32, #tpu.memory_space<vmem>>, vector<1x128xf32>
    tpu.vector_store %arg6[%swap3A_55, %swap3A_56], %get3A_54 {strides = array<i32>} : memref<1x128xf32, #tpu.memory_space<vmem>>, vector<1x128xf32>,
    %get3A_58 = arith.constant 0 : index
    %get3A_59 = arith.constant 0 : index
    %get3A_60 = vector.load %arg9[%get3A_58, %get3A_59] : memref<1x128xf32, #tpu.memory_space<vmem>>, vector<1x128xf32>
    %swap3A_61 = arith.constant 0 : index
    %swap3A_62 = arith.constant 0 : index
    %swap3A_63 = vector.load %arg7[%swap3A_61, %swap3A_62] : memref<1x128xf32, #tpu.memory_space<vmem>>, vector<1x128xf32>
    tpu.vector_store %arg7[%swap3A_61, %swap3A_62], %get3A_60 {strides = array<i32>} : memref<1x128xf32, #tpu.memory_space<vmem>>, vector<1x128xf32>,
    return
  }
  func.func @transform_0(%arg0: i32) -> (i32, i32, i32) {
    %c0_i32 = arith.constant 0 : i32
    %c0_i32_0 = arith.constant 0 : i32
    %c0_i32_1 = arith.constant 0 : i32
    return %c0_i32, %arg0, %c0_i32_0 : i32, i32, i32
  }
  func.func @transform_1(%arg0: i32) -> (i32, i32, i32) {
    %c0_i32 = arith.constant 0 : i32
    %c0_i32_0 = arith.constant 0 : i32
    %c0_i32_1 = arith.constant 0 : i32
    return %c0_i32, %arg0, %c0_i32_0 : i32, i32, i32
  }
  func.func @transform_2(%arg0: i32) -> (i32, i32) {
    %c0_i32 = arith.constant 0 : i32
    %c0_i32_0 = arith.constant 0 : i32
    return %arg0, %c0_i32 : i32, i32
  }
  func.func @transform_3(%arg0: i32) -> (i32, i32) {
    %c0_i32 = arith.constant 0 : i32
    %c0_i32_0 = arith.constant 0 : i32
    %c0_i32_1 = arith.constant 0 : i32
    return %c0_i32, %c0_i32_0 : i32, i32
  }
  func.func @transform_4(%arg0: i32) -> (i32, i32) {
    %c0_i32 = arith.constant 0 : i32
    %c0_i32_0 = arith.constant 0 : i32
    return %arg0, %c0_i32 : i32, i32
  }
  func.func @transform_5(%arg0: i32) -> (i32, i32) {
    %c0_i32 = arith.constant 0 : i32
    %c0_i32_0 = arith.constant 0 : i32
    %c0_i32_1 = arith.constant 0 : i32
    return %c0_i32, %c0_i32_0 : i32, i32
  }
  func.func @transform_6(%arg0: i32) -> (i32, i32) {
    %c0_i32 = arith.constant 0 : i32
    %c0_i32_0 = arith.constant 0 : i32
    %c0_i32_1 = arith.constant 0 : i32
    return %c0_i32, %c0_i32_0 : i32, i32
  }
}

module attributes {stable_mosaic.version = 14 : i64} {
  func.func @_tc_post_b_body(%arg0: i32, %arg1: memref<2000x128xf32, #tpu.memory_space<vmem>>, %arg2: memref<1x128xf32, #tpu.memory_space<vmem>>, %arg3: memref<1x128xf32, #tpu.memory_space<vmem>>, %arg4: memref<1x128xf32, #tpu.memory_space<vmem>>, %arg5: memref<1x128xf32, #tpu.memory_space<vmem>>, %arg6: memref<1x128xf32, #tpu.memory_space<vmem>>, %arg7: memref<2000x128xf32, #tpu.memory_space<vmem>>, %arg8: memref<2000x1xf32, #tpu.memory_space<vmem>>, %arg9: memref<128x128xf32, #tpu.memory_space<vmem>>, %arg10: memref<2000x128xf32, #tpu.memory_space<vmem>>, %arg11: memref<2x2000x64xf32, #tpu.memory_space<vmem>>) attributes {dimension_semantics = [#tpu.dimension_semantics<arbitrary>], iteration_bounds = array<i64: 5>, scalar_prefetch = 0 : i64, scratch_operands = 0 : i64, tpu.core_type = #tpu.core_type<tc>, window_params = [{transform_indices = @transform_0, window_bounds = array<i64: 2000, 128>}, {pipeline_mode = #tpu.pipeline_mode<synchronous>, transform_indices = @transform_1, window_bounds = array<i64: 1, 128>}, {pipeline_mode = #tpu.pipeline_mode<synchronous>, transform_indices = @transform_2, window_bounds = array<i64: 1, 128>}, {pipeline_mode = #tpu.pipeline_mode<synchronous>, transform_indices = @transform_3, window_bounds = array<i64: 1, 128>}, {pipeline_mode = #tpu.pipeline_mode<synchronous>, transform_indices = @transform_4, window_bounds = array<i64: 1, 128>}, {pipeline_mode = #tpu.pipeline_mode<synchronous>, transform_indices = @transform_5, window_bounds = array<i64: 1, 128>}, {transform_indices = @transform_6, window_bounds = array<i64: 2000, 128>}, {transform_indices = @transform_7, window_bounds = array<i64: 2000, 1>}, {pipeline_mode = #tpu.pipeline_mode<synchronous>, transform_indices = @transform_8, window_bounds = array<i64: 128, 128>}, {transform_indices = @transform_9, window_bounds = array<i64: 2000, 128>}, {transform_indices = @transform_10, window_bounds = array<i64: 2, 2000, 64>}]} {
    %get3A = arith.constant 0 : index
    %get3A_0 = arith.constant 0 : index
    %get3A_1 = vector.load %arg2[%get3A, %get3A_0] : memref<1x128xf32, #tpu.memory_space<vmem>>, vector<1x128xf32>
    %mul3A = arith.constant 9.99999974E-5 : f32
    %mul3A_2 = vector.broadcast %mul3A : f32 to vector<1x128xf32>
    %mul3A_3 = arith.mulf %get3A_1, %mul3A_2 : vector<1x128xf32>
    %get3A_4 = arith.constant 0 : index
    %get3A_5 = arith.constant 0 : index
    %get3A_6 = vector.load %arg3[%get3A_4, %get3A_5] : memref<1x128xf32, #tpu.memory_space<vmem>>, vector<1x128xf32>
    %mul3A_7 = arith.constant 9.99999974E-5 : f32
    %mul3A_8 = vector.broadcast %mul3A_7 : f32 to vector<1x128xf32>
    %mul3A_9 = arith.mulf %get3A_6, %mul3A_8 : vector<1x128xf32>
    %get3A_10 = arith.constant 0 : index
    %get3A_11 = arith.constant 0 : index
    %get3A_12 = vector.load %arg6[%get3A_10, %get3A_11] : memref<1x128xf32, #tpu.memory_space<vmem>>, vector<1x128xf32>
    %mul3A_13 = arith.mulf %get3A_12, %get3A_12 : vector<1x128xf32>
    %mul3A_14 = arith.constant 2.000000e+00 : f32
    %mul3A_15 = vector.broadcast %mul3A_14 : f32 to vector<1x128xf32>
    %mul3A_16 = arith.mulf %mul3A_15, %get3A_12 : vector<1x128xf32>
    %sub3A = arith.subf %mul3A_13, %mul3A_16 : vector<1x128xf32>
    %mul3A_17 = arith.mulf %sub3A, %mul3A_3 : vector<1x128xf32>
    %mul3A_18 = arith.mulf %mul3A_17, %mul3A_3 : vector<1x128xf32>
    %add3A = arith.addf %mul3A_9, %mul3A_18 : vector<1x128xf32>
    %add3A_19 = arith.constant 9.99999974E-6 : f32
    %add3A_20 = vector.broadcast %add3A_19 : f32 to vector<1x128xf32>
    %add3A_21 = arith.addf %add3A, %add3A_20 : vector<1x128xf32>
    %rsqrt3A = math.rsqrt %add3A_21 : vector<1x128xf32>
    %get3A_22 = arith.constant 0 : index
    %get3A_23 = arith.constant 0 : index
    %get3A_24 = vector.load %arg1[%get3A_22, %get3A_23] : memref<2000x128xf32, #tpu.memory_space<vmem>>, vector<2000x128xf32>
    %mul3A_25 = arith.mulf %get3A_12, %mul3A_3 : vector<1x128xf32>
    %sub3A_26 = vector.broadcast %mul3A_25 : vector<1x128xf32> to vector<2000x128xf32>
    %sub3A_27 = arith.subf %get3A_24, %sub3A_26 : vector<2000x128xf32>
    %mul3A_28 = vector.broadcast %rsqrt3A : vector<1x128xf32> to vector<2000x128xf32>
    %mul3A_29 = arith.mulf %sub3A_27, %mul3A_28 : vector<2000x128xf32>
    %get3A_30 = arith.constant 0 : index
    %get3A_31 = arith.constant 0 : index
    %get3A_32 = vector.load %arg4[%get3A_30, %get3A_31] : memref<1x128xf32, #tpu.memory_space<vmem>>, vector<1x128xf32>
    %mul3A_33 = vector.broadcast %get3A_32 : vector<1x128xf32> to vector<2000x128xf32>
    %mul3A_34 = arith.mulf %mul3A_29, %mul3A_33 : vector<2000x128xf32>
    %get3A_35 = arith.constant 0 : index
    %get3A_36 = arith.constant 0 : index
    %get3A_37 = vector.load %arg5[%get3A_35, %get3A_36] : memref<1x128xf32, #tpu.memory_space<vmem>>, vector<1x128xf32>
    %add3A_38 = vector.broadcast %get3A_37 : vector<1x128xf32> to vector<2000x128xf32>
    %add3A_39 = arith.addf %mul3A_34, %add3A_38 : vector<2000x128xf32>
    %max3A = arith.constant 0.000000e+00 : f32
    %max3A_40 = vector.broadcast %max3A : f32 to vector<2000x128xf32>
    %max3A_41 = arith.maximumf %add3A_39, %max3A_40 : vector<2000x128xf32>
    %get3A_42 = arith.constant 0 : index
    %get3A_43 = arith.constant 0 : index
    %get3A_44 = vector.load %arg7[%get3A_42, %get3A_43] : memref<2000x128xf32, #tpu.memory_space<vmem>>, vector<2000x128xf32>
    %add3A_45 = arith.addf %max3A_41, %get3A_44 : vector<2000x128xf32>
    %swap3A = arith.constant 0 : index
    %swap3A_46 = arith.constant 0 : index
    %swap3A_47 = vector.load %arg10[%swap3A, %swap3A_46] : memref<2000x128xf32, #tpu.memory_space<vmem>>, vector<2000x128xf32>
    tpu.vector_store %arg10[%swap3A, %swap3A_46], %add3A_45 {strides = array<i32>} : memref<2000x128xf32, #tpu.memory_space<vmem>>, vector<2000x128xf32>,
    %get3A_48 = arith.constant 0 : index
    %get3A_49 = arith.constant 0 : index
    %get3A_50 = vector.load %arg9[%get3A_48, %get3A_49] : memref<128x128xf32, #tpu.memory_space<vmem>>, vector<128x128xf32>
    %dot_general3A = arith.constant dense<0.000000e+00> : vector<2000x128xf32>
    %dot_general3A_51 = tpu.matmul %add3A_45, %get3A_50, %dot_general3A {dimension_numbers = #tpu.dot_dimension_numbers<[1], [0], [0], [1], [0, 0, 1, 1], [], []>, precision = #tpu.contract_precision<fp32>, transpose_lhs_hint = false} : vector<2000x128xf32>, vector<128x128xf32>, vector<2000x128xf32> -> vector<2000x128xf32>
    %get3A_52 = arith.constant 0 : index
    %get3A_53 = arith.constant 0 : index
    %get3A_54 = vector.load %arg8[%get3A_52, %get3A_53] : memref<2000x1xf32, #tpu.memory_space<vmem>>, vector<2000x1xf32>
    %mul3A_55 = vector.broadcast %get3A_54 : vector<2000x1xf32> to vector<2000x128xf32>
    %mul3A_56 = arith.mulf %dot_general3A_51, %mul3A_55 : vector<2000x128xf32>
    %slice3A = vector.extract_strided_slice %mul3A_56 {offsets = [0, 0], sizes = [2000, 64], strides = [1, 1]} : vector<2000x128xf32> to vector<2000x64xf32>
    %swap3A_57 = arith.constant 0 : index
    %swap3A_58 = arith.constant 0 : index
    %swap3A_59 = arith.constant 0 : index
    %swap3A_60 = vector.load %arg11[%swap3A_57, %swap3A_58, %swap3A_59] : memref<2x2000x64xf32, #tpu.memory_space<vmem>>, vector<1x2000x64xf32>
    %swap3A_61 = vector.shape_cast %swap3A_60 : vector<1x2000x64xf32> to vector<2000x64xf32>
    %swap3A_62 = vector.shape_cast %slice3A : vector<2000x64xf32> to vector<1x2000x64xf32>
    tpu.vector_store %arg11[%swap3A_57, %swap3A_58, %swap3A_59], %swap3A_62 {strides = array<i32>} : memref<2x2000x64xf32, #tpu.memory_space<vmem>>, vector<1x2000x64xf32>,
    %slice3A_63 = vector.extract_strided_slice %mul3A_56 {offsets = [0, 64], sizes = [2000, 64], strides = [1, 1]} : vector<2000x128xf32> to vector<2000x64xf32>
    %swap3A_64 = arith.constant 1 : index
    %swap3A_65 = arith.constant 0 : index
    %swap3A_66 = arith.constant 0 : index
    %swap3A_67 = vector.load %arg11[%swap3A_64, %swap3A_65, %swap3A_66] : memref<2x2000x64xf32, #tpu.memory_space<vmem>>, vector<1x2000x64xf32>
    %swap3A_68 = vector.shape_cast %swap3A_67 : vector<1x2000x64xf32> to vector<2000x64xf32>
    %swap3A_69 = vector.shape_cast %slice3A_63 : vector<2000x64xf32> to vector<1x2000x64xf32>
    tpu.vector_store %arg11[%swap3A_64, %swap3A_65, %swap3A_66], %swap3A_69 {strides = array<i32>} : memref<2x2000x64xf32, #tpu.memory_space<vmem>>, vector<1x2000x64xf32>,
    return
  }
  func.func @transform_0(%arg0: i32) -> (i32, i32) {
    %c0_i32 = arith.constant 0 : i32
    %c0_i32_0 = arith.constant 0 : i32
    return %arg0, %c0_i32 : i32, i32
  }
  func.func @transform_1(%arg0: i32) -> (i32, i32) {
    %c0_i32 = arith.constant 0 : i32
    %c0_i32_0 = arith.constant 0 : i32
    %c0_i32_1 = arith.constant 0 : i32
    return %c0_i32, %c0_i32_0 : i32, i32
  }
  func.func @transform_2(%arg0: i32) -> (i32, i32) {
    %c0_i32 = arith.constant 0 : i32
    %c0_i32_0 = arith.constant 0 : i32
    %c0_i32_1 = arith.constant 0 : i32
    return %c0_i32, %c0_i32_0 : i32, i32
  }
  func.func @transform_3(%arg0: i32) -> (i32, i32) {
    %c0_i32 = arith.constant 0 : i32
    %c0_i32_0 = arith.constant 0 : i32
    %c0_i32_1 = arith.constant 0 : i32
    return %c0_i32, %c0_i32_0 : i32, i32
  }
  func.func @transform_4(%arg0: i32) -> (i32, i32) {
    %c0_i32 = arith.constant 0 : i32
    %c0_i32_0 = arith.constant 0 : i32
    %c0_i32_1 = arith.constant 0 : i32
    return %c0_i32, %c0_i32_0 : i32, i32
  }
  func.func @transform_5(%arg0: i32) -> (i32, i32) {
    %c0_i32 = arith.constant 0 : i32
    %c0_i32_0 = arith.constant 0 : i32
    %c0_i32_1 = arith.constant 0 : i32
    return %c0_i32, %c0_i32_0 : i32, i32
  }
  func.func @transform_6(%arg0: i32) -> (i32, i32) {
    %c0_i32 = arith.constant 0 : i32
    %c0_i32_0 = arith.constant 0 : i32
    return %arg0, %c0_i32 : i32, i32
  }
  func.func @transform_7(%arg0: i32) -> (i32, i32) {
    %c0_i32 = arith.constant 0 : i32
    %c0_i32_0 = arith.constant 0 : i32
    return %arg0, %c0_i32 : i32, i32
  }
  func.func @transform_8(%arg0: i32) -> (i32, i32) {
    %c0_i32 = arith.constant 0 : i32
    %c0_i32_0 = arith.constant 0 : i32
    %c0_i32_1 = arith.constant 0 : i32
    return %c0_i32, %c0_i32_0 : i32, i32
  }
  func.func @transform_9(%arg0: i32) -> (i32, i32) {
    %c0_i32 = arith.constant 0 : i32
    %c0_i32_0 = arith.constant 0 : i32
    return %arg0, %c0_i32 : i32, i32
  }
  func.func @transform_10(%arg0: i32) -> (i32, i32, i32) {
    %c0_i32 = arith.constant 0 : i32
    %c0_i32_0 = arith.constant 0 : i32
    %c0_i32_1 = arith.constant 0 : i32
    return %c0_i32, %arg0, %c0_i32_0 : i32, i32, i32
  }
}

module attributes {stable_mosaic.version = 14 : i64} {
  func.func @_tc_post_last_body(%arg0: i32, %arg1: memref<2000x128xf32, #tpu.memory_space<vmem>>, %arg2: memref<1x128xf32, #tpu.memory_space<vmem>>, %arg3: memref<1x128xf32, #tpu.memory_space<vmem>>, %arg4: memref<1x128xf32, #tpu.memory_space<vmem>>, %arg5: memref<1x128xf32, #tpu.memory_space<vmem>>, %arg6: memref<1x128xf32, #tpu.memory_space<vmem>>, %arg7: memref<2000x128xf32, #tpu.memory_space<vmem>>, %arg8: memref<2000x128xf32, #tpu.memory_space<vmem>>, %arg9: memref<1x128xf32, #tpu.memory_space<vmem>>, %arg10: memref<1x128xf32, #tpu.memory_space<vmem>>, %arg11: memref<1x128xf32, #tpu.memory_space<vmem>>, %arg12: memref<1x128xf32, #tpu.memory_space<vmem>>) attributes {dimension_semantics = [#tpu.dimension_semantics<arbitrary>], iteration_bounds = array<i64: 5>, scalar_prefetch = 0 : i64, scratch_operands = 2 : i64, tpu.core_type = #tpu.core_type<tc>, window_params = [{transform_indices = @transform_0, window_bounds = array<i64: 2000, 128>}, {pipeline_mode = #tpu.pipeline_mode<synchronous>, transform_indices = @transform_1, window_bounds = array<i64: 1, 128>}, {pipeline_mode = #tpu.pipeline_mode<synchronous>, transform_indices = @transform_2, window_bounds = array<i64: 1, 128>}, {pipeline_mode = #tpu.pipeline_mode<synchronous>, transform_indices = @transform_3, window_bounds = array<i64: 1, 128>}, {pipeline_mode = #tpu.pipeline_mode<synchronous>, transform_indices = @transform_4, window_bounds = array<i64: 1, 128>}, {pipeline_mode = #tpu.pipeline_mode<synchronous>, transform_indices = @transform_5, window_bounds = array<i64: 1, 128>}, {transform_indices = @transform_6, window_bounds = array<i64: 2000, 128>}, {transform_indices = @transform_7, window_bounds = array<i64: 2000, 128>}, {pipeline_mode = #tpu.pipeline_mode<synchronous>, transform_indices = @transform_8, window_bounds = array<i64: 1, 128>}, {pipeline_mode = #tpu.pipeline_mode<synchronous>, transform_indices = @transform_9, window_bounds = array<i64: 1, 128>}]} {
    %eq3A = arith.constant 0 : i32
    %eq3A_0 = arith.cmpi eq, %arg0, %eq3A : i32
    %convert_element_type3A = arith.extui %eq3A_0 : i1 to i32
    %cond3A = arith.constant 0 : i32
    %cond3A_1 = arith.cmpi ne, %convert_element_type3A, %cond3A : i32
    scf.if %cond3A_1 {
      %broadcast_in_dim3A_82 = arith.constant 0.000000e+00 : f32
      %broadcast_in_dim3A_83 = vector.broadcast %broadcast_in_dim3A_82 : f32 to vector<1x128xf32>
      %swap3A_84 = arith.constant 0 : index
      %swap3A_85 = arith.constant 0 : index
      %swap3A_86 = vector.load %arg11[%swap3A_84, %swap3A_85] : memref<1x128xf32, #tpu.memory_space<vmem>>, vector<1x128xf32>
      tpu.vector_store %arg11[%swap3A_84, %swap3A_85], %broadcast_in_dim3A_83 {strides = array<i32>} : memref<1x128xf32, #tpu.memory_space<vmem>>, vector<1x128xf32>,
      %broadcast_in_dim3A_87 = arith.constant 0xFF800000 : f32
      %broadcast_in_dim3A_88 = vector.broadcast %broadcast_in_dim3A_87 : f32 to vector<1x128xf32>
      %swap3A_89 = arith.constant 0 : index
      %swap3A_90 = arith.constant 0 : index
      %swap3A_91 = vector.load %arg12[%swap3A_89, %swap3A_90] : memref<1x128xf32, #tpu.memory_space<vmem>>, vector<1x128xf32>
      tpu.vector_store %arg12[%swap3A_89, %swap3A_90], %broadcast_in_dim3A_88 {strides = array<i32>} : memref<1x128xf32, #tpu.memory_space<vmem>>, vector<1x128xf32>,
    } else {
    }
    %get3A = arith.constant 0 : index
    %get3A_2 = arith.constant 0 : index
    %get3A_3 = vector.load %arg2[%get3A, %get3A_2] : memref<1x128xf32, #tpu.memory_space<vmem>>, vector<1x128xf32>
    %mul3A = arith.constant 9.99999974E-5 : f32
    %mul3A_4 = vector.broadcast %mul3A : f32 to vector<1x128xf32>
    %mul3A_5 = arith.mulf %get3A_3, %mul3A_4 : vector<1x128xf32>
    %get3A_6 = arith.constant 0 : index
    %get3A_7 = arith.constant 0 : index
    %get3A_8 = vector.load %arg3[%get3A_6, %get3A_7] : memref<1x128xf32, #tpu.memory_space<vmem>>, vector<1x128xf32>
    %mul3A_9 = arith.constant 9.99999974E-5 : f32
    %mul3A_10 = vector.broadcast %mul3A_9 : f32 to vector<1x128xf32>
    %mul3A_11 = arith.mulf %get3A_8, %mul3A_10 : vector<1x128xf32>
    %get3A_12 = arith.constant 0 : index
    %get3A_13 = arith.constant 0 : index
    %get3A_14 = vector.load %arg6[%get3A_12, %get3A_13] : memref<1x128xf32, #tpu.memory_space<vmem>>, vector<1x128xf32>
    %mul3A_15 = arith.mulf %get3A_14, %get3A_14 : vector<1x128xf32>
    %mul3A_16 = arith.constant 2.000000e+00 : f32
    %mul3A_17 = vector.broadcast %mul3A_16 : f32 to vector<1x128xf32>
    %mul3A_18 = arith.mulf %mul3A_17, %get3A_14 : vector<1x128xf32>
    %sub3A = arith.subf %mul3A_15, %mul3A_18 : vector<1x128xf32>
    %mul3A_19 = arith.mulf %sub3A, %mul3A_5 : vector<1x128xf32>
    %mul3A_20 = arith.mulf %mul3A_19, %mul3A_5 : vector<1x128xf32>
    %add3A = arith.addf %mul3A_11, %mul3A_20 : vector<1x128xf32>
    %add3A_21 = arith.constant 9.99999974E-6 : f32
    %add3A_22 = vector.broadcast %add3A_21 : f32 to vector<1x128xf32>
    %add3A_23 = arith.addf %add3A, %add3A_22 : vector<1x128xf32>
    %rsqrt3A = math.rsqrt %add3A_23 : vector<1x128xf32>
    %get3A_24 = arith.constant 0 : index
    %get3A_25 = arith.constant 0 : index
    %get3A_26 = vector.load %arg1[%get3A_24, %get3A_25] : memref<2000x128xf32, #tpu.memory_space<vmem>>, vector<2000x128xf32>
    %mul3A_27 = arith.mulf %get3A_14, %mul3A_5 : vector<1x128xf32>
    %sub3A_28 = vector.broadcast %mul3A_27 : vector<1x128xf32> to vector<2000x128xf32>
    %sub3A_29 = arith.subf %get3A_26, %sub3A_28 : vector<2000x128xf32>
    %mul3A_30 = vector.broadcast %rsqrt3A : vector<1x128xf32> to vector<2000x128xf32>
    %mul3A_31 = arith.mulf %sub3A_29, %mul3A_30 : vector<2000x128xf32>
    %get3A_32 = arith.constant 0 : index
    %get3A_33 = arith.constant 0 : index
    %get3A_34 = vector.load %arg4[%get3A_32, %get3A_33] : memref<1x128xf32, #tpu.memory_space<vmem>>, vector<1x128xf32>
    %mul3A_35 = vector.broadcast %get3A_34 : vector<1x128xf32> to vector<2000x128xf32>
    %mul3A_36 = arith.mulf %mul3A_31, %mul3A_35 : vector<2000x128xf32>
    %get3A_37 = arith.constant 0 : index
    %get3A_38 = arith.constant 0 : index
    %get3A_39 = vector.load %arg5[%get3A_37, %get3A_38] : memref<1x128xf32, #tpu.memory_space<vmem>>, vector<1x128xf32>
    %add3A_40 = vector.broadcast %get3A_39 : vector<1x128xf32> to vector<2000x128xf32>
    %add3A_41 = arith.addf %mul3A_36, %add3A_40 : vector<2000x128xf32>
    %max3A = arith.constant 0.000000e+00 : f32
    %max3A_42 = vector.broadcast %max3A : f32 to vector<2000x128xf32>
    %max3A_43 = arith.maximumf %add3A_41, %max3A_42 : vector<2000x128xf32>
    %get3A_44 = arith.constant 0 : index
    %get3A_45 = arith.constant 0 : index
    %get3A_46 = vector.load %arg7[%get3A_44, %get3A_45] : memref<2000x128xf32, #tpu.memory_space<vmem>>, vector<2000x128xf32>
    %add3A_47 = arith.addf %max3A_43, %get3A_46 : vector<2000x128xf32>
    %swap3A = arith.constant 0 : index
    %swap3A_48 = arith.constant 0 : index
    %swap3A_49 = vector.load %arg8[%swap3A, %swap3A_48] : memref<2000x128xf32, #tpu.memory_space<vmem>>, vector<2000x128xf32>
    tpu.vector_store %arg8[%swap3A, %swap3A_48], %add3A_47 {strides = array<i32>} : memref<2000x128xf32, #tpu.memory_space<vmem>>, vector<2000x128xf32>,
    %get3A_50 = arith.constant 0 : index
    %get3A_51 = arith.constant 0 : index
    %get3A_52 = vector.load %arg11[%get3A_50, %get3A_51] : memref<1x128xf32, #tpu.memory_space<vmem>>, vector<1x128xf32>
    %reduce_sum3A = arith.constant dense<0.000000e+00> : vector<128xf32>
    %reduce_sum3A_53 = vector.multi_reduction <add>, %add3A_47, %reduce_sum3A [0] : vector<2000x128xf32> to vector<128xf32>
    %broadcast_in_dim3A = vector.shape_cast %reduce_sum3A_53 : vector<128xf32> to vector<1x128xf32>
    %add3A_54 = arith.addf %get3A_52, %broadcast_in_dim3A : vector<1x128xf32>
    %swap3A_55 = arith.constant 0 : index
    %swap3A_56 = arith.constant 0 : index
    %swap3A_57 = vector.load %arg11[%swap3A_55, %swap3A_56] : memref<1x128xf32, #tpu.memory_space<vmem>>, vector<1x128xf32>
    tpu.vector_store %arg11[%swap3A_55, %swap3A_56], %add3A_54 {strides = array<i32>} : memref<1x128xf32, #tpu.memory_space<vmem>>, vector<1x128xf32>,
    %get3A_58 = arith.constant 0 : index
    %get3A_59 = arith.constant 0 : index
    %get3A_60 = vector.load %arg12[%get3A_58, %get3A_59] : memref<1x128xf32, #tpu.memory_space<vmem>>, vector<1x128xf32>
    %reduce_max3A = arith.constant dense<0xFF800000> : vector<128xf32>
    %reduce_max3A_61 = vector.multi_reduction <maximumf>, %add3A_47, %reduce_max3A [0] : vector<2000x128xf32> to vector<128xf32>
    %broadcast_in_dim3A_62 = vector.shape_cast %reduce_max3A_61 : vector<128xf32> to vector<1x128xf32>
    %max3A_63 = arith.maximumf %get3A_60, %broadcast_in_dim3A_62 : vector<1x128xf32>
    %swap3A_64 = arith.constant 0 : index
    %swap3A_65 = arith.constant 0 : index
    %swap3A_66 = vector.load %arg12[%swap3A_64, %swap3A_65] : memref<1x128xf32, #tpu.memory_space<vmem>>, vector<1x128xf32>
    tpu.vector_store %arg12[%swap3A_64, %swap3A_65], %max3A_63 {strides = array<i32>} : memref<1x128xf32, #tpu.memory_space<vmem>>, vector<1x128xf32>,
    %get3A_67 = arith.constant 0 : index
    %get3A_68 = arith.constant 0 : index
    %get3A_69 = vector.load %arg11[%get3A_67, %get3A_68] : memref<1x128xf32, #tpu.memory_space<vmem>>, vector<1x128xf32>
    %mul3A_70 = arith.constant 9.99999974E-5 : f32
    %mul3A_71 = vector.broadcast %mul3A_70 : f32 to vector<1x128xf32>
    %mul3A_72 = arith.mulf %get3A_69, %mul3A_71 : vector<1x128xf32>
    %swap3A_73 = arith.constant 0 : index
    %swap3A_74 = arith.constant 0 : index
    %swap3A_75 = vector.load %arg9[%swap3A_73, %swap3A_74] : memref<1x128xf32, #tpu.memory_space<vmem>>, vector<1x128xf32>
    tpu.vector_store %arg9[%swap3A_73, %swap3A_74], %mul3A_72 {strides = array<i32>} : memref<1x128xf32, #tpu.memory_space<vmem>>, vector<1x128xf32>,
    %get3A_76 = arith.constant 0 : index
    %get3A_77 = arith.constant 0 : index
    %get3A_78 = vector.load %arg12[%get3A_76, %get3A_77] : memref<1x128xf32, #tpu.memory_space<vmem>>, vector<1x128xf32>
    %swap3A_79 = arith.constant 0 : index
    %swap3A_80 = arith.constant 0 : index
    %swap3A_81 = vector.load %arg10[%swap3A_79, %swap3A_80] : memref<1x128xf32, #tpu.memory_space<vmem>>, vector<1x128xf32>
    tpu.vector_store %arg10[%swap3A_79, %swap3A_80], %get3A_78 {strides = array<i32>} : memref<1x128xf32, #tpu.memory_space<vmem>>, vector<1x128xf32>,
    return
  }
  func.func @transform_0(%arg0: i32) -> (i32, i32) {
    %c0_i32 = arith.constant 0 : i32
    %c0_i32_0 = arith.constant 0 : i32
    return %arg0, %c0_i32 : i32, i32
  }
  func.func @transform_1(%arg0: i32) -> (i32, i32) {
    %c0_i32 = arith.constant 0 : i32
    %c0_i32_0 = arith.constant 0 : i32
    %c0_i32_1 = arith.constant 0 : i32
    return %c0_i32, %c0_i32_0 : i32, i32
  }
  func.func @transform_2(%arg0: i32) -> (i32, i32) {
    %c0_i32 = arith.constant 0 : i32
    %c0_i32_0 = arith.constant 0 : i32
    %c0_i32_1 = arith.constant 0 : i32
    return %c0_i32, %c0_i32_0 : i32, i32
  }
  func.func @transform_3(%arg0: i32) -> (i32, i32) {
    %c0_i32 = arith.constant 0 : i32
    %c0_i32_0 = arith.constant 0 : i32
    %c0_i32_1 = arith.constant 0 : i32
    return %c0_i32, %c0_i32_0 : i32, i32
  }
  func.func @transform_4(%arg0: i32) -> (i32, i32) {
    %c0_i32 = arith.constant 0 : i32
    %c0_i32_0 = arith.constant 0 : i32
    %c0_i32_1 = arith.constant 0 : i32
    return %c0_i32, %c0_i32_0 : i32, i32
  }
  func.func @transform_5(%arg0: i32) -> (i32, i32) {
    %c0_i32 = arith.constant 0 : i32
    %c0_i32_0 = arith.constant 0 : i32
    %c0_i32_1 = arith.constant 0 : i32
    return %c0_i32, %c0_i32_0 : i32, i32
  }
  func.func @transform_6(%arg0: i32) -> (i32, i32) {
    %c0_i32 = arith.constant 0 : i32
    %c0_i32_0 = arith.constant 0 : i32
    return %arg0, %c0_i32 : i32, i32
  }
  func.func @transform_7(%arg0: i32) -> (i32, i32) {
    %c0_i32 = arith.constant 0 : i32
    %c0_i32_0 = arith.constant 0 : i32
    return %arg0, %c0_i32 : i32, i32
  }
  func.func @transform_8(%arg0: i32) -> (i32, i32) {
    %c0_i32 = arith.constant 0 : i32
    %c0_i32_0 = arith.constant 0 : i32
    %c0_i32_1 = arith.constant 0 : i32
    return %c0_i32, %c0_i32_0 : i32, i32
  }
  func.func @transform_9(%arg0: i32) -> (i32, i32) {
    %c0_i32 = arith.constant 0 : i32
    %c0_i32_0 = arith.constant 0 : i32
    %c0_i32_1 = arith.constant 0 : i32
    return %c0_i32, %c0_i32_0 : i32, i32
  }
}

</mosaic_0001>

<sc_bundles>
// kernel: kernel.13.cloned.1.call-start
scs
__scs_entry_jumppad:
0x0: {  	(pc) =	sbr.rel $0x88, $3  }
0x1: {  	(tag) =	ssettag $0x0;
	lr =	simm.s32 $0x1  }
0x2: {  	[smem:$0x3F98] =	sst lr;
	_ =	strace $0xD0000000  }
0x3: {  	_ = 	snop  }
0x4: {  	_ = 	snop  }
0x5: {  	_ = 	snop  }
0x6: {  	_ = 	snop  }
0x7: {  	_ = 	snop  }
__scs_overlays_trampoline_lowered:
0x8: {  	[smem:$0x3FA7] =	sst s0  }
0x9: {  	[smem:$0x3FA8] =	sst s1  }
0xa: {  	[smem:$0x3FA9] =	sst s2  }
0xb: {  	[smem:$0x3FAA] =	sst s3  }
0xc: {  	[smem:$0x3FAB] =	sst s4  }
0xd: {  	[smem:$0x3FAC] =	sst s5  }
0xe: {  	[smem:$0x3FAD] =	sst s6  }
0xf: {  	[smem:$0x3FAE] =	sst s7  }
0x10: {  	[smem:$0x3FAF] =	sst s8  }
0x11: {  	[smem:$0x3FB0] =	sst s9;
	s0 =	simm.s32 @!p0 $0x0  }
0x12: {  	s1 =	sld [smem:$0x3F96];
	s0 =	simm.s32 @p0 $0x1  }
0x13: {  	[smem:$0x3FB1] =	sst s0;
	s0 =	simm.s32 @!p1 $0x0  }
0x14: {  	s2 =	sld [smem:$0x3F95];
	s0 =	simm.s32 @p1 $0x1  }
0x15: {  	[smem:$0x3FB2] =	sst s0;
	s0 =	simm.s32 @!p2 $0x0  }
0x16: {  	s3 =	sld [smem:$0x3FDB];
	s0 =	simm.s32 @p2 $0x1  }
0x17: {  	s4 =	simm.s32 $0x1BF5;
	[smem:$0x3FB4] =	sst s0  }
0x18: {  	s0 =	sld [smem:$0x3F97];
	_ =	swait.ge [sflag:s4], $0x0  }
0x19: {  	s7 =	sld [smem:$0x3F98]  }
0x1a: {  	s8 =	sadd.s32 $0xFFFFE003, lr  }
0x1b: {  	s9 =	sadd.s32 $0xFFFFFEF7, lr;
	s5 =	simm.s32 $0xFFFFFFFF;
	p2 =	slt.u32 s8, $0xFFFFF086  }
0x1c: {  	p1 =	slt.u32 s9, $0xF7A;
	s5 =	simm.s32 @!p2 $0x0  }
0x1d: {  	s5 =	simm.s32 @p1 $0x1;
	p0 =	seq.s32 s7, s2  }
0x1e: {  	s7 =	smul.u32 @!p0 $0xF7A, s2;
	p2 =	seq.s32 @!p0 s5, $0x0  }
0x1f: {  	s9 =	smul.u32 $0xF7A, s1;
	s8 =	simm.s32 @!p0 $0x1BF5;
	p2 =	por !p2, p0  }
0x20: {  	[sflag:s8] =	ssyncset.s32 @!p0 $0xFFFFF086;
	s6 =	sadd.s32 @!p0 s3, s7;
	s7 =	simm.s32 @!p0 $0x108  }
0x21: {  	s3 =	sadd.s32 s3, s9;
	s6 =	sadd.s32 @!p0 $0x88, s6;
	s7 =	simm.s32 @p2 $0x1082  }
0x22: {  	[simem:s7], [sflag:s8] =	dma.local @!p0 [hbm:s6], $0xF7A  }
0x23: {  	s9 =	sor.u32 $0xD0000000, s2;
	s6 =	simm.s32 $0x108;
	_ =	swait.ge @!p0 [sflag:s8], $0x0  }
0x24: {  	s3 =	sadd.s32 $0x88, s3;
	s6 =	simm.s32 @!p1 $0x1082;
	[sflag:s4] =	ssyncset.s32 $0xFFFFF086  }
0x25: {  	[simem:s6], [sflag:s4] =	dma.local [hbm:s3], $0xF7A  }
0x26: {  	[smem:$0x3F98] =	sst s1;
	(tag) =	ssettag s2;
	_ =	strace s9  }
0x27: {  	s1 =	sld [smem:$0x3FA8]  }
0x28: {  	s2 =	sld [smem:$0x3FA9]  }
0x29: {  	s4 =	sld [smem:$0x3FAB]  }
0x2a: {  	p0 =	seq.s32 s5, $0x0;
	s5 =	sld [smem:$0x3FAC]  }
0x2b: {  	s6 =	sld [smem:$0x3FAD]  }
0x2c: {  	s7 =	sld [smem:$0x3FAE]  }
0x2d: {  	s3 =	simm.s32 $0x108;
	s8 =	sld [smem:$0x3FAF]  }
0x2e: {  	s3 =	simm.s32 @!p0 $0x1082;
	s9 =	sld [smem:$0x3FB0]  }
0x2f: {  	lr =	sadd.s32 s0, s3;
	s0 =	sld [smem:$0x3FA7]  }
0x30: {  	s3 =	sld [smem:$0x3FAA]  }
0x31: {  	[smem:$0x3FB3] =	sst s10  }
0x32: {  	s10 =	sld [smem:$0x3FB1];
	_ =	sdelay $0x3  }
0x33: {  	p0 =	seq.s32 s10, $0x1;
	s10 =	sld [smem:$0x3FB3];
	_ =	sdelay $0x3  }
0x34: {  	[smem:$0x3FB3] =	sst s10  }
0x35: {  	s10 =	sld [smem:$0x3FB2];
	_ =	sdelay $0x3  }
0x36: {  	p1 =	seq.s32 s10, $0x1;
	s10 =	sld [smem:$0x3FB3];
	_ =	sdelay $0x3  }
0x37: {  	[smem:$0x3FB3] =	sst s10  }
0x38: {  	s10 =	sld [smem:$0x3FB4]  }
0x39: {  	_ = 	snop;
	(pc) =	sbr.ind lr, $3  }
0x3a: {  	_ = 	snop  }
0x3b: {  	_ = 	snop  }
0x3c: {  	p2 =	seq.s32 s10, $0x1;
	s10 =	sld [smem:$0x3FB3]  }
0x3d: {  	_ =	shalt  }
0x3e: {  	_ =	shalt  }
0x3f: {  	_ =	shalt  }
0x40: {  	_ =	shalt  }
0x41: {  	_ =	shalt  }
0x42: {  	_ =	shalt  }
0x43: {  	_ =	shalt  }
0x44: {  	_ =	shalt  }
0x45: {  	_ =	shalt  }
0x46: {  	_ =	shalt  }
0x47: {  	_ =	shalt  }
0x48: {  	_ =	shalt  }
0x49: {  	_ =	shalt  }
0x4a: {  	_ =	shalt  }
0x4b: {  	_ =	shalt  }
0x4c: {  	_ =	shalt  }
0x4d: {  	_ =	shalt  }
0x4e: {  	_ =	shalt  }
0x4f: {  	_ =	shalt  }
0x50: {  	_ =	shalt  }
0x51: {  	_ =	shalt  }
0x52: {  	_ =	shalt  }
0x53: {  	_ =	shalt  }
0x54: {  	_ =	shalt  }
0x55: {  	_ =	shalt  }
0x56: {  	_ =	shalt  }
0x57: {  	_ =	shalt  }
0x58: {  	_ =	shalt  }
0x59: {  	_ =	shalt  }
0x5a: {  	_ =	shalt  }
0x5b: {  	_ =	shalt  }
0x5c: {  	_ =	shalt  }
0x5d: {  	_ =	shalt  }
0x5e: {  	_ =	shalt  }
0x5f: {  	_ =	shalt  }
0x60: {  	_ =	shalt  }
0x61: {  	_ =	shalt  }
0x62: {  	_ =	shalt  }
0x63: {  	_ =	shalt  }
0x64: {  	_ =	shalt  }
0x65: {  	_ =	shalt  }
0x66: {  	_ =	shalt  }
0x67: {  	_ =	shalt  }
0x68: {  	_ =	shalt  }
0x69: {  	_ =	shalt  }
0x6a: {  	_ =	shalt  }
0x6b: {  	_ =	shalt  }
0x6c: {  	_ =	shalt  }
0x6d: {  	_ =	shalt  }
0x6e: {  	_ =	shalt  }
0x6f: {  	_ =	shalt  }
0x70: {  	_ =	shalt  }
0x71: {  	_ =	shalt  }
0x72: {  	_ =	shalt  }
0x73: {  	_ =	shalt  }
0x74: {  	_ =	shalt  }
0x75: {  	_ =	shalt  }
0x76: {  	_ =	shalt  }
0x77: {  	_ =	shalt  }
0x78: {  	_ =	shalt  }
0x79: {  	_ =	shalt  }
0x7a: {  	_ =	shalt  }
0x7b: {  	_ =	shalt  }
0x7c: {  	_ =	shalt  }
0x7d: {  	_ =	shalt  }
0x7e: {  	_ =	shalt  }
0x7f: {  	_ =	shalt  }
0x80: {  	_ =	shalt  }
0x81: {  	_ =	shalt  }
0x82: {  	_ =	shalt  }
0x83: {  	_ =	shalt  }
0x84: {  	_ =	shalt  }
0x85: {  	_ =	shalt  }
0x86: {  	_ =	shalt  }
0x87: {  	_ =	shalt  }
.Lfunc_end0:
.L_simem_size_0:
called_computation_lowered:
.L_overlay_start_0:
0x88: {  	s2 =	sld [smem:$0x3FD9]  }
0x89: {  	s3 =	sld [smem:$0x3FFE];
	_ =	sdelay $0x1  }
0x8a: {  	s1 =	srdreg.scid  }
0x8b: {  	s0 =	sand.u32 $0x1, s1  }
0x8c: {  	s14 =	sshll.u32 s0, $0xA;
	s2 =	sadd.s32 s3, s2  }
0x8d: {  	s2 =	sadd.s32 s2, s14  }
0x8e: {  	[smem:$0x3FBF] =	sst s2  }
0x8f: {  	_ = 	snop  }
0x90: {  	s2 =	sld [smem:$0x3FD0];
	_ =	sdelay $0x2  }
0x91: {  	s15 =	simm.s32 $0xA;
	s4 =	simm.s32 $0x10  }
0x92: {  	[smem:s4], [sflag:s15] =	dma.local [hbm:s2], $0x1  }
0x93: {  	_ =	swait.eq [sflag:s15], $0x1  }
0x94: {  	[sflag:s15] =	ssyncset.done $0x0  }
0x95: {  	[sflag:s15] =	ssyncadd.s32 $0xFFFFFFFF  }
0x96: {  	s16 =	sld [smem:$0x10];
	(tm) =	ssettm $0x1  }
0x97: {  	s17 =	sld [smem:$0x3FFB];
	_ =	sdelay $0x3  }
0x98: {  	_ =	strace s17  }
0x99: {  	s3 =	sld [smem:$0x3FFC];
	_ =	sdelay $0x3  }
0x9a: {  	_ =	strace s3  }
0x9b: {  	s3 =	sld [smem:$0x3FFD];
	_ =	sdelay $0x3  }
0x9c: {  	_ =	strace s3  }
0x9d: {  	_ =	strace $0x8FFFFFFF  }
0x9e: {  	s18 =	sld [smem:$0x3FDB];
	_ =	sdelay $0x1  }
0x9f: {  	s19 =	simm.s32 $_scs_section_size  }
0xa0: {  	s5 =	simm.s32 $_size__tile_overlayer_lowered;
	s6 =	simm.s32 $_tile_overlayer_lowered  }
0xa1: {  	s22 =	simm.s32 $0x1BFF;
	s21 =	sshll.u32 s6, $0x1;
	s3 =	sadd.s32 s19, s18  }
0xa2: {  	s7 =	simm.s32 $0x0;
	s20 =	sshll.u32 s5, $0x1;
	s5 =	sadd.s32 s21, s3  }
0xa3: {  	[timem:s7], [sflag:s22] =	dma.local [hbm:s5], s20  }
0xa4: {  	_ =	swait.ge [sflag:s22], s20  }
0xa5: {  	s4 =	ssub.s32 $0x0, s20;
	[sflag:s22] =	ssyncset.done $0x0  }
0xa6: {  	[sflag:s22] =	ssyncadd.s32 s4;
	_ =	sdelay $0x1  }
0xa7: {  	s23 =	simm.s32 $0x1B8B  }
0xa8: {  	_ =	swait.ge [sflag:s23], $0x1  }
0xa9: {  	[sflag:s23] =	ssyncset.done $0x0  }
0xaa: {  	s25 =	simm.s32 $0x1B8E;
	s24 =	sld [smem:$0x3FFE];
	[sflag:s23] =	ssyncadd.s32 $0xFFFFFFFF  }
0xab: {  	s26 =	simm.s32 $execute0_lowered;
	[smem:$0x3FD2] =	sst s25  }
0xac: {  	s5 =	sshll.u32 s26, $0x1;
	_ =	strace $0x80000046;
	[dreg:$0x1] =	wrdreg $0xFFFFFFFF  }
0xad: {  	s28 =	simm.s32 $_size_execute0_lowered;
	s3 =	sadd.s32 s3, s5;
	[dreg:$0x0] =	wrdreg $0x0  }
0xae: {  	s5 =	sshll.u32 s28, $0x1;
	[dreg:$0x2] =	wrdreg s3  }
0xaf: {  	[dreg:$0x3] =	wrdreg s5  }
0xb0: {  	[dreg:$0x4] =	wrdreg $0xC0  }
0xb1: {  	_ =	task [dreg:s7], $0x5FFFF  }
0xb2: {  	[dreg:$0x1] =	wrdreg $0xFFFFFFFF  }
0xb3: {  	[dreg:$0x0] =	wrdreg $0x60  }
0xb4: {  	[dreg:$0x2] =	wrdreg s24  }
0xb5: {  	[dreg:$0x3] =	wrdreg s16  }
0xb6: {  	[dreg:$0x4] =	wrdreg $0x37D00  }
0xb7: {  	[dreg:$0x5] =	wrdreg $0x9  }
0xb8: {  	_ =	task.clear_ibuf [dreg:s7], $0x6FFFF;
	_ =	strace $0x90000046  }
0xb9: {  	s29 =	simm.s32 $0x9;
	_ =	strace $0x80000048  }
0xba: {  	_ =	swait.ge [sflag:s29], $0x1  }
0xbb: {  	[sflag:s29] =	ssyncadd.s32 $0xFFFFFFFF  }
0xbc: {  	_ =	strace $0x90000048  }
0xbd: {  	_ =	sfence  }
0xbe: {  	s30 =	sld [smem:$0x0];
	_ =	sdelay $0x2  }
0xbf: {  	s31 =	sshll.u32 s1, $0xD;
	s1 =	sshrl.u32 s1, $0x2  }
0xc0: {  	s3 =	sand.u32 $0x4000, s31;
	s1 =	sadd.s32 s1, s30  }
0xc1: {  	s0 =	sor.u32 s3, s0;
	s1 =	sshll.u32 s1, $0x11  }
0xc2: {  	s0 =	sor.u32 s1, s0  }
0xc3: {  	s0 =	sadd.s32 $0x8F2B, s0  }
0xc4: {  	[sflag:s0] =	ssyncadd.remote.s32 $0x1  }
0xc5: {  	_ =	sfence.sel $0xFFFF  }
0xc6: {  	[dreg:$0x0] =	wrdreg $0xFFFFFFFF;
	(pc) =	sbr.abs _section_cstart, $3  }
0xc7: {  	[dreg:$0x1] =	wrdreg $0xFFFFFFFF  }
0xc8: {  	_ =	task.clear_ibuf [dreg:s7], $0x2FFFF;
	_ =	strace $0x9FFFFFFF  }
0xc9: {  	(tm) =	ssettm $0x7FFFFFFF  }
tec
execute0_lowered:
.L_overlay_start_1:
0x0: {  	(tag) =	ssettag $0x1  }
0x1: {  	s4 =	rddreg [dreg:$0x0]  }
0x2: {  	s10 =	rddreg [dreg:$0x1];
	s1 =	srdreg.scid  }
0x3: {  	s0 =	stileid.u32;
	s2 =	rddreg [dreg:$0x2]  }
0x4: {  	s3 =	simm.s32 $0x0;
	s13 =	simm.s32 $0x2FD0;
	s14 =	simm.s32 $0x7D  }
0x5: {  	s15 =	simm.s32 $0x2800;
	s18 =	simm.s32 $0x0;
	s6 =	smul.u32 $0x5000, s0  }
0x6: {  	s5 =	sand.u32 $0x1, s1;
	s1 =	rddreg [dreg:$0x3];
	s28 =	smul.u32 $0x2800, s0  }
0x7: {  	[smem:$0x7FF] =	sst s3;
	s9 =	smul.u32 $0xA000, s0;
	s16 =	sshll.u32 s0, $0x6  }
0x8: {  	s7 =	smul.u32 $0x2800, s5;
	_ =	strace $0x80000047;
	s8 =	ssub.s32 $0x2, s5  }
0x9: {  	s11 =	smul.u32 $0x28000, s5;
	s16 =	sor.u32 $0x1C01, s16;
	s29 =	sshrl.u32 s8, $0x1  }
0xa: {  	s30 =	sshrl.u32 s9, $0x2;
	s5 =	sadd.s32 s28, s2;
	s6 =	sadd.s32 s7, s6  }
0xb: {  	s12 =	ssub.s32 s8, s29;
	s9 =	sadd.s32 s30, s2;
	s31 =	sadd.s32 s28, s11  }
0xc: {  	s17 =	sshrl.u32 s5, $0x3;
	s6 =	sshrl.u32 s6, $0x3;
	s7 =	sadd.s32 $0x1000, s9  }
0xd: {  	s11 =	sshrl.u32 s31, $0x3;
	s8 =	sadd.s32 $0x1800, s9;
	s4 =	sadd.s32 s6, s4  }
0xe: {  	s6 =	sadd.s32 $0x800, s9;
	s9 =	sadd.s32 $0x2000, s9;
	s10 =	sadd.s32 s10, s11  }
0xf: {  	v0 =	vimm.f32 $0.0e+00;
	v1 =	vimm.f32 $1.000000000e+00;
	s11 =	smax.u32 s12, $0x1;
	s12 =	simm.s32 $0x1;
	s4 =	sadd.s32 $0x5600, s4  }
.LBB2_1:
0x10: {  	[tilespmem:s3], [sflag:$0x1] =	stream.linear.gather [hbm4b:s4+s3], $0x2800, $0x38;
	[tilespmem:$0x5FD0] =	vst v63  }
0x11: {  	_ =	swait.ge [sflag:s12], $0x2800  }
0x12: {  	[sflag:s12] =	ssyncset.done $0x0  }
0x13: {  	s19 =	simm.s32 $0x40;
	s20 =	simm.s32 $0x0;
	[sflag:s12] =	ssyncadd.s32 $0xFFFFD800  }
.LBB2_2:
0x14: {  	p0 =	sne.s32 s19, $0x1FC0;
	[tilespmem:s20+$0x2FD0] =	vst v0;
	s20 =	smov.u32 s19;
	s19 =	sadd.s32 $0x40, s19  }
.Ltmp0:
0x15: {  	(pc) =	sbr.rel @p0 .LBB2_2-.Ltmp0, $2  }
0x16: {  	_ =	sdelay $0x2  }
0x17: {  	s20 =	sshra.s32 s20, $0x2  }
0x18: {  	[tilespmem:s20+$0x2FD0] =	vst v0  }
0x19: {  	[spmem:s5] =	stream.linear.scatter [tilespmem:s13], [sflag:$0x1], $0x800, $0x38;
	[tilespmem:$0x5FD0] =	vst v63  }
0x1a: {  	_ =	swait.ge [sflag:s12], $0x800  }
0x1b: {  	[sflag:s12] =	ssyncset.done $0x0  }
0x1c: {  	[sflag:s12] =	ssyncadd.s32 $0xFFFFF800  }
0x1d: {  	[spmem:s6] =	stream.linear.scatter [tilespmem:s13], [sflag:$0x1], $0x800, $0x38;
	[tilespmem:$0x5FD0] =	vst v63  }
0x1e: {  	_ =	swait.ge [sflag:s12], $0x800  }
0x1f: {  	[sflag:s12] =	ssyncset.done $0x0  }
0x20: {  	[sflag:s12] =	ssyncadd.s32 $0xFFFFF800  }
0x21: {  	[spmem:s7] =	stream.linear.scatter [tilespmem:s13], [sflag:$0x1], $0x800, $0x38;
	[tilespmem:$0x5FD0] =	vst v63  }
0x22: {  	_ =	swait.ge [sflag:s12], $0x800  }
0x23: {  	[sflag:s12] =	ssyncset.done $0x0  }
0x24: {  	[sflag:s12] =	ssyncadd.s32 $0xFFFFF800  }
0x25: {  	[spmem:s8] =	stream.linear.scatter [tilespmem:s13], [sflag:$0x1], $0x800, $0x38;
	[tilespmem:$0x5FD0] =	vst v63  }
0x26: {  	_ =	swait.ge [sflag:s12], $0x800  }
0x27: {  	[sflag:s12] =	ssyncset.done $0x0  }
0x28: {  	[sflag:s12] =	ssyncadd.s32 $0xFFFFF800  }
0x29: {  	[spmem:s9] =	stream.linear.scatter [tilespmem:s13], [sflag:$0x1], $0x800, $0x38;
	[tilespmem:$0x5FD0] =	vst v63  }
0x2a: {  	_ =	swait.ge [sflag:s12], $0x800  }
0x2b: {  	[sflag:s12] =	ssyncset.done $0x0  }
0x2c: {  	s19 =	simm.s32 $0x40;
	s20 =	simm.s32 $0x0;
	[sflag:s12] =	ssyncadd.s32 $0xFFFFF800  }
.LBB2_4:
0x2d: {  	p0 =	sne.s32 s19, $0x1F00;
	[tilespmem:s20+$0x2800] =	vst v1;
	s20 =	smov.u32 s19;
	s19 =	sadd.s32 $0x40, s19  }
.Ltmp1:
0x2e: {  	(pc) =	sbr.rel @p0 .LBB2_4-.Ltmp1, $2  }
0x2f: {  	_ =	sdelay $0x2  }
0x30: {  	s20 =	sshra.s32 s20, $0x2  }
0x31: {  	[tilespmem:s20+$0x2800] =	vst v1  }
0x32: {  	s19 =	simm.s32 $0x0;
	[bflag:$0x0] =	sbarrier.arrive $0xFFFF  }
0x33: {  	[spmem:s2] =	stream.indirect.scatter.add.f32 [tilespmem:s15], [sflag:$0x1], $0x10, s19, s14, $0xb8;
	[tilespmem:$0x5FD0] =	vst v63  }
0x34: {  	_ =	swait.ge [sflag:s12], $0x7D0  }
0x35: {  	s19 =	simm.s32 $0x200;
	[sflag:s12] =	ssyncset.done $0x0  }
.LBB2_6:
0x36: {  	s20 =	sshra.s32 s19, $0x2;
	[sflag:s12] =	ssyncadd.s32 $0xFFFFF830;
	p0 =	sne.s32 s19, $0x9E00  }
0x37: {  	[spmem:s2] =	stream.indirect.scatter.add.f32 [tilespmem:s15], [sflag:$0x1], $0x10, s20, s14, $0xb8;
	[tilespmem:$0x5FD0] =	vst v63  }
.Ltmp2:
0x38: {  	_ = 	snop;
	(pc) =	sbr.rel @p0 .LBB2_6-.Ltmp2, $4  }
0x39: {  	_ = 	snop  }
0x3a: {  	s19 =	sadd.s32 $0x200, s19  }
0x3b: {  	_ =	swait.ge [sflag:s12], $0x7D0  }
0x3c: {  	[sflag:s12] =	ssyncset.done $0x0  }
0x3d: {  	s18 =	sadd.s32 $0x1, s18  }
0x3e: {  	[sflag:s12] =	ssyncadd.s32 $0xFFFFF830;
	p0 =	sne.s32 s18, s11  }
.Ltmp3:
0x3f: {  	[bflag:$0x0] =	sbarrier.arrive $0xFFFF;
	(pc) =	sbr.rel @p0 .LBB2_1-.Ltmp3, $4  }
0x40: {  	[hbm:s10], [sflag:s16] =	dma.local [spmem:s17], $0x500  }
0x41: {  	_ =	swait.ge [sflag:s12], $0x500  }
0x42: {  	[sflag:s12] =	ssyncset.done $0x0  }
0x43: {  	[sflag:s12] =	ssyncadd.s32 $0xFFFFFB00  }
0x44: {  	_ =	sfence.sel $0x180000  }
0x45: {  	[bflag:$0x0] =	sbarrier.arrive $0xFFFF  }
0x46: {  	p0 =	sne.s32 s0, $0x0;
	_ =	strace $0x90000047  }
0x47: {  	s0 =	sadd.s32 @!p0 $0x100000, s1;
	[bflag:$0x2] =	sbarrier.arrive $0xFFFF  }
0x48: {  	[sflag:s0] =	ssyncadd.tile.s32 @!p0 $0x1;
	_ =	shalt  }
.Lfunc_end2:
_tile_overlayer_lowered:
.L_overlay_start_2:
0x49: {  	(tag) =	ssettag $0x2  }
0x4a: {  	s0 =	rddreg [dreg:$0x0];
	s2 =	stileid.u32  }
0x4b: {  	s1 =	rddreg [dreg:$0x1];
	p0 =	sne.s32 s2, $0x0  }
0x4c: {  	s3 =	rddreg [dreg:$0x2];
	[bflag:$0x3] =	sbarrier.arrive $0xFFFF;
	s2 =	simm.s32 @!p0 $0x1C01  }
0x4d: {  	[timem:s3], [sflag:s2] =	dma.local @!p0 [hbm:s0], s1  }
0x4e: {  	s0 =	simm.s32 @!p0 $0x1  }
0x4f: {  	_ =	swait.ge @!p0 [sflag:s0], s1  }
0x50: {  	s1 =	ssub.s32 @!p0 $0x0, s1;
	[sflag:s0] =	ssyncset.done @!p0 $0x0  }
0x51: {  	[sflag:s0] =	ssyncadd.s32 @!p0 s1  }
0x52: {  	[bflag:$0x3] =	sbarrier.arrive $0xFFFF  }
0x53: {  	_ =	shalt  }

// kernel: kernel.16.cloned.1.call-start
scs
__scs_entry_jumppad:
0x0: {  	(pc) =	sbr.rel $0x88, $3  }
0x1: {  	(tag) =	ssettag $0x0;
	lr =	simm.s32 $0x1  }
0x2: {  	[smem:$0x3F98] =	sst lr;
	_ =	strace $0xD0000000  }
0x3: {  	_ = 	snop  }
0x4: {  	_ = 	snop  }
0x5: {  	_ = 	snop  }
0x6: {  	_ = 	snop  }
0x7: {  	_ = 	snop  }
__scs_overlays_trampoline_lowered:
0x8: {  	[smem:$0x3FA7] =	sst s0  }
0x9: {  	[smem:$0x3FA8] =	sst s1  }
0xa: {  	[smem:$0x3FA9] =	sst s2  }
0xb: {  	[smem:$0x3FAA] =	sst s3  }
0xc: {  	[smem:$0x3FAB] =	sst s4  }
0xd: {  	[smem:$0x3FAC] =	sst s5  }
0xe: {  	[smem:$0x3FAD] =	sst s6  }
0xf: {  	[smem:$0x3FAE] =	sst s7  }
0x10: {  	[smem:$0x3FAF] =	sst s8  }
0x11: {  	[smem:$0x3FB0] =	sst s9;
	s0 =	simm.s32 @!p0 $0x0  }
0x12: {  	s1 =	sld [smem:$0x3F96];
	s0 =	simm.s32 @p0 $0x1  }
0x13: {  	[smem:$0x3FB1] =	sst s0;
	s0 =	simm.s32 @!p1 $0x0  }
0x14: {  	s2 =	sld [smem:$0x3F95];
	s0 =	simm.s32 @p1 $0x1  }
0x15: {  	[smem:$0x3FB2] =	sst s0;
	s0 =	simm.s32 @!p2 $0x0  }
0x16: {  	s3 =	sld [smem:$0x3FDB];
	s0 =	simm.s32 @p2 $0x1  }
0x17: {  	s4 =	simm.s32 $0x1BF5;
	[smem:$0x3FB4] =	sst s0  }
0x18: {  	s0 =	sld [smem:$0x3F97];
	_ =	swait.ge [sflag:s4], $0x0  }
0x19: {  	s7 =	sld [smem:$0x3F98]  }
0x1a: {  	s8 =	sadd.s32 $0xFFFFE003, lr  }
0x1b: {  	s9 =	sadd.s32 $0xFFFFFEF7, lr;
	s5 =	simm.s32 $0xFFFFFFFF;
	p2 =	slt.u32 s8, $0xFFFFF086  }
0x1c: {  	p1 =	slt.u32 s9, $0xF7A;
	s5 =	simm.s32 @!p2 $0x0  }
0x1d: {  	s5 =	simm.s32 @p1 $0x1;
	p0 =	seq.s32 s7, s2  }
0x1e: {  	s7 =	smul.u32 @!p0 $0xF7A, s2;
	p2 =	seq.s32 @!p0 s5, $0x0  }
0x1f: {  	s9 =	smul.u32 $0xF7A, s1;
	s8 =	simm.s32 @!p0 $0x1BF5;
	p2 =	por !p2, p0  }
0x20: {  	[sflag:s8] =	ssyncset.s32 @!p0 $0xFFFFF086;
	s6 =	sadd.s32 @!p0 s3, s7;
	s7 =	simm.s32 @!p0 $0x108  }
0x21: {  	s3 =	sadd.s32 s3, s9;
	s6 =	sadd.s32 @!p0 $0x88, s6;
	s7 =	simm.s32 @p2 $0x1082  }
0x22: {  	[simem:s7], [sflag:s8] =	dma.local @!p0 [hbm:s6], $0xF7A  }
0x23: {  	s9 =	sor.u32 $0xD0000000, s2;
	s6 =	simm.s32 $0x108;
	_ =	swait.ge @!p0 [sflag:s8], $0x0  }
0x24: {  	s3 =	sadd.s32 $0x88, s3;
	s6 =	simm.s32 @!p1 $0x1082;
	[sflag:s4] =	ssyncset.s32 $0xFFFFF086  }
0x25: {  	[simem:s6], [sflag:s4] =	dma.local [hbm:s3], $0xF7A  }
0x26: {  	[smem:$0x3F98] =	sst s1;
	(tag) =	ssettag s2;
	_ =	strace s9  }
0x27: {  	s1 =	sld [smem:$0x3FA8]  }
0x28: {  	s2 =	sld [smem:$0x3FA9]  }
0x29: {  	s4 =	sld [smem:$0x3FAB]  }
0x2a: {  	p0 =	seq.s32 s5, $0x0;
	s5 =	sld [smem:$0x3FAC]  }
0x2b: {  	s6 =	sld [smem:$0x3FAD]  }
0x2c: {  	s7 =	sld [smem:$0x3FAE]  }
0x2d: {  	s3 =	simm.s32 $0x108;
	s8 =	sld [smem:$0x3FAF]  }
0x2e: {  	s3 =	simm.s32 @!p0 $0x1082;
	s9 =	sld [smem:$0x3FB0]  }
0x2f: {  	lr =	sadd.s32 s0, s3;
	s0 =	sld [smem:$0x3FA7]  }
0x30: {  	s3 =	sld [smem:$0x3FAA]  }
0x31: {  	[smem:$0x3FB3] =	sst s10  }
0x32: {  	s10 =	sld [smem:$0x3FB1];
	_ =	sdelay $0x3  }
0x33: {  	p0 =	seq.s32 s10, $0x1;
	s10 =	sld [smem:$0x3FB3];
	_ =	sdelay $0x3  }
0x34: {  	[smem:$0x3FB3] =	sst s10  }
0x35: {  	s10 =	sld [smem:$0x3FB2];
	_ =	sdelay $0x3  }
0x36: {  	p1 =	seq.s32 s10, $0x1;
	s10 =	sld [smem:$0x3FB3];
	_ =	sdelay $0x3  }
0x37: {  	[smem:$0x3FB3] =	sst s10  }
0x38: {  	s10 =	sld [smem:$0x3FB4]  }
0x39: {  	_ = 	snop;
	(pc) =	sbr.ind lr, $3  }
0x3a: {  	_ = 	snop  }
0x3b: {  	_ = 	snop  }
0x3c: {  	p2 =	seq.s32 s10, $0x1;
	s10 =	sld [smem:$0x3FB3]  }
0x3d: {  	_ =	shalt  }
0x3e: {  	_ =	shalt  }
0x3f: {  	_ =	shalt  }
0x40: {  	_ =	shalt  }
0x41: {  	_ =	shalt  }
0x42: {  	_ =	shalt  }
0x43: {  	_ =	shalt  }
0x44: {  	_ =	shalt  }
0x45: {  	_ =	shalt  }
0x46: {  	_ =	shalt  }
0x47: {  	_ =	shalt  }
0x48: {  	_ =	shalt  }
0x49: {  	_ =	shalt  }
0x4a: {  	_ =	shalt  }
0x4b: {  	_ =	shalt  }
0x4c: {  	_ =	shalt  }
0x4d: {  	_ =	shalt  }
0x4e: {  	_ =	shalt  }
0x4f: {  	_ =	shalt  }
0x50: {  	_ =	shalt  }
0x51: {  	_ =	shalt  }
0x52: {  	_ =	shalt  }
0x53: {  	_ =	shalt  }
0x54: {  	_ =	shalt  }
0x55: {  	_ =	shalt  }
0x56: {  	_ =	shalt  }
0x57: {  	_ =	shalt  }
0x58: {  	_ =	shalt  }
0x59: {  	_ =	shalt  }
0x5a: {  	_ =	shalt  }
0x5b: {  	_ =	shalt  }
0x5c: {  	_ =	shalt  }
0x5d: {  	_ =	shalt  }
0x5e: {  	_ =	shalt  }
0x5f: {  	_ =	shalt  }
0x60: {  	_ =	shalt  }
0x61: {  	_ =	shalt  }
0x62: {  	_ =	shalt  }
0x63: {  	_ =	shalt  }
0x64: {  	_ =	shalt  }
0x65: {  	_ =	shalt  }
0x66: {  	_ =	shalt  }
0x67: {  	_ =	shalt  }
0x68: {  	_ =	shalt  }
0x69: {  	_ =	shalt  }
0x6a: {  	_ =	shalt  }
0x6b: {  	_ =	shalt  }
0x6c: {  	_ =	shalt  }
0x6d: {  	_ =	shalt  }
0x6e: {  	_ =	shalt  }
0x6f: {  	_ =	shalt  }
0x70: {  	_ =	shalt  }
0x71: {  	_ =	shalt  }
0x72: {  	_ =	shalt  }
0x73: {  	_ =	shalt  }
0x74: {  	_ =	shalt  }
0x75: {  	_ =	shalt  }
0x76: {  	_ =	shalt  }
0x77: {  	_ =	shalt  }
0x78: {  	_ =	shalt  }
0x79: {  	_ =	shalt  }
0x7a: {  	_ =	shalt  }
0x7b: {  	_ =	shalt  }
0x7c: {  	_ =	shalt  }
0x7d: {  	_ =	shalt  }
0x7e: {  	_ =	shalt  }
0x7f: {  	_ =	shalt  }
0x80: {  	_ =	shalt  }
0x81: {  	_ =	shalt  }
0x82: {  	_ =	shalt  }
0x83: {  	_ =	shalt  }
0x84: {  	_ =	shalt  }
0x85: {  	_ =	shalt  }
0x86: {  	_ =	shalt  }
0x87: {  	_ =	shalt  }
.Lfunc_end0:
.L_simem_size_0:
called_computation.1_lowered:
.L_overlay_start_0:
0x88: {  	s2 =	sld [smem:$0x3FD9]  }
0x89: {  	s3 =	sld [smem:$0x3FFE];
	_ =	sdelay $0x1  }
0x8a: {  	s1 =	srdreg.scid  }
0x8b: {  	s0 =	sand.u32 $0x1, s1  }
0x8c: {  	s14 =	sshll.u32 s0, $0xA;
	s2 =	sadd.s32 s3, s2  }
0x8d: {  	s2 =	sadd.s32 s2, s14  }
0x8e: {  	[smem:$0x3FBF] =	sst s2  }
0x8f: {  	_ = 	snop  }
0x90: {  	s2 =	sld [smem:$0x3FD0];
	_ =	sdelay $0x2  }
0x91: {  	s15 =	simm.s32 $0xA;
	s4 =	simm.s32 $0x10  }
0x92: {  	[smem:s4], [sflag:s15] =	dma.local [hbm:s2], $0x1  }
0x93: {  	_ =	swait.eq [sflag:s15], $0x1  }
0x94: {  	[sflag:s15] =	ssyncset.done $0x0  }
0x95: {  	[sflag:s15] =	ssyncadd.s32 $0xFFFFFFFF  }
0x96: {  	s16 =	sld [smem:$0x10];
	(tm) =	ssettm $0x1  }
0x97: {  	s17 =	sld [smem:$0x3FFB];
	_ =	sdelay $0x3  }
0x98: {  	_ =	strace s17  }
0x99: {  	s3 =	sld [smem:$0x3FFC];
	_ =	sdelay $0x3  }
0x9a: {  	_ =	strace s3  }
0x9b: {  	s3 =	sld [smem:$0x3FFD];
	_ =	sdelay $0x3  }
0x9c: {  	_ =	strace s3  }
0x9d: {  	_ =	strace $0x8FFFFFFF  }
0x9e: {  	s18 =	sld [smem:$0x3FDB];
	_ =	sdelay $0x1  }
0x9f: {  	s19 =	simm.s32 $_scs_section_size  }
0xa0: {  	s5 =	simm.s32 $_size__tile_overlayer_lowered;
	s6 =	simm.s32 $_tile_overlayer_lowered  }
0xa1: {  	s22 =	simm.s32 $0x1BFF;
	s21 =	sshll.u32 s6, $0x1;
	s3 =	sadd.s32 s19, s18  }
0xa2: {  	s7 =	simm.s32 $0x0;
	s20 =	sshll.u32 s5, $0x1;
	s5 =	sadd.s32 s21, s3  }
0xa3: {  	[timem:s7], [sflag:s22] =	dma.local [hbm:s5], s20  }
0xa4: {  	_ =	swait.ge [sflag:s22], s20  }
0xa5: {  	s4 =	ssub.s32 $0x0, s20;
	[sflag:s22] =	ssyncset.done $0x0  }
0xa6: {  	[sflag:s22] =	ssyncadd.s32 s4;
	_ =	sdelay $0x1  }
0xa7: {  	s23 =	simm.s32 $0x1B8B  }
0xa8: {  	_ =	swait.ge [sflag:s23], $0x1  }
0xa9: {  	[sflag:s23] =	ssyncset.done $0x0  }
0xaa: {  	s25 =	simm.s32 $0x1B8E;
	s24 =	sld [smem:$0x3FFE];
	[sflag:s23] =	ssyncadd.s32 $0xFFFFFFFF  }
0xab: {  	s26 =	simm.s32 $execute0_lowered;
	[smem:$0x3FD2] =	sst s25  }
0xac: {  	s5 =	sshll.u32 s26, $0x1;
	_ =	strace $0x80000049;
	[dreg:$0x1] =	wrdreg $0xFFFFFFFF  }
0xad: {  	s28 =	simm.s32 $_size_execute0_lowered;
	s3 =	sadd.s32 s3, s5;
	[dreg:$0x0] =	wrdreg $0x0  }
0xae: {  	s5 =	sshll.u32 s28, $0x1;
	[dreg:$0x2] =	wrdreg s3  }
0xaf: {  	[dreg:$0x3] =	wrdreg s5  }
0xb0: {  	[dreg:$0x4] =	wrdreg $0xC0  }
0xb1: {  	_ =	task [dreg:s7], $0x5FFFF  }
0xb2: {  	[dreg:$0x1] =	wrdreg $0xFFFFFFFF  }
0xb3: {  	[dreg:$0x0] =	wrdreg $0x60  }
0xb4: {  	[dreg:$0x2] =	wrdreg s16  }
0xb5: {  	[dreg:$0x3] =	wrdreg s24  }
0xb6: {  	[dreg:$0x4] =	wrdreg $0x13D000  }
0xb7: {  	[dreg:$0x5] =	wrdreg $0x9  }
0xb8: {  	_ =	task.clear_ibuf [dreg:s7], $0x6FFFF;
	_ =	strace $0x90000049  }
0xb9: {  	s29 =	simm.s32 $0x9;
	_ =	strace $0x8000004B  }
0xba: {  	_ =	swait.ge [sflag:s29], $0x1  }
0xbb: {  	[sflag:s29] =	ssyncadd.s32 $0xFFFFFFFF  }
0xbc: {  	_ =	strace $0x9000004B  }
0xbd: {  	_ =	sfence  }
0xbe: {  	s30 =	sld [smem:$0x0];
	_ =	sdelay $0x2  }
0xbf: {  	s31 =	sshll.u32 s1, $0xD;
	s1 =	sshrl.u32 s1, $0x2  }
0xc0: {  	s3 =	sand.u32 $0x4000, s31;
	s1 =	sadd.s32 s1, s30  }
0xc1: {  	s0 =	sor.u32 s3, s0;
	s1 =	sshll.u32 s1, $0x11  }
0xc2: {  	s0 =	sor.u32 s1, s0  }
0xc3: {  	s0 =	sadd.s32 $0x8F2B, s0  }
0xc4: {  	[sflag:s0] =	ssyncadd.remote.s32 $0x1  }
0xc5: {  	_ =	sfence.sel $0xFFFF  }
0xc6: {  	[dreg:$0x0] =	wrdreg $0xFFFFFFFF;
	(pc) =	sbr.abs _section_cstart, $3  }
0xc7: {  	[dreg:$0x1] =	wrdreg $0xFFFFFFFF  }
0xc8: {  	_ =	task.clear_ibuf [dreg:s7], $0x2FFFF;
	_ =	strace $0x9FFFFFFF  }
0xc9: {  	(tm) =	ssettm $0x7FFFFFFF  }
tec
execute0_lowered:
.L_overlay_start_1:
0x0: {  	(tag) =	ssettag $0x1  }
0x1: {  	s0 =	rddreg [dreg:$0x0]  }
0x2: {  	s1 =	rddreg [dreg:$0x1]  }
0x3: {  	s2 =	rddreg [dreg:$0x2];
	s9 =	stileid.u32  }
0x4: {  	s4 =	srdreg.scid;
	s3 =	simm.s32 $0x0;
	s14 =	simm.s32 $0x5  }
0x5: {  	s15 =	simm.s32 $0x5000;
	s16 =	simm.s32 $0x11D00;
	s17 =	simm.s32 $0x7D  }
0x6: {  	s18 =	simm.s32 $0xA000;
	s20 =	simm.s32 $0xBF40;
	s22 =	simm.s32 $0xDE80  }
0x7: {  	s24 =	simm.s32 $0xFDC0;
	s28 =	simm.s32 $0x3;
	s6 =	smul.u32 $0xA000, s9  }
0x8: {  	s31 =	simm.s32 $0x2;
	s19 =	simm.s32 $0x4;
	s5 =	smul.u32 $0xA00, s9  }
0x9: {  	s29 =	simm.s32 $0x9E80;
	s8 =	sand.u32 $0x1, s4;
	s9 =	smul.u32 $0x28000, s9  }
0xa: {  	s30 =	simm.s32 $0x9F00;
	[smem:$0x7FF] =	sst s3;
	s4 =	smul.u32 $0xA0000, s8  }
0xb: {  	_ =	strace $0x8000004A;
	s7 =	ssub.s32 $0x2, s8;
	s11 =	smul.u32 $0x13880, s8  }
0xc: {  	s5 =	sadd.s32 s5, s1;
	s10 =	sshrl.u32 s7, $0x1;
	s25 =	sshrl.u32 s9, $0x2  }
0xd: {  	s4 =	sadd.s32 s6, s4;
	s13 =	ssub.s32 s7, s10;
	s26 =	sadd.s32 s25, s2  }
0xe: {  	s6 =	sadd.s32 s6, s2;
	s11 =	sadd.s32 s0, s11;
	s25 =	simm.s32 $0x1  }
0xf: {  	s0 =	simm.s32 $0x9F80;
	s4 =	sshrl.u32 s4, $0x3;
	s7 =	sadd.s32 $0x2000, s26  }
0x10: {  	s8 =	sadd.s32 $0x4000, s26;
	s9 =	sadd.s32 $0x6000, s26;
	s10 =	sadd.s32 $0x8000, s26  }
0x11: {  	s13 =	smax.u32 s13, $0x1;
	s1 =	sadd.s32 s4, s1;
	s4 =	sadd.s32 $0xF600, s5  }
0x12: {  	v0 =	vimm.f32 $0.0e+00;
	s5 =	sadd.s32 $0x5600, s5;
	s12 =	sadd.s32 $0x19600, s1;
	s1 =	simm.s32 $0x0  }
.LBB2_1:
0x13: {  	[tilespmem:s3], [sflag:$0x5] =	stream.linear.gather [hbm4b:s4+s3], $0x5000, $0x38;
	[tilespmem:$0x1DD00] =	vst v63  }
0x14: {  	_ =	swait.ge [sflag:s14], $0x5000  }
0x15: {  	[sflag:s14] =	ssyncset.done $0x0  }
0x16: {  	[sflag:s14] =	ssyncadd.s32 $0xFFFFB000  }
0x17: {  	[tilespmem:s15], [sflag:$0x5] =	stream.linear.gather [hbm4b:s5+s3], $0x5000, $0x38;
	[tilespmem:$0x1DD00] =	vst v63  }
0x18: {  	_ =	swait.ge [sflag:s14], $0x5000  }
0x19: {  	[sflag:s14] =	ssyncset.done $0x0  }
0x1a: {  	s23 =	simm.s32 $0x100;
	s21 =	simm.s32 $0x0;
	[sflag:s14] =	ssyncadd.s32 $0xFFFFB000  }
.LBB2_2:
0x1b: {  	p0 =	sne.s32 s23, $0x7F00;
	[tilespmem:s21+$0x11D30] =	vst v0;
	s26 =	smov.u32 s23;
	s23 =	sadd.s32 $0x100, s23  }
.Ltmp0:
0x1c: {  	[tilespmem:s21+$0x11D20] =	vst v0;
	(pc) =	sbr.rel @p0 .LBB2_2-.Ltmp0, $3  }
0x1d: {  	[tilespmem:s21+$0x11D00] =	vst v0  }
0x1e: {  	[tilespmem:s21+$0x11D10] =	vst v0;
	_ =	sdelay $0x1  }
0x1f: {  	s21 =	sshra.s32 s26, $0x2  }
0x20: {  	[tilespmem:s21+$0x11D30] =	vst v0  }
0x21: {  	[tilespmem:s21+$0x11D20] =	vst v0  }
0x22: {  	[tilespmem:s21+$0x11D00] =	vst v0  }
0x23: {  	[tilespmem:s21+$0x11D10] =	vst v0  }
0x24: {  	[spmem:s6] =	stream.linear.scatter [tilespmem:s16], [sflag:$0x5], $0x2000, $0x38;
	[tilespmem:$0x1DD00] =	vst v63  }
0x25: {  	_ =	swait.ge [sflag:s14], $0x2000  }
0x26: {  	[sflag:s14] =	ssyncset.done $0x0  }
0x27: {  	[sflag:s14] =	ssyncadd.s32 $0xFFFFE000  }
0x28: {  	[spmem:s7] =	stream.linear.scatter [tilespmem:s16], [sflag:$0x5], $0x2000, $0x38;
	[tilespmem:$0x1DD00] =	vst v63  }
0x29: {  	_ =	swait.ge [sflag:s14], $0x2000  }
0x2a: {  	[sflag:s14] =	ssyncset.done $0x0  }
0x2b: {  	[sflag:s14] =	ssyncadd.s32 $0xFFFFE000  }
0x2c: {  	[spmem:s8] =	stream.linear.scatter [tilespmem:s16], [sflag:$0x5], $0x2000, $0x38;
	[tilespmem:$0x1DD00] =	vst v63  }
0x2d: {  	_ =	swait.ge [sflag:s14], $0x2000  }
0x2e: {  	[sflag:s14] =	ssyncset.done $0x0  }
0x2f: {  	[sflag:s14] =	ssyncadd.s32 $0xFFFFE000  }
0x30: {  	[spmem:s9] =	stream.linear.scatter [tilespmem:s16], [sflag:$0x5], $0x2000, $0x38;
	[tilespmem:$0x1DD00] =	vst v63  }
0x31: {  	_ =	swait.ge [sflag:s14], $0x2000  }
0x32: {  	[sflag:s14] =	ssyncset.done $0x0  }
0x33: {  	[sflag:s14] =	ssyncadd.s32 $0xFFFFE000  }
0x34: {  	[spmem:s10] =	stream.linear.scatter [tilespmem:s16], [sflag:$0x5], $0x2000, $0x38;
	[tilespmem:$0x1DD00] =	vst v63  }
0x35: {  	_ =	swait.ge [sflag:s14], $0x2000  }
0x36: {  	[sflag:s14] =	ssyncset.done $0x0  }
0x37: {  	[sflag:s14] =	ssyncadd.s32 $0xFFFFE000  }
0x38: {  	s23 =	simm.s32 $0x0;
	[bflag:$0x0] =	sbarrier.arrive $0xFFFF  }
0x39: {  	[tilespmem:s18], [sflag:$0x1] =	stream.indirect.gather [hbm4b:s11+s17], $0x40, s23, s17, $0xb8;
	[tilespmem:$0x1DD00] =	vst v63  }
0x3a: {  	s26 =	simm.s32 $0x80  }
0x3b: {  	[tilespmem:s20], [sflag:$0x1] =	stream.indirect.gather [hbm4b:s11+s17], $0x40, s26, s17, $0xb8;
	[tilespmem:$0x1DD00] =	vst v63  }
0x3c: {  	s23 =	simm.s32 $0x100  }
0x3d: {  	[tilespmem:s22], [sflag:$0x2] =	stream.indirect.gather [hbm4b:s11+s17], $0x40, s23, s17, $0xb8;
	[tilespmem:$0x1DD00] =	vst v63  }
0x3e: {  	s26 =	simm.s32 $0x180  }
0x3f: {  	[tilespmem:s24], [sflag:$0x2] =	stream.indirect.gather [hbm4b:s11+s17], $0x40, s26, s17, $0xb8;
	[tilespmem:$0x1DD00] =	vst v63  }
0x40: {  	_ =	swait.ge [sflag:s25], $0x1F40  }
0x41: {  	[sflag:s25] =	ssyncset.done $0x0  }
0x42: {  	[sflag:s25] =	ssyncadd.s32 $0xFFFFE0C0  }
0x43: {  	_ =	swait.ge [sflag:s25], $0x1F40  }
0x44: {  	[sflag:s25] =	ssyncset.done $0x0  }
0x45: {  	[sflag:s25] =	ssyncadd.s32 $0xFFFFE0C0  }
0x46: {  	[spmem:s2] =	stream.indirect.scatter.add.f32 [tilespmem:s18], [sflag:$0x3], $0x40, s15, s17, $0xb8;
	[tilespmem:$0x1DD00] =	vst v63  }
0x47: {  	s23 =	simm.s32 $0x5080  }
0x48: {  	[spmem:s2] =	stream.indirect.scatter.add.f32 [tilespmem:s20], [sflag:$0x3], $0x40, s23, s17, $0xb8;
	[tilespmem:$0x1DD00] =	vst v63  }
0x49: {  	_ =	swait.ge [sflag:s28], $0x1F40  }
0x4a: {  	[sflag:s28] =	ssyncset.done $0x0  }
0x4b: {  	[sflag:s28] =	ssyncadd.s32 $0xFFFFE0C0  }
0x4c: {  	_ =	swait.ge [sflag:s28], $0x1F40  }
0x4d: {  	[sflag:s28] =	ssyncset.done $0x0  }
0x4e: {  	s26 =	simm.s32 $0x200;
	[sflag:s28] =	ssyncadd.s32 $0xFFFFE0C0  }
0x4f: {  	[tilespmem:s18], [sflag:$0x1] =	stream.indirect.gather [hbm4b:s11+s17], $0x40, s26, s17, $0xb8;
	[tilespmem:$0x1DD00] =	vst v63  }
0x50: {  	s23 =	simm.s32 $0x280  }
0x51: {  	[tilespmem:s20], [sflag:$0x1] =	stream.indirect.gather [hbm4b:s11+s17], $0x40, s23, s17, $0xb8;
	[tilespmem:$0x1DD00] =	vst v63  }
0x52: {  	_ =	swait.ge [sflag:s31], $0x1F40  }
0x53: {  	[sflag:s31] =	ssyncset.done $0x0  }
0x54: {  	[sflag:s31] =	ssyncadd.s32 $0xFFFFE0C0  }
0x55: {  	_ =	swait.ge [sflag:s31], $0x1F40  }
0x56: {  	[sflag:s31] =	ssyncset.done $0x0  }
0x57: {  	s26 =	simm.s32 $0x5100;
	[sflag:s31] =	ssyncadd.s32 $0xFFFFE0C0  }
0x58: {  	[spmem:s2] =	stream.indirect.scatter.add.f32 [tilespmem:s22], [sflag:$0x4], $0x40, s26, s17, $0xb8;
	[tilespmem:$0x1DD00] =	vst v63  }
0x59: {  	s23 =	simm.s32 $0x5180  }
0x5a: {  	[spmem:s2] =	stream.indirect.scatter.add.f32 [tilespmem:s24], [sflag:$0x4], $0x40, s23, s17, $0xb8;
	[tilespmem:$0x1DD00] =	vst v63  }
0x5b: {  	_ =	swait.ge [sflag:s19], $0x1F40  }
0x5c: {  	[sflag:s19] =	ssyncset.done $0x0  }
0x5d: {  	[sflag:s19] =	ssyncadd.s32 $0xFFFFE0C0  }
0x5e: {  	_ =	swait.ge [sflag:s19], $0x1F40  }
0x5f: {  	[sflag:s19] =	ssyncset.done $0x0  }
0x60: {  	s26 =	simm.s32 $0x300;
	[sflag:s19] =	ssyncadd.s32 $0xFFFFE0C0  }
0x61: {  	[tilespmem:s22], [sflag:$0x2] =	stream.indirect.gather [hbm4b:s11+s17], $0x40, s26, s17, $0xb8;
	[tilespmem:$0x1DD00] =	vst v63  }
0x62: {  	s23 =	simm.s32 $0x380  }
0x63: {  	[tilespmem:s24], [sflag:$0x2] =	stream.indirect.gather [hbm4b:s11+s17], $0x40, s23, s17, $0xb8;
	[tilespmem:$0x1DD00] =	vst v63  }
0x64: {  	_ =	swait.ge [sflag:s25], $0x1F40  }
0x65: {  	[sflag:s25] =	ssyncset.done $0x0  }
0x66: {  	[sflag:s25] =	ssyncadd.s32 $0xFFFFE0C0  }
0x67: {  	_ =	swait.ge [sflag:s25], $0x1F40  }
0x68: {  	[sflag:s25] =	ssyncset.done $0x0  }
0x69: {  	s26 =	simm.s32 $0x5200;
	[sflag:s25] =	ssyncadd.s32 $0xFFFFE0C0  }
0x6a: {  	[spmem:s2] =	stream.indirect.scatter.add.f32 [tilespmem:s18], [sflag:$0x3], $0x40, s26, s17, $0xb8;
	[tilespmem:$0x1DD00] =	vst v63  }
0x6b: {  	s23 =	simm.s32 $0x5280  }
0x6c: {  	[spmem:s2] =	stream.indirect.scatter.add.f32 [tilespmem:s20], [sflag:$0x3], $0x40, s23, s17, $0xb8;
	[tilespmem:$0x1DD00] =	vst v63  }
0x6d: {  	_ =	swait.ge [sflag:s28], $0x1F40  }
0x6e: {  	[sflag:s28] =	ssyncset.done $0x0  }
0x6f: {  	[sflag:s28] =	ssyncadd.s32 $0xFFFFE0C0  }
0x70: {  	_ =	swait.ge [sflag:s28], $0x1F40  }
0x71: {  	[sflag:s28] =	ssyncset.done $0x0  }
0x72: {  	s26 =	simm.s32 $0x400;
	[sflag:s28] =	ssyncadd.s32 $0xFFFFE0C0  }
0x73: {  	[tilespmem:s18], [sflag:$0x1] =	stream.indirect.gather [hbm4b:s11+s17], $0x40, s26, s17, $0xb8;
	[tilespmem:$0x1DD00] =	vst v63  }
0x74: {  	s23 =	simm.s32 $0x480  }
0x75: {  	[tilespmem:s20], [sflag:$0x1] =	stream.indirect.gather [hbm4b:s11+s17], $0x40, s23, s17, $0xb8;
	[tilespmem:$0x1DD00] =	vst v63  }
0x76: {  	_ =	swait.ge [sflag:s31], $0x1F40  }
0x77: {  	[sflag:s31] =	ssyncset.done $0x0  }
0x78: {  	[sflag:s31] =	ssyncadd.s32 $0xFFFFE0C0  }
0x79: {  	_ =	swait.ge [sflag:s31], $0x1F40  }
0x7a: {  	s21 =	simm.s32 $0x800;
	[sflag:s31] =	ssyncset.done $0x0  }
0x7b: {  	s26 =	simm.s32 $0x5300;
	s23 =	simm.s32 $0x5380;
	[sflag:s31] =	ssyncadd.s32 $0xFFFFE0C0  }
0x7c: {  	[spmem:s2] =	stream.indirect.scatter.add.f32 [tilespmem:s22], [sflag:$0x4], $0x40, s26, s17, $0xb8;
	[tilespmem:$0x1DD00] =	vst v63  }
.LBB2_4:
0x7d: {  	[spmem:s2] =	stream.indirect.scatter.add.f32 [tilespmem:s24], [sflag:$0x4], $0x40, s23, s17, $0xb8;
	[tilespmem:$0x1DD00] =	vst v63  }
0x7e: {  	s23 =	smov.u32 s21  }
0x7f: {  	p0 =	sne.s32 s21, $0x12800;
	s21 =	sadd.s32 $0x800, s21;
	_ =	swait.ge [sflag:s19], $0x1F40  }
0x80: {  	[sflag:s19] =	ssyncset.done $0x0  }
0x81: {  	[sflag:s19] =	ssyncadd.s32 $0xFFFFE0C0  }
0x82: {  	_ =	swait.ge [sflag:s19], $0x1F40  }
0x83: {  	s23 =	sshra.s32 s23, $0x2;
	[sflag:s19] =	ssyncset.done $0x0  }
0x84: {  	s26 =	sadd.s32 $0x300, s23;
	[sflag:s19] =	ssyncadd.s32 $0xFFFFE0C0  }
0x85: {  	[tilespmem:s22], [sflag:$0x2] =	stream.indirect.gather [hbm4b:s11+s17], $0x40, s26, s17, $0xb8;
	[tilespmem:$0x1DD00] =	vst v63  }
0x86: {  	s26 =	sadd.s32 $0x380, s23  }
0x87: {  	[tilespmem:s24], [sflag:$0x2] =	stream.indirect.gather [hbm4b:s11+s17], $0x40, s26, s17, $0xb8;
	[tilespmem:$0x1DD00] =	vst v63  }
0x88: {  	_ =	swait.ge [sflag:s25], $0x1F40  }
0x89: {  	[sflag:s25] =	ssyncset.done $0x0  }
0x8a: {  	[sflag:s25] =	ssyncadd.s32 $0xFFFFE0C0  }
0x8b: {  	_ =	swait.ge [sflag:s25], $0x1F40  }
0x8c: {  	[sflag:s25] =	ssyncset.done $0x0  }
0x8d: {  	s26 =	sadd.s32 $0x5200, s23;
	[sflag:s25] =	ssyncadd.s32 $0xFFFFE0C0  }
0x8e: {  	[spmem:s2] =	stream.indirect.scatter.add.f32 [tilespmem:s18], [sflag:$0x3], $0x40, s26, s17, $0xb8;
	[tilespmem:$0x1DD00] =	vst v63  }
0x8f: {  	s26 =	sadd.s32 $0x5280, s23  }
0x90: {  	[spmem:s2] =	stream.indirect.scatter.add.f32 [tilespmem:s20], [sflag:$0x3], $0x40, s26, s17, $0xb8;
	[tilespmem:$0x1DD00] =	vst v63  }
0x91: {  	_ =	swait.ge [sflag:s28], $0x1F40  }
0x92: {  	[sflag:s28] =	ssyncset.done $0x0  }
0x93: {  	[sflag:s28] =	ssyncadd.s32 $0xFFFFE0C0  }
0x94: {  	_ =	swait.ge [sflag:s28], $0x1F40  }
0x95: {  	[sflag:s28] =	ssyncset.done $0x0  }
0x96: {  	s26 =	sadd.s32 $0x400, s23;
	[sflag:s28] =	ssyncadd.s32 $0xFFFFE0C0  }
0x97: {  	[tilespmem:s18], [sflag:$0x1] =	stream.indirect.gather [hbm4b:s11+s17], $0x40, s26, s17, $0xb8;
	[tilespmem:$0x1DD00] =	vst v63  }
0x98: {  	s26 =	sadd.s32 $0x480, s23  }
0x99: {  	[tilespmem:s20], [sflag:$0x1] =	stream.indirect.gather [hbm4b:s11+s17], $0x40, s26, s17, $0xb8;
	[tilespmem:$0x1DD00] =	vst v63  }
0x9a: {  	_ =	swait.ge [sflag:s31], $0x1F40  }
0x9b: {  	[sflag:s31] =	ssyncset.done $0x0  }
0x9c: {  	[sflag:s31] =	ssyncadd.s32 $0xFFFFE0C0  }
.Ltmp1:
0x9d: {  	_ =	swait.ge [sflag:s31], $0x1F40;
	(pc) =	sbr.rel @p0 .LBB2_4-.Ltmp1, $4  }
0x9e: {  	[sflag:s31] =	ssyncset.done $0x0  }
0x9f: {  	s26 =	sadd.s32 $0x5300, s23;
	[sflag:s31] =	ssyncadd.s32 $0xFFFFE0C0  }
0xa0: {  	[spmem:s2] =	stream.indirect.scatter.add.f32 [tilespmem:s22], [sflag:$0x4], $0x40, s26, s17, $0xb8;
	[tilespmem:$0x1DD00] =	vst v63  }
0xa1: {  	s23 =	sadd.s32 $0x5380, s23  }
0xa2: {  	[spmem:s2] =	stream.indirect.scatter.add.f32 [tilespmem:s24], [sflag:$0x4], $0x40, s23, s17, $0xb8;
	[tilespmem:$0x1DD00] =	vst v63  }
0xa3: {  	_ =	swait.ge [sflag:s19], $0x1F40  }
0xa4: {  	[sflag:s19] =	ssyncset.done $0x0  }
0xa5: {  	[sflag:s19] =	ssyncadd.s32 $0xFFFFE0C0  }
0xa6: {  	_ =	swait.ge [sflag:s19], $0x1F40  }
0xa7: {  	[sflag:s19] =	ssyncset.done $0x0  }
0xa8: {  	s21 =	simm.s32 $0x4F00;
	[sflag:s19] =	ssyncadd.s32 $0xFFFFE0C0  }
0xa9: {  	[tilespmem:s22], [sflag:$0x2] =	stream.indirect.gather [hbm4b:s11+s17], $0x40, s21, s17, $0xb8;
	[tilespmem:$0x1DD00] =	vst v63  }
0xaa: {  	s23 =	simm.s32 $0x4F80  }
0xab: {  	[tilespmem:s24], [sflag:$0x2] =	stream.indirect.gather [hbm4b:s11+s17], $0x40, s23, s17, $0xb8;
	[tilespmem:$0x1DD00] =	vst v63  }
0xac: {  	_ =	swait.ge [sflag:s25], $0x1F40  }
0xad: {  	[sflag:s25] =	ssyncset.done $0x0  }
0xae: {  	[sflag:s25] =	ssyncadd.s32 $0xFFFFE0C0  }
0xaf: {  	_ =	swait.ge [sflag:s25], $0x1F40  }
0xb0: {  	[sflag:s25] =	ssyncset.done $0x0  }
0xb1: {  	s26 =	simm.s32 $0x9E00;
	[sflag:s25] =	ssyncadd.s32 $0xFFFFE0C0  }
0xb2: {  	[spmem:s2] =	stream.indirect.scatter.add.f32 [tilespmem:s18], [sflag:$0x3], $0x40, s26, s17, $0xb8;
	[tilespmem:$0x1DD00] =	vst v63  }
0xb3: {  	_ = 	snop  }
0xb4: {  	[spmem:s2] =	stream.indirect.scatter.add.f32 [tilespmem:s20], [sflag:$0x3], $0x40, s29, s17, $0xb8;
	[tilespmem:$0x1DD00] =	vst v63  }
0xb5: {  	_ =	swait.ge [sflag:s28], $0x1F40  }
0xb6: {  	[sflag:s28] =	ssyncset.done $0x0  }
0xb7: {  	[sflag:s28] =	ssyncadd.s32 $0xFFFFE0C0  }
0xb8: {  	_ =	swait.ge [sflag:s28], $0x1F40  }
0xb9: {  	[sflag:s28] =	ssyncset.done $0x0  }
0xba: {  	[sflag:s28] =	ssyncadd.s32 $0xFFFFE0C0  }
0xbb: {  	_ =	swait.ge [sflag:s31], $0x1F40  }
0xbc: {  	[sflag:s31] =	ssyncset.done $0x0  }
0xbd: {  	[sflag:s31] =	ssyncadd.s32 $0xFFFFE0C0  }
0xbe: {  	_ =	swait.ge [sflag:s31], $0x1F40  }
0xbf: {  	[sflag:s31] =	ssyncset.done $0x0  }
0xc0: {  	[sflag:s31] =	ssyncadd.s32 $0xFFFFE0C0  }
0xc1: {  	[spmem:s2] =	stream.indirect.scatter.add.f32 [tilespmem:s22], [sflag:$0x4], $0x40, s30, s17, $0xb8;
	[tilespmem:$0x1DD00] =	vst v63  }
0xc2: {  	_ = 	snop  }
0xc3: {  	[spmem:s2] =	stream.indirect.scatter.add.f32 [tilespmem:s24], [sflag:$0x4], $0x40, s0, s17, $0xb8;
	[tilespmem:$0x1DD00] =	vst v63  }
0xc4: {  	_ =	swait.ge [sflag:s19], $0x1F40  }
0xc5: {  	[sflag:s19] =	ssyncset.done $0x0  }
0xc6: {  	[sflag:s19] =	ssyncadd.s32 $0xFFFFE0C0  }
0xc7: {  	s23 =	stileid.u32;
	_ =	swait.ge [sflag:s19], $0x1F40  }
0xc8: {  	s1 =	sadd.s32 $0x1, s1;
	s21 =	sshll.u32 s23, $0x6;
	[sflag:s19] =	ssyncset.done $0x0  }
0xc9: {  	p0 =	sne.s32 s1, s13;
	s21 =	sor.u32 $0x1C05, s21;
	[sflag:s19] =	ssyncadd.s32 $0xFFFFE0C0  }
.Ltmp2:
0xca: {  	s26 =	sshrl.u32 s6, $0x3;
	[bflag:$0x0] =	sbarrier.arrive $0xFFFF;
	(pc) =	sbr.rel @p0 .LBB2_1-.Ltmp2, $4  }
0xcb: {  	[hbm:s12], [sflag:s21] =	dma.local [spmem:s26], $0x1400  }
0xcc: {  	_ =	swait.ge [sflag:s14], $0x1400  }
0xcd: {  	[sflag:s14] =	ssyncset.done $0x0  }
0xce: {  	[sflag:s14] =	ssyncadd.s32 $0xFFFFEC00  }
0xcf: {  	_ =	sfence.sel $0x180000  }
0xd0: {  	[bflag:$0x0] =	sbarrier.arrive $0xFFFF  }
0xd1: {  	_ =	strace $0x9000004A  }
0xd2: {  	s0 =	stileid.u32;
	[bflag:$0x2] =	sbarrier.arrive $0xFFFF  }
0xd3: {  	p0 =	sne.s32 s0, $0x0;
	s0 =	rddreg [dreg:$0x3]  }
0xd4: {  	s0 =	sadd.s32 @!p0 $0x100000, s0  }
0xd5: {  	[sflag:s0] =	ssyncadd.tile.s32 @!p0 $0x1;
	_ =	shalt  }
.Lfunc_end2:
_tile_overlayer_lowered:
.L_overlay_start_2:
0xd6: {  	(tag) =	ssettag $0x2  }
0xd7: {  	s0 =	rddreg [dreg:$0x0];
	s2 =	stileid.u32  }
0xd8: {  	s1 =	rddreg [dreg:$0x1];
	p0 =	sne.s32 s2, $0x0  }
0xd9: {  	s3 =	rddreg [dreg:$0x2];
	[bflag:$0x3] =	sbarrier.arrive $0xFFFF;
	s2 =	simm.s32 @!p0 $0x1C05  }
0xda: {  	[timem:s3], [sflag:s2] =	dma.local @!p0 [hbm:s0], s1  }
0xdb: {  	s0 =	simm.s32 @!p0 $0x5  }
0xdc: {  	_ =	swait.ge @!p0 [sflag:s0], s1  }
0xdd: {  	s1 =	ssub.s32 @!p0 $0x0, s1;
	[sflag:s0] =	ssyncset.done @!p0 $0x0  }
0xde: {  	[sflag:s0] =	ssyncadd.s32 @!p0 s1  }
0xdf: {  	[bflag:$0x3] =	sbarrier.arrive $0xFFFF  }
0xe0: {  	_ =	shalt  }

// kernel: kernel.19.cloned.1.call-start
scs
__scs_entry_jumppad:
0x0: {  	(pc) =	sbr.rel $0x88, $3  }
0x1: {  	(tag) =	ssettag $0x0;
	lr =	simm.s32 $0x1  }
0x2: {  	[smem:$0x3F98] =	sst lr;
	_ =	strace $0xD0000000  }
0x3: {  	_ = 	snop  }
0x4: {  	_ = 	snop  }
0x5: {  	_ = 	snop  }
0x6: {  	_ = 	snop  }
0x7: {  	_ = 	snop  }
__scs_overlays_trampoline_lowered:
0x8: {  	[smem:$0x3FA7] =	sst s0  }
0x9: {  	[smem:$0x3FA8] =	sst s1  }
0xa: {  	[smem:$0x3FA9] =	sst s2  }
0xb: {  	[smem:$0x3FAA] =	sst s3  }
0xc: {  	[smem:$0x3FAB] =	sst s4  }
0xd: {  	[smem:$0x3FAC] =	sst s5  }
0xe: {  	[smem:$0x3FAD] =	sst s6  }
0xf: {  	[smem:$0x3FAE] =	sst s7  }
0x10: {  	[smem:$0x3FAF] =	sst s8  }
0x11: {  	[smem:$0x3FB0] =	sst s9;
	s0 =	simm.s32 @!p0 $0x0  }
0x12: {  	s1 =	sld [smem:$0x3F96];
	s0 =	simm.s32 @p0 $0x1  }
0x13: {  	[smem:$0x3FB1] =	sst s0;
	s0 =	simm.s32 @!p1 $0x0  }
0x14: {  	s2 =	sld [smem:$0x3F95];
	s0 =	simm.s32 @p1 $0x1  }
0x15: {  	[smem:$0x3FB2] =	sst s0;
	s0 =	simm.s32 @!p2 $0x0  }
0x16: {  	s3 =	sld [smem:$0x3FDB];
	s0 =	simm.s32 @p2 $0x1  }
0x17: {  	s4 =	simm.s32 $0x1BF5;
	[smem:$0x3FB4] =	sst s0  }
0x18: {  	s0 =	sld [smem:$0x3F97];
	_ =	swait.ge [sflag:s4], $0x0  }
0x19: {  	s7 =	sld [smem:$0x3F98]  }
0x1a: {  	s8 =	sadd.s32 $0xFFFFE003, lr  }
0x1b: {  	s9 =	sadd.s32 $0xFFFFFEF7, lr;
	s5 =	simm.s32 $0xFFFFFFFF;
	p2 =	slt.u32 s8, $0xFFFFF086  }
0x1c: {  	p1 =	slt.u32 s9, $0xF7A;
	s5 =	simm.s32 @!p2 $0x0  }
0x1d: {  	s5 =	simm.s32 @p1 $0x1;
	p0 =	seq.s32 s7, s2  }
0x1e: {  	s7 =	smul.u32 @!p0 $0xF7A, s2;
	p2 =	seq.s32 @!p0 s5, $0x0  }
0x1f: {  	s9 =	smul.u32 $0xF7A, s1;
	s8 =	simm.s32 @!p0 $0x1BF5;
	p2 =	por !p2, p0  }
0x20: {  	[sflag:s8] =	ssyncset.s32 @!p0 $0xFFFFF086;
	s6 =	sadd.s32 @!p0 s3, s7;
	s7 =	simm.s32 @!p0 $0x108  }
0x21: {  	s3 =	sadd.s32 s3, s9;
	s6 =	sadd.s32 @!p0 $0x88, s6;
	s7 =	simm.s32 @p2 $0x1082  }
0x22: {  	[simem:s7], [sflag:s8] =	dma.local @!p0 [hbm:s6], $0xF7A  }
0x23: {  	s9 =	sor.u32 $0xD0000000, s2;
	s6 =	simm.s32 $0x108;
	_ =	swait.ge @!p0 [sflag:s8], $0x0  }
0x24: {  	s3 =	sadd.s32 $0x88, s3;
	s6 =	simm.s32 @!p1 $0x1082;
	[sflag:s4] =	ssyncset.s32 $0xFFFFF086  }
0x25: {  	[simem:s6], [sflag:s4] =	dma.local [hbm:s3], $0xF7A  }
0x26: {  	[smem:$0x3F98] =	sst s1;
	(tag) =	ssettag s2;
	_ =	strace s9  }
0x27: {  	s1 =	sld [smem:$0x3FA8]  }
0x28: {  	s2 =	sld [smem:$0x3FA9]  }
0x29: {  	s4 =	sld [smem:$0x3FAB]  }
0x2a: {  	p0 =	seq.s32 s5, $0x0;
	s5 =	sld [smem:$0x3FAC]  }
0x2b: {  	s6 =	sld [smem:$0x3FAD]  }
0x2c: {  	s7 =	sld [smem:$0x3FAE]  }
0x2d: {  	s3 =	simm.s32 $0x108;
	s8 =	sld [smem:$0x3FAF]  }
0x2e: {  	s3 =	simm.s32 @!p0 $0x1082;
	s9 =	sld [smem:$0x3FB0]  }
0x2f: {  	lr =	sadd.s32 s0, s3;
	s0 =	sld [smem:$0x3FA7]  }
0x30: {  	s3 =	sld [smem:$0x3FAA]  }
0x31: {  	[smem:$0x3FB3] =	sst s10  }
0x32: {  	s10 =	sld [smem:$0x3FB1];
	_ =	sdelay $0x3  }
0x33: {  	p0 =	seq.s32 s10, $0x1;
	s10 =	sld [smem:$0x3FB3];
	_ =	sdelay $0x3  }
0x34: {  	[smem:$0x3FB3] =	sst s10  }
0x35: {  	s10 =	sld [smem:$0x3FB2];
	_ =	sdelay $0x3  }
0x36: {  	p1 =	seq.s32 s10, $0x1;
	s10 =	sld [smem:$0x3FB3];
	_ =	sdelay $0x3  }
0x37: {  	[smem:$0x3FB3] =	sst s10  }
0x38: {  	s10 =	sld [smem:$0x3FB4]  }
0x39: {  	_ = 	snop;
	(pc) =	sbr.ind lr, $3  }
0x3a: {  	_ = 	snop  }
0x3b: {  	_ = 	snop  }
0x3c: {  	p2 =	seq.s32 s10, $0x1;
	s10 =	sld [smem:$0x3FB3]  }
0x3d: {  	_ =	shalt  }
0x3e: {  	_ =	shalt  }
0x3f: {  	_ =	shalt  }
0x40: {  	_ =	shalt  }
0x41: {  	_ =	shalt  }
0x42: {  	_ =	shalt  }
0x43: {  	_ =	shalt  }
0x44: {  	_ =	shalt  }
0x45: {  	_ =	shalt  }
0x46: {  	_ =	shalt  }
0x47: {  	_ =	shalt  }
0x48: {  	_ =	shalt  }
0x49: {  	_ =	shalt  }
0x4a: {  	_ =	shalt  }
0x4b: {  	_ =	shalt  }
0x4c: {  	_ =	shalt  }
0x4d: {  	_ =	shalt  }
0x4e: {  	_ =	shalt  }
0x4f: {  	_ =	shalt  }
0x50: {  	_ =	shalt  }
0x51: {  	_ =	shalt  }
0x52: {  	_ =	shalt  }
0x53: {  	_ =	shalt  }
0x54: {  	_ =	shalt  }
0x55: {  	_ =	shalt  }
0x56: {  	_ =	shalt  }
0x57: {  	_ =	shalt  }
0x58: {  	_ =	shalt  }
0x59: {  	_ =	shalt  }
0x5a: {  	_ =	shalt  }
0x5b: {  	_ =	shalt  }
0x5c: {  	_ =	shalt  }
0x5d: {  	_ =	shalt  }
0x5e: {  	_ =	shalt  }
0x5f: {  	_ =	shalt  }
0x60: {  	_ =	shalt  }
0x61: {  	_ =	shalt  }
0x62: {  	_ =	shalt  }
0x63: {  	_ =	shalt  }
0x64: {  	_ =	shalt  }
0x65: {  	_ =	shalt  }
0x66: {  	_ =	shalt  }
0x67: {  	_ =	shalt  }
0x68: {  	_ =	shalt  }
0x69: {  	_ =	shalt  }
0x6a: {  	_ =	shalt  }
0x6b: {  	_ =	shalt  }
0x6c: {  	_ =	shalt  }
0x6d: {  	_ =	shalt  }
0x6e: {  	_ =	shalt  }
0x6f: {  	_ =	shalt  }
0x70: {  	_ =	shalt  }
0x71: {  	_ =	shalt  }
0x72: {  	_ =	shalt  }
0x73: {  	_ =	shalt  }
0x74: {  	_ =	shalt  }
0x75: {  	_ =	shalt  }
0x76: {  	_ =	shalt  }
0x77: {  	_ =	shalt  }
0x78: {  	_ =	shalt  }
0x79: {  	_ =	shalt  }
0x7a: {  	_ =	shalt  }
0x7b: {  	_ =	shalt  }
0x7c: {  	_ =	shalt  }
0x7d: {  	_ =	shalt  }
0x7e: {  	_ =	shalt  }
0x7f: {  	_ =	shalt  }
0x80: {  	_ =	shalt  }
0x81: {  	_ =	shalt  }
0x82: {  	_ =	shalt  }
0x83: {  	_ =	shalt  }
0x84: {  	_ =	shalt  }
0x85: {  	_ =	shalt  }
0x86: {  	_ =	shalt  }
0x87: {  	_ =	shalt  }
.Lfunc_end0:
.L_simem_size_0:
called_computation.2_lowered:
.L_overlay_start_0:
0x88: {  	s2 =	sld [smem:$0x3FD9]  }
0x89: {  	s3 =	sld [smem:$0x3FFE];
	_ =	sdelay $0x1  }
0x8a: {  	s1 =	srdreg.scid  }
0x8b: {  	s0 =	sand.u32 $0x1, s1  }
0x8c: {  	s14 =	sshll.u32 s0, $0xA;
	s2 =	sadd.s32 s3, s2  }
0x8d: {  	s2 =	sadd.s32 s2, s14  }
0x8e: {  	[smem:$0x3FBF] =	sst s2  }
0x8f: {  	_ = 	snop  }
0x90: {  	s2 =	sld [smem:$0x3FD0];
	_ =	sdelay $0x2  }
0x91: {  	s15 =	simm.s32 $0xA;
	s4 =	simm.s32 $0x10  }
0x92: {  	[smem:s4], [sflag:s15] =	dma.local [hbm:s2], $0x1  }
0x93: {  	_ =	swait.eq [sflag:s15], $0x1  }
0x94: {  	[sflag:s15] =	ssyncset.done $0x0  }
0x95: {  	[sflag:s15] =	ssyncadd.s32 $0xFFFFFFFF  }
0x96: {  	s16 =	sld [smem:$0x10];
	(tm) =	ssettm $0x1  }
0x97: {  	s17 =	sld [smem:$0x3FFB];
	_ =	sdelay $0x3  }
0x98: {  	_ =	strace s17  }
0x99: {  	s3 =	sld [smem:$0x3FFC];
	_ =	sdelay $0x3  }
0x9a: {  	_ =	strace s3  }
0x9b: {  	s3 =	sld [smem:$0x3FFD];
	_ =	sdelay $0x3  }
0x9c: {  	_ =	strace s3  }
0x9d: {  	_ =	strace $0x8FFFFFFF  }
0x9e: {  	s18 =	sld [smem:$0x3FDB];
	_ =	sdelay $0x1  }
0x9f: {  	s19 =	simm.s32 $_scs_section_size  }
0xa0: {  	s5 =	simm.s32 $_size__tile_overlayer_lowered;
	s6 =	simm.s32 $_tile_overlayer_lowered  }
0xa1: {  	s22 =	simm.s32 $0x1BFF;
	s21 =	sshll.u32 s6, $0x1;
	s3 =	sadd.s32 s19, s18  }
0xa2: {  	s7 =	simm.s32 $0x0;
	s20 =	sshll.u32 s5, $0x1;
	s5 =	sadd.s32 s21, s3  }
0xa3: {  	[timem:s7], [sflag:s22] =	dma.local [hbm:s5], s20  }
0xa4: {  	_ =	swait.ge [sflag:s22], s20  }
0xa5: {  	s4 =	ssub.s32 $0x0, s20;
	[sflag:s22] =	ssyncset.done $0x0  }
0xa6: {  	[sflag:s22] =	ssyncadd.s32 s4;
	_ =	sdelay $0x1  }
0xa7: {  	s23 =	simm.s32 $0x1B8B  }
0xa8: {  	_ =	swait.ge [sflag:s23], $0x1  }
0xa9: {  	[sflag:s23] =	ssyncset.done $0x0  }
0xaa: {  	s25 =	simm.s32 $0x1B8E;
	s24 =	sld [smem:$0x3FFE];
	[sflag:s23] =	ssyncadd.s32 $0xFFFFFFFF  }
0xab: {  	s26 =	simm.s32 $execute0_lowered;
	[smem:$0x3FD2] =	sst s25  }
0xac: {  	s5 =	sshll.u32 s26, $0x1;
	_ =	strace $0x8000004C;
	[dreg:$0x1] =	wrdreg $0xFFFFFFFF  }
0xad: {  	s28 =	simm.s32 $_size_execute0_lowered;
	s3 =	sadd.s32 s3, s5;
	[dreg:$0x0] =	wrdreg $0x0  }
0xae: {  	s5 =	sshll.u32 s28, $0x1;
	[dreg:$0x2] =	wrdreg s3  }
0xaf: {  	[dreg:$0x3] =	wrdreg s5  }
0xb0: {  	[dreg:$0x4] =	wrdreg $0xC0  }
0xb1: {  	_ =	task [dreg:s7], $0x5FFFF  }
0xb2: {  	[dreg:$0x1] =	wrdreg $0xFFFFFFFF  }
0xb3: {  	[dreg:$0x0] =	wrdreg $0x60  }
0xb4: {  	[dreg:$0x2] =	wrdreg s16  }
0xb5: {  	[dreg:$0x3] =	wrdreg s24  }
0xb6: {  	[dreg:$0x4] =	wrdreg $0x13D000  }
0xb7: {  	[dreg:$0x5] =	wrdreg $0x9  }
0xb8: {  	_ =	task.clear_ibuf [dreg:s7], $0x6FFFF;
	_ =	strace $0x9000004C  }
0xb9: {  	s29 =	simm.s32 $0x9;
	_ =	strace $0x8000004E  }
0xba: {  	_ =	swait.ge [sflag:s29], $0x1  }
0xbb: {  	[sflag:s29] =	ssyncadd.s32 $0xFFFFFFFF  }
0xbc: {  	_ =	strace $0x9000004E  }
0xbd: {  	_ =	sfence  }
0xbe: {  	s30 =	sld [smem:$0x0];
	_ =	sdelay $0x2  }
0xbf: {  	s31 =	sshll.u32 s1, $0xD;
	s1 =	sshrl.u32 s1, $0x2  }
0xc0: {  	s3 =	sand.u32 $0x4000, s31;
	s1 =	sadd.s32 s1, s30  }
0xc1: {  	s0 =	sor.u32 s3, s0;
	s1 =	sshll.u32 s1, $0x11  }
0xc2: {  	s0 =	sor.u32 s1, s0  }
0xc3: {  	s0 =	sadd.s32 $0x8F2B, s0  }
0xc4: {  	[sflag:s0] =	ssyncadd.remote.s32 $0x1  }
0xc5: {  	_ =	sfence.sel $0xFFFF  }
0xc6: {  	[dreg:$0x0] =	wrdreg $0xFFFFFFFF;
	(pc) =	sbr.abs _section_cstart, $3  }
0xc7: {  	[dreg:$0x1] =	wrdreg $0xFFFFFFFF  }
0xc8: {  	_ =	task.clear_ibuf [dreg:s7], $0x2FFFF;
	_ =	strace $0x9FFFFFFF  }
0xc9: {  	(tm) =	ssettm $0x7FFFFFFF  }
tec
execute0_lowered:
.L_overlay_start_1:
0x0: {  	(tag) =	ssettag $0x1  }
0x1: {  	s0 =	rddreg [dreg:$0x0]  }
0x2: {  	s1 =	rddreg [dreg:$0x1]  }
0x3: {  	s2 =	rddreg [dreg:$0x2];
	s9 =	stileid.u32  }
0x4: {  	s4 =	srdreg.scid;
	s3 =	simm.s32 $0x0;
	s14 =	simm.s32 $0x5  }
0x5: {  	s15 =	simm.s32 $0x5000;
	s16 =	simm.s32 $0x11D00;
	s17 =	simm.s32 $0x7D  }
0x6: {  	s18 =	simm.s32 $0xA000;
	s20 =	simm.s32 $0xBF40;
	s22 =	simm.s32 $0xDE80  }
0x7: {  	s24 =	simm.s32 $0xFDC0;
	s28 =	simm.s32 $0x3;
	s6 =	smul.u32 $0xA000, s9  }
0x8: {  	s31 =	simm.s32 $0x2;
	s19 =	simm.s32 $0x4;
	s5 =	smul.u32 $0xA00, s9  }
0x9: {  	s29 =	simm.s32 $0x9E80;
	s8 =	sand.u32 $0x1, s4;
	s9 =	smul.u32 $0x28000, s9  }
0xa: {  	s30 =	simm.s32 $0x9F00;
	[smem:$0x7FF] =	sst s3;
	s4 =	smul.u32 $0xA0000, s8  }
0xb: {  	_ =	strace $0x8000004D;
	s7 =	ssub.s32 $0x2, s8;
	s11 =	smul.u32 $0x13880, s8  }
0xc: {  	s5 =	sadd.s32 s5, s1;
	s10 =	sshrl.u32 s7, $0x1;
	s25 =	sshrl.u32 s9, $0x2  }
0xd: {  	s4 =	sadd.s32 s6, s4;
	s13 =	ssub.s32 s7, s10;
	s26 =	sadd.s32 s25, s2  }
0xe: {  	s6 =	sadd.s32 s6, s2;
	s11 =	sadd.s32 s0, s11;
	s25 =	simm.s32 $0x1  }
0xf: {  	s0 =	simm.s32 $0x9F80;
	s4 =	sshrl.u32 s4, $0x3;
	s7 =	sadd.s32 $0x2000, s26  }
0x10: {  	s8 =	sadd.s32 $0x4000, s26;
	s9 =	sadd.s32 $0x6000, s26;
	s10 =	sadd.s32 $0x8000, s26  }
0x11: {  	s13 =	smax.u32 s13, $0x1;
	s1 =	sadd.s32 s4, s1;
	s4 =	sadd.s32 $0xF600, s5  }
0x12: {  	v0 =	vimm.f32 $0.0e+00;
	s5 =	sadd.s32 $0x5600, s5;
	s12 =	sadd.s32 $0x8EA00, s1;
	s1 =	simm.s32 $0x0  }
.LBB2_1:
0x13: {  	[tilespmem:s3], [sflag:$0x5] =	stream.linear.gather [hbm4b:s4+s3], $0x5000, $0x38;
	[tilespmem:$0x1DD00] =	vst v63  }
0x14: {  	_ =	swait.ge [sflag:s14], $0x5000  }
0x15: {  	[sflag:s14] =	ssyncset.done $0x0  }
0x16: {  	[sflag:s14] =	ssyncadd.s32 $0xFFFFB000  }
0x17: {  	[tilespmem:s15], [sflag:$0x5] =	stream.linear.gather [hbm4b:s5+s3], $0x5000, $0x38;
	[tilespmem:$0x1DD00] =	vst v63  }
0x18: {  	_ =	swait.ge [sflag:s14], $0x5000  }
0x19: {  	[sflag:s14] =	ssyncset.done $0x0  }
0x1a: {  	s23 =	simm.s32 $0x100;
	s21 =	simm.s32 $0x0;
	[sflag:s14] =	ssyncadd.s32 $0xFFFFB000  }
.LBB2_2:
0x1b: {  	p0 =	sne.s32 s23, $0x7F00;
	[tilespmem:s21+$0x11D30] =	vst v0;
	s26 =	smov.u32 s23;
	s23 =	sadd.s32 $0x100, s23  }
.Ltmp0:
0x1c: {  	[tilespmem:s21+$0x11D20] =	vst v0;
	(pc) =	sbr.rel @p0 .LBB2_2-.Ltmp0, $3  }
0x1d: {  	[tilespmem:s21+$0x11D00] =	vst v0  }
0x1e: {  	[tilespmem:s21+$0x11D10] =	vst v0;
	_ =	sdelay $0x1  }
0x1f: {  	s21 =	sshra.s32 s26, $0x2  }
0x20: {  	[tilespmem:s21+$0x11D30] =	vst v0  }
0x21: {  	[tilespmem:s21+$0x11D20] =	vst v0  }
0x22: {  	[tilespmem:s21+$0x11D00] =	vst v0  }
0x23: {  	[tilespmem:s21+$0x11D10] =	vst v0  }
0x24: {  	[spmem:s6] =	stream.linear.scatter [tilespmem:s16], [sflag:$0x5], $0x2000, $0x38;
	[tilespmem:$0x1DD00] =	vst v63  }
0x25: {  	_ =	swait.ge [sflag:s14], $0x2000  }
0x26: {  	[sflag:s14] =	ssyncset.done $0x0  }
0x27: {  	[sflag:s14] =	ssyncadd.s32 $0xFFFFE000  }
0x28: {  	[spmem:s7] =	stream.linear.scatter [tilespmem:s16], [sflag:$0x5], $0x2000, $0x38;
	[tilespmem:$0x1DD00] =	vst v63  }
0x29: {  	_ =	swait.ge [sflag:s14], $0x2000  }
0x2a: {  	[sflag:s14] =	ssyncset.done $0x0  }
0x2b: {  	[sflag:s14] =	ssyncadd.s32 $0xFFFFE000  }
0x2c: {  	[spmem:s8] =	stream.linear.scatter [tilespmem:s16], [sflag:$0x5], $0x2000, $0x38;
	[tilespmem:$0x1DD00] =	vst v63  }
0x2d: {  	_ =	swait.ge [sflag:s14], $0x2000  }
0x2e: {  	[sflag:s14] =	ssyncset.done $0x0  }
0x2f: {  	[sflag:s14] =	ssyncadd.s32 $0xFFFFE000  }
0x30: {  	[spmem:s9] =	stream.linear.scatter [tilespmem:s16], [sflag:$0x5], $0x2000, $0x38;
	[tilespmem:$0x1DD00] =	vst v63  }
0x31: {  	_ =	swait.ge [sflag:s14], $0x2000  }
0x32: {  	[sflag:s14] =	ssyncset.done $0x0  }
0x33: {  	[sflag:s14] =	ssyncadd.s32 $0xFFFFE000  }
0x34: {  	[spmem:s10] =	stream.linear.scatter [tilespmem:s16], [sflag:$0x5], $0x2000, $0x38;
	[tilespmem:$0x1DD00] =	vst v63  }
0x35: {  	_ =	swait.ge [sflag:s14], $0x2000  }
0x36: {  	[sflag:s14] =	ssyncset.done $0x0  }
0x37: {  	[sflag:s14] =	ssyncadd.s32 $0xFFFFE000  }
0x38: {  	s23 =	simm.s32 $0x0;
	[bflag:$0x0] =	sbarrier.arrive $0xFFFF  }
0x39: {  	[tilespmem:s18], [sflag:$0x1] =	stream.indirect.gather [hbm4b:s11+s17], $0x40, s23, s17, $0xb8;
	[tilespmem:$0x1DD00] =	vst v63  }
0x3a: {  	s26 =	simm.s32 $0x80  }
0x3b: {  	[tilespmem:s20], [sflag:$0x1] =	stream.indirect.gather [hbm4b:s11+s17], $0x40, s26, s17, $0xb8;
	[tilespmem:$0x1DD00] =	vst v63  }
0x3c: {  	s23 =	simm.s32 $0x100  }
0x3d: {  	[tilespmem:s22], [sflag:$0x2] =	stream.indirect.gather [hbm4b:s11+s17], $0x40, s23, s17, $0xb8;
	[tilespmem:$0x1DD00] =	vst v63  }
0x3e: {  	s26 =	simm.s32 $0x180  }
0x3f: {  	[tilespmem:s24], [sflag:$0x2] =	stream.indirect.gather [hbm4b:s11+s17], $0x40, s26, s17, $0xb8;
	[tilespmem:$0x1DD00] =	vst v63  }
0x40: {  	_ =	swait.ge [sflag:s25], $0x1F40  }
0x41: {  	[sflag:s25] =	ssyncset.done $0x0  }
0x42: {  	[sflag:s25] =	ssyncadd.s32 $0xFFFFE0C0  }
0x43: {  	_ =	swait.ge [sflag:s25], $0x1F40  }
0x44: {  	[sflag:s25] =	ssyncset.done $0x0  }
0x45: {  	[sflag:s25] =	ssyncadd.s32 $0xFFFFE0C0  }
0x46: {  	[spmem:s2] =	stream.indirect.scatter.add.f32 [tilespmem:s18], [sflag:$0x3], $0x40, s15, s17, $0xb8;
	[tilespmem:$0x1DD00] =	vst v63  }
0x47: {  	s23 =	simm.s32 $0x5080  }
0x48: {  	[spmem:s2] =	stream.indirect.scatter.add.f32 [tilespmem:s20], [sflag:$0x3], $0x40, s23, s17, $0xb8;
	[tilespmem:$0x1DD00] =	vst v63  }
0x49: {  	_ =	swait.ge [sflag:s28], $0x1F40  }
0x4a: {  	[sflag:s28] =	ssyncset.done $0x0  }
0x4b: {  	[sflag:s28] =	ssyncadd.s32 $0xFFFFE0C0  }
0x4c: {  	_ =	swait.ge [sflag:s28], $0x1F40  }
0x4d: {  	[sflag:s28] =	ssyncset.done $0x0  }
0x4e: {  	s26 =	simm.s32 $0x200;
	[sflag:s28] =	ssyncadd.s32 $0xFFFFE0C0  }
0x4f: {  	[tilespmem:s18], [sflag:$0x1] =	stream.indirect.gather [hbm4b:s11+s17], $0x40, s26, s17, $0xb8;
	[tilespmem:$0x1DD00] =	vst v63  }
0x50: {  	s23 =	simm.s32 $0x280  }
0x51: {  	[tilespmem:s20], [sflag:$0x1] =	stream.indirect.gather [hbm4b:s11+s17], $0x40, s23, s17, $0xb8;
	[tilespmem:$0x1DD00] =	vst v63  }
0x52: {  	_ =	swait.ge [sflag:s31], $0x1F40  }
0x53: {  	[sflag:s31] =	ssyncset.done $0x0  }
0x54: {  	[sflag:s31] =	ssyncadd.s32 $0xFFFFE0C0  }
0x55: {  	_ =	swait.ge [sflag:s31], $0x1F40  }
0x56: {  	[sflag:s31] =	ssyncset.done $0x0  }
0x57: {  	s26 =	simm.s32 $0x5100;
	[sflag:s31] =	ssyncadd.s32 $0xFFFFE0C0  }
0x58: {  	[spmem:s2] =	stream.indirect.scatter.add.f32 [tilespmem:s22], [sflag:$0x4], $0x40, s26, s17, $0xb8;
	[tilespmem:$0x1DD00] =	vst v63  }
0x59: {  	s23 =	simm.s32 $0x5180  }
0x5a: {  	[spmem:s2] =	stream.indirect.scatter.add.f32 [tilespmem:s24], [sflag:$0x4], $0x40, s23, s17, $0xb8;
	[tilespmem:$0x1DD00] =	vst v63  }
0x5b: {  	_ =	swait.ge [sflag:s19], $0x1F40  }
0x5c: {  	[sflag:s19] =	ssyncset.done $0x0  }
0x5d: {  	[sflag:s19] =	ssyncadd.s32 $0xFFFFE0C0  }
0x5e: {  	_ =	swait.ge [sflag:s19], $0x1F40  }
0x5f: {  	[sflag:s19] =	ssyncset.done $0x0  }
0x60: {  	s26 =	simm.s32 $0x300;
	[sflag:s19] =	ssyncadd.s32 $0xFFFFE0C0  }
0x61: {  	[tilespmem:s22], [sflag:$0x2] =	stream.indirect.gather [hbm4b:s11+s17], $0x40, s26, s17, $0xb8;
	[tilespmem:$0x1DD00] =	vst v63  }
0x62: {  	s23 =	simm.s32 $0x380  }
0x63: {  	[tilespmem:s24], [sflag:$0x2] =	stream.indirect.gather [hbm4b:s11+s17], $0x40, s23, s17, $0xb8;
	[tilespmem:$0x1DD00] =	vst v63  }
0x64: {  	_ =	swait.ge [sflag:s25], $0x1F40  }
0x65: {  	[sflag:s25] =	ssyncset.done $0x0  }
0x66: {  	[sflag:s25] =	ssyncadd.s32 $0xFFFFE0C0  }
0x67: {  	_ =	swait.ge [sflag:s25], $0x1F40  }
0x68: {  	[sflag:s25] =	ssyncset.done $0x0  }
0x69: {  	s26 =	simm.s32 $0x5200;
	[sflag:s25] =	ssyncadd.s32 $0xFFFFE0C0  }
0x6a: {  	[spmem:s2] =	stream.indirect.scatter.add.f32 [tilespmem:s18], [sflag:$0x3], $0x40, s26, s17, $0xb8;
	[tilespmem:$0x1DD00] =	vst v63  }
0x6b: {  	s23 =	simm.s32 $0x5280  }
0x6c: {  	[spmem:s2] =	stream.indirect.scatter.add.f32 [tilespmem:s20], [sflag:$0x3], $0x40, s23, s17, $0xb8;
	[tilespmem:$0x1DD00] =	vst v63  }
0x6d: {  	_ =	swait.ge [sflag:s28], $0x1F40  }
0x6e: {  	[sflag:s28] =	ssyncset.done $0x0  }
0x6f: {  	[sflag:s28] =	ssyncadd.s32 $0xFFFFE0C0  }
0x70: {  	_ =	swait.ge [sflag:s28], $0x1F40  }
0x71: {  	[sflag:s28] =	ssyncset.done $0x0  }
0x72: {  	s26 =	simm.s32 $0x400;
	[sflag:s28] =	ssyncadd.s32 $0xFFFFE0C0  }
0x73: {  	[tilespmem:s18], [sflag:$0x1] =	stream.indirect.gather [hbm4b:s11+s17], $0x40, s26, s17, $0xb8;
	[tilespmem:$0x1DD00] =	vst v63  }
0x74: {  	s23 =	simm.s32 $0x480  }
0x75: {  	[tilespmem:s20], [sflag:$0x1] =	stream.indirect.gather [hbm4b:s11+s17], $0x40, s23, s17, $0xb8;
	[tilespmem:$0x1DD00] =	vst v63  }
0x76: {  	_ =	swait.ge [sflag:s31], $0x1F40  }
0x77: {  	[sflag:s31] =	ssyncset.done $0x0  }
0x78: {  	[sflag:s31] =	ssyncadd.s32 $0xFFFFE0C0  }
0x79: {  	_ =	swait.ge [sflag:s31], $0x1F40  }
0x7a: {  	s21 =	simm.s32 $0x800;
	[sflag:s31] =	ssyncset.done $0x0  }
0x7b: {  	s26 =	simm.s32 $0x5300;
	s23 =	simm.s32 $0x5380;
	[sflag:s31] =	ssyncadd.s32 $0xFFFFE0C0  }
0x7c: {  	[spmem:s2] =	stream.indirect.scatter.add.f32 [tilespmem:s22], [sflag:$0x4], $0x40, s26, s17, $0xb8;
	[tilespmem:$0x1DD00] =	vst v63  }
.LBB2_4:
0x7d: {  	[spmem:s2] =	stream.indirect.scatter.add.f32 [tilespmem:s24], [sflag:$0x4], $0x40, s23, s17, $0xb8;
	[tilespmem:$0x1DD00] =	vst v63  }
0x7e: {  	s23 =	smov.u32 s21  }
0x7f: {  	p0 =	sne.s32 s21, $0x12800;
	s21 =	sadd.s32 $0x800, s21;
	_ =	swait.ge [sflag:s19], $0x1F40  }
0x80: {  	[sflag:s19] =	ssyncset.done $0x0  }
0x81: {  	[sflag:s19] =	ssyncadd.s32 $0xFFFFE0C0  }
0x82: {  	_ =	swait.ge [sflag:s19], $0x1F40  }
0x83: {  	s23 =	sshra.s32 s23, $0x2;
	[sflag:s19] =	ssyncset.done $0x0  }
0x84: {  	s26 =	sadd.s32 $0x300, s23;
	[sflag:s19] =	ssyncadd.s32 $0xFFFFE0C0  }
0x85: {  	[tilespmem:s22], [sflag:$0x2] =	stream.indirect.gather [hbm4b:s11+s17], $0x40, s26, s17, $0xb8;
	[tilespmem:$0x1DD00] =	vst v63  }
0x86: {  	s26 =	sadd.s32 $0x380, s23  }
0x87: {  	[tilespmem:s24], [sflag:$0x2] =	stream.indirect.gather [hbm4b:s11+s17], $0x40, s26, s17, $0xb8;
	[tilespmem:$0x1DD00] =	vst v63  }
0x88: {  	_ =	swait.ge [sflag:s25], $0x1F40  }
0x89: {  	[sflag:s25] =	ssyncset.done $0x0  }
0x8a: {  	[sflag:s25] =	ssyncadd.s32 $0xFFFFE0C0  }
0x8b: {  	_ =	swait.ge [sflag:s25], $0x1F40  }
0x8c: {  	[sflag:s25] =	ssyncset.done $0x0  }
0x8d: {  	s26 =	sadd.s32 $0x5200, s23;
	[sflag:s25] =	ssyncadd.s32 $0xFFFFE0C0  }
0x8e: {  	[spmem:s2] =	stream.indirect.scatter.add.f32 [tilespmem:s18], [sflag:$0x3], $0x40, s26, s17, $0xb8;
	[tilespmem:$0x1DD00] =	vst v63  }
0x8f: {  	s26 =	sadd.s32 $0x5280, s23  }
0x90: {  	[spmem:s2] =	stream.indirect.scatter.add.f32 [tilespmem:s20], [sflag:$0x3], $0x40, s26, s17, $0xb8;
	[tilespmem:$0x1DD00] =	vst v63  }
0x91: {  	_ =	swait.ge [sflag:s28], $0x1F40  }
0x92: {  	[sflag:s28] =	ssyncset.done $0x0  }
0x93: {  	[sflag:s28] =	ssyncadd.s32 $0xFFFFE0C0  }
0x94: {  	_ =	swait.ge [sflag:s28], $0x1F40  }
0x95: {  	[sflag:s28] =	ssyncset.done $0x0  }
0x96: {  	s26 =	sadd.s32 $0x400, s23;
	[sflag:s28] =	ssyncadd.s32 $0xFFFFE0C0  }
0x97: {  	[tilespmem:s18], [sflag:$0x1] =	stream.indirect.gather [hbm4b:s11+s17], $0x40, s26, s17, $0xb8;
	[tilespmem:$0x1DD00] =	vst v63  }
0x98: {  	s26 =	sadd.s32 $0x480, s23  }
0x99: {  	[tilespmem:s20], [sflag:$0x1] =	stream.indirect.gather [hbm4b:s11+s17], $0x40, s26, s17, $0xb8;
	[tilespmem:$0x1DD00] =	vst v63  }
0x9a: {  	_ =	swait.ge [sflag:s31], $0x1F40  }
0x9b: {  	[sflag:s31] =	ssyncset.done $0x0  }
0x9c: {  	[sflag:s31] =	ssyncadd.s32 $0xFFFFE0C0  }
.Ltmp1:
0x9d: {  	_ =	swait.ge [sflag:s31], $0x1F40;
	(pc) =	sbr.rel @p0 .LBB2_4-.Ltmp1, $4  }
0x9e: {  	[sflag:s31] =	ssyncset.done $0x0  }
0x9f: {  	s26 =	sadd.s32 $0x5300, s23;
	[sflag:s31] =	ssyncadd.s32 $0xFFFFE0C0  }
0xa0: {  	[spmem:s2] =	stream.indirect.scatter.add.f32 [tilespmem:s22], [sflag:$0x4], $0x40, s26, s17, $0xb8;
	[tilespmem:$0x1DD00] =	vst v63  }
0xa1: {  	s23 =	sadd.s32 $0x5380, s23  }
0xa2: {  	[spmem:s2] =	stream.indirect.scatter.add.f32 [tilespmem:s24], [sflag:$0x4], $0x40, s23, s17, $0xb8;
	[tilespmem:$0x1DD00] =	vst v63  }
0xa3: {  	_ =	swait.ge [sflag:s19], $0x1F40  }
0xa4: {  	[sflag:s19] =	ssyncset.done $0x0  }
0xa5: {  	[sflag:s19] =	ssyncadd.s32 $0xFFFFE0C0  }
0xa6: {  	_ =	swait.ge [sflag:s19], $0x1F40  }
0xa7: {  	[sflag:s19] =	ssyncset.done $0x0  }
0xa8: {  	s21 =	simm.s32 $0x4F00;
	[sflag:s19] =	ssyncadd.s32 $0xFFFFE0C0  }
0xa9: {  	[tilespmem:s22], [sflag:$0x2] =	stream.indirect.gather [hbm4b:s11+s17], $0x40, s21, s17, $0xb8;
	[tilespmem:$0x1DD00] =	vst v63  }
0xaa: {  	s23 =	simm.s32 $0x4F80  }
0xab: {  	[tilespmem:s24], [sflag:$0x2] =	stream.indirect.gather [hbm4b:s11+s17], $0x40, s23, s17, $0xb8;
	[tilespmem:$0x1DD00] =	vst v63  }
0xac: {  	_ =	swait.ge [sflag:s25], $0x1F40  }
0xad: {  	[sflag:s25] =	ssyncset.done $0x0  }
0xae: {  	[sflag:s25] =	ssyncadd.s32 $0xFFFFE0C0  }
0xaf: {  	_ =	swait.ge [sflag:s25], $0x1F40  }
0xb0: {  	[sflag:s25] =	ssyncset.done $0x0  }
0xb1: {  	s26 =	simm.s32 $0x9E00;
	[sflag:s25] =	ssyncadd.s32 $0xFFFFE0C0  }
0xb2: {  	[spmem:s2] =	stream.indirect.scatter.add.f32 [tilespmem:s18], [sflag:$0x3], $0x40, s26, s17, $0xb8;
	[tilespmem:$0x1DD00] =	vst v63  }
0xb3: {  	_ = 	snop  }
0xb4: {  	[spmem:s2] =	stream.indirect.scatter.add.f32 [tilespmem:s20], [sflag:$0x3], $0x40, s29, s17, $0xb8;
	[tilespmem:$0x1DD00] =	vst v63  }
0xb5: {  	_ =	swait.ge [sflag:s28], $0x1F40  }
0xb6: {  	[sflag:s28] =	ssyncset.done $0x0  }
0xb7: {  	[sflag:s28] =	ssyncadd.s32 $0xFFFFE0C0  }
0xb8: {  	_ =	swait.ge [sflag:s28], $0x1F40  }
0xb9: {  	[sflag:s28] =	ssyncset.done $0x0  }
0xba: {  	[sflag:s28] =	ssyncadd.s32 $0xFFFFE0C0  }
0xbb: {  	_ =	swait.ge [sflag:s31], $0x1F40  }
0xbc: {  	[sflag:s31] =	ssyncset.done $0x0  }
0xbd: {  	[sflag:s31] =	ssyncadd.s32 $0xFFFFE0C0  }
0xbe: {  	_ =	swait.ge [sflag:s31], $0x1F40  }
0xbf: {  	[sflag:s31] =	ssyncset.done $0x0  }
0xc0: {  	[sflag:s31] =	ssyncadd.s32 $0xFFFFE0C0  }
0xc1: {  	[spmem:s2] =	stream.indirect.scatter.add.f32 [tilespmem:s22], [sflag:$0x4], $0x40, s30, s17, $0xb8;
	[tilespmem:$0x1DD00] =	vst v63  }
0xc2: {  	_ = 	snop  }
0xc3: {  	[spmem:s2] =	stream.indirect.scatter.add.f32 [tilespmem:s24], [sflag:$0x4], $0x40, s0, s17, $0xb8;
	[tilespmem:$0x1DD00] =	vst v63  }
0xc4: {  	_ =	swait.ge [sflag:s19], $0x1F40  }
0xc5: {  	[sflag:s19] =	ssyncset.done $0x0  }
0xc6: {  	[sflag:s19] =	ssyncadd.s32 $0xFFFFE0C0  }
0xc7: {  	s23 =	stileid.u32;
	_ =	swait.ge [sflag:s19], $0x1F40  }
0xc8: {  	s1 =	sadd.s32 $0x1, s1;
	s21 =	sshll.u32 s23, $0x6;
	[sflag:s19] =	ssyncset.done $0x0  }
0xc9: {  	p0 =	sne.s32 s1, s13;
	s21 =	sor.u32 $0x1C05, s21;
	[sflag:s19] =	ssyncadd.s32 $0xFFFFE0C0  }
.Ltmp2:
0xca: {  	s26 =	sshrl.u32 s6, $0x3;
	[bflag:$0x0] =	sbarrier.arrive $0xFFFF;
	(pc) =	sbr.rel @p0 .LBB2_1-.Ltmp2, $4  }
0xcb: {  	[hbm:s12], [sflag:s21] =	dma.local [spmem:s26], $0x1400  }
0xcc: {  	_ =	swait.ge [sflag:s14], $0x1400  }
0xcd: {  	[sflag:s14] =	ssyncset.done $0x0  }
0xce: {  	[sflag:s14] =	ssyncadd.s32 $0xFFFFEC00  }
0xcf: {  	_ =	sfence.sel $0x180000  }
0xd0: {  	[bflag:$0x0] =	sbarrier.arrive $0xFFFF  }
0xd1: {  	_ =	strace $0x9000004D  }
0xd2: {  	s0 =	stileid.u32;
	[bflag:$0x2] =	sbarrier.arrive $0xFFFF  }
0xd3: {  	p0 =	sne.s32 s0, $0x0;
	s0 =	rddreg [dreg:$0x3]  }
0xd4: {  	s0 =	sadd.s32 @!p0 $0x100000, s0  }
0xd5: {  	[sflag:s0] =	ssyncadd.tile.s32 @!p0 $0x1;
	_ =	shalt  }
.Lfunc_end2:
_tile_overlayer_lowered:
.L_overlay_start_2:
0xd6: {  	(tag) =	ssettag $0x2  }
0xd7: {  	s0 =	rddreg [dreg:$0x0];
	s2 =	stileid.u32  }
0xd8: {  	s1 =	rddreg [dreg:$0x1];
	p0 =	sne.s32 s2, $0x0  }
0xd9: {  	s3 =	rddreg [dreg:$0x2];
	[bflag:$0x3] =	sbarrier.arrive $0xFFFF;
	s2 =	simm.s32 @!p0 $0x1C05  }
0xda: {  	[timem:s3], [sflag:s2] =	dma.local @!p0 [hbm:s0], s1  }
0xdb: {  	s0 =	simm.s32 @!p0 $0x5  }
0xdc: {  	_ =	swait.ge @!p0 [sflag:s0], s1  }
0xdd: {  	s1 =	ssub.s32 @!p0 $0x0, s1;
	[sflag:s0] =	ssyncset.done @!p0 $0x0  }
0xde: {  	[sflag:s0] =	ssyncadd.s32 @!p0 s1  }
0xdf: {  	[bflag:$0x3] =	sbarrier.arrive $0xFFFF  }
0xe0: {  	_ =	shalt  }

// kernel: kernel.22.cloned.1.call-start
scs
__scs_entry_jumppad:
0x0: {  	(pc) =	sbr.rel $0x88, $3  }
0x1: {  	(tag) =	ssettag $0x0;
	lr =	simm.s32 $0x1  }
0x2: {  	[smem:$0x3F98] =	sst lr;
	_ =	strace $0xD0000000  }
0x3: {  	_ = 	snop  }
0x4: {  	_ = 	snop  }
0x5: {  	_ = 	snop  }
0x6: {  	_ = 	snop  }
0x7: {  	_ = 	snop  }
__scs_overlays_trampoline_lowered:
0x8: {  	[smem:$0x3FA7] =	sst s0  }
0x9: {  	[smem:$0x3FA8] =	sst s1  }
0xa: {  	[smem:$0x3FA9] =	sst s2  }
0xb: {  	[smem:$0x3FAA] =	sst s3  }
0xc: {  	[smem:$0x3FAB] =	sst s4  }
0xd: {  	[smem:$0x3FAC] =	sst s5  }
0xe: {  	[smem:$0x3FAD] =	sst s6  }
0xf: {  	[smem:$0x3FAE] =	sst s7  }
0x10: {  	[smem:$0x3FAF] =	sst s8  }
0x11: {  	[smem:$0x3FB0] =	sst s9;
	s0 =	simm.s32 @!p0 $0x0  }
0x12: {  	s1 =	sld [smem:$0x3F96];
	s0 =	simm.s32 @p0 $0x1  }
0x13: {  	[smem:$0x3FB1] =	sst s0;
	s0 =	simm.s32 @!p1 $0x0  }
0x14: {  	s2 =	sld [smem:$0x3F95];
	s0 =	simm.s32 @p1 $0x1  }
0x15: {  	[smem:$0x3FB2] =	sst s0;
	s0 =	simm.s32 @!p2 $0x0  }
0x16: {  	s3 =	sld [smem:$0x3FDB];
	s0 =	simm.s32 @p2 $0x1  }
0x17: {  	s4 =	simm.s32 $0x1BF5;
	[smem:$0x3FB4] =	sst s0  }
0x18: {  	s0 =	sld [smem:$0x3F97];
	_ =	swait.ge [sflag:s4], $0x0  }
0x19: {  	s7 =	sld [smem:$0x3F98]  }
0x1a: {  	s8 =	sadd.s32 $0xFFFFE003, lr  }
0x1b: {  	s9 =	sadd.s32 $0xFFFFFEF7, lr;
	s5 =	simm.s32 $0xFFFFFFFF;
	p2 =	slt.u32 s8, $0xFFFFF086  }
0x1c: {  	p1 =	slt.u32 s9, $0xF7A;
	s5 =	simm.s32 @!p2 $0x0  }
0x1d: {  	s5 =	simm.s32 @p1 $0x1;
	p0 =	seq.s32 s7, s2  }
0x1e: {  	s7 =	smul.u32 @!p0 $0xF7A, s2;
	p2 =	seq.s32 @!p0 s5, $0x0  }
0x1f: {  	s9 =	smul.u32 $0xF7A, s1;
	s8 =	simm.s32 @!p0 $0x1BF5;
	p2 =	por !p2, p0  }
0x20: {  	[sflag:s8] =	ssyncset.s32 @!p0 $0xFFFFF086;
	s6 =	sadd.s32 @!p0 s3, s7;
	s7 =	simm.s32 @!p0 $0x108  }
0x21: {  	s3 =	sadd.s32 s3, s9;
	s6 =	sadd.s32 @!p0 $0x88, s6;
	s7 =	simm.s32 @p2 $0x1082  }
0x22: {  	[simem:s7], [sflag:s8] =	dma.local @!p0 [hbm:s6], $0xF7A  }
0x23: {  	s9 =	sor.u32 $0xD0000000, s2;
	s6 =	simm.s32 $0x108;
	_ =	swait.ge @!p0 [sflag:s8], $0x0  }
0x24: {  	s3 =	sadd.s32 $0x88, s3;
	s6 =	simm.s32 @!p1 $0x1082;
	[sflag:s4] =	ssyncset.s32 $0xFFFFF086  }
0x25: {  	[simem:s6], [sflag:s4] =	dma.local [hbm:s3], $0xF7A  }
0x26: {  	[smem:$0x3F98] =	sst s1;
	(tag) =	ssettag s2;
	_ =	strace s9  }
0x27: {  	s1 =	sld [smem:$0x3FA8]  }
0x28: {  	s2 =	sld [smem:$0x3FA9]  }
0x29: {  	s4 =	sld [smem:$0x3FAB]  }
0x2a: {  	p0 =	seq.s32 s5, $0x0;
	s5 =	sld [smem:$0x3FAC]  }
0x2b: {  	s6 =	sld [smem:$0x3FAD]  }
0x2c: {  	s7 =	sld [smem:$0x3FAE]  }
0x2d: {  	s3 =	simm.s32 $0x108;
	s8 =	sld [smem:$0x3FAF]  }
0x2e: {  	s3 =	simm.s32 @!p0 $0x1082;
	s9 =	sld [smem:$0x3FB0]  }
0x2f: {  	lr =	sadd.s32 s0, s3;
	s0 =	sld [smem:$0x3FA7]  }
0x30: {  	s3 =	sld [smem:$0x3FAA]  }
0x31: {  	[smem:$0x3FB3] =	sst s10  }
0x32: {  	s10 =	sld [smem:$0x3FB1];
	_ =	sdelay $0x3  }
0x33: {  	p0 =	seq.s32 s10, $0x1;
	s10 =	sld [smem:$0x3FB3];
	_ =	sdelay $0x3  }
0x34: {  	[smem:$0x3FB3] =	sst s10  }
0x35: {  	s10 =	sld [smem:$0x3FB2];
	_ =	sdelay $0x3  }
0x36: {  	p1 =	seq.s32 s10, $0x1;
	s10 =	sld [smem:$0x3FB3];
	_ =	sdelay $0x3  }
0x37: {  	[smem:$0x3FB3] =	sst s10  }
0x38: {  	s10 =	sld [smem:$0x3FB4]  }
0x39: {  	_ = 	snop;
	(pc) =	sbr.ind lr, $3  }
0x3a: {  	_ = 	snop  }
0x3b: {  	_ = 	snop  }
0x3c: {  	p2 =	seq.s32 s10, $0x1;
	s10 =	sld [smem:$0x3FB3]  }
0x3d: {  	_ =	shalt  }
0x3e: {  	_ =	shalt  }
0x3f: {  	_ =	shalt  }
0x40: {  	_ =	shalt  }
0x41: {  	_ =	shalt  }
0x42: {  	_ =	shalt  }
0x43: {  	_ =	shalt  }
0x44: {  	_ =	shalt  }
0x45: {  	_ =	shalt  }
0x46: {  	_ =	shalt  }
0x47: {  	_ =	shalt  }
0x48: {  	_ =	shalt  }
0x49: {  	_ =	shalt  }
0x4a: {  	_ =	shalt  }
0x4b: {  	_ =	shalt  }
0x4c: {  	_ =	shalt  }
0x4d: {  	_ =	shalt  }
0x4e: {  	_ =	shalt  }
0x4f: {  	_ =	shalt  }
0x50: {  	_ =	shalt  }
0x51: {  	_ =	shalt  }
0x52: {  	_ =	shalt  }
0x53: {  	_ =	shalt  }
0x54: {  	_ =	shalt  }
0x55: {  	_ =	shalt  }
0x56: {  	_ =	shalt  }
0x57: {  	_ =	shalt  }
0x58: {  	_ =	shalt  }
0x59: {  	_ =	shalt  }
0x5a: {  	_ =	shalt  }
0x5b: {  	_ =	shalt  }
0x5c: {  	_ =	shalt  }
0x5d: {  	_ =	shalt  }
0x5e: {  	_ =	shalt  }
0x5f: {  	_ =	shalt  }
0x60: {  	_ =	shalt  }
0x61: {  	_ =	shalt  }
0x62: {  	_ =	shalt  }
0x63: {  	_ =	shalt  }
0x64: {  	_ =	shalt  }
0x65: {  	_ =	shalt  }
0x66: {  	_ =	shalt  }
0x67: {  	_ =	shalt  }
0x68: {  	_ =	shalt  }
0x69: {  	_ =	shalt  }
0x6a: {  	_ =	shalt  }
0x6b: {  	_ =	shalt  }
0x6c: {  	_ =	shalt  }
0x6d: {  	_ =	shalt  }
0x6e: {  	_ =	shalt  }
0x6f: {  	_ =	shalt  }
0x70: {  	_ =	shalt  }
0x71: {  	_ =	shalt  }
0x72: {  	_ =	shalt  }
0x73: {  	_ =	shalt  }
0x74: {  	_ =	shalt  }
0x75: {  	_ =	shalt  }
0x76: {  	_ =	shalt  }
0x77: {  	_ =	shalt  }
0x78: {  	_ =	shalt  }
0x79: {  	_ =	shalt  }
0x7a: {  	_ =	shalt  }
0x7b: {  	_ =	shalt  }
0x7c: {  	_ =	shalt  }
0x7d: {  	_ =	shalt  }
0x7e: {  	_ =	shalt  }
0x7f: {  	_ =	shalt  }
0x80: {  	_ =	shalt  }
0x81: {  	_ =	shalt  }
0x82: {  	_ =	shalt  }
0x83: {  	_ =	shalt  }
0x84: {  	_ =	shalt  }
0x85: {  	_ =	shalt  }
0x86: {  	_ =	shalt  }
0x87: {  	_ =	shalt  }
.Lfunc_end0:
.L_simem_size_0:
called_computation.3_lowered:
.L_overlay_start_0:
0x88: {  	s2 =	sld [smem:$0x3FD9]  }
0x89: {  	s3 =	sld [smem:$0x3FFE];
	_ =	sdelay $0x1  }
0x8a: {  	s1 =	srdreg.scid  }
0x8b: {  	s0 =	sand.u32 $0x1, s1  }
0x8c: {  	s14 =	sshll.u32 s0, $0xA;
	s2 =	sadd.s32 s3, s2  }
0x8d: {  	s2 =	sadd.s32 s2, s14  }
0x8e: {  	[smem:$0x3FBF] =	sst s2  }
0x8f: {  	_ = 	snop  }
0x90: {  	s2 =	sld [smem:$0x3FD0];
	_ =	sdelay $0x2  }
0x91: {  	s15 =	simm.s32 $0xA;
	s4 =	simm.s32 $0x10  }
0x92: {  	[smem:s4], [sflag:s15] =	dma.local [hbm:s2], $0x1  }
0x93: {  	_ =	swait.eq [sflag:s15], $0x1  }
0x94: {  	[sflag:s15] =	ssyncset.done $0x0  }
0x95: {  	[sflag:s15] =	ssyncadd.s32 $0xFFFFFFFF  }
0x96: {  	s16 =	sld [smem:$0x10];
	(tm) =	ssettm $0x1  }
0x97: {  	s17 =	sld [smem:$0x3FFB];
	_ =	sdelay $0x3  }
0x98: {  	_ =	strace s17  }
0x99: {  	s3 =	sld [smem:$0x3FFC];
	_ =	sdelay $0x3  }
0x9a: {  	_ =	strace s3  }
0x9b: {  	s3 =	sld [smem:$0x3FFD];
	_ =	sdelay $0x3  }
0x9c: {  	_ =	strace s3  }
0x9d: {  	_ =	strace $0x8FFFFFFF  }
0x9e: {  	s18 =	sld [smem:$0x3FDB];
	_ =	sdelay $0x1  }
0x9f: {  	s19 =	simm.s32 $_scs_section_size  }
0xa0: {  	s5 =	simm.s32 $_size__tile_overlayer_lowered;
	s6 =	simm.s32 $_tile_overlayer_lowered  }
0xa1: {  	s22 =	simm.s32 $0x1BFF;
	s21 =	sshll.u32 s6, $0x1;
	s3 =	sadd.s32 s19, s18  }
0xa2: {  	s7 =	simm.s32 $0x0;
	s20 =	sshll.u32 s5, $0x1;
	s5 =	sadd.s32 s21, s3  }
0xa3: {  	[timem:s7], [sflag:s22] =	dma.local [hbm:s5], s20  }
0xa4: {  	_ =	swait.ge [sflag:s22], s20  }
0xa5: {  	s4 =	ssub.s32 $0x0, s20;
	[sflag:s22] =	ssyncset.done $0x0  }
0xa6: {  	[sflag:s22] =	ssyncadd.s32 s4;
	_ =	sdelay $0x1  }
0xa7: {  	s23 =	simm.s32 $0x1B8B  }
0xa8: {  	_ =	swait.ge [sflag:s23], $0x1  }
0xa9: {  	[sflag:s23] =	ssyncset.done $0x0  }
0xaa: {  	s25 =	simm.s32 $0x1B8E;
	s24 =	sld [smem:$0x3FFE];
	[sflag:s23] =	ssyncadd.s32 $0xFFFFFFFF  }
0xab: {  	s26 =	simm.s32 $execute0_lowered;
	[smem:$0x3FD2] =	sst s25  }
0xac: {  	s5 =	sshll.u32 s26, $0x1;
	_ =	strace $0x8000004F;
	[dreg:$0x1] =	wrdreg $0xFFFFFFFF  }
0xad: {  	s28 =	simm.s32 $_size_execute0_lowered;
	s3 =	sadd.s32 s3, s5;
	[dreg:$0x0] =	wrdreg $0x0  }
0xae: {  	s5 =	sshll.u32 s28, $0x1;
	[dreg:$0x2] =	wrdreg s3  }
0xaf: {  	[dreg:$0x3] =	wrdreg s5  }
0xb0: {  	[dreg:$0x4] =	wrdreg $0xC0  }
0xb1: {  	_ =	task [dreg:s7], $0x5FFFF  }
0xb2: {  	[dreg:$0x1] =	wrdreg $0xFFFFFFFF  }
0xb3: {  	[dreg:$0x0] =	wrdreg $0x60  }
0xb4: {  	[dreg:$0x2] =	wrdreg s16  }
0xb5: {  	[dreg:$0x3] =	wrdreg s24  }
0xb6: {  	[dreg:$0x4] =	wrdreg $0x13D000  }
0xb7: {  	[dreg:$0x5] =	wrdreg $0x9  }
0xb8: {  	_ =	task.clear_ibuf [dreg:s7], $0x6FFFF;
	_ =	strace $0x9000004F  }
0xb9: {  	s29 =	simm.s32 $0x9;
	_ =	strace $0x80000051  }
0xba: {  	_ =	swait.ge [sflag:s29], $0x1  }
0xbb: {  	[sflag:s29] =	ssyncadd.s32 $0xFFFFFFFF  }
0xbc: {  	_ =	strace $0x90000051  }
0xbd: {  	_ =	sfence  }
0xbe: {  	s30 =	sld [smem:$0x0];
	_ =	sdelay $0x2  }
0xbf: {  	s31 =	sshll.u32 s1, $0xD;
	s1 =	sshrl.u32 s1, $0x2  }
0xc0: {  	s3 =	sand.u32 $0x4000, s31;
	s1 =	sadd.s32 s1, s30  }
0xc1: {  	s0 =	sor.u32 s3, s0;
	s1 =	sshll.u32 s1, $0x11  }
0xc2: {  	s0 =	sor.u32 s1, s0  }
0xc3: {  	s0 =	sadd.s32 $0x8F2B, s0  }
0xc4: {  	[sflag:s0] =	ssyncadd.remote.s32 $0x1  }
0xc5: {  	_ =	sfence.sel $0xFFFF  }
0xc6: {  	[dreg:$0x0] =	wrdreg $0xFFFFFFFF;
	(pc) =	sbr.abs _section_cstart, $3  }
0xc7: {  	[dreg:$0x1] =	wrdreg $0xFFFFFFFF  }
0xc8: {  	_ =	task.clear_ibuf [dreg:s7], $0x2FFFF;
	_ =	strace $0x9FFFFFFF  }
0xc9: {  	(tm) =	ssettm $0x7FFFFFFF  }
tec
execute0_lowered:
.L_overlay_start_1:
0x0: {  	(tag) =	ssettag $0x1  }
0x1: {  	s0 =	rddreg [dreg:$0x0]  }
0x2: {  	s1 =	rddreg [dreg:$0x1]  }
0x3: {  	s2 =	rddreg [dreg:$0x2];
	s9 =	stileid.u32  }
0x4: {  	s4 =	srdreg.scid;
	s3 =	simm.s32 $0x0;
	s14 =	simm.s32 $0x5  }
0x5: {  	s15 =	simm.s32 $0x5000;
	s16 =	simm.s32 $0x11D00;
	s17 =	simm.s32 $0x7D  }
0x6: {  	s18 =	simm.s32 $0xA000;
	s20 =	simm.s32 $0xBF40;
	s22 =	simm.s32 $0xDE80  }
0x7: {  	s24 =	simm.s32 $0xFDC0;
	s28 =	simm.s32 $0x3;
	s6 =	smul.u32 $0xA000, s9  }
0x8: {  	s31 =	simm.s32 $0x2;
	s19 =	simm.s32 $0x4;
	s5 =	smul.u32 $0xA00, s9  }
0x9: {  	s29 =	simm.s32 $0x9E80;
	s8 =	sand.u32 $0x1, s4;
	s9 =	smul.u32 $0x28000, s9  }
0xa: {  	s30 =	simm.s32 $0x9F00;
	[smem:$0x7FF] =	sst s3;
	s4 =	smul.u32 $0xA0000, s8  }
0xb: {  	_ =	strace $0x80000050;
	s7 =	ssub.s32 $0x2, s8;
	s11 =	smul.u32 $0x13880, s8  }
0xc: {  	s5 =	sadd.s32 s5, s1;
	s10 =	sshrl.u32 s7, $0x1;
	s25 =	sshrl.u32 s9, $0x2  }
0xd: {  	s4 =	sadd.s32 s6, s4;
	s13 =	ssub.s32 s7, s10;
	s26 =	sadd.s32 s25, s2  }
0xe: {  	s6 =	sadd.s32 s6, s2;
	s11 =	sadd.s32 s0, s11;
	s25 =	simm.s32 $0x1  }
0xf: {  	s0 =	simm.s32 $0x9F80;
	s4 =	sshrl.u32 s4, $0x3;
	s7 =	sadd.s32 $0x2000, s26  }
0x10: {  	s8 =	sadd.s32 $0x4000, s26;
	s9 =	sadd.s32 $0x6000, s26;
	s10 =	sadd.s32 $0x8000, s26  }
0x11: {  	s13 =	smax.u32 s13, $0x1;
	s1 =	sadd.s32 s4, s1;
	s4 =	sadd.s32 $0xF600, s5  }
0x12: {  	v0 =	vimm.f32 $0.0e+00;
	s5 =	sadd.s32 $0x5600, s5;
	s12 =	sadd.s32 $0x67800, s1;
	s1 =	simm.s32 $0x0  }
.LBB2_1:
0x13: {  	[tilespmem:s3], [sflag:$0x5] =	stream.linear.gather [hbm4b:s4+s3], $0x5000, $0x38;
	[tilespmem:$0x1DD00] =	vst v63  }
0x14: {  	_ =	swait.ge [sflag:s14], $0x5000  }
0x15: {  	[sflag:s14] =	ssyncset.done $0x0  }
0x16: {  	[sflag:s14] =	ssyncadd.s32 $0xFFFFB000  }
0x17: {  	[tilespmem:s15], [sflag:$0x5] =	stream.linear.gather [hbm4b:s5+s3], $0x5000, $0x38;
	[tilespmem:$0x1DD00] =	vst v63  }
0x18: {  	_ =	swait.ge [sflag:s14], $0x5000  }
0x19: {  	[sflag:s14] =	ssyncset.done $0x0  }
0x1a: {  	s23 =	simm.s32 $0x100;
	s21 =	simm.s32 $0x0;
	[sflag:s14] =	ssyncadd.s32 $0xFFFFB000  }
.LBB2_2:
0x1b: {  	p0 =	sne.s32 s23, $0x7F00;
	[tilespmem:s21+$0x11D30] =	vst v0;
	s26 =	smov.u32 s23;
	s23 =	sadd.s32 $0x100, s23  }
.Ltmp0:
0x1c: {  	[tilespmem:s21+$0x11D20] =	vst v0;
	(pc) =	sbr.rel @p0 .LBB2_2-.Ltmp0, $3  }
0x1d: {  	[tilespmem:s21+$0x11D00] =	vst v0  }
0x1e: {  	[tilespmem:s21+$0x11D10] =	vst v0;
	_ =	sdelay $0x1  }
0x1f: {  	s21 =	sshra.s32 s26, $0x2  }
0x20: {  	[tilespmem:s21+$0x11D30] =	vst v0  }
0x21: {  	[tilespmem:s21+$0x11D20] =	vst v0  }
0x22: {  	[tilespmem:s21+$0x11D00] =	vst v0  }
0x23: {  	[tilespmem:s21+$0x11D10] =	vst v0  }
0x24: {  	[spmem:s6] =	stream.linear.scatter [tilespmem:s16], [sflag:$0x5], $0x2000, $0x38;
	[tilespmem:$0x1DD00] =	vst v63  }
0x25: {  	_ =	swait.ge [sflag:s14], $0x2000  }
0x26: {  	[sflag:s14] =	ssyncset.done $0x0  }
0x27: {  	[sflag:s14] =	ssyncadd.s32 $0xFFFFE000  }
0x28: {  	[spmem:s7] =	stream.linear.scatter [tilespmem:s16], [sflag:$0x5], $0x2000, $0x38;
	[tilespmem:$0x1DD00] =	vst v63  }
0x29: {  	_ =	swait.ge [sflag:s14], $0x2000  }
0x2a: {  	[sflag:s14] =	ssyncset.done $0x0  }
0x2b: {  	[sflag:s14] =	ssyncadd.s32 $0xFFFFE000  }
0x2c: {  	[spmem:s8] =	stream.linear.scatter [tilespmem:s16], [sflag:$0x5], $0x2000, $0x38;
	[tilespmem:$0x1DD00] =	vst v63  }
0x2d: {  	_ =	swait.ge [sflag:s14], $0x2000  }
0x2e: {  	[sflag:s14] =	ssyncset.done $0x0  }
0x2f: {  	[sflag:s14] =	ssyncadd.s32 $0xFFFFE000  }
0x30: {  	[spmem:s9] =	stream.linear.scatter [tilespmem:s16], [sflag:$0x5], $0x2000, $0x38;
	[tilespmem:$0x1DD00] =	vst v63  }
0x31: {  	_ =	swait.ge [sflag:s14], $0x2000  }
0x32: {  	[sflag:s14] =	ssyncset.done $0x0  }
0x33: {  	[sflag:s14] =	ssyncadd.s32 $0xFFFFE000  }
0x34: {  	[spmem:s10] =	stream.linear.scatter [tilespmem:s16], [sflag:$0x5], $0x2000, $0x38;
	[tilespmem:$0x1DD00] =	vst v63  }
0x35: {  	_ =	swait.ge [sflag:s14], $0x2000  }
0x36: {  	[sflag:s14] =	ssyncset.done $0x0  }
0x37: {  	[sflag:s14] =	ssyncadd.s32 $0xFFFFE000  }
0x38: {  	s23 =	simm.s32 $0x0;
	[bflag:$0x0] =	sbarrier.arrive $0xFFFF  }
0x39: {  	[tilespmem:s18], [sflag:$0x1] =	stream.indirect.gather [hbm4b:s11+s17], $0x40, s23, s17, $0xb8;
	[tilespmem:$0x1DD00] =	vst v63  }
0x3a: {  	s26 =	simm.s32 $0x80  }
0x3b: {  	[tilespmem:s20], [sflag:$0x1] =	stream.indirect.gather [hbm4b:s11+s17], $0x40, s26, s17, $0xb8;
	[tilespmem:$0x1DD00] =	vst v63  }
0x3c: {  	s23 =	simm.s32 $0x100  }
0x3d: {  	[tilespmem:s22], [sflag:$0x2] =	stream.indirect.gather [hbm4b:s11+s17], $0x40, s23, s17, $0xb8;
	[tilespmem:$0x1DD00] =	vst v63  }
0x3e: {  	s26 =	simm.s32 $0x180  }
0x3f: {  	[tilespmem:s24], [sflag:$0x2] =	stream.indirect.gather [hbm4b:s11+s17], $0x40, s26, s17, $0xb8;
	[tilespmem:$0x1DD00] =	vst v63  }
0x40: {  	_ =	swait.ge [sflag:s25], $0x1F40  }
0x41: {  	[sflag:s25] =	ssyncset.done $0x0  }
0x42: {  	[sflag:s25] =	ssyncadd.s32 $0xFFFFE0C0  }
0x43: {  	_ =	swait.ge [sflag:s25], $0x1F40  }
0x44: {  	[sflag:s25] =	ssyncset.done $0x0  }
0x45: {  	[sflag:s25] =	ssyncadd.s32 $0xFFFFE0C0  }
0x46: {  	[spmem:s2] =	stream.indirect.scatter.add.f32 [tilespmem:s18], [sflag:$0x3], $0x40, s15, s17, $0xb8;
	[tilespmem:$0x1DD00] =	vst v63  }
0x47: {  	s23 =	simm.s32 $0x5080  }
0x48: {  	[spmem:s2] =	stream.indirect.scatter.add.f32 [tilespmem:s20], [sflag:$0x3], $0x40, s23, s17, $0xb8;
	[tilespmem:$0x1DD00] =	vst v63  }
0x49: {  	_ =	swait.ge [sflag:s28], $0x1F40  }
0x4a: {  	[sflag:s28] =	ssyncset.done $0x0  }
0x4b: {  	[sflag:s28] =	ssyncadd.s32 $0xFFFFE0C0  }
0x4c: {  	_ =	swait.ge [sflag:s28], $0x1F40  }
0x4d: {  	[sflag:s28] =	ssyncset.done $0x0  }
0x4e: {  	s26 =	simm.s32 $0x200;
	[sflag:s28] =	ssyncadd.s32 $0xFFFFE0C0  }
0x4f: {  	[tilespmem:s18], [sflag:$0x1] =	stream.indirect.gather [hbm4b:s11+s17], $0x40, s26, s17, $0xb8;
	[tilespmem:$0x1DD00] =	vst v63  }
0x50: {  	s23 =	simm.s32 $0x280  }
0x51: {  	[tilespmem:s20], [sflag:$0x1] =	stream.indirect.gather [hbm4b:s11+s17], $0x40, s23, s17, $0xb8;
	[tilespmem:$0x1DD00] =	vst v63  }
0x52: {  	_ =	swait.ge [sflag:s31], $0x1F40  }
0x53: {  	[sflag:s31] =	ssyncset.done $0x0  }
0x54: {  	[sflag:s31] =	ssyncadd.s32 $0xFFFFE0C0  }
0x55: {  	_ =	swait.ge [sflag:s31], $0x1F40  }
0x56: {  	[sflag:s31] =	ssyncset.done $0x0  }
0x57: {  	s26 =	simm.s32 $0x5100;
	[sflag:s31] =	ssyncadd.s32 $0xFFFFE0C0  }
0x58: {  	[spmem:s2] =	stream.indirect.scatter.add.f32 [tilespmem:s22], [sflag:$0x4], $0x40, s26, s17, $0xb8;
	[tilespmem:$0x1DD00] =	vst v63  }
0x59: {  	s23 =	simm.s32 $0x5180  }
0x5a: {  	[spmem:s2] =	stream.indirect.scatter.add.f32 [tilespmem:s24], [sflag:$0x4], $0x40, s23, s17, $0xb8;
	[tilespmem:$0x1DD00] =	vst v63  }
0x5b: {  	_ =	swait.ge [sflag:s19], $0x1F40  }
0x5c: {  	[sflag:s19] =	ssyncset.done $0x0  }
0x5d: {  	[sflag:s19] =	ssyncadd.s32 $0xFFFFE0C0  }
0x5e: {  	_ =	swait.ge [sflag:s19], $0x1F40  }
0x5f: {  	[sflag:s19] =	ssyncset.done $0x0  }
0x60: {  	s26 =	simm.s32 $0x300;
	[sflag:s19] =	ssyncadd.s32 $0xFFFFE0C0  }
0x61: {  	[tilespmem:s22], [sflag:$0x2] =	stream.indirect.gather [hbm4b:s11+s17], $0x40, s26, s17, $0xb8;
	[tilespmem:$0x1DD00] =	vst v63  }
0x62: {  	s23 =	simm.s32 $0x380  }
0x63: {  	[tilespmem:s24], [sflag:$0x2] =	stream.indirect.gather [hbm4b:s11+s17], $0x40, s23, s17, $0xb8;
	[tilespmem:$0x1DD00] =	vst v63  }
0x64: {  	_ =	swait.ge [sflag:s25], $0x1F40  }
0x65: {  	[sflag:s25] =	ssyncset.done $0x0  }
0x66: {  	[sflag:s25] =	ssyncadd.s32 $0xFFFFE0C0  }
0x67: {  	_ =	swait.ge [sflag:s25], $0x1F40  }
0x68: {  	[sflag:s25] =	ssyncset.done $0x0  }
0x69: {  	s26 =	simm.s32 $0x5200;
	[sflag:s25] =	ssyncadd.s32 $0xFFFFE0C0  }
0x6a: {  	[spmem:s2] =	stream.indirect.scatter.add.f32 [tilespmem:s18], [sflag:$0x3], $0x40, s26, s17, $0xb8;
	[tilespmem:$0x1DD00] =	vst v63  }
0x6b: {  	s23 =	simm.s32 $0x5280  }
0x6c: {  	[spmem:s2] =	stream.indirect.scatter.add.f32 [tilespmem:s20], [sflag:$0x3], $0x40, s23, s17, $0xb8;
	[tilespmem:$0x1DD00] =	vst v63  }
0x6d: {  	_ =	swait.ge [sflag:s28], $0x1F40  }
0x6e: {  	[sflag:s28] =	ssyncset.done $0x0  }
0x6f: {  	[sflag:s28] =	ssyncadd.s32 $0xFFFFE0C0  }
0x70: {  	_ =	swait.ge [sflag:s28], $0x1F40  }
0x71: {  	[sflag:s28] =	ssyncset.done $0x0  }
0x72: {  	s26 =	simm.s32 $0x400;
	[sflag:s28] =	ssyncadd.s32 $0xFFFFE0C0  }
0x73: {  	[tilespmem:s18], [sflag:$0x1] =	stream.indirect.gather [hbm4b:s11+s17], $0x40, s26, s17, $0xb8;
	[tilespmem:$0x1DD00] =	vst v63  }
0x74: {  	s23 =	simm.s32 $0x480  }
0x75: {  	[tilespmem:s20], [sflag:$0x1] =	stream.indirect.gather [hbm4b:s11+s17], $0x40, s23, s17, $0xb8;
	[tilespmem:$0x1DD00] =	vst v63  }
0x76: {  	_ =	swait.ge [sflag:s31], $0x1F40  }
0x77: {  	[sflag:s31] =	ssyncset.done $0x0  }
0x78: {  	[sflag:s31] =	ssyncadd.s32 $0xFFFFE0C0  }
0x79: {  	_ =	swait.ge [sflag:s31], $0x1F40  }
0x7a: {  	s21 =	simm.s32 $0x800;
	[sflag:s31] =	ssyncset.done $0x0  }
0x7b: {  	s26 =	simm.s32 $0x5300;
	s23 =	simm.s32 $0x5380;
	[sflag:s31] =	ssyncadd.s32 $0xFFFFE0C0  }
0x7c: {  	[spmem:s2] =	stream.indirect.scatter.add.f32 [tilespmem:s22], [sflag:$0x4], $0x40, s26, s17, $0xb8;
	[tilespmem:$0x1DD00] =	vst v63  }
.LBB2_4:
0x7d: {  	[spmem:s2] =	stream.indirect.scatter.add.f32 [tilespmem:s24], [sflag:$0x4], $0x40, s23, s17, $0xb8;
	[tilespmem:$0x1DD00] =	vst v63  }
0x7e: {  	s23 =	smov.u32 s21  }
0x7f: {  	p0 =	sne.s32 s21, $0x12800;
	s21 =	sadd.s32 $0x800, s21;
	_ =	swait.ge [sflag:s19], $0x1F40  }
0x80: {  	[sflag:s19] =	ssyncset.done $0x0  }
0x81: {  	[sflag:s19] =	ssyncadd.s32 $0xFFFFE0C0  }
0x82: {  	_ =	swait.ge [sflag:s19], $0x1F40  }
0x83: {  	s23 =	sshra.s32 s23, $0x2;
	[sflag:s19] =	ssyncset.done $0x0  }
0x84: {  	s26 =	sadd.s32 $0x300, s23;
	[sflag:s19] =	ssyncadd.s32 $0xFFFFE0C0  }
0x85: {  	[tilespmem:s22], [sflag:$0x2] =	stream.indirect.gather [hbm4b:s11+s17], $0x40, s26, s17, $0xb8;
	[tilespmem:$0x1DD00] =	vst v63  }
0x86: {  	s26 =	sadd.s32 $0x380, s23  }
0x87: {  	[tilespmem:s24], [sflag:$0x2] =	stream.indirect.gather [hbm4b:s11+s17], $0x40, s26, s17, $0xb8;
	[tilespmem:$0x1DD00] =	vst v63  }
0x88: {  	_ =	swait.ge [sflag:s25], $0x1F40  }
0x89: {  	[sflag:s25] =	ssyncset.done $0x0  }
0x8a: {  	[sflag:s25] =	ssyncadd.s32 $0xFFFFE0C0  }
0x8b: {  	_ =	swait.ge [sflag:s25], $0x1F40  }
0x8c: {  	[sflag:s25] =	ssyncset.done $0x0  }
0x8d: {  	s26 =	sadd.s32 $0x5200, s23;
	[sflag:s25] =	ssyncadd.s32 $0xFFFFE0C0  }
0x8e: {  	[spmem:s2] =	stream.indirect.scatter.add.f32 [tilespmem:s18], [sflag:$0x3], $0x40, s26, s17, $0xb8;
	[tilespmem:$0x1DD00] =	vst v63  }
0x8f: {  	s26 =	sadd.s32 $0x5280, s23  }
0x90: {  	[spmem:s2] =	stream.indirect.scatter.add.f32 [tilespmem:s20], [sflag:$0x3], $0x40, s26, s17, $0xb8;
	[tilespmem:$0x1DD00] =	vst v63  }
0x91: {  	_ =	swait.ge [sflag:s28], $0x1F40  }
0x92: {  	[sflag:s28] =	ssyncset.done $0x0  }
0x93: {  	[sflag:s28] =	ssyncadd.s32 $0xFFFFE0C0  }
0x94: {  	_ =	swait.ge [sflag:s28], $0x1F40  }
0x95: {  	[sflag:s28] =	ssyncset.done $0x0  }
0x96: {  	s26 =	sadd.s32 $0x400, s23;
	[sflag:s28] =	ssyncadd.s32 $0xFFFFE0C0  }
0x97: {  	[tilespmem:s18], [sflag:$0x1] =	stream.indirect.gather [hbm4b:s11+s17], $0x40, s26, s17, $0xb8;
	[tilespmem:$0x1DD00] =	vst v63  }
0x98: {  	s26 =	sadd.s32 $0x480, s23  }
0x99: {  	[tilespmem:s20], [sflag:$0x1] =	stream.indirect.gather [hbm4b:s11+s17], $0x40, s26, s17, $0xb8;
	[tilespmem:$0x1DD00] =	vst v63  }
0x9a: {  	_ =	swait.ge [sflag:s31], $0x1F40  }
0x9b: {  	[sflag:s31] =	ssyncset.done $0x0  }
0x9c: {  	[sflag:s31] =	ssyncadd.s32 $0xFFFFE0C0  }
.Ltmp1:
0x9d: {  	_ =	swait.ge [sflag:s31], $0x1F40;
	(pc) =	sbr.rel @p0 .LBB2_4-.Ltmp1, $4  }
0x9e: {  	[sflag:s31] =	ssyncset.done $0x0  }
0x9f: {  	s26 =	sadd.s32 $0x5300, s23;
	[sflag:s31] =	ssyncadd.s32 $0xFFFFE0C0  }
0xa0: {  	[spmem:s2] =	stream.indirect.scatter.add.f32 [tilespmem:s22], [sflag:$0x4], $0x40, s26, s17, $0xb8;
	[tilespmem:$0x1DD00] =	vst v63  }
0xa1: {  	s23 =	sadd.s32 $0x5380, s23  }
0xa2: {  	[spmem:s2] =	stream.indirect.scatter.add.f32 [tilespmem:s24], [sflag:$0x4], $0x40, s23, s17, $0xb8;
	[tilespmem:$0x1DD00] =	vst v63  }
0xa3: {  	_ =	swait.ge [sflag:s19], $0x1F40  }
0xa4: {  	[sflag:s19] =	ssyncset.done $0x0  }
0xa5: {  	[sflag:s19] =	ssyncadd.s32 $0xFFFFE0C0  }
0xa6: {  	_ =	swait.ge [sflag:s19], $0x1F40  }
0xa7: {  	[sflag:s19] =	ssyncset.done $0x0  }
0xa8: {  	s21 =	simm.s32 $0x4F00;
	[sflag:s19] =	ssyncadd.s32 $0xFFFFE0C0  }
0xa9: {  	[tilespmem:s22], [sflag:$0x2] =	stream.indirect.gather [hbm4b:s11+s17], $0x40, s21, s17, $0xb8;
	[tilespmem:$0x1DD00] =	vst v63  }
0xaa: {  	s23 =	simm.s32 $0x4F80  }
0xab: {  	[tilespmem:s24], [sflag:$0x2] =	stream.indirect.gather [hbm4b:s11+s17], $0x40, s23, s17, $0xb8;
	[tilespmem:$0x1DD00] =	vst v63  }
0xac: {  	_ =	swait.ge [sflag:s25], $0x1F40  }
0xad: {  	[sflag:s25] =	ssyncset.done $0x0  }
0xae: {  	[sflag:s25] =	ssyncadd.s32 $0xFFFFE0C0  }
0xaf: {  	_ =	swait.ge [sflag:s25], $0x1F40  }
0xb0: {  	[sflag:s25] =	ssyncset.done $0x0  }
0xb1: {  	s26 =	simm.s32 $0x9E00;
	[sflag:s25] =	ssyncadd.s32 $0xFFFFE0C0  }
0xb2: {  	[spmem:s2] =	stream.indirect.scatter.add.f32 [tilespmem:s18], [sflag:$0x3], $0x40, s26, s17, $0xb8;
	[tilespmem:$0x1DD00] =	vst v63  }
0xb3: {  	_ = 	snop  }
0xb4: {  	[spmem:s2] =	stream.indirect.scatter.add.f32 [tilespmem:s20], [sflag:$0x3], $0x40, s29, s17, $0xb8;
	[tilespmem:$0x1DD00] =	vst v63  }
0xb5: {  	_ =	swait.ge [sflag:s28], $0x1F40  }
0xb6: {  	[sflag:s28] =	ssyncset.done $0x0  }
0xb7: {  	[sflag:s28] =	ssyncadd.s32 $0xFFFFE0C0  }
0xb8: {  	_ =	swait.ge [sflag:s28], $0x1F40  }
0xb9: {  	[sflag:s28] =	ssyncset.done $0x0  }
0xba: {  	[sflag:s28] =	ssyncadd.s32 $0xFFFFE0C0  }
0xbb: {  	_ =	swait.ge [sflag:s31], $0x1F40  }
0xbc: {  	[sflag:s31] =	ssyncset.done $0x0  }
0xbd: {  	[sflag:s31] =	ssyncadd.s32 $0xFFFFE0C0  }
0xbe: {  	_ =	swait.ge [sflag:s31], $0x1F40  }
0xbf: {  	[sflag:s31] =	ssyncset.done $0x0  }
0xc0: {  	[sflag:s31] =	ssyncadd.s32 $0xFFFFE0C0  }
0xc1: {  	[spmem:s2] =	stream.indirect.scatter.add.f32 [tilespmem:s22], [sflag:$0x4], $0x40, s30, s17, $0xb8;
	[tilespmem:$0x1DD00] =	vst v63  }
0xc2: {  	_ = 	snop  }
0xc3: {  	[spmem:s2] =	stream.indirect.scatter.add.f32 [tilespmem:s24], [sflag:$0x4], $0x40, s0, s17, $0xb8;
	[tilespmem:$0x1DD00] =	vst v63  }
0xc4: {  	_ =	swait.ge [sflag:s19], $0x1F40  }
0xc5: {  	[sflag:s19] =	ssyncset.done $0x0  }
0xc6: {  	[sflag:s19] =	ssyncadd.s32 $0xFFFFE0C0  }
0xc7: {  	s23 =	stileid.u32;
	_ =	swait.ge [sflag:s19], $0x1F40  }
0xc8: {  	s1 =	sadd.s32 $0x1, s1;
	s21 =	sshll.u32 s23, $0x6;
	[sflag:s19] =	ssyncset.done $0x0  }
0xc9: {  	p0 =	sne.s32 s1, s13;
	s21 =	sor.u32 $0x1C05, s21;
	[sflag:s19] =	ssyncadd.s32 $0xFFFFE0C0  }
.Ltmp2:
0xca: {  	s26 =	sshrl.u32 s6, $0x3;
	[bflag:$0x0] =	sbarrier.arrive $0xFFFF;
	(pc) =	sbr.rel @p0 .LBB2_1-.Ltmp2, $4  }
0xcb: {  	[hbm:s12], [sflag:s21] =	dma.local [spmem:s26], $0x1400  }
0xcc: {  	_ =	swait.ge [sflag:s14], $0x1400  }
0xcd: {  	[sflag:s14] =	ssyncset.done $0x0  }
0xce: {  	[sflag:s14] =	ssyncadd.s32 $0xFFFFEC00  }
0xcf: {  	_ =	sfence.sel $0x180000  }
0xd0: {  	[bflag:$0x0] =	sbarrier.arrive $0xFFFF  }
0xd1: {  	_ =	strace $0x90000050  }
0xd2: {  	s0 =	stileid.u32;
	[bflag:$0x2] =	sbarrier.arrive $0xFFFF  }
0xd3: {  	p0 =	sne.s32 s0, $0x0;
	s0 =	rddreg [dreg:$0x3]  }
0xd4: {  	s0 =	sadd.s32 @!p0 $0x100000, s0  }
0xd5: {  	[sflag:s0] =	ssyncadd.tile.s32 @!p0 $0x1;
	_ =	shalt  }
.Lfunc_end2:
_tile_overlayer_lowered:
.L_overlay_start_2:
0xd6: {  	(tag) =	ssettag $0x2  }
0xd7: {  	s0 =	rddreg [dreg:$0x0];
	s2 =	stileid.u32  }
0xd8: {  	s1 =	rddreg [dreg:$0x1];
	p0 =	sne.s32 s2, $0x0  }
0xd9: {  	s3 =	rddreg [dreg:$0x2];
	[bflag:$0x3] =	sbarrier.arrive $0xFFFF;
	s2 =	simm.s32 @!p0 $0x1C05  }
0xda: {  	[timem:s3], [sflag:s2] =	dma.local @!p0 [hbm:s0], s1  }
0xdb: {  	s0 =	simm.s32 @!p0 $0x5  }
0xdc: {  	_ =	swait.ge @!p0 [sflag:s0], s1  }
0xdd: {  	s1 =	ssub.s32 @!p0 $0x0, s1;
	[sflag:s0] =	ssyncset.done @!p0 $0x0  }
0xde: {  	[sflag:s0] =	ssyncadd.s32 @!p0 s1  }
0xdf: {  	[bflag:$0x3] =	sbarrier.arrive $0xFFFF  }
0xe0: {  	_ =	shalt  }

</sc_bundles>
